<compile_context>
chip_gen: v7x
topology: tpu7x:2x2x1
jax: 0.10.2.dev20260603
libtpu: 0.0.44.dev20260713+nightly
codegen_flags: <defaults>
</compile_context>

<pallas_src>
import functools

import jax
import jax.numpy as jnp
from jax import lax
from jax.experimental import pallas as pl
from jax.experimental.pallas import tpu as pltpu
from jax.experimental.pallas import tpu_sc as plsc

VOCAB = 100000
EMB = 128
NCLASS = 100
B = 4096
L = 200

NCORES = 2
NSUB = 16
NW = NCORES * NSUB
BPW = B // NW
CH = 16
NCHUNK = BPW // CH
LANES = 16
KREG = EMB // LANES


def _sc_mean(x, emb_table):
    mesh = plsc.VectorSubcoreMesh(
        core_axis_name="c", subcore_axis_name="s",
        num_cores=NCORES, num_subcores=NSUB)

    @functools.partial(
        pl.kernel,
        mesh=mesh,
        out_type=jax.ShapeDtypeStruct((B, EMB), jnp.float32),
        scratch_types=[
            pltpu.VMEM((BPW * L,), jnp.int32),
            pltpu.VMEM((4, L, EMB // 2), jnp.int32),
            pltpu.VMEM((BPW, EMB), jnp.float32),
            pltpu.SemaphoreType.DMA,
            pltpu.SemaphoreType.DMA,
            pltpu.SemaphoreType.DMA,
            pltpu.SemaphoreType.DMA,
        ],
        compiler_params=pltpu.CompilerParams(
            needs_layout_passes=False, use_tc_tiling_on_sc=False),
    )
    def k(x_hbm, tab_hbm, mean_hbm, idx_v, rows_v, mst_v,
          sem0, sem1, sem2, sem3):
        sems = (sem0, sem1, sem2, sem3)
        wid = lax.axis_index("s") * NCORES + lax.axis_index("c")
        base = wid * BPW

        def issue(s, buf, sem):
            pltpu.async_copy(
                tab_hbm.at[idx_v.at[pl.ds(s * L, 128)]],
                rows_v.at[buf, pl.ds(0, 128)], sem)
            pltpu.async_copy(
                tab_hbm.at[idx_v.at[pl.ds(s * L + 128, 72)]],
                rows_v.at[buf, pl.ds(128, 72)], sem)

        def wait(buf, sem):
            pltpu.make_async_copy(
                tab_hbm.at[idx_v.at[pl.ds(0, 128)]],
                rows_v.at[buf, pl.ds(0, 128)], sem).wait()
            pltpu.make_async_copy(
                tab_hbm.at[idx_v.at[pl.ds(128, 72)]],
                rows_v.at[buf, pl.ds(128, 72)], sem).wait()

        def consume(s, buf):
            cnt = jnp.zeros((LANES,), jnp.int32)
            for j in range(12):
                v = idx_v[pl.ds(s * L + j * 16, 16)]
                cnt = cnt + plsc.all_reduce_population_count(v != 0)
            lane = lax.iota(jnp.int32, 16)
            vtail = idx_v[pl.ds(s * L + 184, 16)]
            cnt = cnt + plsc.all_reduce_population_count(
                (vtail != 0) & (lane >= 8))
            inv = 1.0 / jnp.maximum(cnt.astype(jnp.float32), 1.0)

            def acc_body(j, acc):
                j0 = j * 8
                for u in range(8):
                    for c in range(4):
                        v = rows_v[buf, j0 + u, c * 16:(c + 1) * 16]
                        lo = plsc.bitcast(v << 16, jnp.float32)
                        hi = plsc.bitcast(v & jnp.int32(-65536), jnp.float32)
                        acc = (acc[:c]
                               + (acc[c] + lo,)
                               + acc[c + 1:4 + c]
                               + (acc[4 + c] + hi,)
                               + acc[5 + c:])
                return acc

            acc0 = tuple(jnp.zeros((LANES,), jnp.float32)
                         for _ in range(KREG))
            acc = lax.fori_loop(0, L // 8, acc_body, acc0)

            for kk in range(KREG):
                mst_v[s, kk * 16:(kk + 1) * 16] = acc[kk] * inv

        pltpu.sync_copy(x_hbm.at[pl.ds(base * L, BPW * L)], idx_v)
        for p in range(3):
            issue(p, p, sems[p])

        def quad_body(t, carry):
            for u in range(4):
                s = t * 4 + u
                wait(u, sems[u])

                @pl.when(s < BPW - 3)
                def _():
                    issue(s + 3, (u + 3) % 4, sems[(u + 3) % 4])

                consume(s, u)
            return carry

        lax.fori_loop(0, BPW // 4, quad_body, 0)
        pltpu.sync_copy(mst_v, mean_hbm.at[pl.ds(base, BPW)])

    return k(x, emb_table)


def _mlp(mean, W1, b1, W2, b2):
    def body(m_ref, w1_ref, b1_ref, w2_ref, b2_ref, o_ref):
        m = m_ref[...]
        h = lax.dot_general(m, w1_ref[...], (((1,), (1,)), ((), ())),
                            preferred_element_type=jnp.float32)
        h = jnp.maximum(h + b1_ref[...], 0.0)
        o = lax.dot_general(h, w2_ref[...], (((1,), (1,)), ((), ())),
                            preferred_element_type=jnp.float32)
        o_ref[...] = o + b2_ref[...]

    nblk = 4
    return pl.pallas_call(
        body,
        out_shape=jax.ShapeDtypeStruct((B, NCLASS), jnp.float32),
        grid=(nblk,),
        in_specs=[
            pl.BlockSpec((B // nblk, EMB), lambda i: (i, 0)),
            pl.BlockSpec((128, EMB), lambda i: (0, 0)),
            pl.BlockSpec((1, 128), lambda i: (0, 0)),
            pl.BlockSpec((NCLASS, 128), lambda i: (0, 0)),
            pl.BlockSpec((1, NCLASS), lambda i: (0, 0)),
        ],
        out_specs=pl.BlockSpec((B // nblk, NCLASS), lambda i: (i, 0)),
    )(mean, W1, b1.reshape(1, 128), W2, b2.reshape(1, NCLASS))


def _pack(tab):
    nb = 10
    rows = VOCAB // nb

    def body(t_ref, o_hbm, o_v, sem):
        i = pl.program_id(0)

        def step(buf):
            @pl.when(i >= 2)
            def _():
                pltpu.make_async_copy(
                    o_v.at[buf],
                    o_hbm.at[pl.ds((i - 2) * rows, rows), :], sem).wait()
            v = lax.bitcast_convert_type(t_ref[...], jnp.int32)
            r = v + ((v >> 16) & 1) + jnp.int32(0x7FFF)
            lo = r[:, : EMB // 2]
            hi = r[:, EMB // 2:]
            o_v[buf] = ((lo >> 16) & jnp.int32(0xFFFF)) | (hi & jnp.int32(-65536))
            pltpu.make_async_copy(
                o_v.at[buf], o_hbm.at[pl.ds(i * rows, rows), :], sem).start()

        @pl.when(i % 2 == 0)
        def _():
            step(0)

        @pl.when(i % 2 == 1)
        def _():
            step(1)

        @pl.when(i == nb - 1)
        def _():
            for buf in range(2):
                pltpu.make_async_copy(
                    o_v.at[buf],
                    o_hbm.at[pl.ds((i - 1 + buf) * rows, rows), :], sem).wait()

    return pl.pallas_call(
        body,
        out_shape=jax.ShapeDtypeStruct((VOCAB, EMB // 2), jnp.int32),
        grid=(nb,),
        in_specs=[pl.BlockSpec((rows, EMB), lambda i: (i, 0))],
        out_specs=pl.BlockSpec(memory_space=pl.ANY),
        scratch_shapes=[
            pltpu.VMEM((2, rows, EMB // 2), jnp.int32),
            pltpu.SemaphoreType.DMA,
        ],
    )(tab)


def kernel(x, lengths, emb_table, W1, b1, W2, b2):
    tab_i = _pack(emb_table)
    mean = _sc_mean(x.reshape(-1), tab_i)
    return _mlp(mean, W1, b1, W2, b2)

# --- scband reference (transcript-rebuilt; emitter-appended) ---
"""Pipeline reference for scband-mean-encoder-88648124990164 (READ-ONLY COPY).

The authoritative reference and input builder live on the scoring server;
editing this copy changes nothing except your own understanding.
"""

import jax, jax.numpy as jnp
import numpy as np

VOCAB = 100000
EMB = 128
NCLASS = 100
B = 4096
L = 200

def setup_inputs(seed: int = 0) -> dict:
    key = jax.random.key(seed)
    k1, k2, k3, k4, k5, k6, k7 = jax.random.split(key, 7)
    x = jax.random.randint(k1, (B, L), 0, VOCAB, dtype=jnp.int64 if jax.config.jax_enable_x64 else jnp.int32).astype(jnp.int32)
    lengths = jax.random.randint(k2, (B,), 0, L).astype(jnp.int32)
    emb_table = jax.random.normal(k3, (VOCAB, EMB), dtype=jnp.float32)
    # padding_idx=0: row 0 is zero
    emb_table = emb_table.at[0].set(0.0)
    W1 = jax.random.normal(k4, (128, EMB), dtype=jnp.float32) * (1.0 / np.sqrt(EMB))
    b1 = jax.random.normal(k5, (128,), dtype=jnp.float32) * 0.01
    W2 = jax.random.normal(k6, (NCLASS, 128), dtype=jnp.float32) * (1.0 / np.sqrt(128))
    b2 = jax.random.normal(k7, (NCLASS,), dtype=jnp.float32) * 0.01
    return {"x": x, "lengths": lengths, "emb_table": emb_table, "W1": W1, "b1": b1, "W2": W2, "b2": b2}

def reference(x, lengths, emb_table, W1, b1, W2, b2):
    # emb = self.emb(x)
    emb = jnp.take(emb_table, x, axis=0)  # [B, L, EMB]
    # mask = (x != 0).unsqueeze(-1)
    mask = (x != 0)[..., None].astype(emb.dtype)  # [B, L, 1]
    # summed = (emb * mask).sum(1)
    summed = (emb * mask).sum(axis=1)  # [B, EMB]
    # lens = mask.sum(1).clamp(min=1)
    lens = jnp.clip(mask.sum(axis=1), 1.0, None)  # [B, 1]
    mean = summed / lens  # [B, EMB]
    # classifier: Linear(EMB,128) -> ReLU -> Linear(128,NCLASS)
    h = jax.nn.relu(mean @ W1.T + b1)
    out = h @ W2.T + b2
    return out

if __name__ == "__main__":
    import jax
    _d = setup_inputs()
    print(jax.jit(kernel)(*tuple(_d.values())))

</pallas_src>

<mosaic_0001>
#map = affine_map<(d0, d1) -> (0)>
#map1 = affine_map<(d0, d1) -> (0, 0)>
module attributes {stable_mosaic.version = 14 : i64} {
  func.func @k(%arg0: i32, %arg1: i32, %arg2: memref<819200xi32, #tpu.memory_space<hbm>>, %arg3: memref<100000x64xi32, #tpu.memory_space<hbm>>, %arg4: memref<4096x128xf32, #tpu.memory_space<hbm>>, %arg5: memref<25600xi32, #tpu.memory_space<vmem>>, %arg6: memref<4x200x64xi32, #tpu.memory_space<vmem>>, %arg7: memref<128x128xf32, #tpu.memory_space<vmem>>, %arg8: memref<!tpu.dma_semaphore, #tpu.memory_space<semaphore_mem>>, %arg9: memref<!tpu.dma_semaphore, #tpu.memory_space<semaphore_mem>>, %arg10: memref<!tpu.dma_semaphore, #tpu.memory_space<semaphore_mem>>, %arg11: memref<!tpu.dma_semaphore, #tpu.memory_space<semaphore_mem>>) attributes {dimension_semantics = [#tpu.dimension_semantics<core_parallel>, #tpu.dimension_semantics<subcore_parallel>], iteration_bounds = array<i64: 2, 16>, scalar_prefetch = 0 : i64, scratch_operands = 7 : i64, tpu.core_type = #tpu.core_type<sc_vector_subcore>, window_params = [{transform_indices = #map}, {transform_indices = #map1}, {transform_indices = #map1}]} {
    %mul3A = arith.constant 2 : i32
    %mul3A_0 = arith.muli %arg1, %mul3A : i32
    %add3A = arith.addi %mul3A_0, %arg0 : i32
    %mul3A_1 = arith.constant 128 : i32
    %mul3A_2 = arith.muli %add3A, %mul3A_1 : i32
    %mul3A_3 = arith.constant 200 : i32
    %mul3A_4 = arith.muli %mul3A_2, %mul3A_3 : i32
    "tpu.region"() ({
      %run_scoped3A = tpu.sem_alloc : memref<!tpu.dma_semaphore, #tpu.memory_space<semaphore_mem>>
      %dma_start3A_69 = tpu.memref_slice %arg2[%mul3A_4] : memref<819200xi32, #tpu.memory_space<hbm>> -> memref<25600xi32, #tpu.memory_space<hbm>>
      %dma_start3A_70 = tpu.memref_slice %arg2[%mul3A_4] : memref<819200xi32, #tpu.memory_space<hbm>> -> memref<25600xi32, #tpu.memory_space<hbm>>
      tpu.enqueue_dma source(%dma_start3A_70 : memref<25600xi32, #tpu.memory_space<hbm>>) target(%arg5 : memref<25600xi32, #tpu.memory_space<vmem>>) target_semaphore(%run_scoped3A : memref<!tpu.dma_semaphore, #tpu.memory_space<semaphore_mem>>)
      %dma_wait3A = tpu.memref_slice %arg2[%mul3A_4] : memref<819200xi32, #tpu.memory_space<hbm>> -> memref<25600xi32, #tpu.memory_space<hbm>>
      %dma_wait3A_71 = tpu.memref_slice %arg2[%mul3A_4] : memref<819200xi32, #tpu.memory_space<hbm>> -> memref<25600xi32, #tpu.memory_space<hbm>>
      tpu.wait_dma2 semaphore(%run_scoped3A : memref<!tpu.dma_semaphore, #tpu.memory_space<semaphore_mem>>) src(%dma_wait3A_71 : memref<25600xi32, #tpu.memory_space<hbm>>) dst(%arg5 : memref<25600xi32, #tpu.memory_space<vmem>>)
      tpu.yield
    }) : () -> ()
    %dma_start3A = arith.constant 0 : i32
    %dma_start3A_5 = arith.constant 0 : i32
    %dma_start3A_6 = arith.constant 0 : i32
    %dma_start3A_7 = tpu.memref_slice %arg6[%dma_start3A, %dma_start3A_5, %dma_start3A_6] : memref<4x200x64xi32, #tpu.memory_space<vmem>> -> memref<1x128x64xi32, #tpu.memory_space<vmem>>
    %dma_start3A_8 = tpu.memref_squeeze %dma_start3A_7 : memref<1x128x64xi32, #tpu.memory_space<vmem>> -> memref<128x64xi32, #tpu.memory_space<vmem>>
    %dma_start3A_9 = arith.constant 0 : i32
    %dma_start3A_10 = tpu.memref_slice %arg5[%dma_start3A_9] : memref<25600xi32, #tpu.memory_space<vmem>> -> memref<128xi32, #tpu.memory_space<vmem>>
    %dma_start3A_11 = arith.constant 0 : i32
    %dma_start3A_12 = arith.constant 0 : i32
    %dma_start3A_13 = tpu.memref_slice %arg3[%dma_start3A_11, %dma_start3A_12] : memref<100000x64xi32, #tpu.memory_space<hbm>> -> memref<100000x64xi32, #tpu.memory_space<hbm>>
    tpu.enqueue_indirect_dma source(%dma_start3A_13 : memref<100000x64xi32, #tpu.memory_space<hbm>>) target(%dma_start3A_8 : memref<128x64xi32, #tpu.memory_space<vmem>>) offsets(%dma_start3A_10 : memref<128xi32, #tpu.memory_space<vmem>>) semaphore(%arg8 : memref<!tpu.dma_semaphore, #tpu.memory_space<semaphore_mem>>)
    %dma_start3A_14 = arith.constant 0 : i32
    %dma_start3A_15 = arith.constant 128 : i32
    %dma_start3A_16 = arith.constant 0 : i32
    %dma_start3A_17 = tpu.memref_slice %arg6[%dma_start3A_14, %dma_start3A_15, %dma_start3A_16] : memref<4x200x64xi32, #tpu.memory_space<vmem>> -> memref<1x72x64xi32, #tpu.memory_space<vmem>>
    %dma_start3A_18 = tpu.memref_squeeze %dma_start3A_17 : memref<1x72x64xi32, #tpu.memory_space<vmem>> -> memref<72x64xi32, #tpu.memory_space<vmem>>
    %dma_start3A_19 = arith.constant 128 : i32
    %dma_start3A_20 = tpu.memref_slice %arg5[%dma_start3A_19] : memref<25600xi32, #tpu.memory_space<vmem>> -> memref<72xi32, #tpu.memory_space<vmem>>
    %dma_start3A_21 = arith.constant 0 : i32
    %dma_start3A_22 = arith.constant 0 : i32
    %dma_start3A_23 = tpu.memref_slice %arg3[%dma_start3A_21, %dma_start3A_22] : memref<100000x64xi32, #tpu.memory_space<hbm>> -> memref<100000x64xi32, #tpu.memory_space<hbm>>
    tpu.enqueue_indirect_dma source(%dma_start3A_23 : memref<100000x64xi32, #tpu.memory_space<hbm>>) target(%dma_start3A_18 : memref<72x64xi32, #tpu.memory_space<vmem>>) offsets(%dma_start3A_20 : memref<72xi32, #tpu.memory_space<vmem>>) semaphore(%arg8 : memref<!tpu.dma_semaphore, #tpu.memory_space<semaphore_mem>>)
    %dma_start3A_24 = arith.constant 1 : i32
    %dma_start3A_25 = arith.constant 0 : i32
    %dma_start3A_26 = arith.constant 0 : i32
    %dma_start3A_27 = tpu.memref_slice %arg6[%dma_start3A_24, %dma_start3A_25, %dma_start3A_26] : memref<4x200x64xi32, #tpu.memory_space<vmem>> -> memref<1x128x64xi32, #tpu.memory_space<vmem>>
    %dma_start3A_28 = tpu.memref_squeeze %dma_start3A_27 : memref<1x128x64xi32, #tpu.memory_space<vmem>> -> memref<128x64xi32, #tpu.memory_space<vmem>>
    %dma_start3A_29 = arith.constant 200 : i32
    %dma_start3A_30 = tpu.memref_slice %arg5[%dma_start3A_29] : memref<25600xi32, #tpu.memory_space<vmem>> -> memref<128xi32, #tpu.memory_space<vmem>>
    %dma_start3A_31 = arith.constant 0 : i32
    %dma_start3A_32 = arith.constant 0 : i32
    %dma_start3A_33 = tpu.memref_slice %arg3[%dma_start3A_31, %dma_start3A_32] : memref<100000x64xi32, #tpu.memory_space<hbm>> -> memref<100000x64xi32, #tpu.memory_space<hbm>>
    tpu.enqueue_indirect_dma source(%dma_start3A_33 : memref<100000x64xi32, #tpu.memory_space<hbm>>) target(%dma_start3A_28 : memref<128x64xi32, #tpu.memory_space<vmem>>) offsets(%dma_start3A_30 : memref<128xi32, #tpu.memory_space<vmem>>) semaphore(%arg9 : memref<!tpu.dma_semaphore, #tpu.memory_space<semaphore_mem>>)
    %dma_start3A_34 = arith.constant 1 : i32
    %dma_start3A_35 = arith.constant 128 : i32
    %dma_start3A_36 = arith.constant 0 : i32
    %dma_start3A_37 = tpu.memref_slice %arg6[%dma_start3A_34, %dma_start3A_35, %dma_start3A_36] : memref<4x200x64xi32, #tpu.memory_space<vmem>> -> memref<1x72x64xi32, #tpu.memory_space<vmem>>
    %dma_start3A_38 = tpu.memref_squeeze %dma_start3A_37 : memref<1x72x64xi32, #tpu.memory_space<vmem>> -> memref<72x64xi32, #tpu.memory_space<vmem>>
    %dma_start3A_39 = arith.constant 328 : i32
    %dma_start3A_40 = tpu.memref_slice %arg5[%dma_start3A_39] : memref<25600xi32, #tpu.memory_space<vmem>> -> memref<72xi32, #tpu.memory_space<vmem>>
    %dma_start3A_41 = arith.constant 0 : i32
    %dma_start3A_42 = arith.constant 0 : i32
    %dma_start3A_43 = tpu.memref_slice %arg3[%dma_start3A_41, %dma_start3A_42] : memref<100000x64xi32, #tpu.memory_space<hbm>> -> memref<100000x64xi32, #tpu.memory_space<hbm>>
    tpu.enqueue_indirect_dma source(%dma_start3A_43 : memref<100000x64xi32, #tpu.memory_space<hbm>>) target(%dma_start3A_38 : memref<72x64xi32, #tpu.memory_space<vmem>>) offsets(%dma_start3A_40 : memref<72xi32, #tpu.memory_space<vmem>>) semaphore(%arg9 : memref<!tpu.dma_semaphore, #tpu.memory_space<semaphore_mem>>)
    %dma_start3A_44 = arith.constant 2 : i32
    %dma_start3A_45 = arith.constant 0 : i32
    %dma_start3A_46 = arith.constant 0 : i32
    %dma_start3A_47 = tpu.memref_slice %arg6[%dma_start3A_44, %dma_start3A_45, %dma_start3A_46] : memref<4x200x64xi32, #tpu.memory_space<vmem>> -> memref<1x128x64xi32, #tpu.memory_space<vmem>>
    %dma_start3A_48 = tpu.memref_squeeze %dma_start3A_47 : memref<1x128x64xi32, #tpu.memory_space<vmem>> -> memref<128x64xi32, #tpu.memory_space<vmem>>
    %dma_start3A_49 = arith.constant 400 : i32
    %dma_start3A_50 = tpu.memref_slice %arg5[%dma_start3A_49] : memref<25600xi32, #tpu.memory_space<vmem>> -> memref<128xi32, #tpu.memory_space<vmem>>
    %dma_start3A_51 = arith.constant 0 : i32
    %dma_start3A_52 = arith.constant 0 : i32
    %dma_start3A_53 = tpu.memref_slice %arg3[%dma_start3A_51, %dma_start3A_52] : memref<100000x64xi32, #tpu.memory_space<hbm>> -> memref<100000x64xi32, #tpu.memory_space<hbm>>
    tpu.enqueue_indirect_dma source(%dma_start3A_53 : memref<100000x64xi32, #tpu.memory_space<hbm>>) target(%dma_start3A_48 : memref<128x64xi32, #tpu.memory_space<vmem>>) offsets(%dma_start3A_50 : memref<128xi32, #tpu.memory_space<vmem>>) semaphore(%arg10 : memref<!tpu.dma_semaphore, #tpu.memory_space<semaphore_mem>>)
    %dma_start3A_54 = arith.constant 2 : i32
    %dma_start3A_55 = arith.constant 128 : i32
    %dma_start3A_56 = arith.constant 0 : i32
    %dma_start3A_57 = tpu.memref_slice %arg6[%dma_start3A_54, %dma_start3A_55, %dma_start3A_56] : memref<4x200x64xi32, #tpu.memory_space<vmem>> -> memref<1x72x64xi32, #tpu.memory_space<vmem>>
    %dma_start3A_58 = tpu.memref_squeeze %dma_start3A_57 : memref<1x72x64xi32, #tpu.memory_space<vmem>> -> memref<72x64xi32, #tpu.memory_space<vmem>>
    %dma_start3A_59 = arith.constant 528 : i32
    %dma_start3A_60 = tpu.memref_slice %arg5[%dma_start3A_59] : memref<25600xi32, #tpu.memory_space<vmem>> -> memref<72xi32, #tpu.memory_space<vmem>>
    %dma_start3A_61 = arith.constant 0 : i32
    %dma_start3A_62 = arith.constant 0 : i32
    %dma_start3A_63 = tpu.memref_slice %arg3[%dma_start3A_61, %dma_start3A_62] : memref<100000x64xi32, #tpu.memory_space<hbm>> -> memref<100000x64xi32, #tpu.memory_space<hbm>>
    tpu.enqueue_indirect_dma source(%dma_start3A_63 : memref<100000x64xi32, #tpu.memory_space<hbm>>) target(%dma_start3A_58 : memref<72x64xi32, #tpu.memory_space<vmem>>) offsets(%dma_start3A_60 : memref<72xi32, #tpu.memory_space<vmem>>) semaphore(%arg10 : memref<!tpu.dma_semaphore, #tpu.memory_space<semaphore_mem>>)
    %scan3A = arith.constant 0 : i32
    %scan3A_64 = arith.constant 0 : i32
    %scan3A_65 = arith.constant 32 : i32
    %scan3A_66 = arith.addi %scan3A_64, %scan3A_65 : i32
    %scan3A_67 = arith.constant 1 : i32
    scf.for %scan3A_69 = %scan3A_64 to %scan3A_66 step %scan3A_67  : i32 {
      %mul3A_70 = arith.constant 4 : i32
      %mul3A_71 = arith.muli %scan3A_69, %mul3A_70 : i32
      %add3A_72 = arith.constant 0 : i32
      %add3A_73 = arith.addi %mul3A_71, %add3A_72 : i32
      %dma_wait3A = arith.constant 0 : i32
      %dma_wait3A_74 = arith.constant 0 : i32
      %dma_wait3A_75 = arith.constant 0 : i32
      %dma_wait3A_76 = tpu.memref_slice %arg6[%dma_wait3A, %dma_wait3A_74, %dma_wait3A_75] : memref<4x200x64xi32, #tpu.memory_space<vmem>> -> memref<1x128x64xi32, #tpu.memory_space<vmem>>
      %dma_wait3A_77 = tpu.memref_squeeze %dma_wait3A_76 : memref<1x128x64xi32, #tpu.memory_space<vmem>> -> memref<128x64xi32, #tpu.memory_space<vmem>>
      %dma_wait3A_78 = arith.constant 0 : i32
      %dma_wait3A_79 = tpu.memref_slice %arg5[%dma_wait3A_78] : memref<25600xi32, #tpu.memory_space<vmem>> -> memref<128xi32, #tpu.memory_space<vmem>>
      %dma_wait3A_80 = arith.constant 0 : i32
      %dma_wait3A_81 = arith.constant 0 : i32
      %dma_wait3A_82 = tpu.memref_slice %arg3[%dma_wait3A_80, %dma_wait3A_81] : memref<100000x64xi32, #tpu.memory_space<hbm>> -> memref<100000x64xi32, #tpu.memory_space<hbm>>
      tpu.wait_indirect_dma semaphore(%arg8 : memref<!tpu.dma_semaphore, #tpu.memory_space<semaphore_mem>>) src(%dma_wait3A_82 : memref<100000x64xi32, #tpu.memory_space<hbm>>) dst(%dma_wait3A_77 : memref<128x64xi32, #tpu.memory_space<vmem>>)
      %dma_wait3A_83 = arith.constant 0 : i32
      %dma_wait3A_84 = arith.constant 128 : i32
      %dma_wait3A_85 = arith.constant 0 : i32
      %dma_wait3A_86 = tpu.memref_slice %arg6[%dma_wait3A_83, %dma_wait3A_84, %dma_wait3A_85] : memref<4x200x64xi32, #tpu.memory_space<vmem>> -> memref<1x72x64xi32, #tpu.memory_space<vmem>>
      %dma_wait3A_87 = tpu.memref_squeeze %dma_wait3A_86 : memref<1x72x64xi32, #tpu.memory_space<vmem>> -> memref<72x64xi32, #tpu.memory_space<vmem>>
      %dma_wait3A_88 = arith.constant 128 : i32
      %dma_wait3A_89 = tpu.memref_slice %arg5[%dma_wait3A_88] : memref<25600xi32, #tpu.memory_space<vmem>> -> memref<72xi32, #tpu.memory_space<vmem>>
      %dma_wait3A_90 = arith.constant 0 : i32
      %dma_wait3A_91 = arith.constant 0 : i32
      %dma_wait3A_92 = tpu.memref_slice %arg3[%dma_wait3A_90, %dma_wait3A_91] : memref<100000x64xi32, #tpu.memory_space<hbm>> -> memref<100000x64xi32, #tpu.memory_space<hbm>>
      tpu.wait_indirect_dma semaphore(%arg8 : memref<!tpu.dma_semaphore, #tpu.memory_space<semaphore_mem>>) src(%dma_wait3A_92 : memref<100000x64xi32, #tpu.memory_space<hbm>>) dst(%dma_wait3A_87 : memref<72x64xi32, #tpu.memory_space<vmem>>)
      %lt3A = arith.constant 125 : i32
      %lt3A_93 = arith.cmpi slt, %add3A_73, %lt3A : i32
      %convert_element_type3A = arith.extui %lt3A_93 : i1 to i32
      %cond3A = arith.constant 0 : i32
      %cond3A_94 = arith.cmpi ne, %convert_element_type3A, %cond3A : i32
      scf.if %cond3A_94 {
        %add3A_1016 = arith.constant 3 : i32
        %add3A_1017 = arith.addi %add3A_73, %add3A_1016 : i32
        %mul3A_1018 = arith.constant 200 : i32
        %mul3A_1019 = arith.muli %add3A_1017, %mul3A_1018 : i32
        %dma_start3A_1020 = arith.constant 3 : i32
        %dma_start3A_1021 = arith.constant 0 : i32
        %dma_start3A_1022 = arith.constant 0 : i32
        %dma_start3A_1023 = tpu.memref_slice %arg6[%dma_start3A_1020, %dma_start3A_1021, %dma_start3A_1022] : memref<4x200x64xi32, #tpu.memory_space<vmem>> -> memref<1x128x64xi32, #tpu.memory_space<vmem>>
        %dma_start3A_1024 = tpu.memref_squeeze %dma_start3A_1023 : memref<1x128x64xi32, #tpu.memory_space<vmem>> -> memref<128x64xi32, #tpu.memory_space<vmem>>
        %dma_start3A_1025 = tpu.memref_slice %arg5[%mul3A_1019] : memref<25600xi32, #tpu.memory_space<vmem>> -> memref<128xi32, #tpu.memory_space<vmem>>
        %dma_start3A_1026 = arith.constant 0 : i32
        %dma_start3A_1027 = arith.constant 0 : i32
        %dma_start3A_1028 = tpu.memref_slice %arg3[%dma_start3A_1026, %dma_start3A_1027] : memref<100000x64xi32, #tpu.memory_space<hbm>> -> memref<100000x64xi32, #tpu.memory_space<hbm>>
        tpu.enqueue_indirect_dma source(%dma_start3A_1028 : memref<100000x64xi32, #tpu.memory_space<hbm>>) target(%dma_start3A_1024 : memref<128x64xi32, #tpu.memory_space<vmem>>) offsets(%dma_start3A_1025 : memref<128xi32, #tpu.memory_space<vmem>>) semaphore(%arg11 : memref<!tpu.dma_semaphore, #tpu.memory_space<semaphore_mem>>)
        %mul3A_1029 = arith.constant 200 : i32
        %mul3A_1030 = arith.muli %add3A_1017, %mul3A_1029 : i32
        %add3A_1031 = arith.constant 128 : i32
        %add3A_1032 = arith.addi %mul3A_1030, %add3A_1031 : i32
        %dma_start3A_1033 = arith.constant 3 : i32
        %dma_start3A_1034 = arith.constant 128 : i32
        %dma_start3A_1035 = arith.constant 0 : i32
        %dma_start3A_1036 = tpu.memref_slice %arg6[%dma_start3A_1033, %dma_start3A_1034, %dma_start3A_1035] : memref<4x200x64xi32, #tpu.memory_space<vmem>> -> memref<1x72x64xi32, #tpu.memory_space<vmem>>
        %dma_start3A_1037 = tpu.memref_squeeze %dma_start3A_1036 : memref<1x72x64xi32, #tpu.memory_space<vmem>> -> memref<72x64xi32, #tpu.memory_space<vmem>>
        %dma_start3A_1038 = tpu.memref_slice %arg5[%add3A_1032] : memref<25600xi32, #tpu.memory_space<vmem>> -> memref<72xi32, #tpu.memory_space<vmem>>
        %dma_start3A_1039 = arith.constant 0 : i32
        %dma_start3A_1040 = arith.constant 0 : i32
        %dma_start3A_1041 = tpu.memref_slice %arg3[%dma_start3A_1039, %dma_start3A_1040] : memref<100000x64xi32, #tpu.memory_space<hbm>> -> memref<100000x64xi32, #tpu.memory_space<hbm>>
        tpu.enqueue_indirect_dma source(%dma_start3A_1041 : memref<100000x64xi32, #tpu.memory_space<hbm>>) target(%dma_start3A_1037 : memref<72x64xi32, #tpu.memory_space<vmem>>) offsets(%dma_start3A_1038 : memref<72xi32, #tpu.memory_space<vmem>>) semaphore(%arg11 : memref<!tpu.dma_semaphore, #tpu.memory_space<semaphore_mem>>)
      } else {
      }
      %broadcast_in_dim3A = arith.constant 0 : i32
      %broadcast_in_dim3A_95 = vector.broadcast %broadcast_in_dim3A : i32 to vector<16xi32>
      %mul3A_96 = arith.constant 200 : i32
      %mul3A_97 = arith.muli %add3A_73, %mul3A_96 : i32
      %add3A_98 = arith.constant 0 : i32
      %add3A_99 = arith.addi %mul3A_97, %add3A_98 : i32
      %get3A = arith.index_cast %add3A_99 : i32 to index
      %get3A_100 = tpu.vector_load %arg5[%get3A] {strides = array<i32>} : memref<25600xi32, #tpu.memory_space<vmem>>, vector<16xi32>,
      %ne3A = arith.constant 0 : i32
      %ne3A_101 = vector.broadcast %ne3A : i32 to vector<16xi32>
      %ne3A_102 = arith.cmpi ne, %get3A_100, %ne3A_101 : vector<16xi32>
      %all_reduce_population_count3A = tpu.all_reduce %ne3A_102 {dim = 0 : i64, kind = #tpu.reduction_kind<sum>} : vector<16xi1> -> vector<16xi32>
      %add3A_103 = arith.addi %broadcast_in_dim3A_95, %all_reduce_population_count3A : vector<16xi32>
      %mul3A_104 = arith.constant 200 : i32
      %mul3A_105 = arith.muli %add3A_73, %mul3A_104 : i32
      %add3A_106 = arith.constant 16 : i32
      %add3A_107 = arith.addi %mul3A_105, %add3A_106 : i32
      %get3A_108 = arith.index_cast %add3A_107 : i32 to index
      %get3A_109 = tpu.vector_load %arg5[%get3A_108] {strides = array<i32>} : memref<25600xi32, #tpu.memory_space<vmem>>, vector<16xi32>,
      %ne3A_110 = arith.constant 0 : i32
      %ne3A_111 = vector.broadcast %ne3A_110 : i32 to vector<16xi32>
      %ne3A_112 = arith.cmpi ne, %get3A_109, %ne3A_111 : vector<16xi32>
      %all_reduce_population_count3A_113 = tpu.all_reduce %ne3A_112 {dim = 0 : i64, kind = #tpu.reduction_kind<sum>} : vector<16xi1> -> vector<16xi32>
      %add3A_114 = arith.addi %add3A_103, %all_reduce_population_count3A_113 : vector<16xi32>
      %mul3A_115 = arith.constant 200 : i32
      %mul3A_116 = arith.muli %add3A_73, %mul3A_115 : i32
      %add3A_117 = arith.constant 32 : i32
      %add3A_118 = arith.addi %mul3A_116, %add3A_117 : i32
      %get3A_119 = arith.index_cast %add3A_118 : i32 to index
      %get3A_120 = tpu.vector_load %arg5[%get3A_119] {strides = array<i32>} : memref<25600xi32, #tpu.memory_space<vmem>>, vector<16xi32>,
      %ne3A_121 = arith.constant 0 : i32
      %ne3A_122 = vector.broadcast %ne3A_121 : i32 to vector<16xi32>
      %ne3A_123 = arith.cmpi ne, %get3A_120, %ne3A_122 : vector<16xi32>
      %all_reduce_population_count3A_124 = tpu.all_reduce %ne3A_123 {dim = 0 : i64, kind = #tpu.reduction_kind<sum>} : vector<16xi1> -> vector<16xi32>
      %add3A_125 = arith.addi %add3A_114, %all_reduce_population_count3A_124 : vector<16xi32>
      %mul3A_126 = arith.constant 200 : i32
      %mul3A_127 = arith.muli %add3A_73, %mul3A_126 : i32
      %add3A_128 = arith.constant 48 : i32
      %add3A_129 = arith.addi %mul3A_127, %add3A_128 : i32
      %get3A_130 = arith.index_cast %add3A_129 : i32 to index
      %get3A_131 = tpu.vector_load %arg5[%get3A_130] {strides = array<i32>} : memref<25600xi32, #tpu.memory_space<vmem>>, vector<16xi32>,
      %ne3A_132 = arith.constant 0 : i32
      %ne3A_133 = vector.broadcast %ne3A_132 : i32 to vector<16xi32>
      %ne3A_134 = arith.cmpi ne, %get3A_131, %ne3A_133 : vector<16xi32>
      %all_reduce_population_count3A_135 = tpu.all_reduce %ne3A_134 {dim = 0 : i64, kind = #tpu.reduction_kind<sum>} : vector<16xi1> -> vector<16xi32>
      %add3A_136 = arith.addi %add3A_125, %all_reduce_population_count3A_135 : vector<16xi32>
      %mul3A_137 = arith.constant 200 : i32
      %mul3A_138 = arith.muli %add3A_73, %mul3A_137 : i32
      %add3A_139 = arith.constant 64 : i32
      %add3A_140 = arith.addi %mul3A_138, %add3A_139 : i32
      %get3A_141 = arith.index_cast %add3A_140 : i32 to index
      %get3A_142 = tpu.vector_load %arg5[%get3A_141] {strides = array<i32>} : memref<25600xi32, #tpu.memory_space<vmem>>, vector<16xi32>,
      %ne3A_143 = arith.constant 0 : i32
      %ne3A_144 = vector.broadcast %ne3A_143 : i32 to vector<16xi32>
      %ne3A_145 = arith.cmpi ne, %get3A_142, %ne3A_144 : vector<16xi32>
      %all_reduce_population_count3A_146 = tpu.all_reduce %ne3A_145 {dim = 0 : i64, kind = #tpu.reduction_kind<sum>} : vector<16xi1> -> vector<16xi32>
      %add3A_147 = arith.addi %add3A_136, %all_reduce_population_count3A_146 : vector<16xi32>
      %mul3A_148 = arith.constant 200 : i32
      %mul3A_149 = arith.muli %add3A_73, %mul3A_148 : i32
      %add3A_150 = arith.constant 80 : i32
      %add3A_151 = arith.addi %mul3A_149, %add3A_150 : i32
      %get3A_152 = arith.index_cast %add3A_151 : i32 to index
      %get3A_153 = tpu.vector_load %arg5[%get3A_152] {strides = array<i32>} : memref<25600xi32, #tpu.memory_space<vmem>>, vector<16xi32>,
      %ne3A_154 = arith.constant 0 : i32
      %ne3A_155 = vector.broadcast %ne3A_154 : i32 to vector<16xi32>
      %ne3A_156 = arith.cmpi ne, %get3A_153, %ne3A_155 : vector<16xi32>
      %all_reduce_population_count3A_157 = tpu.all_reduce %ne3A_156 {dim = 0 : i64, kind = #tpu.reduction_kind<sum>} : vector<16xi1> -> vector<16xi32>
      %add3A_158 = arith.addi %add3A_147, %all_reduce_population_count3A_157 : vector<16xi32>
      %mul3A_159 = arith.constant 200 : i32
      %mul3A_160 = arith.muli %add3A_73, %mul3A_159 : i32
      %add3A_161 = arith.constant 96 : i32
      %add3A_162 = arith.addi %mul3A_160, %add3A_161 : i32
      %get3A_163 = arith.index_cast %add3A_162 : i32 to index
      %get3A_164 = tpu.vector_load %arg5[%get3A_163] {strides = array<i32>} : memref<25600xi32, #tpu.memory_space<vmem>>, vector<16xi32>,
      %ne3A_165 = arith.constant 0 : i32
      %ne3A_166 = vector.broadcast %ne3A_165 : i32 to vector<16xi32>
      %ne3A_167 = arith.cmpi ne, %get3A_164, %ne3A_166 : vector<16xi32>
      %all_reduce_population_count3A_168 = tpu.all_reduce %ne3A_167 {dim = 0 : i64, kind = #tpu.reduction_kind<sum>} : vector<16xi1> -> vector<16xi32>
      %add3A_169 = arith.addi %add3A_158, %all_reduce_population_count3A_168 : vector<16xi32>
      %mul3A_170 = arith.constant 200 : i32
      %mul3A_171 = arith.muli %add3A_73, %mul3A_170 : i32
      %add3A_172 = arith.constant 112 : i32
      %add3A_173 = arith.addi %mul3A_171, %add3A_172 : i32
      %get3A_174 = arith.index_cast %add3A_173 : i32 to index
      %get3A_175 = tpu.vector_load %arg5[%get3A_174] {strides = array<i32>} : memref<25600xi32, #tpu.memory_space<vmem>>, vector<16xi32>,
      %ne3A_176 = arith.constant 0 : i32
      %ne3A_177 = vector.broadcast %ne3A_176 : i32 to vector<16xi32>
      %ne3A_178 = arith.cmpi ne, %get3A_175, %ne3A_177 : vector<16xi32>
      %all_reduce_population_count3A_179 = tpu.all_reduce %ne3A_178 {dim = 0 : i64, kind = #tpu.reduction_kind<sum>} : vector<16xi1> -> vector<16xi32>
      %add3A_180 = arith.addi %add3A_169, %all_reduce_population_count3A_179 : vector<16xi32>
      %mul3A_181 = arith.constant 200 : i32
      %mul3A_182 = arith.muli %add3A_73, %mul3A_181 : i32
      %add3A_183 = arith.constant 128 : i32
      %add3A_184 = arith.addi %mul3A_182, %add3A_183 : i32
      %get3A_185 = arith.index_cast %add3A_184 : i32 to index
      %get3A_186 = tpu.vector_load %arg5[%get3A_185] {strides = array<i32>} : memref<25600xi32, #tpu.memory_space<vmem>>, vector<16xi32>,
      %ne3A_187 = arith.constant 0 : i32
      %ne3A_188 = vector.broadcast %ne3A_187 : i32 to vector<16xi32>
      %ne3A_189 = arith.cmpi ne, %get3A_186, %ne3A_188 : vector<16xi32>
      %all_reduce_population_count3A_190 = tpu.all_reduce %ne3A_189 {dim = 0 : i64, kind = #tpu.reduction_kind<sum>} : vector<16xi1> -> vector<16xi32>
      %add3A_191 = arith.addi %add3A_180, %all_reduce_population_count3A_190 : vector<16xi32>
      %mul3A_192 = arith.constant 200 : i32
      %mul3A_193 = arith.muli %add3A_73, %mul3A_192 : i32
      %add3A_194 = arith.constant 144 : i32
      %add3A_195 = arith.addi %mul3A_193, %add3A_194 : i32
      %get3A_196 = arith.index_cast %add3A_195 : i32 to index
      %get3A_197 = tpu.vector_load %arg5[%get3A_196] {strides = array<i32>} : memref<25600xi32, #tpu.memory_space<vmem>>, vector<16xi32>,
      %ne3A_198 = arith.constant 0 : i32
      %ne3A_199 = vector.broadcast %ne3A_198 : i32 to vector<16xi32>
      %ne3A_200 = arith.cmpi ne, %get3A_197, %ne3A_199 : vector<16xi32>
      %all_reduce_population_count3A_201 = tpu.all_reduce %ne3A_200 {dim = 0 : i64, kind = #tpu.reduction_kind<sum>} : vector<16xi1> -> vector<16xi32>
      %add3A_202 = arith.addi %add3A_191, %all_reduce_population_count3A_201 : vector<16xi32>
      %mul3A_203 = arith.constant 200 : i32
      %mul3A_204 = arith.muli %add3A_73, %mul3A_203 : i32
      %add3A_205 = arith.constant 160 : i32
      %add3A_206 = arith.addi %mul3A_204, %add3A_205 : i32
      %get3A_207 = arith.index_cast %add3A_206 : i32 to index
      %get3A_208 = tpu.vector_load %arg5[%get3A_207] {strides = array<i32>} : memref<25600xi32, #tpu.memory_space<vmem>>, vector<16xi32>,
      %ne3A_209 = arith.constant 0 : i32
      %ne3A_210 = vector.broadcast %ne3A_209 : i32 to vector<16xi32>
      %ne3A_211 = arith.cmpi ne, %get3A_208, %ne3A_210 : vector<16xi32>
      %all_reduce_population_count3A_212 = tpu.all_reduce %ne3A_211 {dim = 0 : i64, kind = #tpu.reduction_kind<sum>} : vector<16xi1> -> vector<16xi32>
      %add3A_213 = arith.addi %add3A_202, %all_reduce_population_count3A_212 : vector<16xi32>
      %mul3A_214 = arith.constant 200 : i32
      %mul3A_215 = arith.muli %add3A_73, %mul3A_214 : i32
      %add3A_216 = arith.constant 176 : i32
      %add3A_217 = arith.addi %mul3A_215, %add3A_216 : i32
      %get3A_218 = arith.index_cast %add3A_217 : i32 to index
      %get3A_219 = tpu.vector_load %arg5[%get3A_218] {strides = array<i32>} : memref<25600xi32, #tpu.memory_space<vmem>>, vector<16xi32>,
      %ne3A_220 = arith.constant 0 : i32
      %ne3A_221 = vector.broadcast %ne3A_220 : i32 to vector<16xi32>
      %ne3A_222 = arith.cmpi ne, %get3A_219, %ne3A_221 : vector<16xi32>
      %all_reduce_population_count3A_223 = tpu.all_reduce %ne3A_222 {dim = 0 : i64, kind = #tpu.reduction_kind<sum>} : vector<16xi1> -> vector<16xi32>
      %add3A_224 = arith.addi %add3A_213, %all_reduce_population_count3A_223 : vector<16xi32>
      %iota3A = tpu.iota {dimensions = array<i32: 0>} : vector<16xi32>
      %mul3A_225 = arith.constant 200 : i32
      %mul3A_226 = arith.muli %add3A_73, %mul3A_225 : i32
      %add3A_227 = arith.constant 184 : i32
      %add3A_228 = arith.addi %mul3A_226, %add3A_227 : i32
      %get3A_229 = arith.index_cast %add3A_228 : i32 to index
      %get3A_230 = tpu.vector_load %arg5[%get3A_229] {strides = array<i32>} : memref<25600xi32, #tpu.memory_space<vmem>>, vector<16xi32>,
      %ne3A_231 = arith.constant 0 : i32
      %ne3A_232 = vector.broadcast %ne3A_231 : i32 to vector<16xi32>
      %ne3A_233 = arith.cmpi ne, %get3A_230, %ne3A_232 : vector<16xi32>
      %ge3A = arith.constant 8 : i32
      %ge3A_234 = vector.broadcast %ge3A : i32 to vector<16xi32>
      %ge3A_235 = arith.cmpi sge, %iota3A, %ge3A_234 : vector<16xi32>
      %and3A = arith.andi %ne3A_233, %ge3A_235 : vector<16xi1>
      %all_reduce_population_count3A_236 = tpu.all_reduce %and3A {dim = 0 : i64, kind = #tpu.reduction_kind<sum>} : vector<16xi1> -> vector<16xi32>
      %add3A_237 = arith.addi %add3A_224, %all_reduce_population_count3A_236 : vector<16xi32>
      %convert_element_type3A_238 = arith.sitofp %add3A_237 : vector<16xi32> to vector<16xf32>
      %max3A = arith.constant 1.000000e+00 : f32
      %max3A_239 = vector.broadcast %max3A : f32 to vector<16xf32>
      %max3A_240 = arith.maximumf %convert_element_type3A_238, %max3A_239 : vector<16xf32>
      %div3A = arith.constant 1.000000e+00 : f32
      %div3A_241 = vector.broadcast %div3A : f32 to vector<16xf32>
      %div3A_242 = arith.divf %div3A_241, %max3A_240 : vector<16xf32>
      %broadcast_in_dim3A_243 = arith.constant 0.000000e+00 : f32
      %broadcast_in_dim3A_244 = vector.broadcast %broadcast_in_dim3A_243 : f32 to vector<16xf32>
      %broadcast_in_dim3A_245 = arith.constant 0.000000e+00 : f32
      %broadcast_in_dim3A_246 = vector.broadcast %broadcast_in_dim3A_245 : f32 to vector<16xf32>
      %broadcast_in_dim3A_247 = arith.constant 0.000000e+00 : f32
      %broadcast_in_dim3A_248 = vector.broadcast %broadcast_in_dim3A_247 : f32 to vector<16xf32>
      %broadcast_in_dim3A_249 = arith.constant 0.000000e+00 : f32
      %broadcast_in_dim3A_250 = vector.broadcast %broadcast_in_dim3A_249 : f32 to vector<16xf32>
      %broadcast_in_dim3A_251 = arith.constant 0.000000e+00 : f32
      %broadcast_in_dim3A_252 = vector.broadcast %broadcast_in_dim3A_251 : f32 to vector<16xf32>
      %broadcast_in_dim3A_253 = arith.constant 0.000000e+00 : f32
      %broadcast_in_dim3A_254 = vector.broadcast %broadcast_in_dim3A_253 : f32 to vector<16xf32>
      %broadcast_in_dim3A_255 = arith.constant 0.000000e+00 : f32
      %broadcast_in_dim3A_256 = vector.broadcast %broadcast_in_dim3A_255 : f32 to vector<16xf32>
      %broadcast_in_dim3A_257 = arith.constant 0.000000e+00 : f32
      %broadcast_in_dim3A_258 = vector.broadcast %broadcast_in_dim3A_257 : f32 to vector<16xf32>
      %scan3A_259 = arith.constant 0 : i32
      %scan3A_260 = arith.constant 25 : i32
      %scan3A_261 = arith.addi %scan3A_259, %scan3A_260 : i32
      %scan3A_262 = arith.constant 1 : i32
      %scan3A_263:8 = scf.for %scan3A_1016 = %scan3A_259 to %scan3A_261 step %scan3A_262 iter_args(%scan3A_1017 = %broadcast_in_dim3A_244, %scan3A_1018 = %broadcast_in_dim3A_246, %scan3A_1019 = %broadcast_in_dim3A_248, %scan3A_1020 = %broadcast_in_dim3A_250, %scan3A_1021 = %broadcast_in_dim3A_252, %scan3A_1022 = %broadcast_in_dim3A_254, %scan3A_1023 = %broadcast_in_dim3A_256, %scan3A_1024 = %broadcast_in_dim3A_258) -> (vector<16xf32>, vector<16xf32>, vector<16xf32>, vector<16xf32>, vector<16xf32>, vector<16xf32>, vector<16xf32>, vector<16xf32>)  : i32 {
        %mul3A_1025 = arith.constant 8 : i32
        %mul3A_1026 = arith.muli %scan3A_1016, %mul3A_1025 : i32
        %add3A_1027 = arith.constant 0 : i32
        %add3A_1028 = arith.addi %mul3A_1026, %add3A_1027 : i32
        %get3A_1029 = arith.constant 0 : i32
        %get3A_1030 = arith.index_cast %get3A_1029 : i32 to index
        %get3A_1031 = arith.index_cast %add3A_1028 : i32 to index
        %get3A_1032 = arith.constant 0 : index
        %get3A_1033 = tpu.vector_load %arg6[%get3A_1030, %get3A_1031, %get3A_1032] {strides = array<i32>} : memref<4x200x64xi32, #tpu.memory_space<vmem>>, vector<16xi32>,
        %shift_left3A = arith.constant 16 : i32
        %shift_left3A_1034 = vector.broadcast %shift_left3A : i32 to vector<16xi32>
        %shift_left3A_1035 = arith.shli %get3A_1033, %shift_left3A_1034 : vector<16xi32>
        %bitcast3A = vector.bitcast %shift_left3A_1035 : vector<16xi32> to vector<16xf32>
        %and3A_1036 = arith.constant -65536 : i32
        %and3A_1037 = vector.broadcast %and3A_1036 : i32 to vector<16xi32>
        %and3A_1038 = arith.andi %get3A_1033, %and3A_1037 : vector<16xi32>
        %bitcast3A_1039 = vector.bitcast %and3A_1038 : vector<16xi32> to vector<16xf32>
        %add3A_1040 = arith.addf %scan3A_1017, %bitcast3A : vector<16xf32>
        %add3A_1041 = arith.addf %scan3A_1021, %bitcast3A_1039 : vector<16xf32>
        %add3A_1042 = arith.constant 0 : i32
        %add3A_1043 = arith.addi %mul3A_1026, %add3A_1042 : i32
        %get3A_1044 = arith.constant 0 : i32
        %get3A_1045 = arith.index_cast %get3A_1044 : i32 to index
        %get3A_1046 = arith.index_cast %add3A_1043 : i32 to index
        %get3A_1047 = arith.constant 16 : index
        %get3A_1048 = tpu.vector_load %arg6[%get3A_1045, %get3A_1046, %get3A_1047] {strides = array<i32>} : memref<4x200x64xi32, #tpu.memory_space<vmem>>, vector<16xi32>,
        %shift_left3A_1049 = arith.constant 16 : i32
        %shift_left3A_1050 = vector.broadcast %shift_left3A_1049 : i32 to vector<16xi32>
        %shift_left3A_1051 = arith.shli %get3A_1048, %shift_left3A_1050 : vector<16xi32>
        %bitcast3A_1052 = vector.bitcast %shift_left3A_1051 : vector<16xi32> to vector<16xf32>
        %and3A_1053 = arith.constant -65536 : i32
        %and3A_1054 = vector.broadcast %and3A_1053 : i32 to vector<16xi32>
        %and3A_1055 = arith.andi %get3A_1048, %and3A_1054 : vector<16xi32>
        %bitcast3A_1056 = vector.bitcast %and3A_1055 : vector<16xi32> to vector<16xf32>
        %add3A_1057 = arith.addf %scan3A_1018, %bitcast3A_1052 : vector<16xf32>
        %add3A_1058 = arith.addf %scan3A_1022, %bitcast3A_1056 : vector<16xf32>
        %add3A_1059 = arith.constant 0 : i32
        %add3A_1060 = arith.addi %mul3A_1026, %add3A_1059 : i32
        %get3A_1061 = arith.constant 0 : i32
        %get3A_1062 = arith.index_cast %get3A_1061 : i32 to index
        %get3A_1063 = arith.index_cast %add3A_1060 : i32 to index
        %get3A_1064 = arith.constant 32 : index
        %get3A_1065 = tpu.vector_load %arg6[%get3A_1062, %get3A_1063, %get3A_1064] {strides = array<i32>} : memref<4x200x64xi32, #tpu.memory_space<vmem>>, vector<16xi32>,
        %shift_left3A_1066 = arith.constant 16 : i32
        %shift_left3A_1067 = vector.broadcast %shift_left3A_1066 : i32 to vector<16xi32>
        %shift_left3A_1068 = arith.shli %get3A_1065, %shift_left3A_1067 : vector<16xi32>
        %bitcast3A_1069 = vector.bitcast %shift_left3A_1068 : vector<16xi32> to vector<16xf32>
        %and3A_1070 = arith.constant -65536 : i32
        %and3A_1071 = vector.broadcast %and3A_1070 : i32 to vector<16xi32>
        %and3A_1072 = arith.andi %get3A_1065, %and3A_1071 : vector<16xi32>
        %bitcast3A_1073 = vector.bitcast %and3A_1072 : vector<16xi32> to vector<16xf32>
        %add3A_1074 = arith.addf %scan3A_1019, %bitcast3A_1069 : vector<16xf32>
        %add3A_1075 = arith.addf %scan3A_1023, %bitcast3A_1073 : vector<16xf32>
        %add3A_1076 = arith.constant 0 : i32
        %add3A_1077 = arith.addi %mul3A_1026, %add3A_1076 : i32
        %get3A_1078 = arith.constant 0 : i32
        %get3A_1079 = arith.index_cast %get3A_1078 : i32 to index
        %get3A_1080 = arith.index_cast %add3A_1077 : i32 to index
        %get3A_1081 = arith.constant 48 : index
        %get3A_1082 = tpu.vector_load %arg6[%get3A_1079, %get3A_1080, %get3A_1081] {strides = array<i32>} : memref<4x200x64xi32, #tpu.memory_space<vmem>>, vector<16xi32>,
        %shift_left3A_1083 = arith.constant 16 : i32
        %shift_left3A_1084 = vector.broadcast %shift_left3A_1083 : i32 to vector<16xi32>
        %shift_left3A_1085 = arith.shli %get3A_1082, %shift_left3A_1084 : vector<16xi32>
        %bitcast3A_1086 = vector.bitcast %shift_left3A_1085 : vector<16xi32> to vector<16xf32>
        %and3A_1087 = arith.constant -65536 : i32
        %and3A_1088 = vector.broadcast %and3A_1087 : i32 to vector<16xi32>
        %and3A_1089 = arith.andi %get3A_1082, %and3A_1088 : vector<16xi32>
        %bitcast3A_1090 = vector.bitcast %and3A_1089 : vector<16xi32> to vector<16xf32>
        %add3A_1091 = arith.addf %scan3A_1020, %bitcast3A_1086 : vector<16xf32>
        %add3A_1092 = arith.addf %scan3A_1024, %bitcast3A_1090 : vector<16xf32>
        %add3A_1093 = arith.constant 1 : i32
        %add3A_1094 = arith.addi %mul3A_1026, %add3A_1093 : i32
        %get3A_1095 = arith.constant 0 : i32
        %get3A_1096 = arith.index_cast %get3A_1095 : i32 to index
        %get3A_1097 = arith.index_cast %add3A_1094 : i32 to index
        %get3A_1098 = arith.constant 0 : index
        %get3A_1099 = tpu.vector_load %arg6[%get3A_1096, %get3A_1097, %get3A_1098] {strides = array<i32>} : memref<4x200x64xi32, #tpu.memory_space<vmem>>, vector<16xi32>,
        %shift_left3A_1100 = arith.constant 16 : i32
        %shift_left3A_1101 = vector.broadcast %shift_left3A_1100 : i32 to vector<16xi32>
        %shift_left3A_1102 = arith.shli %get3A_1099, %shift_left3A_1101 : vector<16xi32>
        %bitcast3A_1103 = vector.bitcast %shift_left3A_1102 : vector<16xi32> to vector<16xf32>
        %and3A_1104 = arith.constant -65536 : i32
        %and3A_1105 = vector.broadcast %and3A_1104 : i32 to vector<16xi32>
        %and3A_1106 = arith.andi %get3A_1099, %and3A_1105 : vector<16xi32>
        %bitcast3A_1107 = vector.bitcast %and3A_1106 : vector<16xi32> to vector<16xf32>
        %add3A_1108 = arith.addf %add3A_1040, %bitcast3A_1103 : vector<16xf32>
        %add3A_1109 = arith.addf %add3A_1041, %bitcast3A_1107 : vector<16xf32>
        %add3A_1110 = arith.constant 1 : i32
        %add3A_1111 = arith.addi %mul3A_1026, %add3A_1110 : i32
        %get3A_1112 = arith.constant 0 : i32
        %get3A_1113 = arith.index_cast %get3A_1112 : i32 to index
        %get3A_1114 = arith.index_cast %add3A_1111 : i32 to index
        %get3A_1115 = arith.constant 16 : index
        %get3A_1116 = tpu.vector_load %arg6[%get3A_1113, %get3A_1114, %get3A_1115] {strides = array<i32>} : memref<4x200x64xi32, #tpu.memory_space<vmem>>, vector<16xi32>,
        %shift_left3A_1117 = arith.constant 16 : i32
        %shift_left3A_1118 = vector.broadcast %shift_left3A_1117 : i32 to vector<16xi32>
        %shift_left3A_1119 = arith.shli %get3A_1116, %shift_left3A_1118 : vector<16xi32>
        %bitcast3A_1120 = vector.bitcast %shift_left3A_1119 : vector<16xi32> to vector<16xf32>
        %and3A_1121 = arith.constant -65536 : i32
        %and3A_1122 = vector.broadcast %and3A_1121 : i32 to vector<16xi32>
        %and3A_1123 = arith.andi %get3A_1116, %and3A_1122 : vector<16xi32>
        %bitcast3A_1124 = vector.bitcast %and3A_1123 : vector<16xi32> to vector<16xf32>
        %add3A_1125 = arith.addf %add3A_1057, %bitcast3A_1120 : vector<16xf32>
        %add3A_1126 = arith.addf %add3A_1058, %bitcast3A_1124 : vector<16xf32>
        %add3A_1127 = arith.constant 1 : i32
        %add3A_1128 = arith.addi %mul3A_1026, %add3A_1127 : i32
        %get3A_1129 = arith.constant 0 : i32
        %get3A_1130 = arith.index_cast %get3A_1129 : i32 to index
        %get3A_1131 = arith.index_cast %add3A_1128 : i32 to index
        %get3A_1132 = arith.constant 32 : index
        %get3A_1133 = tpu.vector_load %arg6[%get3A_1130, %get3A_1131, %get3A_1132] {strides = array<i32>} : memref<4x200x64xi32, #tpu.memory_space<vmem>>, vector<16xi32>,
        %shift_left3A_1134 = arith.constant 16 : i32
        %shift_left3A_1135 = vector.broadcast %shift_left3A_1134 : i32 to vector<16xi32>
        %shift_left3A_1136 = arith.shli %get3A_1133, %shift_left3A_1135 : vector<16xi32>
        %bitcast3A_1137 = vector.bitcast %shift_left3A_1136 : vector<16xi32> to vector<16xf32>
        %and3A_1138 = arith.constant -65536 : i32
        %and3A_1139 = vector.broadcast %and3A_1138 : i32 to vector<16xi32>
        %and3A_1140 = arith.andi %get3A_1133, %and3A_1139 : vector<16xi32>
        %bitcast3A_1141 = vector.bitcast %and3A_1140 : vector<16xi32> to vector<16xf32>
        %add3A_1142 = arith.addf %add3A_1074, %bitcast3A_1137 : vector<16xf32>
        %add3A_1143 = arith.addf %add3A_1075, %bitcast3A_1141 : vector<16xf32>
        %add3A_1144 = arith.constant 1 : i32
        %add3A_1145 = arith.addi %mul3A_1026, %add3A_1144 : i32
        %get3A_1146 = arith.constant 0 : i32
        %get3A_1147 = arith.index_cast %get3A_1146 : i32 to index
        %get3A_1148 = arith.index_cast %add3A_1145 : i32 to index
        %get3A_1149 = arith.constant 48 : index
        %get3A_1150 = tpu.vector_load %arg6[%get3A_1147, %get3A_1148, %get3A_1149] {strides = array<i32>} : memref<4x200x64xi32, #tpu.memory_space<vmem>>, vector<16xi32>,
        %shift_left3A_1151 = arith.constant 16 : i32
        %shift_left3A_1152 = vector.broadcast %shift_left3A_1151 : i32 to vector<16xi32>
        %shift_left3A_1153 = arith.shli %get3A_1150, %shift_left3A_1152 : vector<16xi32>
        %bitcast3A_1154 = vector.bitcast %shift_left3A_1153 : vector<16xi32> to vector<16xf32>
        %and3A_1155 = arith.constant -65536 : i32
        %and3A_1156 = vector.broadcast %and3A_1155 : i32 to vector<16xi32>
        %and3A_1157 = arith.andi %get3A_1150, %and3A_1156 : vector<16xi32>
        %bitcast3A_1158 = vector.bitcast %and3A_1157 : vector<16xi32> to vector<16xf32>
        %add3A_1159 = arith.addf %add3A_1091, %bitcast3A_1154 : vector<16xf32>
        %add3A_1160 = arith.addf %add3A_1092, %bitcast3A_1158 : vector<16xf32>
        %add3A_1161 = arith.constant 2 : i32
        %add3A_1162 = arith.addi %mul3A_1026, %add3A_1161 : i32
        %get3A_1163 = arith.constant 0 : i32
        %get3A_1164 = arith.index_cast %get3A_1163 : i32 to index
        %get3A_1165 = arith.index_cast %add3A_1162 : i32 to index
        %get3A_1166 = arith.constant 0 : index
        %get3A_1167 = tpu.vector_load %arg6[%get3A_1164, %get3A_1165, %get3A_1166] {strides = array<i32>} : memref<4x200x64xi32, #tpu.memory_space<vmem>>, vector<16xi32>,
        %shift_left3A_1168 = arith.constant 16 : i32
        %shift_left3A_1169 = vector.broadcast %shift_left3A_1168 : i32 to vector<16xi32>
        %shift_left3A_1170 = arith.shli %get3A_1167, %shift_left3A_1169 : vector<16xi32>
        %bitcast3A_1171 = vector.bitcast %shift_left3A_1170 : vector<16xi32> to vector<16xf32>
        %and3A_1172 = arith.constant -65536 : i32
        %and3A_1173 = vector.broadcast %and3A_1172 : i32 to vector<16xi32>
        %and3A_1174 = arith.andi %get3A_1167, %and3A_1173 : vector<16xi32>
        %bitcast3A_1175 = vector.bitcast %and3A_1174 : vector<16xi32> to vector<16xf32>
        %add3A_1176 = arith.addf %add3A_1108, %bitcast3A_1171 : vector<16xf32>
        %add3A_1177 = arith.addf %add3A_1109, %bitcast3A_1175 : vector<16xf32>
        %add3A_1178 = arith.constant 2 : i32
        %add3A_1179 = arith.addi %mul3A_1026, %add3A_1178 : i32
        %get3A_1180 = arith.constant 0 : i32
        %get3A_1181 = arith.index_cast %get3A_1180 : i32 to index
        %get3A_1182 = arith.index_cast %add3A_1179 : i32 to index
        %get3A_1183 = arith.constant 16 : index
        %get3A_1184 = tpu.vector_load %arg6[%get3A_1181, %get3A_1182, %get3A_1183] {strides = array<i32>} : memref<4x200x64xi32, #tpu.memory_space<vmem>>, vector<16xi32>,
        %shift_left3A_1185 = arith.constant 16 : i32
        %shift_left3A_1186 = vector.broadcast %shift_left3A_1185 : i32 to vector<16xi32>
        %shift_left3A_1187 = arith.shli %get3A_1184, %shift_left3A_1186 : vector<16xi32>
        %bitcast3A_1188 = vector.bitcast %shift_left3A_1187 : vector<16xi32> to vector<16xf32>
        %and3A_1189 = arith.constant -65536 : i32
        %and3A_1190 = vector.broadcast %and3A_1189 : i32 to vector<16xi32>
        %and3A_1191 = arith.andi %get3A_1184, %and3A_1190 : vector<16xi32>
        %bitcast3A_1192 = vector.bitcast %and3A_1191 : vector<16xi32> to vector<16xf32>
        %add3A_1193 = arith.addf %add3A_1125, %bitcast3A_1188 : vector<16xf32>
        %add3A_1194 = arith.addf %add3A_1126, %bitcast3A_1192 : vector<16xf32>
        %add3A_1195 = arith.constant 2 : i32
        %add3A_1196 = arith.addi %mul3A_1026, %add3A_1195 : i32
        %get3A_1197 = arith.constant 0 : i32
        %get3A_1198 = arith.index_cast %get3A_1197 : i32 to index
        %get3A_1199 = arith.index_cast %add3A_1196 : i32 to index
        %get3A_1200 = arith.constant 32 : index
        %get3A_1201 = tpu.vector_load %arg6[%get3A_1198, %get3A_1199, %get3A_1200] {strides = array<i32>} : memref<4x200x64xi32, #tpu.memory_space<vmem>>, vector<16xi32>,
        %shift_left3A_1202 = arith.constant 16 : i32
        %shift_left3A_1203 = vector.broadcast %shift_left3A_1202 : i32 to vector<16xi32>
        %shift_left3A_1204 = arith.shli %get3A_1201, %shift_left3A_1203 : vector<16xi32>
        %bitcast3A_1205 = vector.bitcast %shift_left3A_1204 : vector<16xi32> to vector<16xf32>
        %and3A_1206 = arith.constant -65536 : i32
        %and3A_1207 = vector.broadcast %and3A_1206 : i32 to vector<16xi32>
        %and3A_1208 = arith.andi %get3A_1201, %and3A_1207 : vector<16xi32>
        %bitcast3A_1209 = vector.bitcast %and3A_1208 : vector<16xi32> to vector<16xf32>
        %add3A_1210 = arith.addf %add3A_1142, %bitcast3A_1205 : vector<16xf32>
        %add3A_1211 = arith.addf %add3A_1143, %bitcast3A_1209 : vector<16xf32>
        %add3A_1212 = arith.constant 2 : i32
        %add3A_1213 = arith.addi %mul3A_1026, %add3A_1212 : i32
        %get3A_1214 = arith.constant 0 : i32
        %get3A_1215 = arith.index_cast %get3A_1214 : i32 to index
        %get3A_1216 = arith.index_cast %add3A_1213 : i32 to index
        %get3A_1217 = arith.constant 48 : index
        %get3A_1218 = tpu.vector_load %arg6[%get3A_1215, %get3A_1216, %get3A_1217] {strides = array<i32>} : memref<4x200x64xi32, #tpu.memory_space<vmem>>, vector<16xi32>,
        %shift_left3A_1219 = arith.constant 16 : i32
        %shift_left3A_1220 = vector.broadcast %shift_left3A_1219 : i32 to vector<16xi32>
        %shift_left3A_1221 = arith.shli %get3A_1218, %shift_left3A_1220 : vector<16xi32>
        %bitcast3A_1222 = vector.bitcast %shift_left3A_1221 : vector<16xi32> to vector<16xf32>
        %and3A_1223 = arith.constant -65536 : i32
        %and3A_1224 = vector.broadcast %and3A_1223 : i32 to vector<16xi32>
        %and3A_1225 = arith.andi %get3A_1218, %and3A_1224 : vector<16xi32>
        %bitcast3A_1226 = vector.bitcast %and3A_1225 : vector<16xi32> to vector<16xf32>
        %add3A_1227 = arith.addf %add3A_1159, %bitcast3A_1222 : vector<16xf32>
        %add3A_1228 = arith.addf %add3A_1160, %bitcast3A_1226 : vector<16xf32>
        %add3A_1229 = arith.constant 3 : i32
        %add3A_1230 = arith.addi %mul3A_1026, %add3A_1229 : i32
        %get3A_1231 = arith.constant 0 : i32
        %get3A_1232 = arith.index_cast %get3A_1231 : i32 to index
        %get3A_1233 = arith.index_cast %add3A_1230 : i32 to index
        %get3A_1234 = arith.constant 0 : index
        %get3A_1235 = tpu.vector_load %arg6[%get3A_1232, %get3A_1233, %get3A_1234] {strides = array<i32>} : memref<4x200x64xi32, #tpu.memory_space<vmem>>, vector<16xi32>,
        %shift_left3A_1236 = arith.constant 16 : i32
        %shift_left3A_1237 = vector.broadcast %shift_left3A_1236 : i32 to vector<16xi32>
        %shift_left3A_1238 = arith.shli %get3A_1235, %shift_left3A_1237 : vector<16xi32>
        %bitcast3A_1239 = vector.bitcast %shift_left3A_1238 : vector<16xi32> to vector<16xf32>
        %and3A_1240 = arith.constant -65536 : i32
        %and3A_1241 = vector.broadcast %and3A_1240 : i32 to vector<16xi32>
        %and3A_1242 = arith.andi %get3A_1235, %and3A_1241 : vector<16xi32>
        %bitcast3A_1243 = vector.bitcast %and3A_1242 : vector<16xi32> to vector<16xf32>
        %add3A_1244 = arith.addf %add3A_1176, %bitcast3A_1239 : vector<16xf32>
        %add3A_1245 = arith.addf %add3A_1177, %bitcast3A_1243 : vector<16xf32>
        %add3A_1246 = arith.constant 3 : i32
        %add3A_1247 = arith.addi %mul3A_1026, %add3A_1246 : i32
        %get3A_1248 = arith.constant 0 : i32
        %get3A_1249 = arith.index_cast %get3A_1248 : i32 to index
        %get3A_1250 = arith.index_cast %add3A_1247 : i32 to index
        %get3A_1251 = arith.constant 16 : index
        %get3A_1252 = tpu.vector_load %arg6[%get3A_1249, %get3A_1250, %get3A_1251] {strides = array<i32>} : memref<4x200x64xi32, #tpu.memory_space<vmem>>, vector<16xi32>,
        %shift_left3A_1253 = arith.constant 16 : i32
        %shift_left3A_1254 = vector.broadcast %shift_left3A_1253 : i32 to vector<16xi32>
        %shift_left3A_1255 = arith.shli %get3A_1252, %shift_left3A_1254 : vector<16xi32>
        %bitcast3A_1256 = vector.bitcast %shift_left3A_1255 : vector<16xi32> to vector<16xf32>
        %and3A_1257 = arith.constant -65536 : i32
        %and3A_1258 = vector.broadcast %and3A_1257 : i32 to vector<16xi32>
        %and3A_1259 = arith.andi %get3A_1252, %and3A_1258 : vector<16xi32>
        %bitcast3A_1260 = vector.bitcast %and3A_1259 : vector<16xi32> to vector<16xf32>
        %add3A_1261 = arith.addf %add3A_1193, %bitcast3A_1256 : vector<16xf32>
        %add3A_1262 = arith.addf %add3A_1194, %bitcast3A_1260 : vector<16xf32>
        %add3A_1263 = arith.constant 3 : i32
        %add3A_1264 = arith.addi %mul3A_1026, %add3A_1263 : i32
        %get3A_1265 = arith.constant 0 : i32
        %get3A_1266 = arith.index_cast %get3A_1265 : i32 to index
        %get3A_1267 = arith.index_cast %add3A_1264 : i32 to index
        %get3A_1268 = arith.constant 32 : index
        %get3A_1269 = tpu.vector_load %arg6[%get3A_1266, %get3A_1267, %get3A_1268] {strides = array<i32>} : memref<4x200x64xi32, #tpu.memory_space<vmem>>, vector<16xi32>,
        %shift_left3A_1270 = arith.constant 16 : i32
        %shift_left3A_1271 = vector.broadcast %shift_left3A_1270 : i32 to vector<16xi32>
        %shift_left3A_1272 = arith.shli %get3A_1269, %shift_left3A_1271 : vector<16xi32>
        %bitcast3A_1273 = vector.bitcast %shift_left3A_1272 : vector<16xi32> to vector<16xf32>
        %and3A_1274 = arith.constant -65536 : i32
        %and3A_1275 = vector.broadcast %and3A_1274 : i32 to vector<16xi32>
        %and3A_1276 = arith.andi %get3A_1269, %and3A_1275 : vector<16xi32>
        %bitcast3A_1277 = vector.bitcast %and3A_1276 : vector<16xi32> to vector<16xf32>
        %add3A_1278 = arith.addf %add3A_1210, %bitcast3A_1273 : vector<16xf32>
        %add3A_1279 = arith.addf %add3A_1211, %bitcast3A_1277 : vector<16xf32>
        %add3A_1280 = arith.constant 3 : i32
        %add3A_1281 = arith.addi %mul3A_1026, %add3A_1280 : i32
        %get3A_1282 = arith.constant 0 : i32
        %get3A_1283 = arith.index_cast %get3A_1282 : i32 to index
        %get3A_1284 = arith.index_cast %add3A_1281 : i32 to index
        %get3A_1285 = arith.constant 48 : index
        %get3A_1286 = tpu.vector_load %arg6[%get3A_1283, %get3A_1284, %get3A_1285] {strides = array<i32>} : memref<4x200x64xi32, #tpu.memory_space<vmem>>, vector<16xi32>,
        %shift_left3A_1287 = arith.constant 16 : i32
        %shift_left3A_1288 = vector.broadcast %shift_left3A_1287 : i32 to vector<16xi32>
        %shift_left3A_1289 = arith.shli %get3A_1286, %shift_left3A_1288 : vector<16xi32>
        %bitcast3A_1290 = vector.bitcast %shift_left3A_1289 : vector<16xi32> to vector<16xf32>
        %and3A_1291 = arith.constant -65536 : i32
        %and3A_1292 = vector.broadcast %and3A_1291 : i32 to vector<16xi32>
        %and3A_1293 = arith.andi %get3A_1286, %and3A_1292 : vector<16xi32>
        %bitcast3A_1294 = vector.bitcast %and3A_1293 : vector<16xi32> to vector<16xf32>
        %add3A_1295 = arith.addf %add3A_1227, %bitcast3A_1290 : vector<16xf32>
        %add3A_1296 = arith.addf %add3A_1228, %bitcast3A_1294 : vector<16xf32>
        %add3A_1297 = arith.constant 4 : i32
        %add3A_1298 = arith.addi %mul3A_1026, %add3A_1297 : i32
        %get3A_1299 = arith.constant 0 : i32
        %get3A_1300 = arith.index_cast %get3A_1299 : i32 to index
        %get3A_1301 = arith.index_cast %add3A_1298 : i32 to index
        %get3A_1302 = arith.constant 0 : index
        %get3A_1303 = tpu.vector_load %arg6[%get3A_1300, %get3A_1301, %get3A_1302] {strides = array<i32>} : memref<4x200x64xi32, #tpu.memory_space<vmem>>, vector<16xi32>,
        %shift_left3A_1304 = arith.constant 16 : i32
        %shift_left3A_1305 = vector.broadcast %shift_left3A_1304 : i32 to vector<16xi32>
        %shift_left3A_1306 = arith.shli %get3A_1303, %shift_left3A_1305 : vector<16xi32>
        %bitcast3A_1307 = vector.bitcast %shift_left3A_1306 : vector<16xi32> to vector<16xf32>
        %and3A_1308 = arith.constant -65536 : i32
        %and3A_1309 = vector.broadcast %and3A_1308 : i32 to vector<16xi32>
        %and3A_1310 = arith.andi %get3A_1303, %and3A_1309 : vector<16xi32>
        %bitcast3A_1311 = vector.bitcast %and3A_1310 : vector<16xi32> to vector<16xf32>
        %add3A_1312 = arith.addf %add3A_1244, %bitcast3A_1307 : vector<16xf32>
        %add3A_1313 = arith.addf %add3A_1245, %bitcast3A_1311 : vector<16xf32>
        %add3A_1314 = arith.constant 4 : i32
        %add3A_1315 = arith.addi %mul3A_1026, %add3A_1314 : i32
        %get3A_1316 = arith.constant 0 : i32
        %get3A_1317 = arith.index_cast %get3A_1316 : i32 to index
        %get3A_1318 = arith.index_cast %add3A_1315 : i32 to index
        %get3A_1319 = arith.constant 16 : index
        %get3A_1320 = tpu.vector_load %arg6[%get3A_1317, %get3A_1318, %get3A_1319] {strides = array<i32>} : memref<4x200x64xi32, #tpu.memory_space<vmem>>, vector<16xi32>,
        %shift_left3A_1321 = arith.constant 16 : i32
        %shift_left3A_1322 = vector.broadcast %shift_left3A_1321 : i32 to vector<16xi32>
        %shift_left3A_1323 = arith.shli %get3A_1320, %shift_left3A_1322 : vector<16xi32>
        %bitcast3A_1324 = vector.bitcast %shift_left3A_1323 : vector<16xi32> to vector<16xf32>
        %and3A_1325 = arith.constant -65536 : i32
        %and3A_1326 = vector.broadcast %and3A_1325 : i32 to vector<16xi32>
        %and3A_1327 = arith.andi %get3A_1320, %and3A_1326 : vector<16xi32>
        %bitcast3A_1328 = vector.bitcast %and3A_1327 : vector<16xi32> to vector<16xf32>
        %add3A_1329 = arith.addf %add3A_1261, %bitcast3A_1324 : vector<16xf32>
        %add3A_1330 = arith.addf %add3A_1262, %bitcast3A_1328 : vector<16xf32>
        %add3A_1331 = arith.constant 4 : i32
        %add3A_1332 = arith.addi %mul3A_1026, %add3A_1331 : i32
        %get3A_1333 = arith.constant 0 : i32
        %get3A_1334 = arith.index_cast %get3A_1333 : i32 to index
        %get3A_1335 = arith.index_cast %add3A_1332 : i32 to index
        %get3A_1336 = arith.constant 32 : index
        %get3A_1337 = tpu.vector_load %arg6[%get3A_1334, %get3A_1335, %get3A_1336] {strides = array<i32>} : memref<4x200x64xi32, #tpu.memory_space<vmem>>, vector<16xi32>,
        %shift_left3A_1338 = arith.constant 16 : i32
        %shift_left3A_1339 = vector.broadcast %shift_left3A_1338 : i32 to vector<16xi32>
        %shift_left3A_1340 = arith.shli %get3A_1337, %shift_left3A_1339 : vector<16xi32>
        %bitcast3A_1341 = vector.bitcast %shift_left3A_1340 : vector<16xi32> to vector<16xf32>
        %and3A_1342 = arith.constant -65536 : i32
        %and3A_1343 = vector.broadcast %and3A_1342 : i32 to vector<16xi32>
        %and3A_1344 = arith.andi %get3A_1337, %and3A_1343 : vector<16xi32>
        %bitcast3A_1345 = vector.bitcast %and3A_1344 : vector<16xi32> to vector<16xf32>
        %add3A_1346 = arith.addf %add3A_1278, %bitcast3A_1341 : vector<16xf32>
        %add3A_1347 = arith.addf %add3A_1279, %bitcast3A_1345 : vector<16xf32>
        %add3A_1348 = arith.constant 4 : i32
        %add3A_1349 = arith.addi %mul3A_1026, %add3A_1348 : i32
        %get3A_1350 = arith.constant 0 : i32
        %get3A_1351 = arith.index_cast %get3A_1350 : i32 to index
        %get3A_1352 = arith.index_cast %add3A_1349 : i32 to index
        %get3A_1353 = arith.constant 48 : index
        %get3A_1354 = tpu.vector_load %arg6[%get3A_1351, %get3A_1352, %get3A_1353] {strides = array<i32>} : memref<4x200x64xi32, #tpu.memory_space<vmem>>, vector<16xi32>,
        %shift_left3A_1355 = arith.constant 16 : i32
        %shift_left3A_1356 = vector.broadcast %shift_left3A_1355 : i32 to vector<16xi32>
        %shift_left3A_1357 = arith.shli %get3A_1354, %shift_left3A_1356 : vector<16xi32>
        %bitcast3A_1358 = vector.bitcast %shift_left3A_1357 : vector<16xi32> to vector<16xf32>
        %and3A_1359 = arith.constant -65536 : i32
        %and3A_1360 = vector.broadcast %and3A_1359 : i32 to vector<16xi32>
        %and3A_1361 = arith.andi %get3A_1354, %and3A_1360 : vector<16xi32>
        %bitcast3A_1362 = vector.bitcast %and3A_1361 : vector<16xi32> to vector<16xf32>
        %add3A_1363 = arith.addf %add3A_1295, %bitcast3A_1358 : vector<16xf32>
        %add3A_1364 = arith.addf %add3A_1296, %bitcast3A_1362 : vector<16xf32>
        %add3A_1365 = arith.constant 5 : i32
        %add3A_1366 = arith.addi %mul3A_1026, %add3A_1365 : i32
        %get3A_1367 = arith.constant 0 : i32
        %get3A_1368 = arith.index_cast %get3A_1367 : i32 to index
        %get3A_1369 = arith.index_cast %add3A_1366 : i32 to index
        %get3A_1370 = arith.constant 0 : index
        %get3A_1371 = tpu.vector_load %arg6[%get3A_1368, %get3A_1369, %get3A_1370] {strides = array<i32>} : memref<4x200x64xi32, #tpu.memory_space<vmem>>, vector<16xi32>,
        %shift_left3A_1372 = arith.constant 16 : i32
        %shift_left3A_1373 = vector.broadcast %shift_left3A_1372 : i32 to vector<16xi32>
        %shift_left3A_1374 = arith.shli %get3A_1371, %shift_left3A_1373 : vector<16xi32>
        %bitcast3A_1375 = vector.bitcast %shift_left3A_1374 : vector<16xi32> to vector<16xf32>
        %and3A_1376 = arith.constant -65536 : i32
        %and3A_1377 = vector.broadcast %and3A_1376 : i32 to vector<16xi32>
        %and3A_1378 = arith.andi %get3A_1371, %and3A_1377 : vector<16xi32>
        %bitcast3A_1379 = vector.bitcast %and3A_1378 : vector<16xi32> to vector<16xf32>
        %add3A_1380 = arith.addf %add3A_1312, %bitcast3A_1375 : vector<16xf32>
        %add3A_1381 = arith.addf %add3A_1313, %bitcast3A_1379 : vector<16xf32>
        %add3A_1382 = arith.constant 5 : i32
        %add3A_1383 = arith.addi %mul3A_1026, %add3A_1382 : i32
        %get3A_1384 = arith.constant 0 : i32
        %get3A_1385 = arith.index_cast %get3A_1384 : i32 to index
        %get3A_1386 = arith.index_cast %add3A_1383 : i32 to index
        %get3A_1387 = arith.constant 16 : index
        %get3A_1388 = tpu.vector_load %arg6[%get3A_1385, %get3A_1386, %get3A_1387] {strides = array<i32>} : memref<4x200x64xi32, #tpu.memory_space<vmem>>, vector<16xi32>,
        %shift_left3A_1389 = arith.constant 16 : i32
        %shift_left3A_1390 = vector.broadcast %shift_left3A_1389 : i32 to vector<16xi32>
        %shift_left3A_1391 = arith.shli %get3A_1388, %shift_left3A_1390 : vector<16xi32>
        %bitcast3A_1392 = vector.bitcast %shift_left3A_1391 : vector<16xi32> to vector<16xf32>
        %and3A_1393 = arith.constant -65536 : i32
        %and3A_1394 = vector.broadcast %and3A_1393 : i32 to vector<16xi32>
        %and3A_1395 = arith.andi %get3A_1388, %and3A_1394 : vector<16xi32>
        %bitcast3A_1396 = vector.bitcast %and3A_1395 : vector<16xi32> to vector<16xf32>
        %add3A_1397 = arith.addf %add3A_1329, %bitcast3A_1392 : vector<16xf32>
        %add3A_1398 = arith.addf %add3A_1330, %bitcast3A_1396 : vector<16xf32>
        %add3A_1399 = arith.constant 5 : i32
        %add3A_1400 = arith.addi %mul3A_1026, %add3A_1399 : i32
        %get3A_1401 = arith.constant 0 : i32
        %get3A_1402 = arith.index_cast %get3A_1401 : i32 to index
        %get3A_1403 = arith.index_cast %add3A_1400 : i32 to index
        %get3A_1404 = arith.constant 32 : index
        %get3A_1405 = tpu.vector_load %arg6[%get3A_1402, %get3A_1403, %get3A_1404] {strides = array<i32>} : memref<4x200x64xi32, #tpu.memory_space<vmem>>, vector<16xi32>,
        %shift_left3A_1406 = arith.constant 16 : i32
        %shift_left3A_1407 = vector.broadcast %shift_left3A_1406 : i32 to vector<16xi32>
        %shift_left3A_1408 = arith.shli %get3A_1405, %shift_left3A_1407 : vector<16xi32>
        %bitcast3A_1409 = vector.bitcast %shift_left3A_1408 : vector<16xi32> to vector<16xf32>
        %and3A_1410 = arith.constant -65536 : i32
        %and3A_1411 = vector.broadcast %and3A_1410 : i32 to vector<16xi32>
        %and3A_1412 = arith.andi %get3A_1405, %and3A_1411 : vector<16xi32>
        %bitcast3A_1413 = vector.bitcast %and3A_1412 : vector<16xi32> to vector<16xf32>
        %add3A_1414 = arith.addf %add3A_1346, %bitcast3A_1409 : vector<16xf32>
        %add3A_1415 = arith.addf %add3A_1347, %bitcast3A_1413 : vector<16xf32>
        %add3A_1416 = arith.constant 5 : i32
        %add3A_1417 = arith.addi %mul3A_1026, %add3A_1416 : i32
        %get3A_1418 = arith.constant 0 : i32
        %get3A_1419 = arith.index_cast %get3A_1418 : i32 to index
        %get3A_1420 = arith.index_cast %add3A_1417 : i32 to index
        %get3A_1421 = arith.constant 48 : index
        %get3A_1422 = tpu.vector_load %arg6[%get3A_1419, %get3A_1420, %get3A_1421] {strides = array<i32>} : memref<4x200x64xi32, #tpu.memory_space<vmem>>, vector<16xi32>,
        %shift_left3A_1423 = arith.constant 16 : i32
        %shift_left3A_1424 = vector.broadcast %shift_left3A_1423 : i32 to vector<16xi32>
        %shift_left3A_1425 = arith.shli %get3A_1422, %shift_left3A_1424 : vector<16xi32>
        %bitcast3A_1426 = vector.bitcast %shift_left3A_1425 : vector<16xi32> to vector<16xf32>
        %and3A_1427 = arith.constant -65536 : i32
        %and3A_1428 = vector.broadcast %and3A_1427 : i32 to vector<16xi32>
        %and3A_1429 = arith.andi %get3A_1422, %and3A_1428 : vector<16xi32>
        %bitcast3A_1430 = vector.bitcast %and3A_1429 : vector<16xi32> to vector<16xf32>
        %add3A_1431 = arith.addf %add3A_1363, %bitcast3A_1426 : vector<16xf32>
        %add3A_1432 = arith.addf %add3A_1364, %bitcast3A_1430 : vector<16xf32>
        %add3A_1433 = arith.constant 6 : i32
        %add3A_1434 = arith.addi %mul3A_1026, %add3A_1433 : i32
        %get3A_1435 = arith.constant 0 : i32
        %get3A_1436 = arith.index_cast %get3A_1435 : i32 to index
        %get3A_1437 = arith.index_cast %add3A_1434 : i32 to index
        %get3A_1438 = arith.constant 0 : index
        %get3A_1439 = tpu.vector_load %arg6[%get3A_1436, %get3A_1437, %get3A_1438] {strides = array<i32>} : memref<4x200x64xi32, #tpu.memory_space<vmem>>, vector<16xi32>,
        %shift_left3A_1440 = arith.constant 16 : i32
        %shift_left3A_1441 = vector.broadcast %shift_left3A_1440 : i32 to vector<16xi32>
        %shift_left3A_1442 = arith.shli %get3A_1439, %shift_left3A_1441 : vector<16xi32>
        %bitcast3A_1443 = vector.bitcast %shift_left3A_1442 : vector<16xi32> to vector<16xf32>
        %and3A_1444 = arith.constant -65536 : i32
        %and3A_1445 = vector.broadcast %and3A_1444 : i32 to vector<16xi32>
        %and3A_1446 = arith.andi %get3A_1439, %and3A_1445 : vector<16xi32>
        %bitcast3A_1447 = vector.bitcast %and3A_1446 : vector<16xi32> to vector<16xf32>
        %add3A_1448 = arith.addf %add3A_1380, %bitcast3A_1443 : vector<16xf32>
        %add3A_1449 = arith.addf %add3A_1381, %bitcast3A_1447 : vector<16xf32>
        %add3A_1450 = arith.constant 6 : i32
        %add3A_1451 = arith.addi %mul3A_1026, %add3A_1450 : i32
        %get3A_1452 = arith.constant 0 : i32
        %get3A_1453 = arith.index_cast %get3A_1452 : i32 to index
        %get3A_1454 = arith.index_cast %add3A_1451 : i32 to index
        %get3A_1455 = arith.constant 16 : index
        %get3A_1456 = tpu.vector_load %arg6[%get3A_1453, %get3A_1454, %get3A_1455] {strides = array<i32>} : memref<4x200x64xi32, #tpu.memory_space<vmem>>, vector<16xi32>,
        %shift_left3A_1457 = arith.constant 16 : i32
        %shift_left3A_1458 = vector.broadcast %shift_left3A_1457 : i32 to vector<16xi32>
        %shift_left3A_1459 = arith.shli %get3A_1456, %shift_left3A_1458 : vector<16xi32>
        %bitcast3A_1460 = vector.bitcast %shift_left3A_1459 : vector<16xi32> to vector<16xf32>
        %and3A_1461 = arith.constant -65536 : i32
        %and3A_1462 = vector.broadcast %and3A_1461 : i32 to vector<16xi32>
        %and3A_1463 = arith.andi %get3A_1456, %and3A_1462 : vector<16xi32>
        %bitcast3A_1464 = vector.bitcast %and3A_1463 : vector<16xi32> to vector<16xf32>
        %add3A_1465 = arith.addf %add3A_1397, %bitcast3A_1460 : vector<16xf32>
        %add3A_1466 = arith.addf %add3A_1398, %bitcast3A_1464 : vector<16xf32>
        %add3A_1467 = arith.constant 6 : i32
        %add3A_1468 = arith.addi %mul3A_1026, %add3A_1467 : i32
        %get3A_1469 = arith.constant 0 : i32
        %get3A_1470 = arith.index_cast %get3A_1469 : i32 to index
        %get3A_1471 = arith.index_cast %add3A_1468 : i32 to index
        %get3A_1472 = arith.constant 32 : index
        %get3A_1473 = tpu.vector_load %arg6[%get3A_1470, %get3A_1471, %get3A_1472] {strides = array<i32>} : memref<4x200x64xi32, #tpu.memory_space<vmem>>, vector<16xi32>,
        %shift_left3A_1474 = arith.constant 16 : i32
        %shift_left3A_1475 = vector.broadcast %shift_left3A_1474 : i32 to vector<16xi32>
        %shift_left3A_1476 = arith.shli %get3A_1473, %shift_left3A_1475 : vector<16xi32>
        %bitcast3A_1477 = vector.bitcast %shift_left3A_1476 : vector<16xi32> to vector<16xf32>
        %and3A_1478 = arith.constant -65536 : i32
        %and3A_1479 = vector.broadcast %and3A_1478 : i32 to vector<16xi32>
        %and3A_1480 = arith.andi %get3A_1473, %and3A_1479 : vector<16xi32>
        %bitcast3A_1481 = vector.bitcast %and3A_1480 : vector<16xi32> to vector<16xf32>
        %add3A_1482 = arith.addf %add3A_1414, %bitcast3A_1477 : vector<16xf32>
        %add3A_1483 = arith.addf %add3A_1415, %bitcast3A_1481 : vector<16xf32>
        %add3A_1484 = arith.constant 6 : i32
        %add3A_1485 = arith.addi %mul3A_1026, %add3A_1484 : i32
        %get3A_1486 = arith.constant 0 : i32
        %get3A_1487 = arith.index_cast %get3A_1486 : i32 to index
        %get3A_1488 = arith.index_cast %add3A_1485 : i32 to index
        %get3A_1489 = arith.constant 48 : index
        %get3A_1490 = tpu.vector_load %arg6[%get3A_1487, %get3A_1488, %get3A_1489] {strides = array<i32>} : memref<4x200x64xi32, #tpu.memory_space<vmem>>, vector<16xi32>,
        %shift_left3A_1491 = arith.constant 16 : i32
        %shift_left3A_1492 = vector.broadcast %shift_left3A_1491 : i32 to vector<16xi32>
        %shift_left3A_1493 = arith.shli %get3A_1490, %shift_left3A_1492 : vector<16xi32>
        %bitcast3A_1494 = vector.bitcast %shift_left3A_1493 : vector<16xi32> to vector<16xf32>
        %and3A_1495 = arith.constant -65536 : i32
        %and3A_1496 = vector.broadcast %and3A_1495 : i32 to vector<16xi32>
        %and3A_1497 = arith.andi %get3A_1490, %and3A_1496 : vector<16xi32>
        %bitcast3A_1498 = vector.bitcast %and3A_1497 : vector<16xi32> to vector<16xf32>
        %add3A_1499 = arith.addf %add3A_1431, %bitcast3A_1494 : vector<16xf32>
        %add3A_1500 = arith.addf %add3A_1432, %bitcast3A_1498 : vector<16xf32>
        %add3A_1501 = arith.constant 7 : i32
        %add3A_1502 = arith.addi %mul3A_1026, %add3A_1501 : i32
        %get3A_1503 = arith.constant 0 : i32
        %get3A_1504 = arith.index_cast %get3A_1503 : i32 to index
        %get3A_1505 = arith.index_cast %add3A_1502 : i32 to index
        %get3A_1506 = arith.constant 0 : index
        %get3A_1507 = tpu.vector_load %arg6[%get3A_1504, %get3A_1505, %get3A_1506] {strides = array<i32>} : memref<4x200x64xi32, #tpu.memory_space<vmem>>, vector<16xi32>,
        %shift_left3A_1508 = arith.constant 16 : i32
        %shift_left3A_1509 = vector.broadcast %shift_left3A_1508 : i32 to vector<16xi32>
        %shift_left3A_1510 = arith.shli %get3A_1507, %shift_left3A_1509 : vector<16xi32>
        %bitcast3A_1511 = vector.bitcast %shift_left3A_1510 : vector<16xi32> to vector<16xf32>
        %and3A_1512 = arith.constant -65536 : i32
        %and3A_1513 = vector.broadcast %and3A_1512 : i32 to vector<16xi32>
        %and3A_1514 = arith.andi %get3A_1507, %and3A_1513 : vector<16xi32>
        %bitcast3A_1515 = vector.bitcast %and3A_1514 : vector<16xi32> to vector<16xf32>
        %add3A_1516 = arith.addf %add3A_1448, %bitcast3A_1511 : vector<16xf32>
        %add3A_1517 = arith.addf %add3A_1449, %bitcast3A_1515 : vector<16xf32>
        %add3A_1518 = arith.constant 7 : i32
        %add3A_1519 = arith.addi %mul3A_1026, %add3A_1518 : i32
        %get3A_1520 = arith.constant 0 : i32
        %get3A_1521 = arith.index_cast %get3A_1520 : i32 to index
        %get3A_1522 = arith.index_cast %add3A_1519 : i32 to index
        %get3A_1523 = arith.constant 16 : index
        %get3A_1524 = tpu.vector_load %arg6[%get3A_1521, %get3A_1522, %get3A_1523] {strides = array<i32>} : memref<4x200x64xi32, #tpu.memory_space<vmem>>, vector<16xi32>,
        %shift_left3A_1525 = arith.constant 16 : i32
        %shift_left3A_1526 = vector.broadcast %shift_left3A_1525 : i32 to vector<16xi32>
        %shift_left3A_1527 = arith.shli %get3A_1524, %shift_left3A_1526 : vector<16xi32>
        %bitcast3A_1528 = vector.bitcast %shift_left3A_1527 : vector<16xi32> to vector<16xf32>
        %and3A_1529 = arith.constant -65536 : i32
        %and3A_1530 = vector.broadcast %and3A_1529 : i32 to vector<16xi32>
        %and3A_1531 = arith.andi %get3A_1524, %and3A_1530 : vector<16xi32>
        %bitcast3A_1532 = vector.bitcast %and3A_1531 : vector<16xi32> to vector<16xf32>
        %add3A_1533 = arith.addf %add3A_1465, %bitcast3A_1528 : vector<16xf32>
        %add3A_1534 = arith.addf %add3A_1466, %bitcast3A_1532 : vector<16xf32>
        %add3A_1535 = arith.constant 7 : i32
        %add3A_1536 = arith.addi %mul3A_1026, %add3A_1535 : i32
        %get3A_1537 = arith.constant 0 : i32
        %get3A_1538 = arith.index_cast %get3A_1537 : i32 to index
        %get3A_1539 = arith.index_cast %add3A_1536 : i32 to index
        %get3A_1540 = arith.constant 32 : index
        %get3A_1541 = tpu.vector_load %arg6[%get3A_1538, %get3A_1539, %get3A_1540] {strides = array<i32>} : memref<4x200x64xi32, #tpu.memory_space<vmem>>, vector<16xi32>,
        %shift_left3A_1542 = arith.constant 16 : i32
        %shift_left3A_1543 = vector.broadcast %shift_left3A_1542 : i32 to vector<16xi32>
        %shift_left3A_1544 = arith.shli %get3A_1541, %shift_left3A_1543 : vector<16xi32>
        %bitcast3A_1545 = vector.bitcast %shift_left3A_1544 : vector<16xi32> to vector<16xf32>
        %and3A_1546 = arith.constant -65536 : i32
        %and3A_1547 = vector.broadcast %and3A_1546 : i32 to vector<16xi32>
        %and3A_1548 = arith.andi %get3A_1541, %and3A_1547 : vector<16xi32>
        %bitcast3A_1549 = vector.bitcast %and3A_1548 : vector<16xi32> to vector<16xf32>
        %add3A_1550 = arith.addf %add3A_1482, %bitcast3A_1545 : vector<16xf32>
        %add3A_1551 = arith.addf %add3A_1483, %bitcast3A_1549 : vector<16xf32>
        %add3A_1552 = arith.constant 7 : i32
        %add3A_1553 = arith.addi %mul3A_1026, %add3A_1552 : i32
        %get3A_1554 = arith.constant 0 : i32
        %get3A_1555 = arith.index_cast %get3A_1554 : i32 to index
        %get3A_1556 = arith.index_cast %add3A_1553 : i32 to index
        %get3A_1557 = arith.constant 48 : index
        %get3A_1558 = tpu.vector_load %arg6[%get3A_1555, %get3A_1556, %get3A_1557] {strides = array<i32>} : memref<4x200x64xi32, #tpu.memory_space<vmem>>, vector<16xi32>,
        %shift_left3A_1559 = arith.constant 16 : i32
        %shift_left3A_1560 = vector.broadcast %shift_left3A_1559 : i32 to vector<16xi32>
        %shift_left3A_1561 = arith.shli %get3A_1558, %shift_left3A_1560 : vector<16xi32>
        %bitcast3A_1562 = vector.bitcast %shift_left3A_1561 : vector<16xi32> to vector<16xf32>
        %and3A_1563 = arith.constant -65536 : i32
        %and3A_1564 = vector.broadcast %and3A_1563 : i32 to vector<16xi32>
        %and3A_1565 = arith.andi %get3A_1558, %and3A_1564 : vector<16xi32>
        %bitcast3A_1566 = vector.bitcast %and3A_1565 : vector<16xi32> to vector<16xf32>
        %add3A_1567 = arith.addf %add3A_1499, %bitcast3A_1562 : vector<16xf32>
        %add3A_1568 = arith.addf %add3A_1500, %bitcast3A_1566 : vector<16xf32>
        scf.yield %add3A_1516, %add3A_1533, %add3A_1550, %add3A_1567, %add3A_1517, %add3A_1534, %add3A_1551, %add3A_1568 : vector<16xf32>, vector<16xf32>, vector<16xf32>, vector<16xf32>, vector<16xf32>, vector<16xf32>, vector<16xf32>, vector<16xf32>
      }
      %scan3A_264 = arith.constant 25 : i32
      %mul3A_265 = arith.mulf %scan3A_263#0, %div3A_242 : vector<16xf32>
      %swap3A = arith.index_cast %add3A_73 : i32 to index
      %swap3A_266 = arith.constant 0 : index
      %swap3A_267 = tpu.vector_load %arg7[%swap3A, %swap3A_266] {strides = array<i32>} : memref<128x128xf32, #tpu.memory_space<vmem>>, vector<16xf32>,
      tpu.vector_store %arg7[%swap3A, %swap3A_266], %mul3A_265 {strides = array<i32>} : memref<128x128xf32, #tpu.memory_space<vmem>>, vector<16xf32>,
      %mul3A_268 = arith.mulf %scan3A_263#1, %div3A_242 : vector<16xf32>
      %swap3A_269 = arith.index_cast %add3A_73 : i32 to index
      %swap3A_270 = arith.constant 16 : index
      %swap3A_271 = tpu.vector_load %arg7[%swap3A_269, %swap3A_270] {strides = array<i32>} : memref<128x128xf32, #tpu.memory_space<vmem>>, vector<16xf32>,
      tpu.vector_store %arg7[%swap3A_269, %swap3A_270], %mul3A_268 {strides = array<i32>} : memref<128x128xf32, #tpu.memory_space<vmem>>, vector<16xf32>,
      %mul3A_272 = arith.mulf %scan3A_263#2, %div3A_242 : vector<16xf32>
      %swap3A_273 = arith.index_cast %add3A_73 : i32 to index
      %swap3A_274 = arith.constant 32 : index
      %swap3A_275 = tpu.vector_load %arg7[%swap3A_273, %swap3A_274] {strides = array<i32>} : memref<128x128xf32, #tpu.memory_space<vmem>>, vector<16xf32>,
      tpu.vector_store %arg7[%swap3A_273, %swap3A_274], %mul3A_272 {strides = array<i32>} : memref<128x128xf32, #tpu.memory_space<vmem>>, vector<16xf32>,
      %mul3A_276 = arith.mulf %scan3A_263#3, %div3A_242 : vector<16xf32>
      %swap3A_277 = arith.index_cast %add3A_73 : i32 to index
      %swap3A_278 = arith.constant 48 : index
      %swap3A_279 = tpu.vector_load %arg7[%swap3A_277, %swap3A_278] {strides = array<i32>} : memref<128x128xf32, #tpu.memory_space<vmem>>, vector<16xf32>,
      tpu.vector_store %arg7[%swap3A_277, %swap3A_278], %mul3A_276 {strides = array<i32>} : memref<128x128xf32, #tpu.memory_space<vmem>>, vector<16xf32>,
      %mul3A_280 = arith.mulf %scan3A_263#4, %div3A_242 : vector<16xf32>
      %swap3A_281 = arith.index_cast %add3A_73 : i32 to index
      %swap3A_282 = arith.constant 64 : index
      %swap3A_283 = tpu.vector_load %arg7[%swap3A_281, %swap3A_282] {strides = array<i32>} : memref<128x128xf32, #tpu.memory_space<vmem>>, vector<16xf32>,
      tpu.vector_store %arg7[%swap3A_281, %swap3A_282], %mul3A_280 {strides = array<i32>} : memref<128x128xf32, #tpu.memory_space<vmem>>, vector<16xf32>,
      %mul3A_284 = arith.mulf %scan3A_263#5, %div3A_242 : vector<16xf32>
      %swap3A_285 = arith.index_cast %add3A_73 : i32 to index
      %swap3A_286 = arith.constant 80 : index
      %swap3A_287 = tpu.vector_load %arg7[%swap3A_285, %swap3A_286] {strides = array<i32>} : memref<128x128xf32, #tpu.memory_space<vmem>>, vector<16xf32>,
      tpu.vector_store %arg7[%swap3A_285, %swap3A_286], %mul3A_284 {strides = array<i32>} : memref<128x128xf32, #tpu.memory_space<vmem>>, vector<16xf32>,
      %mul3A_288 = arith.mulf %scan3A_263#6, %div3A_242 : vector<16xf32>
      %swap3A_289 = arith.index_cast %add3A_73 : i32 to index
      %swap3A_290 = arith.constant 96 : index
      %swap3A_291 = tpu.vector_load %arg7[%swap3A_289, %swap3A_290] {strides = array<i32>} : memref<128x128xf32, #tpu.memory_space<vmem>>, vector<16xf32>,
      tpu.vector_store %arg7[%swap3A_289, %swap3A_290], %mul3A_288 {strides = array<i32>} : memref<128x128xf32, #tpu.memory_space<vmem>>, vector<16xf32>,
      %mul3A_292 = arith.mulf %scan3A_263#7, %div3A_242 : vector<16xf32>
      %swap3A_293 = arith.index_cast %add3A_73 : i32 to index
      %swap3A_294 = arith.constant 112 : index
      %swap3A_295 = tpu.vector_load %arg7[%swap3A_293, %swap3A_294] {strides = array<i32>} : memref<128x128xf32, #tpu.memory_space<vmem>>, vector<16xf32>,
      tpu.vector_store %arg7[%swap3A_293, %swap3A_294], %mul3A_292 {strides = array<i32>} : memref<128x128xf32, #tpu.memory_space<vmem>>, vector<16xf32>,
      %mul3A_296 = arith.constant 4 : i32
      %mul3A_297 = arith.muli %scan3A_69, %mul3A_296 : i32
      %add3A_298 = arith.constant 1 : i32
      %add3A_299 = arith.addi %mul3A_297, %add3A_298 : i32
      %dma_wait3A_300 = arith.constant 1 : i32
      %dma_wait3A_301 = arith.constant 0 : i32
      %dma_wait3A_302 = arith.constant 0 : i32
      %dma_wait3A_303 = tpu.memref_slice %arg6[%dma_wait3A_300, %dma_wait3A_301, %dma_wait3A_302] : memref<4x200x64xi32, #tpu.memory_space<vmem>> -> memref<1x128x64xi32, #tpu.memory_space<vmem>>
      %dma_wait3A_304 = tpu.memref_squeeze %dma_wait3A_303 : memref<1x128x64xi32, #tpu.memory_space<vmem>> -> memref<128x64xi32, #tpu.memory_space<vmem>>
      %dma_wait3A_305 = arith.constant 0 : i32
      %dma_wait3A_306 = tpu.memref_slice %arg5[%dma_wait3A_305] : memref<25600xi32, #tpu.memory_space<vmem>> -> memref<128xi32, #tpu.memory_space<vmem>>
      %dma_wait3A_307 = arith.constant 0 : i32
      %dma_wait3A_308 = arith.constant 0 : i32
      %dma_wait3A_309 = tpu.memref_slice %arg3[%dma_wait3A_307, %dma_wait3A_308] : memref<100000x64xi32, #tpu.memory_space<hbm>> -> memref<100000x64xi32, #tpu.memory_space<hbm>>
      tpu.wait_indirect_dma semaphore(%arg9 : memref<!tpu.dma_semaphore, #tpu.memory_space<semaphore_mem>>) src(%dma_wait3A_309 : memref<100000x64xi32, #tpu.memory_space<hbm>>) dst(%dma_wait3A_304 : memref<128x64xi32, #tpu.memory_space<vmem>>)
      %dma_wait3A_310 = arith.constant 1 : i32
      %dma_wait3A_311 = arith.constant 128 : i32
      %dma_wait3A_312 = arith.constant 0 : i32
      %dma_wait3A_313 = tpu.memref_slice %arg6[%dma_wait3A_310, %dma_wait3A_311, %dma_wait3A_312] : memref<4x200x64xi32, #tpu.memory_space<vmem>> -> memref<1x72x64xi32, #tpu.memory_space<vmem>>
      %dma_wait3A_314 = tpu.memref_squeeze %dma_wait3A_313 : memref<1x72x64xi32, #tpu.memory_space<vmem>> -> memref<72x64xi32, #tpu.memory_space<vmem>>
      %dma_wait3A_315 = arith.constant 128 : i32
      %dma_wait3A_316 = tpu.memref_slice %arg5[%dma_wait3A_315] : memref<25600xi32, #tpu.memory_space<vmem>> -> memref<72xi32, #tpu.memory_space<vmem>>
      %dma_wait3A_317 = arith.constant 0 : i32
      %dma_wait3A_318 = arith.constant 0 : i32
      %dma_wait3A_319 = tpu.memref_slice %arg3[%dma_wait3A_317, %dma_wait3A_318] : memref<100000x64xi32, #tpu.memory_space<hbm>> -> memref<100000x64xi32, #tpu.memory_space<hbm>>
      tpu.wait_indirect_dma semaphore(%arg9 : memref<!tpu.dma_semaphore, #tpu.memory_space<semaphore_mem>>) src(%dma_wait3A_319 : memref<100000x64xi32, #tpu.memory_space<hbm>>) dst(%dma_wait3A_314 : memref<72x64xi32, #tpu.memory_space<vmem>>)
      %lt3A_320 = arith.constant 125 : i32
      %lt3A_321 = arith.cmpi slt, %add3A_299, %lt3A_320 : i32
      %convert_element_type3A_322 = arith.extui %lt3A_321 : i1 to i32
      %cond3A_323 = arith.constant 0 : i32
      %cond3A_324 = arith.cmpi ne, %convert_element_type3A_322, %cond3A_323 : i32
      scf.if %cond3A_324 {
        %add3A_1016 = arith.constant 3 : i32
        %add3A_1017 = arith.addi %add3A_299, %add3A_1016 : i32
        %mul3A_1018 = arith.constant 200 : i32
        %mul3A_1019 = arith.muli %add3A_1017, %mul3A_1018 : i32
        %dma_start3A_1020 = arith.constant 0 : i32
        %dma_start3A_1021 = arith.constant 0 : i32
        %dma_start3A_1022 = arith.constant 0 : i32
        %dma_start3A_1023 = tpu.memref_slice %arg6[%dma_start3A_1020, %dma_start3A_1021, %dma_start3A_1022] : memref<4x200x64xi32, #tpu.memory_space<vmem>> -> memref<1x128x64xi32, #tpu.memory_space<vmem>>
        %dma_start3A_1024 = tpu.memref_squeeze %dma_start3A_1023 : memref<1x128x64xi32, #tpu.memory_space<vmem>> -> memref<128x64xi32, #tpu.memory_space<vmem>>
        %dma_start3A_1025 = tpu.memref_slice %arg5[%mul3A_1019] : memref<25600xi32, #tpu.memory_space<vmem>> -> memref<128xi32, #tpu.memory_space<vmem>>
        %dma_start3A_1026 = arith.constant 0 : i32
        %dma_start3A_1027 = arith.constant 0 : i32
        %dma_start3A_1028 = tpu.memref_slice %arg3[%dma_start3A_1026, %dma_start3A_1027] : memref<100000x64xi32, #tpu.memory_space<hbm>> -> memref<100000x64xi32, #tpu.memory_space<hbm>>
        tpu.enqueue_indirect_dma source(%dma_start3A_1028 : memref<100000x64xi32, #tpu.memory_space<hbm>>) target(%dma_start3A_1024 : memref<128x64xi32, #tpu.memory_space<vmem>>) offsets(%dma_start3A_1025 : memref<128xi32, #tpu.memory_space<vmem>>) semaphore(%arg8 : memref<!tpu.dma_semaphore, #tpu.memory_space<semaphore_mem>>)
        %mul3A_1029 = arith.constant 200 : i32
        %mul3A_1030 = arith.muli %add3A_1017, %mul3A_1029 : i32
        %add3A_1031 = arith.constant 128 : i32
        %add3A_1032 = arith.addi %mul3A_1030, %add3A_1031 : i32
        %dma_start3A_1033 = arith.constant 0 : i32
        %dma_start3A_1034 = arith.constant 128 : i32
        %dma_start3A_1035 = arith.constant 0 : i32
        %dma_start3A_1036 = tpu.memref_slice %arg6[%dma_start3A_1033, %dma_start3A_1034, %dma_start3A_1035] : memref<4x200x64xi32, #tpu.memory_space<vmem>> -> memref<1x72x64xi32, #tpu.memory_space<vmem>>
        %dma_start3A_1037 = tpu.memref_squeeze %dma_start3A_1036 : memref<1x72x64xi32, #tpu.memory_space<vmem>> -> memref<72x64xi32, #tpu.memory_space<vmem>>
        %dma_start3A_1038 = tpu.memref_slice %arg5[%add3A_1032] : memref<25600xi32, #tpu.memory_space<vmem>> -> memref<72xi32, #tpu.memory_space<vmem>>
        %dma_start3A_1039 = arith.constant 0 : i32
        %dma_start3A_1040 = arith.constant 0 : i32
        %dma_start3A_1041 = tpu.memref_slice %arg3[%dma_start3A_1039, %dma_start3A_1040] : memref<100000x64xi32, #tpu.memory_space<hbm>> -> memref<100000x64xi32, #tpu.memory_space<hbm>>
        tpu.enqueue_indirect_dma source(%dma_start3A_1041 : memref<100000x64xi32, #tpu.memory_space<hbm>>) target(%dma_start3A_1037 : memref<72x64xi32, #tpu.memory_space<vmem>>) offsets(%dma_start3A_1038 : memref<72xi32, #tpu.memory_space<vmem>>) semaphore(%arg8 : memref<!tpu.dma_semaphore, #tpu.memory_space<semaphore_mem>>)
      } else {
      }
      %broadcast_in_dim3A_325 = arith.constant 0 : i32
      %broadcast_in_dim3A_326 = vector.broadcast %broadcast_in_dim3A_325 : i32 to vector<16xi32>
      %mul3A_327 = arith.constant 200 : i32
      %mul3A_328 = arith.muli %add3A_299, %mul3A_327 : i32
      %add3A_329 = arith.constant 0 : i32
      %add3A_330 = arith.addi %mul3A_328, %add3A_329 : i32
      %get3A_331 = arith.index_cast %add3A_330 : i32 to index
      %get3A_332 = tpu.vector_load %arg5[%get3A_331] {strides = array<i32>} : memref<25600xi32, #tpu.memory_space<vmem>>, vector<16xi32>,
      %ne3A_333 = arith.constant 0 : i32
      %ne3A_334 = vector.broadcast %ne3A_333 : i32 to vector<16xi32>
      %ne3A_335 = arith.cmpi ne, %get3A_332, %ne3A_334 : vector<16xi32>
      %all_reduce_population_count3A_336 = tpu.all_reduce %ne3A_335 {dim = 0 : i64, kind = #tpu.reduction_kind<sum>} : vector<16xi1> -> vector<16xi32>
      %add3A_337 = arith.addi %broadcast_in_dim3A_326, %all_reduce_population_count3A_336 : vector<16xi32>
      %mul3A_338 = arith.constant 200 : i32
      %mul3A_339 = arith.muli %add3A_299, %mul3A_338 : i32
      %add3A_340 = arith.constant 16 : i32
      %add3A_341 = arith.addi %mul3A_339, %add3A_340 : i32
      %get3A_342 = arith.index_cast %add3A_341 : i32 to index
      %get3A_343 = tpu.vector_load %arg5[%get3A_342] {strides = array<i32>} : memref<25600xi32, #tpu.memory_space<vmem>>, vector<16xi32>,
      %ne3A_344 = arith.constant 0 : i32
      %ne3A_345 = vector.broadcast %ne3A_344 : i32 to vector<16xi32>
      %ne3A_346 = arith.cmpi ne, %get3A_343, %ne3A_345 : vector<16xi32>
      %all_reduce_population_count3A_347 = tpu.all_reduce %ne3A_346 {dim = 0 : i64, kind = #tpu.reduction_kind<sum>} : vector<16xi1> -> vector<16xi32>
      %add3A_348 = arith.addi %add3A_337, %all_reduce_population_count3A_347 : vector<16xi32>
      %mul3A_349 = arith.constant 200 : i32
      %mul3A_350 = arith.muli %add3A_299, %mul3A_349 : i32
      %add3A_351 = arith.constant 32 : i32
      %add3A_352 = arith.addi %mul3A_350, %add3A_351 : i32
      %get3A_353 = arith.index_cast %add3A_352 : i32 to index
      %get3A_354 = tpu.vector_load %arg5[%get3A_353] {strides = array<i32>} : memref<25600xi32, #tpu.memory_space<vmem>>, vector<16xi32>,
      %ne3A_355 = arith.constant 0 : i32
      %ne3A_356 = vector.broadcast %ne3A_355 : i32 to vector<16xi32>
      %ne3A_357 = arith.cmpi ne, %get3A_354, %ne3A_356 : vector<16xi32>
      %all_reduce_population_count3A_358 = tpu.all_reduce %ne3A_357 {dim = 0 : i64, kind = #tpu.reduction_kind<sum>} : vector<16xi1> -> vector<16xi32>
      %add3A_359 = arith.addi %add3A_348, %all_reduce_population_count3A_358 : vector<16xi32>
      %mul3A_360 = arith.constant 200 : i32
      %mul3A_361 = arith.muli %add3A_299, %mul3A_360 : i32
      %add3A_362 = arith.constant 48 : i32
      %add3A_363 = arith.addi %mul3A_361, %add3A_362 : i32
      %get3A_364 = arith.index_cast %add3A_363 : i32 to index
      %get3A_365 = tpu.vector_load %arg5[%get3A_364] {strides = array<i32>} : memref<25600xi32, #tpu.memory_space<vmem>>, vector<16xi32>,
      %ne3A_366 = arith.constant 0 : i32
      %ne3A_367 = vector.broadcast %ne3A_366 : i32 to vector<16xi32>
      %ne3A_368 = arith.cmpi ne, %get3A_365, %ne3A_367 : vector<16xi32>
      %all_reduce_population_count3A_369 = tpu.all_reduce %ne3A_368 {dim = 0 : i64, kind = #tpu.reduction_kind<sum>} : vector<16xi1> -> vector<16xi32>
      %add3A_370 = arith.addi %add3A_359, %all_reduce_population_count3A_369 : vector<16xi32>
      %mul3A_371 = arith.constant 200 : i32
      %mul3A_372 = arith.muli %add3A_299, %mul3A_371 : i32
      %add3A_373 = arith.constant 64 : i32
      %add3A_374 = arith.addi %mul3A_372, %add3A_373 : i32
      %get3A_375 = arith.index_cast %add3A_374 : i32 to index
      %get3A_376 = tpu.vector_load %arg5[%get3A_375] {strides = array<i32>} : memref<25600xi32, #tpu.memory_space<vmem>>, vector<16xi32>,
      %ne3A_377 = arith.constant 0 : i32
      %ne3A_378 = vector.broadcast %ne3A_377 : i32 to vector<16xi32>
      %ne3A_379 = arith.cmpi ne, %get3A_376, %ne3A_378 : vector<16xi32>
      %all_reduce_population_count3A_380 = tpu.all_reduce %ne3A_379 {dim = 0 : i64, kind = #tpu.reduction_kind<sum>} : vector<16xi1> -> vector<16xi32>
      %add3A_381 = arith.addi %add3A_370, %all_reduce_population_count3A_380 : vector<16xi32>
      %mul3A_382 = arith.constant 200 : i32
      %mul3A_383 = arith.muli %add3A_299, %mul3A_382 : i32
      %add3A_384 = arith.constant 80 : i32
      %add3A_385 = arith.addi %mul3A_383, %add3A_384 : i32
      %get3A_386 = arith.index_cast %add3A_385 : i32 to index
      %get3A_387 = tpu.vector_load %arg5[%get3A_386] {strides = array<i32>} : memref<25600xi32, #tpu.memory_space<vmem>>, vector<16xi32>,
      %ne3A_388 = arith.constant 0 : i32
      %ne3A_389 = vector.broadcast %ne3A_388 : i32 to vector<16xi32>
      %ne3A_390 = arith.cmpi ne, %get3A_387, %ne3A_389 : vector<16xi32>
      %all_reduce_population_count3A_391 = tpu.all_reduce %ne3A_390 {dim = 0 : i64, kind = #tpu.reduction_kind<sum>} : vector<16xi1> -> vector<16xi32>
      %add3A_392 = arith.addi %add3A_381, %all_reduce_population_count3A_391 : vector<16xi32>
      %mul3A_393 = arith.constant 200 : i32
      %mul3A_394 = arith.muli %add3A_299, %mul3A_393 : i32
      %add3A_395 = arith.constant 96 : i32
      %add3A_396 = arith.addi %mul3A_394, %add3A_395 : i32
      %get3A_397 = arith.index_cast %add3A_396 : i32 to index
      %get3A_398 = tpu.vector_load %arg5[%get3A_397] {strides = array<i32>} : memref<25600xi32, #tpu.memory_space<vmem>>, vector<16xi32>,
      %ne3A_399 = arith.constant 0 : i32
      %ne3A_400 = vector.broadcast %ne3A_399 : i32 to vector<16xi32>
      %ne3A_401 = arith.cmpi ne, %get3A_398, %ne3A_400 : vector<16xi32>
      %all_reduce_population_count3A_402 = tpu.all_reduce %ne3A_401 {dim = 0 : i64, kind = #tpu.reduction_kind<sum>} : vector<16xi1> -> vector<16xi32>
      %add3A_403 = arith.addi %add3A_392, %all_reduce_population_count3A_402 : vector<16xi32>
      %mul3A_404 = arith.constant 200 : i32
      %mul3A_405 = arith.muli %add3A_299, %mul3A_404 : i32
      %add3A_406 = arith.constant 112 : i32
      %add3A_407 = arith.addi %mul3A_405, %add3A_406 : i32
      %get3A_408 = arith.index_cast %add3A_407 : i32 to index
      %get3A_409 = tpu.vector_load %arg5[%get3A_408] {strides = array<i32>} : memref<25600xi32, #tpu.memory_space<vmem>>, vector<16xi32>,
      %ne3A_410 = arith.constant 0 : i32
      %ne3A_411 = vector.broadcast %ne3A_410 : i32 to vector<16xi32>
      %ne3A_412 = arith.cmpi ne, %get3A_409, %ne3A_411 : vector<16xi32>
      %all_reduce_population_count3A_413 = tpu.all_reduce %ne3A_412 {dim = 0 : i64, kind = #tpu.reduction_kind<sum>} : vector<16xi1> -> vector<16xi32>
      %add3A_414 = arith.addi %add3A_403, %all_reduce_population_count3A_413 : vector<16xi32>
      %mul3A_415 = arith.constant 200 : i32
      %mul3A_416 = arith.muli %add3A_299, %mul3A_415 : i32
      %add3A_417 = arith.constant 128 : i32
      %add3A_418 = arith.addi %mul3A_416, %add3A_417 : i32
      %get3A_419 = arith.index_cast %add3A_418 : i32 to index
      %get3A_420 = tpu.vector_load %arg5[%get3A_419] {strides = array<i32>} : memref<25600xi32, #tpu.memory_space<vmem>>, vector<16xi32>,
      %ne3A_421 = arith.constant 0 : i32
      %ne3A_422 = vector.broadcast %ne3A_421 : i32 to vector<16xi32>
      %ne3A_423 = arith.cmpi ne, %get3A_420, %ne3A_422 : vector<16xi32>
      %all_reduce_population_count3A_424 = tpu.all_reduce %ne3A_423 {dim = 0 : i64, kind = #tpu.reduction_kind<sum>} : vector<16xi1> -> vector<16xi32>
      %add3A_425 = arith.addi %add3A_414, %all_reduce_population_count3A_424 : vector<16xi32>
      %mul3A_426 = arith.constant 200 : i32
      %mul3A_427 = arith.muli %add3A_299, %mul3A_426 : i32
      %add3A_428 = arith.constant 144 : i32
      %add3A_429 = arith.addi %mul3A_427, %add3A_428 : i32
      %get3A_430 = arith.index_cast %add3A_429 : i32 to index
      %get3A_431 = tpu.vector_load %arg5[%get3A_430] {strides = array<i32>} : memref<25600xi32, #tpu.memory_space<vmem>>, vector<16xi32>,
      %ne3A_432 = arith.constant 0 : i32
      %ne3A_433 = vector.broadcast %ne3A_432 : i32 to vector<16xi32>
      %ne3A_434 = arith.cmpi ne, %get3A_431, %ne3A_433 : vector<16xi32>
      %all_reduce_population_count3A_435 = tpu.all_reduce %ne3A_434 {dim = 0 : i64, kind = #tpu.reduction_kind<sum>} : vector<16xi1> -> vector<16xi32>
      %add3A_436 = arith.addi %add3A_425, %all_reduce_population_count3A_435 : vector<16xi32>
      %mul3A_437 = arith.constant 200 : i32
      %mul3A_438 = arith.muli %add3A_299, %mul3A_437 : i32
      %add3A_439 = arith.constant 160 : i32
      %add3A_440 = arith.addi %mul3A_438, %add3A_439 : i32
      %get3A_441 = arith.index_cast %add3A_440 : i32 to index
      %get3A_442 = tpu.vector_load %arg5[%get3A_441] {strides = array<i32>} : memref<25600xi32, #tpu.memory_space<vmem>>, vector<16xi32>,
      %ne3A_443 = arith.constant 0 : i32
      %ne3A_444 = vector.broadcast %ne3A_443 : i32 to vector<16xi32>
      %ne3A_445 = arith.cmpi ne, %get3A_442, %ne3A_444 : vector<16xi32>
      %all_reduce_population_count3A_446 = tpu.all_reduce %ne3A_445 {dim = 0 : i64, kind = #tpu.reduction_kind<sum>} : vector<16xi1> -> vector<16xi32>
      %add3A_447 = arith.addi %add3A_436, %all_reduce_population_count3A_446 : vector<16xi32>
      %mul3A_448 = arith.constant 200 : i32
      %mul3A_449 = arith.muli %add3A_299, %mul3A_448 : i32
      %add3A_450 = arith.constant 176 : i32
      %add3A_451 = arith.addi %mul3A_449, %add3A_450 : i32
      %get3A_452 = arith.index_cast %add3A_451 : i32 to index
      %get3A_453 = tpu.vector_load %arg5[%get3A_452] {strides = array<i32>} : memref<25600xi32, #tpu.memory_space<vmem>>, vector<16xi32>,
      %ne3A_454 = arith.constant 0 : i32
      %ne3A_455 = vector.broadcast %ne3A_454 : i32 to vector<16xi32>
      %ne3A_456 = arith.cmpi ne, %get3A_453, %ne3A_455 : vector<16xi32>
      %all_reduce_population_count3A_457 = tpu.all_reduce %ne3A_456 {dim = 0 : i64, kind = #tpu.reduction_kind<sum>} : vector<16xi1> -> vector<16xi32>
      %add3A_458 = arith.addi %add3A_447, %all_reduce_population_count3A_457 : vector<16xi32>
      %iota3A_459 = tpu.iota {dimensions = array<i32: 0>} : vector<16xi32>
      %mul3A_460 = arith.constant 200 : i32
      %mul3A_461 = arith.muli %add3A_299, %mul3A_460 : i32
      %add3A_462 = arith.constant 184 : i32
      %add3A_463 = arith.addi %mul3A_461, %add3A_462 : i32
      %get3A_464 = arith.index_cast %add3A_463 : i32 to index
      %get3A_465 = tpu.vector_load %arg5[%get3A_464] {strides = array<i32>} : memref<25600xi32, #tpu.memory_space<vmem>>, vector<16xi32>,
      %ne3A_466 = arith.constant 0 : i32
      %ne3A_467 = vector.broadcast %ne3A_466 : i32 to vector<16xi32>
      %ne3A_468 = arith.cmpi ne, %get3A_465, %ne3A_467 : vector<16xi32>
      %ge3A_469 = arith.constant 8 : i32
      %ge3A_470 = vector.broadcast %ge3A_469 : i32 to vector<16xi32>
      %ge3A_471 = arith.cmpi sge, %iota3A_459, %ge3A_470 : vector<16xi32>
      %and3A_472 = arith.andi %ne3A_468, %ge3A_471 : vector<16xi1>
      %all_reduce_population_count3A_473 = tpu.all_reduce %and3A_472 {dim = 0 : i64, kind = #tpu.reduction_kind<sum>} : vector<16xi1> -> vector<16xi32>
      %add3A_474 = arith.addi %add3A_458, %all_reduce_population_count3A_473 : vector<16xi32>
      %convert_element_type3A_475 = arith.sitofp %add3A_474 : vector<16xi32> to vector<16xf32>
      %max3A_476 = arith.constant 1.000000e+00 : f32
      %max3A_477 = vector.broadcast %max3A_476 : f32 to vector<16xf32>
      %max3A_478 = arith.maximumf %convert_element_type3A_475, %max3A_477 : vector<16xf32>
      %div3A_479 = arith.constant 1.000000e+00 : f32
      %div3A_480 = vector.broadcast %div3A_479 : f32 to vector<16xf32>
      %div3A_481 = arith.divf %div3A_480, %max3A_478 : vector<16xf32>
      %broadcast_in_dim3A_482 = arith.constant 0.000000e+00 : f32
      %broadcast_in_dim3A_483 = vector.broadcast %broadcast_in_dim3A_482 : f32 to vector<16xf32>
      %broadcast_in_dim3A_484 = arith.constant 0.000000e+00 : f32
      %broadcast_in_dim3A_485 = vector.broadcast %broadcast_in_dim3A_484 : f32 to vector<16xf32>
      %broadcast_in_dim3A_486 = arith.constant 0.000000e+00 : f32
      %broadcast_in_dim3A_487 = vector.broadcast %broadcast_in_dim3A_486 : f32 to vector<16xf32>
      %broadcast_in_dim3A_488 = arith.constant 0.000000e+00 : f32
      %broadcast_in_dim3A_489 = vector.broadcast %broadcast_in_dim3A_488 : f32 to vector<16xf32>
      %broadcast_in_dim3A_490 = arith.constant 0.000000e+00 : f32
      %broadcast_in_dim3A_491 = vector.broadcast %broadcast_in_dim3A_490 : f32 to vector<16xf32>
      %broadcast_in_dim3A_492 = arith.constant 0.000000e+00 : f32
      %broadcast_in_dim3A_493 = vector.broadcast %broadcast_in_dim3A_492 : f32 to vector<16xf32>
      %broadcast_in_dim3A_494 = arith.constant 0.000000e+00 : f32
      %broadcast_in_dim3A_495 = vector.broadcast %broadcast_in_dim3A_494 : f32 to vector<16xf32>
      %broadcast_in_dim3A_496 = arith.constant 0.000000e+00 : f32
      %broadcast_in_dim3A_497 = vector.broadcast %broadcast_in_dim3A_496 : f32 to vector<16xf32>
      %scan3A_498 = arith.constant 0 : i32
      %scan3A_499 = arith.constant 25 : i32
      %scan3A_500 = arith.addi %scan3A_498, %scan3A_499 : i32
      %scan3A_501 = arith.constant 1 : i32
      %scan3A_502:8 = scf.for %scan3A_1016 = %scan3A_498 to %scan3A_500 step %scan3A_501 iter_args(%scan3A_1017 = %broadcast_in_dim3A_483, %scan3A_1018 = %broadcast_in_dim3A_485, %scan3A_1019 = %broadcast_in_dim3A_487, %scan3A_1020 = %broadcast_in_dim3A_489, %scan3A_1021 = %broadcast_in_dim3A_491, %scan3A_1022 = %broadcast_in_dim3A_493, %scan3A_1023 = %broadcast_in_dim3A_495, %scan3A_1024 = %broadcast_in_dim3A_497) -> (vector<16xf32>, vector<16xf32>, vector<16xf32>, vector<16xf32>, vector<16xf32>, vector<16xf32>, vector<16xf32>, vector<16xf32>)  : i32 {
        %mul3A_1025 = arith.constant 8 : i32
        %mul3A_1026 = arith.muli %scan3A_1016, %mul3A_1025 : i32
        %add3A_1027 = arith.constant 0 : i32
        %add3A_1028 = arith.addi %mul3A_1026, %add3A_1027 : i32
        %get3A_1029 = arith.constant 1 : i32
        %get3A_1030 = arith.index_cast %get3A_1029 : i32 to index
        %get3A_1031 = arith.index_cast %add3A_1028 : i32 to index
        %get3A_1032 = arith.constant 0 : index
        %get3A_1033 = tpu.vector_load %arg6[%get3A_1030, %get3A_1031, %get3A_1032] {strides = array<i32>} : memref<4x200x64xi32, #tpu.memory_space<vmem>>, vector<16xi32>,
        %shift_left3A = arith.constant 16 : i32
        %shift_left3A_1034 = vector.broadcast %shift_left3A : i32 to vector<16xi32>
        %shift_left3A_1035 = arith.shli %get3A_1033, %shift_left3A_1034 : vector<16xi32>
        %bitcast3A = vector.bitcast %shift_left3A_1035 : vector<16xi32> to vector<16xf32>
        %and3A_1036 = arith.constant -65536 : i32
        %and3A_1037 = vector.broadcast %and3A_1036 : i32 to vector<16xi32>
        %and3A_1038 = arith.andi %get3A_1033, %and3A_1037 : vector<16xi32>
        %bitcast3A_1039 = vector.bitcast %and3A_1038 : vector<16xi32> to vector<16xf32>
        %add3A_1040 = arith.addf %scan3A_1017, %bitcast3A : vector<16xf32>
        %add3A_1041 = arith.addf %scan3A_1021, %bitcast3A_1039 : vector<16xf32>
        %add3A_1042 = arith.constant 0 : i32
        %add3A_1043 = arith.addi %mul3A_1026, %add3A_1042 : i32
        %get3A_1044 = arith.constant 1 : i32
        %get3A_1045 = arith.index_cast %get3A_1044 : i32 to index
        %get3A_1046 = arith.index_cast %add3A_1043 : i32 to index
        %get3A_1047 = arith.constant 16 : index
        %get3A_1048 = tpu.vector_load %arg6[%get3A_1045, %get3A_1046, %get3A_1047] {strides = array<i32>} : memref<4x200x64xi32, #tpu.memory_space<vmem>>, vector<16xi32>,
        %shift_left3A_1049 = arith.constant 16 : i32
        %shift_left3A_1050 = vector.broadcast %shift_left3A_1049 : i32 to vector<16xi32>
        %shift_left3A_1051 = arith.shli %get3A_1048, %shift_left3A_1050 : vector<16xi32>
        %bitcast3A_1052 = vector.bitcast %shift_left3A_1051 : vector<16xi32> to vector<16xf32>
        %and3A_1053 = arith.constant -65536 : i32
        %and3A_1054 = vector.broadcast %and3A_1053 : i32 to vector<16xi32>
        %and3A_1055 = arith.andi %get3A_1048, %and3A_1054 : vector<16xi32>
        %bitcast3A_1056 = vector.bitcast %and3A_1055 : vector<16xi32> to vector<16xf32>
        %add3A_1057 = arith.addf %scan3A_1018, %bitcast3A_1052 : vector<16xf32>
        %add3A_1058 = arith.addf %scan3A_1022, %bitcast3A_1056 : vector<16xf32>
        %add3A_1059 = arith.constant 0 : i32
        %add3A_1060 = arith.addi %mul3A_1026, %add3A_1059 : i32
        %get3A_1061 = arith.constant 1 : i32
        %get3A_1062 = arith.index_cast %get3A_1061 : i32 to index
        %get3A_1063 = arith.index_cast %add3A_1060 : i32 to index
        %get3A_1064 = arith.constant 32 : index
        %get3A_1065 = tpu.vector_load %arg6[%get3A_1062, %get3A_1063, %get3A_1064] {strides = array<i32>} : memref<4x200x64xi32, #tpu.memory_space<vmem>>, vector<16xi32>,
        %shift_left3A_1066 = arith.constant 16 : i32
        %shift_left3A_1067 = vector.broadcast %shift_left3A_1066 : i32 to vector<16xi32>
        %shift_left3A_1068 = arith.shli %get3A_1065, %shift_left3A_1067 : vector<16xi32>
        %bitcast3A_1069 = vector.bitcast %shift_left3A_1068 : vector<16xi32> to vector<16xf32>
        %and3A_1070 = arith.constant -65536 : i32
        %and3A_1071 = vector.broadcast %and3A_1070 : i32 to vector<16xi32>
        %and3A_1072 = arith.andi %get3A_1065, %and3A_1071 : vector<16xi32>
        %bitcast3A_1073 = vector.bitcast %and3A_1072 : vector<16xi32> to vector<16xf32>
        %add3A_1074 = arith.addf %scan3A_1019, %bitcast3A_1069 : vector<16xf32>
        %add3A_1075 = arith.addf %scan3A_1023, %bitcast3A_1073 : vector<16xf32>
        %add3A_1076 = arith.constant 0 : i32
        %add3A_1077 = arith.addi %mul3A_1026, %add3A_1076 : i32
        %get3A_1078 = arith.constant 1 : i32
        %get3A_1079 = arith.index_cast %get3A_1078 : i32 to index
        %get3A_1080 = arith.index_cast %add3A_1077 : i32 to index
        %get3A_1081 = arith.constant 48 : index
        %get3A_1082 = tpu.vector_load %arg6[%get3A_1079, %get3A_1080, %get3A_1081] {strides = array<i32>} : memref<4x200x64xi32, #tpu.memory_space<vmem>>, vector<16xi32>,
        %shift_left3A_1083 = arith.constant 16 : i32
        %shift_left3A_1084 = vector.broadcast %shift_left3A_1083 : i32 to vector<16xi32>
        %shift_left3A_1085 = arith.shli %get3A_1082, %shift_left3A_1084 : vector<16xi32>
        %bitcast3A_1086 = vector.bitcast %shift_left3A_1085 : vector<16xi32> to vector<16xf32>
        %and3A_1087 = arith.constant -65536 : i32
        %and3A_1088 = vector.broadcast %and3A_1087 : i32 to vector<16xi32>
        %and3A_1089 = arith.andi %get3A_1082, %and3A_1088 : vector<16xi32>
        %bitcast3A_1090 = vector.bitcast %and3A_1089 : vector<16xi32> to vector<16xf32>
        %add3A_1091 = arith.addf %scan3A_1020, %bitcast3A_1086 : vector<16xf32>
        %add3A_1092 = arith.addf %scan3A_1024, %bitcast3A_1090 : vector<16xf32>
        %add3A_1093 = arith.constant 1 : i32
        %add3A_1094 = arith.addi %mul3A_1026, %add3A_1093 : i32
        %get3A_1095 = arith.constant 1 : i32
        %get3A_1096 = arith.index_cast %get3A_1095 : i32 to index
        %get3A_1097 = arith.index_cast %add3A_1094 : i32 to index
        %get3A_1098 = arith.constant 0 : index
        %get3A_1099 = tpu.vector_load %arg6[%get3A_1096, %get3A_1097, %get3A_1098] {strides = array<i32>} : memref<4x200x64xi32, #tpu.memory_space<vmem>>, vector<16xi32>,
        %shift_left3A_1100 = arith.constant 16 : i32
        %shift_left3A_1101 = vector.broadcast %shift_left3A_1100 : i32 to vector<16xi32>
        %shift_left3A_1102 = arith.shli %get3A_1099, %shift_left3A_1101 : vector<16xi32>
        %bitcast3A_1103 = vector.bitcast %shift_left3A_1102 : vector<16xi32> to vector<16xf32>
        %and3A_1104 = arith.constant -65536 : i32
        %and3A_1105 = vector.broadcast %and3A_1104 : i32 to vector<16xi32>
        %and3A_1106 = arith.andi %get3A_1099, %and3A_1105 : vector<16xi32>
        %bitcast3A_1107 = vector.bitcast %and3A_1106 : vector<16xi32> to vector<16xf32>
        %add3A_1108 = arith.addf %add3A_1040, %bitcast3A_1103 : vector<16xf32>
        %add3A_1109 = arith.addf %add3A_1041, %bitcast3A_1107 : vector<16xf32>
        %add3A_1110 = arith.constant 1 : i32
        %add3A_1111 = arith.addi %mul3A_1026, %add3A_1110 : i32
        %get3A_1112 = arith.constant 1 : i32
        %get3A_1113 = arith.index_cast %get3A_1112 : i32 to index
        %get3A_1114 = arith.index_cast %add3A_1111 : i32 to index
        %get3A_1115 = arith.constant 16 : index
        %get3A_1116 = tpu.vector_load %arg6[%get3A_1113, %get3A_1114, %get3A_1115] {strides = array<i32>} : memref<4x200x64xi32, #tpu.memory_space<vmem>>, vector<16xi32>,
        %shift_left3A_1117 = arith.constant 16 : i32
        %shift_left3A_1118 = vector.broadcast %shift_left3A_1117 : i32 to vector<16xi32>
        %shift_left3A_1119 = arith.shli %get3A_1116, %shift_left3A_1118 : vector<16xi32>
        %bitcast3A_1120 = vector.bitcast %shift_left3A_1119 : vector<16xi32> to vector<16xf32>
        %and3A_1121 = arith.constant -65536 : i32
        %and3A_1122 = vector.broadcast %and3A_1121 : i32 to vector<16xi32>
        %and3A_1123 = arith.andi %get3A_1116, %and3A_1122 : vector<16xi32>
        %bitcast3A_1124 = vector.bitcast %and3A_1123 : vector<16xi32> to vector<16xf32>
        %add3A_1125 = arith.addf %add3A_1057, %bitcast3A_1120 : vector<16xf32>
        %add3A_1126 = arith.addf %add3A_1058, %bitcast3A_1124 : vector<16xf32>
        %add3A_1127 = arith.constant 1 : i32
        %add3A_1128 = arith.addi %mul3A_1026, %add3A_1127 : i32
        %get3A_1129 = arith.constant 1 : i32
        %get3A_1130 = arith.index_cast %get3A_1129 : i32 to index
        %get3A_1131 = arith.index_cast %add3A_1128 : i32 to index
        %get3A_1132 = arith.constant 32 : index
        %get3A_1133 = tpu.vector_load %arg6[%get3A_1130, %get3A_1131, %get3A_1132] {strides = array<i32>} : memref<4x200x64xi32, #tpu.memory_space<vmem>>, vector<16xi32>,
        %shift_left3A_1134 = arith.constant 16 : i32
        %shift_left3A_1135 = vector.broadcast %shift_left3A_1134 : i32 to vector<16xi32>
        %shift_left3A_1136 = arith.shli %get3A_1133, %shift_left3A_1135 : vector<16xi32>
        %bitcast3A_1137 = vector.bitcast %shift_left3A_1136 : vector<16xi32> to vector<16xf32>
        %and3A_1138 = arith.constant -65536 : i32
        %and3A_1139 = vector.broadcast %and3A_1138 : i32 to vector<16xi32>
        %and3A_1140 = arith.andi %get3A_1133, %and3A_1139 : vector<16xi32>
        %bitcast3A_1141 = vector.bitcast %and3A_1140 : vector<16xi32> to vector<16xf32>
        %add3A_1142 = arith.addf %add3A_1074, %bitcast3A_1137 : vector<16xf32>
        %add3A_1143 = arith.addf %add3A_1075, %bitcast3A_1141 : vector<16xf32>
        %add3A_1144 = arith.constant 1 : i32
        %add3A_1145 = arith.addi %mul3A_1026, %add3A_1144 : i32
        %get3A_1146 = arith.constant 1 : i32
        %get3A_1147 = arith.index_cast %get3A_1146 : i32 to index
        %get3A_1148 = arith.index_cast %add3A_1145 : i32 to index
        %get3A_1149 = arith.constant 48 : index
        %get3A_1150 = tpu.vector_load %arg6[%get3A_1147, %get3A_1148, %get3A_1149] {strides = array<i32>} : memref<4x200x64xi32, #tpu.memory_space<vmem>>, vector<16xi32>,
        %shift_left3A_1151 = arith.constant 16 : i32
        %shift_left3A_1152 = vector.broadcast %shift_left3A_1151 : i32 to vector<16xi32>
        %shift_left3A_1153 = arith.shli %get3A_1150, %shift_left3A_1152 : vector<16xi32>
        %bitcast3A_1154 = vector.bitcast %shift_left3A_1153 : vector<16xi32> to vector<16xf32>
        %and3A_1155 = arith.constant -65536 : i32
        %and3A_1156 = vector.broadcast %and3A_1155 : i32 to vector<16xi32>
        %and3A_1157 = arith.andi %get3A_1150, %and3A_1156 : vector<16xi32>
        %bitcast3A_1158 = vector.bitcast %and3A_1157 : vector<16xi32> to vector<16xf32>
        %add3A_1159 = arith.addf %add3A_1091, %bitcast3A_1154 : vector<16xf32>
        %add3A_1160 = arith.addf %add3A_1092, %bitcast3A_1158 : vector<16xf32>
        %add3A_1161 = arith.constant 2 : i32
        %add3A_1162 = arith.addi %mul3A_1026, %add3A_1161 : i32
        %get3A_1163 = arith.constant 1 : i32
        %get3A_1164 = arith.index_cast %get3A_1163 : i32 to index
        %get3A_1165 = arith.index_cast %add3A_1162 : i32 to index
        %get3A_1166 = arith.constant 0 : index
        %get3A_1167 = tpu.vector_load %arg6[%get3A_1164, %get3A_1165, %get3A_1166] {strides = array<i32>} : memref<4x200x64xi32, #tpu.memory_space<vmem>>, vector<16xi32>,
        %shift_left3A_1168 = arith.constant 16 : i32
        %shift_left3A_1169 = vector.broadcast %shift_left3A_1168 : i32 to vector<16xi32>
        %shift_left3A_1170 = arith.shli %get3A_1167, %shift_left3A_1169 : vector<16xi32>
        %bitcast3A_1171 = vector.bitcast %shift_left3A_1170 : vector<16xi32> to vector<16xf32>
        %and3A_1172 = arith.constant -65536 : i32
        %and3A_1173 = vector.broadcast %and3A_1172 : i32 to vector<16xi32>
        %and3A_1174 = arith.andi %get3A_1167, %and3A_1173 : vector<16xi32>
        %bitcast3A_1175 = vector.bitcast %and3A_1174 : vector<16xi32> to vector<16xf32>
        %add3A_1176 = arith.addf %add3A_1108, %bitcast3A_1171 : vector<16xf32>
        %add3A_1177 = arith.addf %add3A_1109, %bitcast3A_1175 : vector<16xf32>
        %add3A_1178 = arith.constant 2 : i32
        %add3A_1179 = arith.addi %mul3A_1026, %add3A_1178 : i32
        %get3A_1180 = arith.constant 1 : i32
        %get3A_1181 = arith.index_cast %get3A_1180 : i32 to index
        %get3A_1182 = arith.index_cast %add3A_1179 : i32 to index
        %get3A_1183 = arith.constant 16 : index
        %get3A_1184 = tpu.vector_load %arg6[%get3A_1181, %get3A_1182, %get3A_1183] {strides = array<i32>} : memref<4x200x64xi32, #tpu.memory_space<vmem>>, vector<16xi32>,
        %shift_left3A_1185 = arith.constant 16 : i32
        %shift_left3A_1186 = vector.broadcast %shift_left3A_1185 : i32 to vector<16xi32>
        %shift_left3A_1187 = arith.shli %get3A_1184, %shift_left3A_1186 : vector<16xi32>
        %bitcast3A_1188 = vector.bitcast %shift_left3A_1187 : vector<16xi32> to vector<16xf32>
        %and3A_1189 = arith.constant -65536 : i32
        %and3A_1190 = vector.broadcast %and3A_1189 : i32 to vector<16xi32>
        %and3A_1191 = arith.andi %get3A_1184, %and3A_1190 : vector<16xi32>
        %bitcast3A_1192 = vector.bitcast %and3A_1191 : vector<16xi32> to vector<16xf32>
        %add3A_1193 = arith.addf %add3A_1125, %bitcast3A_1188 : vector<16xf32>
        %add3A_1194 = arith.addf %add3A_1126, %bitcast3A_1192 : vector<16xf32>
        %add3A_1195 = arith.constant 2 : i32
        %add3A_1196 = arith.addi %mul3A_1026, %add3A_1195 : i32
        %get3A_1197 = arith.constant 1 : i32
        %get3A_1198 = arith.index_cast %get3A_1197 : i32 to index
        %get3A_1199 = arith.index_cast %add3A_1196 : i32 to index
        %get3A_1200 = arith.constant 32 : index
        %get3A_1201 = tpu.vector_load %arg6[%get3A_1198, %get3A_1199, %get3A_1200] {strides = array<i32>} : memref<4x200x64xi32, #tpu.memory_space<vmem>>, vector<16xi32>,
        %shift_left3A_1202 = arith.constant 16 : i32
        %shift_left3A_1203 = vector.broadcast %shift_left3A_1202 : i32 to vector<16xi32>
        %shift_left3A_1204 = arith.shli %get3A_1201, %shift_left3A_1203 : vector<16xi32>
        %bitcast3A_1205 = vector.bitcast %shift_left3A_1204 : vector<16xi32> to vector<16xf32>
        %and3A_1206 = arith.constant -65536 : i32
        %and3A_1207 = vector.broadcast %and3A_1206 : i32 to vector<16xi32>
        %and3A_1208 = arith.andi %get3A_1201, %and3A_1207 : vector<16xi32>
        %bitcast3A_1209 = vector.bitcast %and3A_1208 : vector<16xi32> to vector<16xf32>
        %add3A_1210 = arith.addf %add3A_1142, %bitcast3A_1205 : vector<16xf32>
        %add3A_1211 = arith.addf %add3A_1143, %bitcast3A_1209 : vector<16xf32>
        %add3A_1212 = arith.constant 2 : i32
        %add3A_1213 = arith.addi %mul3A_1026, %add3A_1212 : i32
        %get3A_1214 = arith.constant 1 : i32
        %get3A_1215 = arith.index_cast %get3A_1214 : i32 to index
        %get3A_1216 = arith.index_cast %add3A_1213 : i32 to index
        %get3A_1217 = arith.constant 48 : index
        %get3A_1218 = tpu.vector_load %arg6[%get3A_1215, %get3A_1216, %get3A_1217] {strides = array<i32>} : memref<4x200x64xi32, #tpu.memory_space<vmem>>, vector<16xi32>,
        %shift_left3A_1219 = arith.constant 16 : i32
        %shift_left3A_1220 = vector.broadcast %shift_left3A_1219 : i32 to vector<16xi32>
        %shift_left3A_1221 = arith.shli %get3A_1218, %shift_left3A_1220 : vector<16xi32>
        %bitcast3A_1222 = vector.bitcast %shift_left3A_1221 : vector<16xi32> to vector<16xf32>
        %and3A_1223 = arith.constant -65536 : i32
        %and3A_1224 = vector.broadcast %and3A_1223 : i32 to vector<16xi32>
        %and3A_1225 = arith.andi %get3A_1218, %and3A_1224 : vector<16xi32>
        %bitcast3A_1226 = vector.bitcast %and3A_1225 : vector<16xi32> to vector<16xf32>
        %add3A_1227 = arith.addf %add3A_1159, %bitcast3A_1222 : vector<16xf32>
        %add3A_1228 = arith.addf %add3A_1160, %bitcast3A_1226 : vector<16xf32>
        %add3A_1229 = arith.constant 3 : i32
        %add3A_1230 = arith.addi %mul3A_1026, %add3A_1229 : i32
        %get3A_1231 = arith.constant 1 : i32
        %get3A_1232 = arith.index_cast %get3A_1231 : i32 to index
        %get3A_1233 = arith.index_cast %add3A_1230 : i32 to index
        %get3A_1234 = arith.constant 0 : index
        %get3A_1235 = tpu.vector_load %arg6[%get3A_1232, %get3A_1233, %get3A_1234] {strides = array<i32>} : memref<4x200x64xi32, #tpu.memory_space<vmem>>, vector<16xi32>,
        %shift_left3A_1236 = arith.constant 16 : i32
        %shift_left3A_1237 = vector.broadcast %shift_left3A_1236 : i32 to vector<16xi32>
        %shift_left3A_1238 = arith.shli %get3A_1235, %shift_left3A_1237 : vector<16xi32>
        %bitcast3A_1239 = vector.bitcast %shift_left3A_1238 : vector<16xi32> to vector<16xf32>
        %and3A_1240 = arith.constant -65536 : i32
        %and3A_1241 = vector.broadcast %and3A_1240 : i32 to vector<16xi32>
        %and3A_1242 = arith.andi %get3A_1235, %and3A_1241 : vector<16xi32>
        %bitcast3A_1243 = vector.bitcast %and3A_1242 : vector<16xi32> to vector<16xf32>
        %add3A_1244 = arith.addf %add3A_1176, %bitcast3A_1239 : vector<16xf32>
        %add3A_1245 = arith.addf %add3A_1177, %bitcast3A_1243 : vector<16xf32>
        %add3A_1246 = arith.constant 3 : i32
        %add3A_1247 = arith.addi %mul3A_1026, %add3A_1246 : i32
        %get3A_1248 = arith.constant 1 : i32
        %get3A_1249 = arith.index_cast %get3A_1248 : i32 to index
        %get3A_1250 = arith.index_cast %add3A_1247 : i32 to index
        %get3A_1251 = arith.constant 16 : index
        %get3A_1252 = tpu.vector_load %arg6[%get3A_1249, %get3A_1250, %get3A_1251] {strides = array<i32>} : memref<4x200x64xi32, #tpu.memory_space<vmem>>, vector<16xi32>,
        %shift_left3A_1253 = arith.constant 16 : i32
        %shift_left3A_1254 = vector.broadcast %shift_left3A_1253 : i32 to vector<16xi32>
        %shift_left3A_1255 = arith.shli %get3A_1252, %shift_left3A_1254 : vector<16xi32>
        %bitcast3A_1256 = vector.bitcast %shift_left3A_1255 : vector<16xi32> to vector<16xf32>
        %and3A_1257 = arith.constant -65536 : i32
        %and3A_1258 = vector.broadcast %and3A_1257 : i32 to vector<16xi32>
        %and3A_1259 = arith.andi %get3A_1252, %and3A_1258 : vector<16xi32>
        %bitcast3A_1260 = vector.bitcast %and3A_1259 : vector<16xi32> to vector<16xf32>
        %add3A_1261 = arith.addf %add3A_1193, %bitcast3A_1256 : vector<16xf32>
        %add3A_1262 = arith.addf %add3A_1194, %bitcast3A_1260 : vector<16xf32>
        %add3A_1263 = arith.constant 3 : i32
        %add3A_1264 = arith.addi %mul3A_1026, %add3A_1263 : i32
        %get3A_1265 = arith.constant 1 : i32
        %get3A_1266 = arith.index_cast %get3A_1265 : i32 to index
        %get3A_1267 = arith.index_cast %add3A_1264 : i32 to index
        %get3A_1268 = arith.constant 32 : index
        %get3A_1269 = tpu.vector_load %arg6[%get3A_1266, %get3A_1267, %get3A_1268] {strides = array<i32>} : memref<4x200x64xi32, #tpu.memory_space<vmem>>, vector<16xi32>,
        %shift_left3A_1270 = arith.constant 16 : i32
        %shift_left3A_1271 = vector.broadcast %shift_left3A_1270 : i32 to vector<16xi32>
        %shift_left3A_1272 = arith.shli %get3A_1269, %shift_left3A_1271 : vector<16xi32>
        %bitcast3A_1273 = vector.bitcast %shift_left3A_1272 : vector<16xi32> to vector<16xf32>
        %and3A_1274 = arith.constant -65536 : i32
        %and3A_1275 = vector.broadcast %and3A_1274 : i32 to vector<16xi32>
        %and3A_1276 = arith.andi %get3A_1269, %and3A_1275 : vector<16xi32>
        %bitcast3A_1277 = vector.bitcast %and3A_1276 : vector<16xi32> to vector<16xf32>
        %add3A_1278 = arith.addf %add3A_1210, %bitcast3A_1273 : vector<16xf32>
        %add3A_1279 = arith.addf %add3A_1211, %bitcast3A_1277 : vector<16xf32>
        %add3A_1280 = arith.constant 3 : i32
        %add3A_1281 = arith.addi %mul3A_1026, %add3A_1280 : i32
        %get3A_1282 = arith.constant 1 : i32
        %get3A_1283 = arith.index_cast %get3A_1282 : i32 to index
        %get3A_1284 = arith.index_cast %add3A_1281 : i32 to index
        %get3A_1285 = arith.constant 48 : index
        %get3A_1286 = tpu.vector_load %arg6[%get3A_1283, %get3A_1284, %get3A_1285] {strides = array<i32>} : memref<4x200x64xi32, #tpu.memory_space<vmem>>, vector<16xi32>,
        %shift_left3A_1287 = arith.constant 16 : i32
        %shift_left3A_1288 = vector.broadcast %shift_left3A_1287 : i32 to vector<16xi32>
        %shift_left3A_1289 = arith.shli %get3A_1286, %shift_left3A_1288 : vector<16xi32>
        %bitcast3A_1290 = vector.bitcast %shift_left3A_1289 : vector<16xi32> to vector<16xf32>
        %and3A_1291 = arith.constant -65536 : i32
        %and3A_1292 = vector.broadcast %and3A_1291 : i32 to vector<16xi32>
        %and3A_1293 = arith.andi %get3A_1286, %and3A_1292 : vector<16xi32>
        %bitcast3A_1294 = vector.bitcast %and3A_1293 : vector<16xi32> to vector<16xf32>
        %add3A_1295 = arith.addf %add3A_1227, %bitcast3A_1290 : vector<16xf32>
        %add3A_1296 = arith.addf %add3A_1228, %bitcast3A_1294 : vector<16xf32>
        %add3A_1297 = arith.constant 4 : i32
        %add3A_1298 = arith.addi %mul3A_1026, %add3A_1297 : i32
        %get3A_1299 = arith.constant 1 : i32
        %get3A_1300 = arith.index_cast %get3A_1299 : i32 to index
        %get3A_1301 = arith.index_cast %add3A_1298 : i32 to index
        %get3A_1302 = arith.constant 0 : index
        %get3A_1303 = tpu.vector_load %arg6[%get3A_1300, %get3A_1301, %get3A_1302] {strides = array<i32>} : memref<4x200x64xi32, #tpu.memory_space<vmem>>, vector<16xi32>,
        %shift_left3A_1304 = arith.constant 16 : i32
        %shift_left3A_1305 = vector.broadcast %shift_left3A_1304 : i32 to vector<16xi32>
        %shift_left3A_1306 = arith.shli %get3A_1303, %shift_left3A_1305 : vector<16xi32>
        %bitcast3A_1307 = vector.bitcast %shift_left3A_1306 : vector<16xi32> to vector<16xf32>
        %and3A_1308 = arith.constant -65536 : i32
        %and3A_1309 = vector.broadcast %and3A_1308 : i32 to vector<16xi32>
        %and3A_1310 = arith.andi %get3A_1303, %and3A_1309 : vector<16xi32>
        %bitcast3A_1311 = vector.bitcast %and3A_1310 : vector<16xi32> to vector<16xf32>
        %add3A_1312 = arith.addf %add3A_1244, %bitcast3A_1307 : vector<16xf32>
        %add3A_1313 = arith.addf %add3A_1245, %bitcast3A_1311 : vector<16xf32>
        %add3A_1314 = arith.constant 4 : i32
        %add3A_1315 = arith.addi %mul3A_1026, %add3A_1314 : i32
        %get3A_1316 = arith.constant 1 : i32
        %get3A_1317 = arith.index_cast %get3A_1316 : i32 to index
        %get3A_1318 = arith.index_cast %add3A_1315 : i32 to index
        %get3A_1319 = arith.constant 16 : index
        %get3A_1320 = tpu.vector_load %arg6[%get3A_1317, %get3A_1318, %get3A_1319] {strides = array<i32>} : memref<4x200x64xi32, #tpu.memory_space<vmem>>, vector<16xi32>,
        %shift_left3A_1321 = arith.constant 16 : i32
        %shift_left3A_1322 = vector.broadcast %shift_left3A_1321 : i32 to vector<16xi32>
        %shift_left3A_1323 = arith.shli %get3A_1320, %shift_left3A_1322 : vector<16xi32>
        %bitcast3A_1324 = vector.bitcast %shift_left3A_1323 : vector<16xi32> to vector<16xf32>
        %and3A_1325 = arith.constant -65536 : i32
        %and3A_1326 = vector.broadcast %and3A_1325 : i32 to vector<16xi32>
        %and3A_1327 = arith.andi %get3A_1320, %and3A_1326 : vector<16xi32>
        %bitcast3A_1328 = vector.bitcast %and3A_1327 : vector<16xi32> to vector<16xf32>
        %add3A_1329 = arith.addf %add3A_1261, %bitcast3A_1324 : vector<16xf32>
        %add3A_1330 = arith.addf %add3A_1262, %bitcast3A_1328 : vector<16xf32>
        %add3A_1331 = arith.constant 4 : i32
        %add3A_1332 = arith.addi %mul3A_1026, %add3A_1331 : i32
        %get3A_1333 = arith.constant 1 : i32
        %get3A_1334 = arith.index_cast %get3A_1333 : i32 to index
        %get3A_1335 = arith.index_cast %add3A_1332 : i32 to index
        %get3A_1336 = arith.constant 32 : index
        %get3A_1337 = tpu.vector_load %arg6[%get3A_1334, %get3A_1335, %get3A_1336] {strides = array<i32>} : memref<4x200x64xi32, #tpu.memory_space<vmem>>, vector<16xi32>,
        %shift_left3A_1338 = arith.constant 16 : i32
        %shift_left3A_1339 = vector.broadcast %shift_left3A_1338 : i32 to vector<16xi32>
        %shift_left3A_1340 = arith.shli %get3A_1337, %shift_left3A_1339 : vector<16xi32>
        %bitcast3A_1341 = vector.bitcast %shift_left3A_1340 : vector<16xi32> to vector<16xf32>
        %and3A_1342 = arith.constant -65536 : i32
        %and3A_1343 = vector.broadcast %and3A_1342 : i32 to vector<16xi32>
        %and3A_1344 = arith.andi %get3A_1337, %and3A_1343 : vector<16xi32>
        %bitcast3A_1345 = vector.bitcast %and3A_1344 : vector<16xi32> to vector<16xf32>
        %add3A_1346 = arith.addf %add3A_1278, %bitcast3A_1341 : vector<16xf32>
        %add3A_1347 = arith.addf %add3A_1279, %bitcast3A_1345 : vector<16xf32>
        %add3A_1348 = arith.constant 4 : i32
        %add3A_1349 = arith.addi %mul3A_1026, %add3A_1348 : i32
        %get3A_1350 = arith.constant 1 : i32
        %get3A_1351 = arith.index_cast %get3A_1350 : i32 to index
        %get3A_1352 = arith.index_cast %add3A_1349 : i32 to index
        %get3A_1353 = arith.constant 48 : index
        %get3A_1354 = tpu.vector_load %arg6[%get3A_1351, %get3A_1352, %get3A_1353] {strides = array<i32>} : memref<4x200x64xi32, #tpu.memory_space<vmem>>, vector<16xi32>,
        %shift_left3A_1355 = arith.constant 16 : i32
        %shift_left3A_1356 = vector.broadcast %shift_left3A_1355 : i32 to vector<16xi32>
        %shift_left3A_1357 = arith.shli %get3A_1354, %shift_left3A_1356 : vector<16xi32>
        %bitcast3A_1358 = vector.bitcast %shift_left3A_1357 : vector<16xi32> to vector<16xf32>
        %and3A_1359 = arith.constant -65536 : i32
        %and3A_1360 = vector.broadcast %and3A_1359 : i32 to vector<16xi32>
        %and3A_1361 = arith.andi %get3A_1354, %and3A_1360 : vector<16xi32>
        %bitcast3A_1362 = vector.bitcast %and3A_1361 : vector<16xi32> to vector<16xf32>
        %add3A_1363 = arith.addf %add3A_1295, %bitcast3A_1358 : vector<16xf32>
        %add3A_1364 = arith.addf %add3A_1296, %bitcast3A_1362 : vector<16xf32>
        %add3A_1365 = arith.constant 5 : i32
        %add3A_1366 = arith.addi %mul3A_1026, %add3A_1365 : i32
        %get3A_1367 = arith.constant 1 : i32
        %get3A_1368 = arith.index_cast %get3A_1367 : i32 to index
        %get3A_1369 = arith.index_cast %add3A_1366 : i32 to index
        %get3A_1370 = arith.constant 0 : index
        %get3A_1371 = tpu.vector_load %arg6[%get3A_1368, %get3A_1369, %get3A_1370] {strides = array<i32>} : memref<4x200x64xi32, #tpu.memory_space<vmem>>, vector<16xi32>,
        %shift_left3A_1372 = arith.constant 16 : i32
        %shift_left3A_1373 = vector.broadcast %shift_left3A_1372 : i32 to vector<16xi32>
        %shift_left3A_1374 = arith.shli %get3A_1371, %shift_left3A_1373 : vector<16xi32>
        %bitcast3A_1375 = vector.bitcast %shift_left3A_1374 : vector<16xi32> to vector<16xf32>
        %and3A_1376 = arith.constant -65536 : i32
        %and3A_1377 = vector.broadcast %and3A_1376 : i32 to vector<16xi32>
        %and3A_1378 = arith.andi %get3A_1371, %and3A_1377 : vector<16xi32>
        %bitcast3A_1379 = vector.bitcast %and3A_1378 : vector<16xi32> to vector<16xf32>
        %add3A_1380 = arith.addf %add3A_1312, %bitcast3A_1375 : vector<16xf32>
        %add3A_1381 = arith.addf %add3A_1313, %bitcast3A_1379 : vector<16xf32>
        %add3A_1382 = arith.constant 5 : i32
        %add3A_1383 = arith.addi %mul3A_1026, %add3A_1382 : i32
        %get3A_1384 = arith.constant 1 : i32
        %get3A_1385 = arith.index_cast %get3A_1384 : i32 to index
        %get3A_1386 = arith.index_cast %add3A_1383 : i32 to index
        %get3A_1387 = arith.constant 16 : index
        %get3A_1388 = tpu.vector_load %arg6[%get3A_1385, %get3A_1386, %get3A_1387] {strides = array<i32>} : memref<4x200x64xi32, #tpu.memory_space<vmem>>, vector<16xi32>,
        %shift_left3A_1389 = arith.constant 16 : i32
        %shift_left3A_1390 = vector.broadcast %shift_left3A_1389 : i32 to vector<16xi32>
        %shift_left3A_1391 = arith.shli %get3A_1388, %shift_left3A_1390 : vector<16xi32>
        %bitcast3A_1392 = vector.bitcast %shift_left3A_1391 : vector<16xi32> to vector<16xf32>
        %and3A_1393 = arith.constant -65536 : i32
        %and3A_1394 = vector.broadcast %and3A_1393 : i32 to vector<16xi32>
        %and3A_1395 = arith.andi %get3A_1388, %and3A_1394 : vector<16xi32>
        %bitcast3A_1396 = vector.bitcast %and3A_1395 : vector<16xi32> to vector<16xf32>
        %add3A_1397 = arith.addf %add3A_1329, %bitcast3A_1392 : vector<16xf32>
        %add3A_1398 = arith.addf %add3A_1330, %bitcast3A_1396 : vector<16xf32>
        %add3A_1399 = arith.constant 5 : i32
        %add3A_1400 = arith.addi %mul3A_1026, %add3A_1399 : i32
        %get3A_1401 = arith.constant 1 : i32
        %get3A_1402 = arith.index_cast %get3A_1401 : i32 to index
        %get3A_1403 = arith.index_cast %add3A_1400 : i32 to index
        %get3A_1404 = arith.constant 32 : index
        %get3A_1405 = tpu.vector_load %arg6[%get3A_1402, %get3A_1403, %get3A_1404] {strides = array<i32>} : memref<4x200x64xi32, #tpu.memory_space<vmem>>, vector<16xi32>,
        %shift_left3A_1406 = arith.constant 16 : i32
        %shift_left3A_1407 = vector.broadcast %shift_left3A_1406 : i32 to vector<16xi32>
        %shift_left3A_1408 = arith.shli %get3A_1405, %shift_left3A_1407 : vector<16xi32>
        %bitcast3A_1409 = vector.bitcast %shift_left3A_1408 : vector<16xi32> to vector<16xf32>
        %and3A_1410 = arith.constant -65536 : i32
        %and3A_1411 = vector.broadcast %and3A_1410 : i32 to vector<16xi32>
        %and3A_1412 = arith.andi %get3A_1405, %and3A_1411 : vector<16xi32>
        %bitcast3A_1413 = vector.bitcast %and3A_1412 : vector<16xi32> to vector<16xf32>
        %add3A_1414 = arith.addf %add3A_1346, %bitcast3A_1409 : vector<16xf32>
        %add3A_1415 = arith.addf %add3A_1347, %bitcast3A_1413 : vector<16xf32>
        %add3A_1416 = arith.constant 5 : i32
        %add3A_1417 = arith.addi %mul3A_1026, %add3A_1416 : i32
        %get3A_1418 = arith.constant 1 : i32
        %get3A_1419 = arith.index_cast %get3A_1418 : i32 to index
        %get3A_1420 = arith.index_cast %add3A_1417 : i32 to index
        %get3A_1421 = arith.constant 48 : index
        %get3A_1422 = tpu.vector_load %arg6[%get3A_1419, %get3A_1420, %get3A_1421] {strides = array<i32>} : memref<4x200x64xi32, #tpu.memory_space<vmem>>, vector<16xi32>,
        %shift_left3A_1423 = arith.constant 16 : i32
        %shift_left3A_1424 = vector.broadcast %shift_left3A_1423 : i32 to vector<16xi32>
        %shift_left3A_1425 = arith.shli %get3A_1422, %shift_left3A_1424 : vector<16xi32>
        %bitcast3A_1426 = vector.bitcast %shift_left3A_1425 : vector<16xi32> to vector<16xf32>
        %and3A_1427 = arith.constant -65536 : i32
        %and3A_1428 = vector.broadcast %and3A_1427 : i32 to vector<16xi32>
        %and3A_1429 = arith.andi %get3A_1422, %and3A_1428 : vector<16xi32>
        %bitcast3A_1430 = vector.bitcast %and3A_1429 : vector<16xi32> to vector<16xf32>
        %add3A_1431 = arith.addf %add3A_1363, %bitcast3A_1426 : vector<16xf32>
        %add3A_1432 = arith.addf %add3A_1364, %bitcast3A_1430 : vector<16xf32>
        %add3A_1433 = arith.constant 6 : i32
        %add3A_1434 = arith.addi %mul3A_1026, %add3A_1433 : i32
        %get3A_1435 = arith.constant 1 : i32
        %get3A_1436 = arith.index_cast %get3A_1435 : i32 to index
        %get3A_1437 = arith.index_cast %add3A_1434 : i32 to index
        %get3A_1438 = arith.constant 0 : index
        %get3A_1439 = tpu.vector_load %arg6[%get3A_1436, %get3A_1437, %get3A_1438] {strides = array<i32>} : memref<4x200x64xi32, #tpu.memory_space<vmem>>, vector<16xi32>,
        %shift_left3A_1440 = arith.constant 16 : i32
        %shift_left3A_1441 = vector.broadcast %shift_left3A_1440 : i32 to vector<16xi32>
        %shift_left3A_1442 = arith.shli %get3A_1439, %shift_left3A_1441 : vector<16xi32>
        %bitcast3A_1443 = vector.bitcast %shift_left3A_1442 : vector<16xi32> to vector<16xf32>
        %and3A_1444 = arith.constant -65536 : i32
        %and3A_1445 = vector.broadcast %and3A_1444 : i32 to vector<16xi32>
        %and3A_1446 = arith.andi %get3A_1439, %and3A_1445 : vector<16xi32>
        %bitcast3A_1447 = vector.bitcast %and3A_1446 : vector<16xi32> to vector<16xf32>
        %add3A_1448 = arith.addf %add3A_1380, %bitcast3A_1443 : vector<16xf32>
        %add3A_1449 = arith.addf %add3A_1381, %bitcast3A_1447 : vector<16xf32>
        %add3A_1450 = arith.constant 6 : i32
        %add3A_1451 = arith.addi %mul3A_1026, %add3A_1450 : i32
        %get3A_1452 = arith.constant 1 : i32
        %get3A_1453 = arith.index_cast %get3A_1452 : i32 to index
        %get3A_1454 = arith.index_cast %add3A_1451 : i32 to index
        %get3A_1455 = arith.constant 16 : index
        %get3A_1456 = tpu.vector_load %arg6[%get3A_1453, %get3A_1454, %get3A_1455] {strides = array<i32>} : memref<4x200x64xi32, #tpu.memory_space<vmem>>, vector<16xi32>,
        %shift_left3A_1457 = arith.constant 16 : i32
        %shift_left3A_1458 = vector.broadcast %shift_left3A_1457 : i32 to vector<16xi32>
        %shift_left3A_1459 = arith.shli %get3A_1456, %shift_left3A_1458 : vector<16xi32>
        %bitcast3A_1460 = vector.bitcast %shift_left3A_1459 : vector<16xi32> to vector<16xf32>
        %and3A_1461 = arith.constant -65536 : i32
        %and3A_1462 = vector.broadcast %and3A_1461 : i32 to vector<16xi32>
        %and3A_1463 = arith.andi %get3A_1456, %and3A_1462 : vector<16xi32>
        %bitcast3A_1464 = vector.bitcast %and3A_1463 : vector<16xi32> to vector<16xf32>
        %add3A_1465 = arith.addf %add3A_1397, %bitcast3A_1460 : vector<16xf32>
        %add3A_1466 = arith.addf %add3A_1398, %bitcast3A_1464 : vector<16xf32>
        %add3A_1467 = arith.constant 6 : i32
        %add3A_1468 = arith.addi %mul3A_1026, %add3A_1467 : i32
        %get3A_1469 = arith.constant 1 : i32
        %get3A_1470 = arith.index_cast %get3A_1469 : i32 to index
        %get3A_1471 = arith.index_cast %add3A_1468 : i32 to index
        %get3A_1472 = arith.constant 32 : index
        %get3A_1473 = tpu.vector_load %arg6[%get3A_1470, %get3A_1471, %get3A_1472] {strides = array<i32>} : memref<4x200x64xi32, #tpu.memory_space<vmem>>, vector<16xi32>,
        %shift_left3A_1474 = arith.constant 16 : i32
        %shift_left3A_1475 = vector.broadcast %shift_left3A_1474 : i32 to vector<16xi32>
        %shift_left3A_1476 = arith.shli %get3A_1473, %shift_left3A_1475 : vector<16xi32>
        %bitcast3A_1477 = vector.bitcast %shift_left3A_1476 : vector<16xi32> to vector<16xf32>
        %and3A_1478 = arith.constant -65536 : i32
        %and3A_1479 = vector.broadcast %and3A_1478 : i32 to vector<16xi32>
        %and3A_1480 = arith.andi %get3A_1473, %and3A_1479 : vector<16xi32>
        %bitcast3A_1481 = vector.bitcast %and3A_1480 : vector<16xi32> to vector<16xf32>
        %add3A_1482 = arith.addf %add3A_1414, %bitcast3A_1477 : vector<16xf32>
        %add3A_1483 = arith.addf %add3A_1415, %bitcast3A_1481 : vector<16xf32>
        %add3A_1484 = arith.constant 6 : i32
        %add3A_1485 = arith.addi %mul3A_1026, %add3A_1484 : i32
        %get3A_1486 = arith.constant 1 : i32
        %get3A_1487 = arith.index_cast %get3A_1486 : i32 to index
        %get3A_1488 = arith.index_cast %add3A_1485 : i32 to index
        %get3A_1489 = arith.constant 48 : index
        %get3A_1490 = tpu.vector_load %arg6[%get3A_1487, %get3A_1488, %get3A_1489] {strides = array<i32>} : memref<4x200x64xi32, #tpu.memory_space<vmem>>, vector<16xi32>,
        %shift_left3A_1491 = arith.constant 16 : i32
        %shift_left3A_1492 = vector.broadcast %shift_left3A_1491 : i32 to vector<16xi32>
        %shift_left3A_1493 = arith.shli %get3A_1490, %shift_left3A_1492 : vector<16xi32>
        %bitcast3A_1494 = vector.bitcast %shift_left3A_1493 : vector<16xi32> to vector<16xf32>
        %and3A_1495 = arith.constant -65536 : i32
        %and3A_1496 = vector.broadcast %and3A_1495 : i32 to vector<16xi32>
        %and3A_1497 = arith.andi %get3A_1490, %and3A_1496 : vector<16xi32>
        %bitcast3A_1498 = vector.bitcast %and3A_1497 : vector<16xi32> to vector<16xf32>
        %add3A_1499 = arith.addf %add3A_1431, %bitcast3A_1494 : vector<16xf32>
        %add3A_1500 = arith.addf %add3A_1432, %bitcast3A_1498 : vector<16xf32>
        %add3A_1501 = arith.constant 7 : i32
        %add3A_1502 = arith.addi %mul3A_1026, %add3A_1501 : i32
        %get3A_1503 = arith.constant 1 : i32
        %get3A_1504 = arith.index_cast %get3A_1503 : i32 to index
        %get3A_1505 = arith.index_cast %add3A_1502 : i32 to index
        %get3A_1506 = arith.constant 0 : index
        %get3A_1507 = tpu.vector_load %arg6[%get3A_1504, %get3A_1505, %get3A_1506] {strides = array<i32>} : memref<4x200x64xi32, #tpu.memory_space<vmem>>, vector<16xi32>,
        %shift_left3A_1508 = arith.constant 16 : i32
        %shift_left3A_1509 = vector.broadcast %shift_left3A_1508 : i32 to vector<16xi32>
        %shift_left3A_1510 = arith.shli %get3A_1507, %shift_left3A_1509 : vector<16xi32>
        %bitcast3A_1511 = vector.bitcast %shift_left3A_1510 : vector<16xi32> to vector<16xf32>
        %and3A_1512 = arith.constant -65536 : i32
        %and3A_1513 = vector.broadcast %and3A_1512 : i32 to vector<16xi32>
        %and3A_1514 = arith.andi %get3A_1507, %and3A_1513 : vector<16xi32>
        %bitcast3A_1515 = vector.bitcast %and3A_1514 : vector<16xi32> to vector<16xf32>
        %add3A_1516 = arith.addf %add3A_1448, %bitcast3A_1511 : vector<16xf32>
        %add3A_1517 = arith.addf %add3A_1449, %bitcast3A_1515 : vector<16xf32>
        %add3A_1518 = arith.constant 7 : i32
        %add3A_1519 = arith.addi %mul3A_1026, %add3A_1518 : i32
        %get3A_1520 = arith.constant 1 : i32
        %get3A_1521 = arith.index_cast %get3A_1520 : i32 to index
        %get3A_1522 = arith.index_cast %add3A_1519 : i32 to index
        %get3A_1523 = arith.constant 16 : index
        %get3A_1524 = tpu.vector_load %arg6[%get3A_1521, %get3A_1522, %get3A_1523] {strides = array<i32>} : memref<4x200x64xi32, #tpu.memory_space<vmem>>, vector<16xi32>,
        %shift_left3A_1525 = arith.constant 16 : i32
        %shift_left3A_1526 = vector.broadcast %shift_left3A_1525 : i32 to vector<16xi32>
        %shift_left3A_1527 = arith.shli %get3A_1524, %shift_left3A_1526 : vector<16xi32>
        %bitcast3A_1528 = vector.bitcast %shift_left3A_1527 : vector<16xi32> to vector<16xf32>
        %and3A_1529 = arith.constant -65536 : i32
        %and3A_1530 = vector.broadcast %and3A_1529 : i32 to vector<16xi32>
        %and3A_1531 = arith.andi %get3A_1524, %and3A_1530 : vector<16xi32>
        %bitcast3A_1532 = vector.bitcast %and3A_1531 : vector<16xi32> to vector<16xf32>
        %add3A_1533 = arith.addf %add3A_1465, %bitcast3A_1528 : vector<16xf32>
        %add3A_1534 = arith.addf %add3A_1466, %bitcast3A_1532 : vector<16xf32>
        %add3A_1535 = arith.constant 7 : i32
        %add3A_1536 = arith.addi %mul3A_1026, %add3A_1535 : i32
        %get3A_1537 = arith.constant 1 : i32
        %get3A_1538 = arith.index_cast %get3A_1537 : i32 to index
        %get3A_1539 = arith.index_cast %add3A_1536 : i32 to index
        %get3A_1540 = arith.constant 32 : index
        %get3A_1541 = tpu.vector_load %arg6[%get3A_1538, %get3A_1539, %get3A_1540] {strides = array<i32>} : memref<4x200x64xi32, #tpu.memory_space<vmem>>, vector<16xi32>,
        %shift_left3A_1542 = arith.constant 16 : i32
        %shift_left3A_1543 = vector.broadcast %shift_left3A_1542 : i32 to vector<16xi32>
        %shift_left3A_1544 = arith.shli %get3A_1541, %shift_left3A_1543 : vector<16xi32>
        %bitcast3A_1545 = vector.bitcast %shift_left3A_1544 : vector<16xi32> to vector<16xf32>
        %and3A_1546 = arith.constant -65536 : i32
        %and3A_1547 = vector.broadcast %and3A_1546 : i32 to vector<16xi32>
        %and3A_1548 = arith.andi %get3A_1541, %and3A_1547 : vector<16xi32>
        %bitcast3A_1549 = vector.bitcast %and3A_1548 : vector<16xi32> to vector<16xf32>
        %add3A_1550 = arith.addf %add3A_1482, %bitcast3A_1545 : vector<16xf32>
        %add3A_1551 = arith.addf %add3A_1483, %bitcast3A_1549 : vector<16xf32>
        %add3A_1552 = arith.constant 7 : i32
        %add3A_1553 = arith.addi %mul3A_1026, %add3A_1552 : i32
        %get3A_1554 = arith.constant 1 : i32
        %get3A_1555 = arith.index_cast %get3A_1554 : i32 to index
        %get3A_1556 = arith.index_cast %add3A_1553 : i32 to index
        %get3A_1557 = arith.constant 48 : index
        %get3A_1558 = tpu.vector_load %arg6[%get3A_1555, %get3A_1556, %get3A_1557] {strides = array<i32>} : memref<4x200x64xi32, #tpu.memory_space<vmem>>, vector<16xi32>,
        %shift_left3A_1559 = arith.constant 16 : i32
        %shift_left3A_1560 = vector.broadcast %shift_left3A_1559 : i32 to vector<16xi32>
        %shift_left3A_1561 = arith.shli %get3A_1558, %shift_left3A_1560 : vector<16xi32>
        %bitcast3A_1562 = vector.bitcast %shift_left3A_1561 : vector<16xi32> to vector<16xf32>
        %and3A_1563 = arith.constant -65536 : i32
        %and3A_1564 = vector.broadcast %and3A_1563 : i32 to vector<16xi32>
        %and3A_1565 = arith.andi %get3A_1558, %and3A_1564 : vector<16xi32>
        %bitcast3A_1566 = vector.bitcast %and3A_1565 : vector<16xi32> to vector<16xf32>
        %add3A_1567 = arith.addf %add3A_1499, %bitcast3A_1562 : vector<16xf32>
        %add3A_1568 = arith.addf %add3A_1500, %bitcast3A_1566 : vector<16xf32>
        scf.yield %add3A_1516, %add3A_1533, %add3A_1550, %add3A_1567, %add3A_1517, %add3A_1534, %add3A_1551, %add3A_1568 : vector<16xf32>, vector<16xf32>, vector<16xf32>, vector<16xf32>, vector<16xf32>, vector<16xf32>, vector<16xf32>, vector<16xf32>
      }
      %scan3A_503 = arith.constant 25 : i32
      %mul3A_504 = arith.mulf %scan3A_502#0, %div3A_481 : vector<16xf32>
      %swap3A_505 = arith.index_cast %add3A_299 : i32 to index
      %swap3A_506 = arith.constant 0 : index
      %swap3A_507 = tpu.vector_load %arg7[%swap3A_505, %swap3A_506] {strides = array<i32>} : memref<128x128xf32, #tpu.memory_space<vmem>>, vector<16xf32>,
      tpu.vector_store %arg7[%swap3A_505, %swap3A_506], %mul3A_504 {strides = array<i32>} : memref<128x128xf32, #tpu.memory_space<vmem>>, vector<16xf32>,
      %mul3A_508 = arith.mulf %scan3A_502#1, %div3A_481 : vector<16xf32>
      %swap3A_509 = arith.index_cast %add3A_299 : i32 to index
      %swap3A_510 = arith.constant 16 : index
      %swap3A_511 = tpu.vector_load %arg7[%swap3A_509, %swap3A_510] {strides = array<i32>} : memref<128x128xf32, #tpu.memory_space<vmem>>, vector<16xf32>,
      tpu.vector_store %arg7[%swap3A_509, %swap3A_510], %mul3A_508 {strides = array<i32>} : memref<128x128xf32, #tpu.memory_space<vmem>>, vector<16xf32>,
      %mul3A_512 = arith.mulf %scan3A_502#2, %div3A_481 : vector<16xf32>
      %swap3A_513 = arith.index_cast %add3A_299 : i32 to index
      %swap3A_514 = arith.constant 32 : index
      %swap3A_515 = tpu.vector_load %arg7[%swap3A_513, %swap3A_514] {strides = array<i32>} : memref<128x128xf32, #tpu.memory_space<vmem>>, vector<16xf32>,
      tpu.vector_store %arg7[%swap3A_513, %swap3A_514], %mul3A_512 {strides = array<i32>} : memref<128x128xf32, #tpu.memory_space<vmem>>, vector<16xf32>,
      %mul3A_516 = arith.mulf %scan3A_502#3, %div3A_481 : vector<16xf32>
      %swap3A_517 = arith.index_cast %add3A_299 : i32 to index
      %swap3A_518 = arith.constant 48 : index
      %swap3A_519 = tpu.vector_load %arg7[%swap3A_517, %swap3A_518] {strides = array<i32>} : memref<128x128xf32, #tpu.memory_space<vmem>>, vector<16xf32>,
      tpu.vector_store %arg7[%swap3A_517, %swap3A_518], %mul3A_516 {strides = array<i32>} : memref<128x128xf32, #tpu.memory_space<vmem>>, vector<16xf32>,
      %mul3A_520 = arith.mulf %scan3A_502#4, %div3A_481 : vector<16xf32>
      %swap3A_521 = arith.index_cast %add3A_299 : i32 to index
      %swap3A_522 = arith.constant 64 : index
      %swap3A_523 = tpu.vector_load %arg7[%swap3A_521, %swap3A_522] {strides = array<i32>} : memref<128x128xf32, #tpu.memory_space<vmem>>, vector<16xf32>,
      tpu.vector_store %arg7[%swap3A_521, %swap3A_522], %mul3A_520 {strides = array<i32>} : memref<128x128xf32, #tpu.memory_space<vmem>>, vector<16xf32>,
      %mul3A_524 = arith.mulf %scan3A_502#5, %div3A_481 : vector<16xf32>
      %swap3A_525 = arith.index_cast %add3A_299 : i32 to index
      %swap3A_526 = arith.constant 80 : index
      %swap3A_527 = tpu.vector_load %arg7[%swap3A_525, %swap3A_526] {strides = array<i32>} : memref<128x128xf32, #tpu.memory_space<vmem>>, vector<16xf32>,
      tpu.vector_store %arg7[%swap3A_525, %swap3A_526], %mul3A_524 {strides = array<i32>} : memref<128x128xf32, #tpu.memory_space<vmem>>, vector<16xf32>,
      %mul3A_528 = arith.mulf %scan3A_502#6, %div3A_481 : vector<16xf32>
      %swap3A_529 = arith.index_cast %add3A_299 : i32 to index
      %swap3A_530 = arith.constant 96 : index
      %swap3A_531 = tpu.vector_load %arg7[%swap3A_529, %swap3A_530] {strides = array<i32>} : memref<128x128xf32, #tpu.memory_space<vmem>>, vector<16xf32>,
      tpu.vector_store %arg7[%swap3A_529, %swap3A_530], %mul3A_528 {strides = array<i32>} : memref<128x128xf32, #tpu.memory_space<vmem>>, vector<16xf32>,
      %mul3A_532 = arith.mulf %scan3A_502#7, %div3A_481 : vector<16xf32>
      %swap3A_533 = arith.index_cast %add3A_299 : i32 to index
      %swap3A_534 = arith.constant 112 : index
      %swap3A_535 = tpu.vector_load %arg7[%swap3A_533, %swap3A_534] {strides = array<i32>} : memref<128x128xf32, #tpu.memory_space<vmem>>, vector<16xf32>,
      tpu.vector_store %arg7[%swap3A_533, %swap3A_534], %mul3A_532 {strides = array<i32>} : memref<128x128xf32, #tpu.memory_space<vmem>>, vector<16xf32>,
      %mul3A_536 = arith.constant 4 : i32
      %mul3A_537 = arith.muli %scan3A_69, %mul3A_536 : i32
      %add3A_538 = arith.constant 2 : i32
      %add3A_539 = arith.addi %mul3A_537, %add3A_538 : i32
      %dma_wait3A_540 = arith.constant 2 : i32
      %dma_wait3A_541 = arith.constant 0 : i32
      %dma_wait3A_542 = arith.constant 0 : i32
      %dma_wait3A_543 = tpu.memref_slice %arg6[%dma_wait3A_540, %dma_wait3A_541, %dma_wait3A_542] : memref<4x200x64xi32, #tpu.memory_space<vmem>> -> memref<1x128x64xi32, #tpu.memory_space<vmem>>
      %dma_wait3A_544 = tpu.memref_squeeze %dma_wait3A_543 : memref<1x128x64xi32, #tpu.memory_space<vmem>> -> memref<128x64xi32, #tpu.memory_space<vmem>>
      %dma_wait3A_545 = arith.constant 0 : i32
      %dma_wait3A_546 = tpu.memref_slice %arg5[%dma_wait3A_545] : memref<25600xi32, #tpu.memory_space<vmem>> -> memref<128xi32, #tpu.memory_space<vmem>>
      %dma_wait3A_547 = arith.constant 0 : i32
      %dma_wait3A_548 = arith.constant 0 : i32
      %dma_wait3A_549 = tpu.memref_slice %arg3[%dma_wait3A_547, %dma_wait3A_548] : memref<100000x64xi32, #tpu.memory_space<hbm>> -> memref<100000x64xi32, #tpu.memory_space<hbm>>
      tpu.wait_indirect_dma semaphore(%arg10 : memref<!tpu.dma_semaphore, #tpu.memory_space<semaphore_mem>>) src(%dma_wait3A_549 : memref<100000x64xi32, #tpu.memory_space<hbm>>) dst(%dma_wait3A_544 : memref<128x64xi32, #tpu.memory_space<vmem>>)
      %dma_wait3A_550 = arith.constant 2 : i32
      %dma_wait3A_551 = arith.constant 128 : i32
      %dma_wait3A_552 = arith.constant 0 : i32
      %dma_wait3A_553 = tpu.memref_slice %arg6[%dma_wait3A_550, %dma_wait3A_551, %dma_wait3A_552] : memref<4x200x64xi32, #tpu.memory_space<vmem>> -> memref<1x72x64xi32, #tpu.memory_space<vmem>>
      %dma_wait3A_554 = tpu.memref_squeeze %dma_wait3A_553 : memref<1x72x64xi32, #tpu.memory_space<vmem>> -> memref<72x64xi32, #tpu.memory_space<vmem>>
      %dma_wait3A_555 = arith.constant 128 : i32
      %dma_wait3A_556 = tpu.memref_slice %arg5[%dma_wait3A_555] : memref<25600xi32, #tpu.memory_space<vmem>> -> memref<72xi32, #tpu.memory_space<vmem>>
      %dma_wait3A_557 = arith.constant 0 : i32
      %dma_wait3A_558 = arith.constant 0 : i32
      %dma_wait3A_559 = tpu.memref_slice %arg3[%dma_wait3A_557, %dma_wait3A_558] : memref<100000x64xi32, #tpu.memory_space<hbm>> -> memref<100000x64xi32, #tpu.memory_space<hbm>>
      tpu.wait_indirect_dma semaphore(%arg10 : memref<!tpu.dma_semaphore, #tpu.memory_space<semaphore_mem>>) src(%dma_wait3A_559 : memref<100000x64xi32, #tpu.memory_space<hbm>>) dst(%dma_wait3A_554 : memref<72x64xi32, #tpu.memory_space<vmem>>)
      %lt3A_560 = arith.constant 125 : i32
      %lt3A_561 = arith.cmpi slt, %add3A_539, %lt3A_560 : i32
      %convert_element_type3A_562 = arith.extui %lt3A_561 : i1 to i32
      %cond3A_563 = arith.constant 0 : i32
      %cond3A_564 = arith.cmpi ne, %convert_element_type3A_562, %cond3A_563 : i32
      scf.if %cond3A_564 {
        %add3A_1016 = arith.constant 3 : i32
        %add3A_1017 = arith.addi %add3A_539, %add3A_1016 : i32
        %mul3A_1018 = arith.constant 200 : i32
        %mul3A_1019 = arith.muli %add3A_1017, %mul3A_1018 : i32
        %dma_start3A_1020 = arith.constant 1 : i32
        %dma_start3A_1021 = arith.constant 0 : i32
        %dma_start3A_1022 = arith.constant 0 : i32
        %dma_start3A_1023 = tpu.memref_slice %arg6[%dma_start3A_1020, %dma_start3A_1021, %dma_start3A_1022] : memref<4x200x64xi32, #tpu.memory_space<vmem>> -> memref<1x128x64xi32, #tpu.memory_space<vmem>>
        %dma_start3A_1024 = tpu.memref_squeeze %dma_start3A_1023 : memref<1x128x64xi32, #tpu.memory_space<vmem>> -> memref<128x64xi32, #tpu.memory_space<vmem>>
        %dma_start3A_1025 = tpu.memref_slice %arg5[%mul3A_1019] : memref<25600xi32, #tpu.memory_space<vmem>> -> memref<128xi32, #tpu.memory_space<vmem>>
        %dma_start3A_1026 = arith.constant 0 : i32
        %dma_start3A_1027 = arith.constant 0 : i32
        %dma_start3A_1028 = tpu.memref_slice %arg3[%dma_start3A_1026, %dma_start3A_1027] : memref<100000x64xi32, #tpu.memory_space<hbm>> -> memref<100000x64xi32, #tpu.memory_space<hbm>>
        tpu.enqueue_indirect_dma source(%dma_start3A_1028 : memref<100000x64xi32, #tpu.memory_space<hbm>>) target(%dma_start3A_1024 : memref<128x64xi32, #tpu.memory_space<vmem>>) offsets(%dma_start3A_1025 : memref<128xi32, #tpu.memory_space<vmem>>) semaphore(%arg9 : memref<!tpu.dma_semaphore, #tpu.memory_space<semaphore_mem>>)
        %mul3A_1029 = arith.constant 200 : i32
        %mul3A_1030 = arith.muli %add3A_1017, %mul3A_1029 : i32
        %add3A_1031 = arith.constant 128 : i32
        %add3A_1032 = arith.addi %mul3A_1030, %add3A_1031 : i32
        %dma_start3A_1033 = arith.constant 1 : i32
        %dma_start3A_1034 = arith.constant 128 : i32
        %dma_start3A_1035 = arith.constant 0 : i32
        %dma_start3A_1036 = tpu.memref_slice %arg6[%dma_start3A_1033, %dma_start3A_1034, %dma_start3A_1035] : memref<4x200x64xi32, #tpu.memory_space<vmem>> -> memref<1x72x64xi32, #tpu.memory_space<vmem>>
        %dma_start3A_1037 = tpu.memref_squeeze %dma_start3A_1036 : memref<1x72x64xi32, #tpu.memory_space<vmem>> -> memref<72x64xi32, #tpu.memory_space<vmem>>
        %dma_start3A_1038 = tpu.memref_slice %arg5[%add3A_1032] : memref<25600xi32, #tpu.memory_space<vmem>> -> memref<72xi32, #tpu.memory_space<vmem>>
        %dma_start3A_1039 = arith.constant 0 : i32
        %dma_start3A_1040 = arith.constant 0 : i32
        %dma_start3A_1041 = tpu.memref_slice %arg3[%dma_start3A_1039, %dma_start3A_1040] : memref<100000x64xi32, #tpu.memory_space<hbm>> -> memref<100000x64xi32, #tpu.memory_space<hbm>>
        tpu.enqueue_indirect_dma source(%dma_start3A_1041 : memref<100000x64xi32, #tpu.memory_space<hbm>>) target(%dma_start3A_1037 : memref<72x64xi32, #tpu.memory_space<vmem>>) offsets(%dma_start3A_1038 : memref<72xi32, #tpu.memory_space<vmem>>) semaphore(%arg9 : memref<!tpu.dma_semaphore, #tpu.memory_space<semaphore_mem>>)
      } else {
      }
      %broadcast_in_dim3A_565 = arith.constant 0 : i32
      %broadcast_in_dim3A_566 = vector.broadcast %broadcast_in_dim3A_565 : i32 to vector<16xi32>
      %mul3A_567 = arith.constant 200 : i32
      %mul3A_568 = arith.muli %add3A_539, %mul3A_567 : i32
      %add3A_569 = arith.constant 0 : i32
      %add3A_570 = arith.addi %mul3A_568, %add3A_569 : i32
      %get3A_571 = arith.index_cast %add3A_570 : i32 to index
      %get3A_572 = tpu.vector_load %arg5[%get3A_571] {strides = array<i32>} : memref<25600xi32, #tpu.memory_space<vmem>>, vector<16xi32>,
      %ne3A_573 = arith.constant 0 : i32
      %ne3A_574 = vector.broadcast %ne3A_573 : i32 to vector<16xi32>
      %ne3A_575 = arith.cmpi ne, %get3A_572, %ne3A_574 : vector<16xi32>
      %all_reduce_population_count3A_576 = tpu.all_reduce %ne3A_575 {dim = 0 : i64, kind = #tpu.reduction_kind<sum>} : vector<16xi1> -> vector<16xi32>
      %add3A_577 = arith.addi %broadcast_in_dim3A_566, %all_reduce_population_count3A_576 : vector<16xi32>
      %mul3A_578 = arith.constant 200 : i32
      %mul3A_579 = arith.muli %add3A_539, %mul3A_578 : i32
      %add3A_580 = arith.constant 16 : i32
      %add3A_581 = arith.addi %mul3A_579, %add3A_580 : i32
      %get3A_582 = arith.index_cast %add3A_581 : i32 to index
      %get3A_583 = tpu.vector_load %arg5[%get3A_582] {strides = array<i32>} : memref<25600xi32, #tpu.memory_space<vmem>>, vector<16xi32>,
      %ne3A_584 = arith.constant 0 : i32
      %ne3A_585 = vector.broadcast %ne3A_584 : i32 to vector<16xi32>
      %ne3A_586 = arith.cmpi ne, %get3A_583, %ne3A_585 : vector<16xi32>
      %all_reduce_population_count3A_587 = tpu.all_reduce %ne3A_586 {dim = 0 : i64, kind = #tpu.reduction_kind<sum>} : vector<16xi1> -> vector<16xi32>
      %add3A_588 = arith.addi %add3A_577, %all_reduce_population_count3A_587 : vector<16xi32>
      %mul3A_589 = arith.constant 200 : i32
      %mul3A_590 = arith.muli %add3A_539, %mul3A_589 : i32
      %add3A_591 = arith.constant 32 : i32
      %add3A_592 = arith.addi %mul3A_590, %add3A_591 : i32
      %get3A_593 = arith.index_cast %add3A_592 : i32 to index
      %get3A_594 = tpu.vector_load %arg5[%get3A_593] {strides = array<i32>} : memref<25600xi32, #tpu.memory_space<vmem>>, vector<16xi32>,
      %ne3A_595 = arith.constant 0 : i32
      %ne3A_596 = vector.broadcast %ne3A_595 : i32 to vector<16xi32>
      %ne3A_597 = arith.cmpi ne, %get3A_594, %ne3A_596 : vector<16xi32>
      %all_reduce_population_count3A_598 = tpu.all_reduce %ne3A_597 {dim = 0 : i64, kind = #tpu.reduction_kind<sum>} : vector<16xi1> -> vector<16xi32>
      %add3A_599 = arith.addi %add3A_588, %all_reduce_population_count3A_598 : vector<16xi32>
      %mul3A_600 = arith.constant 200 : i32
      %mul3A_601 = arith.muli %add3A_539, %mul3A_600 : i32
      %add3A_602 = arith.constant 48 : i32
      %add3A_603 = arith.addi %mul3A_601, %add3A_602 : i32
      %get3A_604 = arith.index_cast %add3A_603 : i32 to index
      %get3A_605 = tpu.vector_load %arg5[%get3A_604] {strides = array<i32>} : memref<25600xi32, #tpu.memory_space<vmem>>, vector<16xi32>,
      %ne3A_606 = arith.constant 0 : i32
      %ne3A_607 = vector.broadcast %ne3A_606 : i32 to vector<16xi32>
      %ne3A_608 = arith.cmpi ne, %get3A_605, %ne3A_607 : vector<16xi32>
      %all_reduce_population_count3A_609 = tpu.all_reduce %ne3A_608 {dim = 0 : i64, kind = #tpu.reduction_kind<sum>} : vector<16xi1> -> vector<16xi32>
      %add3A_610 = arith.addi %add3A_599, %all_reduce_population_count3A_609 : vector<16xi32>
      %mul3A_611 = arith.constant 200 : i32
      %mul3A_612 = arith.muli %add3A_539, %mul3A_611 : i32
      %add3A_613 = arith.constant 64 : i32
      %add3A_614 = arith.addi %mul3A_612, %add3A_613 : i32
      %get3A_615 = arith.index_cast %add3A_614 : i32 to index
      %get3A_616 = tpu.vector_load %arg5[%get3A_615] {strides = array<i32>} : memref<25600xi32, #tpu.memory_space<vmem>>, vector<16xi32>,
      %ne3A_617 = arith.constant 0 : i32
      %ne3A_618 = vector.broadcast %ne3A_617 : i32 to vector<16xi32>
      %ne3A_619 = arith.cmpi ne, %get3A_616, %ne3A_618 : vector<16xi32>
      %all_reduce_population_count3A_620 = tpu.all_reduce %ne3A_619 {dim = 0 : i64, kind = #tpu.reduction_kind<sum>} : vector<16xi1> -> vector<16xi32>
      %add3A_621 = arith.addi %add3A_610, %all_reduce_population_count3A_620 : vector<16xi32>
      %mul3A_622 = arith.constant 200 : i32
      %mul3A_623 = arith.muli %add3A_539, %mul3A_622 : i32
      %add3A_624 = arith.constant 80 : i32
      %add3A_625 = arith.addi %mul3A_623, %add3A_624 : i32
      %get3A_626 = arith.index_cast %add3A_625 : i32 to index
      %get3A_627 = tpu.vector_load %arg5[%get3A_626] {strides = array<i32>} : memref<25600xi32, #tpu.memory_space<vmem>>, vector<16xi32>,
      %ne3A_628 = arith.constant 0 : i32
      %ne3A_629 = vector.broadcast %ne3A_628 : i32 to vector<16xi32>
      %ne3A_630 = arith.cmpi ne, %get3A_627, %ne3A_629 : vector<16xi32>
      %all_reduce_population_count3A_631 = tpu.all_reduce %ne3A_630 {dim = 0 : i64, kind = #tpu.reduction_kind<sum>} : vector<16xi1> -> vector<16xi32>
      %add3A_632 = arith.addi %add3A_621, %all_reduce_population_count3A_631 : vector<16xi32>
      %mul3A_633 = arith.constant 200 : i32
      %mul3A_634 = arith.muli %add3A_539, %mul3A_633 : i32
      %add3A_635 = arith.constant 96 : i32
      %add3A_636 = arith.addi %mul3A_634, %add3A_635 : i32
      %get3A_637 = arith.index_cast %add3A_636 : i32 to index
      %get3A_638 = tpu.vector_load %arg5[%get3A_637] {strides = array<i32>} : memref<25600xi32, #tpu.memory_space<vmem>>, vector<16xi32>,
      %ne3A_639 = arith.constant 0 : i32
      %ne3A_640 = vector.broadcast %ne3A_639 : i32 to vector<16xi32>
      %ne3A_641 = arith.cmpi ne, %get3A_638, %ne3A_640 : vector<16xi32>
      %all_reduce_population_count3A_642 = tpu.all_reduce %ne3A_641 {dim = 0 : i64, kind = #tpu.reduction_kind<sum>} : vector<16xi1> -> vector<16xi32>
      %add3A_643 = arith.addi %add3A_632, %all_reduce_population_count3A_642 : vector<16xi32>
      %mul3A_644 = arith.constant 200 : i32
      %mul3A_645 = arith.muli %add3A_539, %mul3A_644 : i32
      %add3A_646 = arith.constant 112 : i32
      %add3A_647 = arith.addi %mul3A_645, %add3A_646 : i32
      %get3A_648 = arith.index_cast %add3A_647 : i32 to index
      %get3A_649 = tpu.vector_load %arg5[%get3A_648] {strides = array<i32>} : memref<25600xi32, #tpu.memory_space<vmem>>, vector<16xi32>,
      %ne3A_650 = arith.constant 0 : i32
      %ne3A_651 = vector.broadcast %ne3A_650 : i32 to vector<16xi32>
      %ne3A_652 = arith.cmpi ne, %get3A_649, %ne3A_651 : vector<16xi32>
      %all_reduce_population_count3A_653 = tpu.all_reduce %ne3A_652 {dim = 0 : i64, kind = #tpu.reduction_kind<sum>} : vector<16xi1> -> vector<16xi32>
      %add3A_654 = arith.addi %add3A_643, %all_reduce_population_count3A_653 : vector<16xi32>
      %mul3A_655 = arith.constant 200 : i32
      %mul3A_656 = arith.muli %add3A_539, %mul3A_655 : i32
      %add3A_657 = arith.constant 128 : i32
      %add3A_658 = arith.addi %mul3A_656, %add3A_657 : i32
      %get3A_659 = arith.index_cast %add3A_658 : i32 to index
      %get3A_660 = tpu.vector_load %arg5[%get3A_659] {strides = array<i32>} : memref<25600xi32, #tpu.memory_space<vmem>>, vector<16xi32>,
      %ne3A_661 = arith.constant 0 : i32
      %ne3A_662 = vector.broadcast %ne3A_661 : i32 to vector<16xi32>
      %ne3A_663 = arith.cmpi ne, %get3A_660, %ne3A_662 : vector<16xi32>
      %all_reduce_population_count3A_664 = tpu.all_reduce %ne3A_663 {dim = 0 : i64, kind = #tpu.reduction_kind<sum>} : vector<16xi1> -> vector<16xi32>
      %add3A_665 = arith.addi %add3A_654, %all_reduce_population_count3A_664 : vector<16xi32>
      %mul3A_666 = arith.constant 200 : i32
      %mul3A_667 = arith.muli %add3A_539, %mul3A_666 : i32
      %add3A_668 = arith.constant 144 : i32
      %add3A_669 = arith.addi %mul3A_667, %add3A_668 : i32
      %get3A_670 = arith.index_cast %add3A_669 : i32 to index
      %get3A_671 = tpu.vector_load %arg5[%get3A_670] {strides = array<i32>} : memref<25600xi32, #tpu.memory_space<vmem>>, vector<16xi32>,
      %ne3A_672 = arith.constant 0 : i32
      %ne3A_673 = vector.broadcast %ne3A_672 : i32 to vector<16xi32>
      %ne3A_674 = arith.cmpi ne, %get3A_671, %ne3A_673 : vector<16xi32>
      %all_reduce_population_count3A_675 = tpu.all_reduce %ne3A_674 {dim = 0 : i64, kind = #tpu.reduction_kind<sum>} : vector<16xi1> -> vector<16xi32>
      %add3A_676 = arith.addi %add3A_665, %all_reduce_population_count3A_675 : vector<16xi32>
      %mul3A_677 = arith.constant 200 : i32
      %mul3A_678 = arith.muli %add3A_539, %mul3A_677 : i32
      %add3A_679 = arith.constant 160 : i32
      %add3A_680 = arith.addi %mul3A_678, %add3A_679 : i32
      %get3A_681 = arith.index_cast %add3A_680 : i32 to index
      %get3A_682 = tpu.vector_load %arg5[%get3A_681] {strides = array<i32>} : memref<25600xi32, #tpu.memory_space<vmem>>, vector<16xi32>,
      %ne3A_683 = arith.constant 0 : i32
      %ne3A_684 = vector.broadcast %ne3A_683 : i32 to vector<16xi32>
      %ne3A_685 = arith.cmpi ne, %get3A_682, %ne3A_684 : vector<16xi32>
      %all_reduce_population_count3A_686 = tpu.all_reduce %ne3A_685 {dim = 0 : i64, kind = #tpu.reduction_kind<sum>} : vector<16xi1> -> vector<16xi32>
      %add3A_687 = arith.addi %add3A_676, %all_reduce_population_count3A_686 : vector<16xi32>
      %mul3A_688 = arith.constant 200 : i32
      %mul3A_689 = arith.muli %add3A_539, %mul3A_688 : i32
      %add3A_690 = arith.constant 176 : i32
      %add3A_691 = arith.addi %mul3A_689, %add3A_690 : i32
      %get3A_692 = arith.index_cast %add3A_691 : i32 to index
      %get3A_693 = tpu.vector_load %arg5[%get3A_692] {strides = array<i32>} : memref<25600xi32, #tpu.memory_space<vmem>>, vector<16xi32>,
      %ne3A_694 = arith.constant 0 : i32
      %ne3A_695 = vector.broadcast %ne3A_694 : i32 to vector<16xi32>
      %ne3A_696 = arith.cmpi ne, %get3A_693, %ne3A_695 : vector<16xi32>
      %all_reduce_population_count3A_697 = tpu.all_reduce %ne3A_696 {dim = 0 : i64, kind = #tpu.reduction_kind<sum>} : vector<16xi1> -> vector<16xi32>
      %add3A_698 = arith.addi %add3A_687, %all_reduce_population_count3A_697 : vector<16xi32>
      %iota3A_699 = tpu.iota {dimensions = array<i32: 0>} : vector<16xi32>
      %mul3A_700 = arith.constant 200 : i32
      %mul3A_701 = arith.muli %add3A_539, %mul3A_700 : i32
      %add3A_702 = arith.constant 184 : i32
      %add3A_703 = arith.addi %mul3A_701, %add3A_702 : i32
      %get3A_704 = arith.index_cast %add3A_703 : i32 to index
      %get3A_705 = tpu.vector_load %arg5[%get3A_704] {strides = array<i32>} : memref<25600xi32, #tpu.memory_space<vmem>>, vector<16xi32>,
      %ne3A_706 = arith.constant 0 : i32
      %ne3A_707 = vector.broadcast %ne3A_706 : i32 to vector<16xi32>
      %ne3A_708 = arith.cmpi ne, %get3A_705, %ne3A_707 : vector<16xi32>
      %ge3A_709 = arith.constant 8 : i32
      %ge3A_710 = vector.broadcast %ge3A_709 : i32 to vector<16xi32>
      %ge3A_711 = arith.cmpi sge, %iota3A_699, %ge3A_710 : vector<16xi32>
      %and3A_712 = arith.andi %ne3A_708, %ge3A_711 : vector<16xi1>
      %all_reduce_population_count3A_713 = tpu.all_reduce %and3A_712 {dim = 0 : i64, kind = #tpu.reduction_kind<sum>} : vector<16xi1> -> vector<16xi32>
      %add3A_714 = arith.addi %add3A_698, %all_reduce_population_count3A_713 : vector<16xi32>
      %convert_element_type3A_715 = arith.sitofp %add3A_714 : vector<16xi32> to vector<16xf32>
      %max3A_716 = arith.constant 1.000000e+00 : f32
      %max3A_717 = vector.broadcast %max3A_716 : f32 to vector<16xf32>
      %max3A_718 = arith.maximumf %convert_element_type3A_715, %max3A_717 : vector<16xf32>
      %div3A_719 = arith.constant 1.000000e+00 : f32
      %div3A_720 = vector.broadcast %div3A_719 : f32 to vector<16xf32>
      %div3A_721 = arith.divf %div3A_720, %max3A_718 : vector<16xf32>
      %broadcast_in_dim3A_722 = arith.constant 0.000000e+00 : f32
      %broadcast_in_dim3A_723 = vector.broadcast %broadcast_in_dim3A_722 : f32 to vector<16xf32>
      %broadcast_in_dim3A_724 = arith.constant 0.000000e+00 : f32
      %broadcast_in_dim3A_725 = vector.broadcast %broadcast_in_dim3A_724 : f32 to vector<16xf32>
      %broadcast_in_dim3A_726 = arith.constant 0.000000e+00 : f32
      %broadcast_in_dim3A_727 = vector.broadcast %broadcast_in_dim3A_726 : f32 to vector<16xf32>
      %broadcast_in_dim3A_728 = arith.constant 0.000000e+00 : f32
      %broadcast_in_dim3A_729 = vector.broadcast %broadcast_in_dim3A_728 : f32 to vector<16xf32>
      %broadcast_in_dim3A_730 = arith.constant 0.000000e+00 : f32
      %broadcast_in_dim3A_731 = vector.broadcast %broadcast_in_dim3A_730 : f32 to vector<16xf32>
      %broadcast_in_dim3A_732 = arith.constant 0.000000e+00 : f32
      %broadcast_in_dim3A_733 = vector.broadcast %broadcast_in_dim3A_732 : f32 to vector<16xf32>
      %broadcast_in_dim3A_734 = arith.constant 0.000000e+00 : f32
      %broadcast_in_dim3A_735 = vector.broadcast %broadcast_in_dim3A_734 : f32 to vector<16xf32>
      %broadcast_in_dim3A_736 = arith.constant 0.000000e+00 : f32
      %broadcast_in_dim3A_737 = vector.broadcast %broadcast_in_dim3A_736 : f32 to vector<16xf32>
      %scan3A_738 = arith.constant 0 : i32
      %scan3A_739 = arith.constant 25 : i32
      %scan3A_740 = arith.addi %scan3A_738, %scan3A_739 : i32
      %scan3A_741 = arith.constant 1 : i32
      %scan3A_742:8 = scf.for %scan3A_1016 = %scan3A_738 to %scan3A_740 step %scan3A_741 iter_args(%scan3A_1017 = %broadcast_in_dim3A_723, %scan3A_1018 = %broadcast_in_dim3A_725, %scan3A_1019 = %broadcast_in_dim3A_727, %scan3A_1020 = %broadcast_in_dim3A_729, %scan3A_1021 = %broadcast_in_dim3A_731, %scan3A_1022 = %broadcast_in_dim3A_733, %scan3A_1023 = %broadcast_in_dim3A_735, %scan3A_1024 = %broadcast_in_dim3A_737) -> (vector<16xf32>, vector<16xf32>, vector<16xf32>, vector<16xf32>, vector<16xf32>, vector<16xf32>, vector<16xf32>, vector<16xf32>)  : i32 {
        %mul3A_1025 = arith.constant 8 : i32
        %mul3A_1026 = arith.muli %scan3A_1016, %mul3A_1025 : i32
        %add3A_1027 = arith.constant 0 : i32
        %add3A_1028 = arith.addi %mul3A_1026, %add3A_1027 : i32
        %get3A_1029 = arith.constant 2 : i32
        %get3A_1030 = arith.index_cast %get3A_1029 : i32 to index
        %get3A_1031 = arith.index_cast %add3A_1028 : i32 to index
        %get3A_1032 = arith.constant 0 : index
        %get3A_1033 = tpu.vector_load %arg6[%get3A_1030, %get3A_1031, %get3A_1032] {strides = array<i32>} : memref<4x200x64xi32, #tpu.memory_space<vmem>>, vector<16xi32>,
        %shift_left3A = arith.constant 16 : i32
        %shift_left3A_1034 = vector.broadcast %shift_left3A : i32 to vector<16xi32>
        %shift_left3A_1035 = arith.shli %get3A_1033, %shift_left3A_1034 : vector<16xi32>
        %bitcast3A = vector.bitcast %shift_left3A_1035 : vector<16xi32> to vector<16xf32>
        %and3A_1036 = arith.constant -65536 : i32
        %and3A_1037 = vector.broadcast %and3A_1036 : i32 to vector<16xi32>
        %and3A_1038 = arith.andi %get3A_1033, %and3A_1037 : vector<16xi32>
        %bitcast3A_1039 = vector.bitcast %and3A_1038 : vector<16xi32> to vector<16xf32>
        %add3A_1040 = arith.addf %scan3A_1017, %bitcast3A : vector<16xf32>
        %add3A_1041 = arith.addf %scan3A_1021, %bitcast3A_1039 : vector<16xf32>
        %add3A_1042 = arith.constant 0 : i32
        %add3A_1043 = arith.addi %mul3A_1026, %add3A_1042 : i32
        %get3A_1044 = arith.constant 2 : i32
        %get3A_1045 = arith.index_cast %get3A_1044 : i32 to index
        %get3A_1046 = arith.index_cast %add3A_1043 : i32 to index
        %get3A_1047 = arith.constant 16 : index
        %get3A_1048 = tpu.vector_load %arg6[%get3A_1045, %get3A_1046, %get3A_1047] {strides = array<i32>} : memref<4x200x64xi32, #tpu.memory_space<vmem>>, vector<16xi32>,
        %shift_left3A_1049 = arith.constant 16 : i32
        %shift_left3A_1050 = vector.broadcast %shift_left3A_1049 : i32 to vector<16xi32>
        %shift_left3A_1051 = arith.shli %get3A_1048, %shift_left3A_1050 : vector<16xi32>
        %bitcast3A_1052 = vector.bitcast %shift_left3A_1051 : vector<16xi32> to vector<16xf32>
        %and3A_1053 = arith.constant -65536 : i32
        %and3A_1054 = vector.broadcast %and3A_1053 : i32 to vector<16xi32>
        %and3A_1055 = arith.andi %get3A_1048, %and3A_1054 : vector<16xi32>
        %bitcast3A_1056 = vector.bitcast %and3A_1055 : vector<16xi32> to vector<16xf32>
        %add3A_1057 = arith.addf %scan3A_1018, %bitcast3A_1052 : vector<16xf32>
        %add3A_1058 = arith.addf %scan3A_1022, %bitcast3A_1056 : vector<16xf32>
        %add3A_1059 = arith.constant 0 : i32
        %add3A_1060 = arith.addi %mul3A_1026, %add3A_1059 : i32
        %get3A_1061 = arith.constant 2 : i32
        %get3A_1062 = arith.index_cast %get3A_1061 : i32 to index
        %get3A_1063 = arith.index_cast %add3A_1060 : i32 to index
        %get3A_1064 = arith.constant 32 : index
        %get3A_1065 = tpu.vector_load %arg6[%get3A_1062, %get3A_1063, %get3A_1064] {strides = array<i32>} : memref<4x200x64xi32, #tpu.memory_space<vmem>>, vector<16xi32>,
        %shift_left3A_1066 = arith.constant 16 : i32
        %shift_left3A_1067 = vector.broadcast %shift_left3A_1066 : i32 to vector<16xi32>
        %shift_left3A_1068 = arith.shli %get3A_1065, %shift_left3A_1067 : vector<16xi32>
        %bitcast3A_1069 = vector.bitcast %shift_left3A_1068 : vector<16xi32> to vector<16xf32>
        %and3A_1070 = arith.constant -65536 : i32
        %and3A_1071 = vector.broadcast %and3A_1070 : i32 to vector<16xi32>
        %and3A_1072 = arith.andi %get3A_1065, %and3A_1071 : vector<16xi32>
        %bitcast3A_1073 = vector.bitcast %and3A_1072 : vector<16xi32> to vector<16xf32>
        %add3A_1074 = arith.addf %scan3A_1019, %bitcast3A_1069 : vector<16xf32>
        %add3A_1075 = arith.addf %scan3A_1023, %bitcast3A_1073 : vector<16xf32>
        %add3A_1076 = arith.constant 0 : i32
        %add3A_1077 = arith.addi %mul3A_1026, %add3A_1076 : i32
        %get3A_1078 = arith.constant 2 : i32
        %get3A_1079 = arith.index_cast %get3A_1078 : i32 to index
        %get3A_1080 = arith.index_cast %add3A_1077 : i32 to index
        %get3A_1081 = arith.constant 48 : index
        %get3A_1082 = tpu.vector_load %arg6[%get3A_1079, %get3A_1080, %get3A_1081] {strides = array<i32>} : memref<4x200x64xi32, #tpu.memory_space<vmem>>, vector<16xi32>,
        %shift_left3A_1083 = arith.constant 16 : i32
        %shift_left3A_1084 = vector.broadcast %shift_left3A_1083 : i32 to vector<16xi32>
        %shift_left3A_1085 = arith.shli %get3A_1082, %shift_left3A_1084 : vector<16xi32>
        %bitcast3A_1086 = vector.bitcast %shift_left3A_1085 : vector<16xi32> to vector<16xf32>
        %and3A_1087 = arith.constant -65536 : i32
        %and3A_1088 = vector.broadcast %and3A_1087 : i32 to vector<16xi32>
        %and3A_1089 = arith.andi %get3A_1082, %and3A_1088 : vector<16xi32>
        %bitcast3A_1090 = vector.bitcast %and3A_1089 : vector<16xi32> to vector<16xf32>
        %add3A_1091 = arith.addf %scan3A_1020, %bitcast3A_1086 : vector<16xf32>
        %add3A_1092 = arith.addf %scan3A_1024, %bitcast3A_1090 : vector<16xf32>
        %add3A_1093 = arith.constant 1 : i32
        %add3A_1094 = arith.addi %mul3A_1026, %add3A_1093 : i32
        %get3A_1095 = arith.constant 2 : i32
        %get3A_1096 = arith.index_cast %get3A_1095 : i32 to index
        %get3A_1097 = arith.index_cast %add3A_1094 : i32 to index
        %get3A_1098 = arith.constant 0 : index
        %get3A_1099 = tpu.vector_load %arg6[%get3A_1096, %get3A_1097, %get3A_1098] {strides = array<i32>} : memref<4x200x64xi32, #tpu.memory_space<vmem>>, vector<16xi32>,
        %shift_left3A_1100 = arith.constant 16 : i32
        %shift_left3A_1101 = vector.broadcast %shift_left3A_1100 : i32 to vector<16xi32>
        %shift_left3A_1102 = arith.shli %get3A_1099, %shift_left3A_1101 : vector<16xi32>
        %bitcast3A_1103 = vector.bitcast %shift_left3A_1102 : vector<16xi32> to vector<16xf32>
        %and3A_1104 = arith.constant -65536 : i32
        %and3A_1105 = vector.broadcast %and3A_1104 : i32 to vector<16xi32>
        %and3A_1106 = arith.andi %get3A_1099, %and3A_1105 : vector<16xi32>
        %bitcast3A_1107 = vector.bitcast %and3A_1106 : vector<16xi32> to vector<16xf32>
        %add3A_1108 = arith.addf %add3A_1040, %bitcast3A_1103 : vector<16xf32>
        %add3A_1109 = arith.addf %add3A_1041, %bitcast3A_1107 : vector<16xf32>
        %add3A_1110 = arith.constant 1 : i32
        %add3A_1111 = arith.addi %mul3A_1026, %add3A_1110 : i32
        %get3A_1112 = arith.constant 2 : i32
        %get3A_1113 = arith.index_cast %get3A_1112 : i32 to index
        %get3A_1114 = arith.index_cast %add3A_1111 : i32 to index
        %get3A_1115 = arith.constant 16 : index
        %get3A_1116 = tpu.vector_load %arg6[%get3A_1113, %get3A_1114, %get3A_1115] {strides = array<i32>} : memref<4x200x64xi32, #tpu.memory_space<vmem>>, vector<16xi32>,
        %shift_left3A_1117 = arith.constant 16 : i32
        %shift_left3A_1118 = vector.broadcast %shift_left3A_1117 : i32 to vector<16xi32>
        %shift_left3A_1119 = arith.shli %get3A_1116, %shift_left3A_1118 : vector<16xi32>
        %bitcast3A_1120 = vector.bitcast %shift_left3A_1119 : vector<16xi32> to vector<16xf32>
        %and3A_1121 = arith.constant -65536 : i32
        %and3A_1122 = vector.broadcast %and3A_1121 : i32 to vector<16xi32>
        %and3A_1123 = arith.andi %get3A_1116, %and3A_1122 : vector<16xi32>
        %bitcast3A_1124 = vector.bitcast %and3A_1123 : vector<16xi32> to vector<16xf32>
        %add3A_1125 = arith.addf %add3A_1057, %bitcast3A_1120 : vector<16xf32>
        %add3A_1126 = arith.addf %add3A_1058, %bitcast3A_1124 : vector<16xf32>
        %add3A_1127 = arith.constant 1 : i32
        %add3A_1128 = arith.addi %mul3A_1026, %add3A_1127 : i32
        %get3A_1129 = arith.constant 2 : i32
        %get3A_1130 = arith.index_cast %get3A_1129 : i32 to index
        %get3A_1131 = arith.index_cast %add3A_1128 : i32 to index
        %get3A_1132 = arith.constant 32 : index
        %get3A_1133 = tpu.vector_load %arg6[%get3A_1130, %get3A_1131, %get3A_1132] {strides = array<i32>} : memref<4x200x64xi32, #tpu.memory_space<vmem>>, vector<16xi32>,
        %shift_left3A_1134 = arith.constant 16 : i32
        %shift_left3A_1135 = vector.broadcast %shift_left3A_1134 : i32 to vector<16xi32>
        %shift_left3A_1136 = arith.shli %get3A_1133, %shift_left3A_1135 : vector<16xi32>
        %bitcast3A_1137 = vector.bitcast %shift_left3A_1136 : vector<16xi32> to vector<16xf32>
        %and3A_1138 = arith.constant -65536 : i32
        %and3A_1139 = vector.broadcast %and3A_1138 : i32 to vector<16xi32>
        %and3A_1140 = arith.andi %get3A_1133, %and3A_1139 : vector<16xi32>
        %bitcast3A_1141 = vector.bitcast %and3A_1140 : vector<16xi32> to vector<16xf32>
        %add3A_1142 = arith.addf %add3A_1074, %bitcast3A_1137 : vector<16xf32>
        %add3A_1143 = arith.addf %add3A_1075, %bitcast3A_1141 : vector<16xf32>
        %add3A_1144 = arith.constant 1 : i32
        %add3A_1145 = arith.addi %mul3A_1026, %add3A_1144 : i32
        %get3A_1146 = arith.constant 2 : i32
        %get3A_1147 = arith.index_cast %get3A_1146 : i32 to index
        %get3A_1148 = arith.index_cast %add3A_1145 : i32 to index
        %get3A_1149 = arith.constant 48 : index
        %get3A_1150 = tpu.vector_load %arg6[%get3A_1147, %get3A_1148, %get3A_1149] {strides = array<i32>} : memref<4x200x64xi32, #tpu.memory_space<vmem>>, vector<16xi32>,
        %shift_left3A_1151 = arith.constant 16 : i32
        %shift_left3A_1152 = vector.broadcast %shift_left3A_1151 : i32 to vector<16xi32>
        %shift_left3A_1153 = arith.shli %get3A_1150, %shift_left3A_1152 : vector<16xi32>
        %bitcast3A_1154 = vector.bitcast %shift_left3A_1153 : vector<16xi32> to vector<16xf32>
        %and3A_1155 = arith.constant -65536 : i32
        %and3A_1156 = vector.broadcast %and3A_1155 : i32 to vector<16xi32>
        %and3A_1157 = arith.andi %get3A_1150, %and3A_1156 : vector<16xi32>
        %bitcast3A_1158 = vector.bitcast %and3A_1157 : vector<16xi32> to vector<16xf32>
        %add3A_1159 = arith.addf %add3A_1091, %bitcast3A_1154 : vector<16xf32>
        %add3A_1160 = arith.addf %add3A_1092, %bitcast3A_1158 : vector<16xf32>
        %add3A_1161 = arith.constant 2 : i32
        %add3A_1162 = arith.addi %mul3A_1026, %add3A_1161 : i32
        %get3A_1163 = arith.constant 2 : i32
        %get3A_1164 = arith.index_cast %get3A_1163 : i32 to index
        %get3A_1165 = arith.index_cast %add3A_1162 : i32 to index
        %get3A_1166 = arith.constant 0 : index
        %get3A_1167 = tpu.vector_load %arg6[%get3A_1164, %get3A_1165, %get3A_1166] {strides = array<i32>} : memref<4x200x64xi32, #tpu.memory_space<vmem>>, vector<16xi32>,
        %shift_left3A_1168 = arith.constant 16 : i32
        %shift_left3A_1169 = vector.broadcast %shift_left3A_1168 : i32 to vector<16xi32>
        %shift_left3A_1170 = arith.shli %get3A_1167, %shift_left3A_1169 : vector<16xi32>
        %bitcast3A_1171 = vector.bitcast %shift_left3A_1170 : vector<16xi32> to vector<16xf32>
        %and3A_1172 = arith.constant -65536 : i32
        %and3A_1173 = vector.broadcast %and3A_1172 : i32 to vector<16xi32>
        %and3A_1174 = arith.andi %get3A_1167, %and3A_1173 : vector<16xi32>
        %bitcast3A_1175 = vector.bitcast %and3A_1174 : vector<16xi32> to vector<16xf32>
        %add3A_1176 = arith.addf %add3A_1108, %bitcast3A_1171 : vector<16xf32>
        %add3A_1177 = arith.addf %add3A_1109, %bitcast3A_1175 : vector<16xf32>
        %add3A_1178 = arith.constant 2 : i32
        %add3A_1179 = arith.addi %mul3A_1026, %add3A_1178 : i32
        %get3A_1180 = arith.constant 2 : i32
        %get3A_1181 = arith.index_cast %get3A_1180 : i32 to index
        %get3A_1182 = arith.index_cast %add3A_1179 : i32 to index
        %get3A_1183 = arith.constant 16 : index
        %get3A_1184 = tpu.vector_load %arg6[%get3A_1181, %get3A_1182, %get3A_1183] {strides = array<i32>} : memref<4x200x64xi32, #tpu.memory_space<vmem>>, vector<16xi32>,
        %shift_left3A_1185 = arith.constant 16 : i32
        %shift_left3A_1186 = vector.broadcast %shift_left3A_1185 : i32 to vector<16xi32>
        %shift_left3A_1187 = arith.shli %get3A_1184, %shift_left3A_1186 : vector<16xi32>
        %bitcast3A_1188 = vector.bitcast %shift_left3A_1187 : vector<16xi32> to vector<16xf32>
        %and3A_1189 = arith.constant -65536 : i32
        %and3A_1190 = vector.broadcast %and3A_1189 : i32 to vector<16xi32>
        %and3A_1191 = arith.andi %get3A_1184, %and3A_1190 : vector<16xi32>
        %bitcast3A_1192 = vector.bitcast %and3A_1191 : vector<16xi32> to vector<16xf32>
        %add3A_1193 = arith.addf %add3A_1125, %bitcast3A_1188 : vector<16xf32>
        %add3A_1194 = arith.addf %add3A_1126, %bitcast3A_1192 : vector<16xf32>
        %add3A_1195 = arith.constant 2 : i32
        %add3A_1196 = arith.addi %mul3A_1026, %add3A_1195 : i32
        %get3A_1197 = arith.constant 2 : i32
        %get3A_1198 = arith.index_cast %get3A_1197 : i32 to index
        %get3A_1199 = arith.index_cast %add3A_1196 : i32 to index
        %get3A_1200 = arith.constant 32 : index
        %get3A_1201 = tpu.vector_load %arg6[%get3A_1198, %get3A_1199, %get3A_1200] {strides = array<i32>} : memref<4x200x64xi32, #tpu.memory_space<vmem>>, vector<16xi32>,
        %shift_left3A_1202 = arith.constant 16 : i32
        %shift_left3A_1203 = vector.broadcast %shift_left3A_1202 : i32 to vector<16xi32>
        %shift_left3A_1204 = arith.shli %get3A_1201, %shift_left3A_1203 : vector<16xi32>
        %bitcast3A_1205 = vector.bitcast %shift_left3A_1204 : vector<16xi32> to vector<16xf32>
        %and3A_1206 = arith.constant -65536 : i32
        %and3A_1207 = vector.broadcast %and3A_1206 : i32 to vector<16xi32>
        %and3A_1208 = arith.andi %get3A_1201, %and3A_1207 : vector<16xi32>
        %bitcast3A_1209 = vector.bitcast %and3A_1208 : vector<16xi32> to vector<16xf32>
        %add3A_1210 = arith.addf %add3A_1142, %bitcast3A_1205 : vector<16xf32>
        %add3A_1211 = arith.addf %add3A_1143, %bitcast3A_1209 : vector<16xf32>
        %add3A_1212 = arith.constant 2 : i32
        %add3A_1213 = arith.addi %mul3A_1026, %add3A_1212 : i32
        %get3A_1214 = arith.constant 2 : i32
        %get3A_1215 = arith.index_cast %get3A_1214 : i32 to index
        %get3A_1216 = arith.index_cast %add3A_1213 : i32 to index
        %get3A_1217 = arith.constant 48 : index
        %get3A_1218 = tpu.vector_load %arg6[%get3A_1215, %get3A_1216, %get3A_1217] {strides = array<i32>} : memref<4x200x64xi32, #tpu.memory_space<vmem>>, vector<16xi32>,
        %shift_left3A_1219 = arith.constant 16 : i32
        %shift_left3A_1220 = vector.broadcast %shift_left3A_1219 : i32 to vector<16xi32>
        %shift_left3A_1221 = arith.shli %get3A_1218, %shift_left3A_1220 : vector<16xi32>
        %bitcast3A_1222 = vector.bitcast %shift_left3A_1221 : vector<16xi32> to vector<16xf32>
        %and3A_1223 = arith.constant -65536 : i32
        %and3A_1224 = vector.broadcast %and3A_1223 : i32 to vector<16xi32>
        %and3A_1225 = arith.andi %get3A_1218, %and3A_1224 : vector<16xi32>
        %bitcast3A_1226 = vector.bitcast %and3A_1225 : vector<16xi32> to vector<16xf32>
        %add3A_1227 = arith.addf %add3A_1159, %bitcast3A_1222 : vector<16xf32>
        %add3A_1228 = arith.addf %add3A_1160, %bitcast3A_1226 : vector<16xf32>
        %add3A_1229 = arith.constant 3 : i32
        %add3A_1230 = arith.addi %mul3A_1026, %add3A_1229 : i32
        %get3A_1231 = arith.constant 2 : i32
        %get3A_1232 = arith.index_cast %get3A_1231 : i32 to index
        %get3A_1233 = arith.index_cast %add3A_1230 : i32 to index
        %get3A_1234 = arith.constant 0 : index
        %get3A_1235 = tpu.vector_load %arg6[%get3A_1232, %get3A_1233, %get3A_1234] {strides = array<i32>} : memref<4x200x64xi32, #tpu.memory_space<vmem>>, vector<16xi32>,
        %shift_left3A_1236 = arith.constant 16 : i32
        %shift_left3A_1237 = vector.broadcast %shift_left3A_1236 : i32 to vector<16xi32>
        %shift_left3A_1238 = arith.shli %get3A_1235, %shift_left3A_1237 : vector<16xi32>
        %bitcast3A_1239 = vector.bitcast %shift_left3A_1238 : vector<16xi32> to vector<16xf32>
        %and3A_1240 = arith.constant -65536 : i32
        %and3A_1241 = vector.broadcast %and3A_1240 : i32 to vector<16xi32>
        %and3A_1242 = arith.andi %get3A_1235, %and3A_1241 : vector<16xi32>
        %bitcast3A_1243 = vector.bitcast %and3A_1242 : vector<16xi32> to vector<16xf32>
        %add3A_1244 = arith.addf %add3A_1176, %bitcast3A_1239 : vector<16xf32>
        %add3A_1245 = arith.addf %add3A_1177, %bitcast3A_1243 : vector<16xf32>
        %add3A_1246 = arith.constant 3 : i32
        %add3A_1247 = arith.addi %mul3A_1026, %add3A_1246 : i32
        %get3A_1248 = arith.constant 2 : i32
        %get3A_1249 = arith.index_cast %get3A_1248 : i32 to index
        %get3A_1250 = arith.index_cast %add3A_1247 : i32 to index
        %get3A_1251 = arith.constant 16 : index
        %get3A_1252 = tpu.vector_load %arg6[%get3A_1249, %get3A_1250, %get3A_1251] {strides = array<i32>} : memref<4x200x64xi32, #tpu.memory_space<vmem>>, vector<16xi32>,
        %shift_left3A_1253 = arith.constant 16 : i32
        %shift_left3A_1254 = vector.broadcast %shift_left3A_1253 : i32 to vector<16xi32>
        %shift_left3A_1255 = arith.shli %get3A_1252, %shift_left3A_1254 : vector<16xi32>
        %bitcast3A_1256 = vector.bitcast %shift_left3A_1255 : vector<16xi32> to vector<16xf32>
        %and3A_1257 = arith.constant -65536 : i32
        %and3A_1258 = vector.broadcast %and3A_1257 : i32 to vector<16xi32>
        %and3A_1259 = arith.andi %get3A_1252, %and3A_1258 : vector<16xi32>
        %bitcast3A_1260 = vector.bitcast %and3A_1259 : vector<16xi32> to vector<16xf32>
        %add3A_1261 = arith.addf %add3A_1193, %bitcast3A_1256 : vector<16xf32>
        %add3A_1262 = arith.addf %add3A_1194, %bitcast3A_1260 : vector<16xf32>
        %add3A_1263 = arith.constant 3 : i32
        %add3A_1264 = arith.addi %mul3A_1026, %add3A_1263 : i32
        %get3A_1265 = arith.constant 2 : i32
        %get3A_1266 = arith.index_cast %get3A_1265 : i32 to index
        %get3A_1267 = arith.index_cast %add3A_1264 : i32 to index
        %get3A_1268 = arith.constant 32 : index
        %get3A_1269 = tpu.vector_load %arg6[%get3A_1266, %get3A_1267, %get3A_1268] {strides = array<i32>} : memref<4x200x64xi32, #tpu.memory_space<vmem>>, vector<16xi32>,
        %shift_left3A_1270 = arith.constant 16 : i32
        %shift_left3A_1271 = vector.broadcast %shift_left3A_1270 : i32 to vector<16xi32>
        %shift_left3A_1272 = arith.shli %get3A_1269, %shift_left3A_1271 : vector<16xi32>
        %bitcast3A_1273 = vector.bitcast %shift_left3A_1272 : vector<16xi32> to vector<16xf32>
        %and3A_1274 = arith.constant -65536 : i32
        %and3A_1275 = vector.broadcast %and3A_1274 : i32 to vector<16xi32>
        %and3A_1276 = arith.andi %get3A_1269, %and3A_1275 : vector<16xi32>
        %bitcast3A_1277 = vector.bitcast %and3A_1276 : vector<16xi32> to vector<16xf32>
        %add3A_1278 = arith.addf %add3A_1210, %bitcast3A_1273 : vector<16xf32>
        %add3A_1279 = arith.addf %add3A_1211, %bitcast3A_1277 : vector<16xf32>
        %add3A_1280 = arith.constant 3 : i32
        %add3A_1281 = arith.addi %mul3A_1026, %add3A_1280 : i32
        %get3A_1282 = arith.constant 2 : i32
        %get3A_1283 = arith.index_cast %get3A_1282 : i32 to index
        %get3A_1284 = arith.index_cast %add3A_1281 : i32 to index
        %get3A_1285 = arith.constant 48 : index
        %get3A_1286 = tpu.vector_load %arg6[%get3A_1283, %get3A_1284, %get3A_1285] {strides = array<i32>} : memref<4x200x64xi32, #tpu.memory_space<vmem>>, vector<16xi32>,
        %shift_left3A_1287 = arith.constant 16 : i32
        %shift_left3A_1288 = vector.broadcast %shift_left3A_1287 : i32 to vector<16xi32>
        %shift_left3A_1289 = arith.shli %get3A_1286, %shift_left3A_1288 : vector<16xi32>
        %bitcast3A_1290 = vector.bitcast %shift_left3A_1289 : vector<16xi32> to vector<16xf32>
        %and3A_1291 = arith.constant -65536 : i32
        %and3A_1292 = vector.broadcast %and3A_1291 : i32 to vector<16xi32>
        %and3A_1293 = arith.andi %get3A_1286, %and3A_1292 : vector<16xi32>
        %bitcast3A_1294 = vector.bitcast %and3A_1293 : vector<16xi32> to vector<16xf32>
        %add3A_1295 = arith.addf %add3A_1227, %bitcast3A_1290 : vector<16xf32>
        %add3A_1296 = arith.addf %add3A_1228, %bitcast3A_1294 : vector<16xf32>
        %add3A_1297 = arith.constant 4 : i32
        %add3A_1298 = arith.addi %mul3A_1026, %add3A_1297 : i32
        %get3A_1299 = arith.constant 2 : i32
        %get3A_1300 = arith.index_cast %get3A_1299 : i32 to index
        %get3A_1301 = arith.index_cast %add3A_1298 : i32 to index
        %get3A_1302 = arith.constant 0 : index
        %get3A_1303 = tpu.vector_load %arg6[%get3A_1300, %get3A_1301, %get3A_1302] {strides = array<i32>} : memref<4x200x64xi32, #tpu.memory_space<vmem>>, vector<16xi32>,
        %shift_left3A_1304 = arith.constant 16 : i32
        %shift_left3A_1305 = vector.broadcast %shift_left3A_1304 : i32 to vector<16xi32>
        %shift_left3A_1306 = arith.shli %get3A_1303, %shift_left3A_1305 : vector<16xi32>
        %bitcast3A_1307 = vector.bitcast %shift_left3A_1306 : vector<16xi32> to vector<16xf32>
        %and3A_1308 = arith.constant -65536 : i32
        %and3A_1309 = vector.broadcast %and3A_1308 : i32 to vector<16xi32>
        %and3A_1310 = arith.andi %get3A_1303, %and3A_1309 : vector<16xi32>
        %bitcast3A_1311 = vector.bitcast %and3A_1310 : vector<16xi32> to vector<16xf32>
        %add3A_1312 = arith.addf %add3A_1244, %bitcast3A_1307 : vector<16xf32>
        %add3A_1313 = arith.addf %add3A_1245, %bitcast3A_1311 : vector<16xf32>
        %add3A_1314 = arith.constant 4 : i32
        %add3A_1315 = arith.addi %mul3A_1026, %add3A_1314 : i32
        %get3A_1316 = arith.constant 2 : i32
        %get3A_1317 = arith.index_cast %get3A_1316 : i32 to index
        %get3A_1318 = arith.index_cast %add3A_1315 : i32 to index
        %get3A_1319 = arith.constant 16 : index
        %get3A_1320 = tpu.vector_load %arg6[%get3A_1317, %get3A_1318, %get3A_1319] {strides = array<i32>} : memref<4x200x64xi32, #tpu.memory_space<vmem>>, vector<16xi32>,
        %shift_left3A_1321 = arith.constant 16 : i32
        %shift_left3A_1322 = vector.broadcast %shift_left3A_1321 : i32 to vector<16xi32>
        %shift_left3A_1323 = arith.shli %get3A_1320, %shift_left3A_1322 : vector<16xi32>
        %bitcast3A_1324 = vector.bitcast %shift_left3A_1323 : vector<16xi32> to vector<16xf32>
        %and3A_1325 = arith.constant -65536 : i32
        %and3A_1326 = vector.broadcast %and3A_1325 : i32 to vector<16xi32>
        %and3A_1327 = arith.andi %get3A_1320, %and3A_1326 : vector<16xi32>
        %bitcast3A_1328 = vector.bitcast %and3A_1327 : vector<16xi32> to vector<16xf32>
        %add3A_1329 = arith.addf %add3A_1261, %bitcast3A_1324 : vector<16xf32>
        %add3A_1330 = arith.addf %add3A_1262, %bitcast3A_1328 : vector<16xf32>
        %add3A_1331 = arith.constant 4 : i32
        %add3A_1332 = arith.addi %mul3A_1026, %add3A_1331 : i32
        %get3A_1333 = arith.constant 2 : i32
        %get3A_1334 = arith.index_cast %get3A_1333 : i32 to index
        %get3A_1335 = arith.index_cast %add3A_1332 : i32 to index
        %get3A_1336 = arith.constant 32 : index
        %get3A_1337 = tpu.vector_load %arg6[%get3A_1334, %get3A_1335, %get3A_1336] {strides = array<i32>} : memref<4x200x64xi32, #tpu.memory_space<vmem>>, vector<16xi32>,
        %shift_left3A_1338 = arith.constant 16 : i32
        %shift_left3A_1339 = vector.broadcast %shift_left3A_1338 : i32 to vector<16xi32>
        %shift_left3A_1340 = arith.shli %get3A_1337, %shift_left3A_1339 : vector<16xi32>
        %bitcast3A_1341 = vector.bitcast %shift_left3A_1340 : vector<16xi32> to vector<16xf32>
        %and3A_1342 = arith.constant -65536 : i32
        %and3A_1343 = vector.broadcast %and3A_1342 : i32 to vector<16xi32>
        %and3A_1344 = arith.andi %get3A_1337, %and3A_1343 : vector<16xi32>
        %bitcast3A_1345 = vector.bitcast %and3A_1344 : vector<16xi32> to vector<16xf32>
        %add3A_1346 = arith.addf %add3A_1278, %bitcast3A_1341 : vector<16xf32>
        %add3A_1347 = arith.addf %add3A_1279, %bitcast3A_1345 : vector<16xf32>
        %add3A_1348 = arith.constant 4 : i32
        %add3A_1349 = arith.addi %mul3A_1026, %add3A_1348 : i32
        %get3A_1350 = arith.constant 2 : i32
        %get3A_1351 = arith.index_cast %get3A_1350 : i32 to index
        %get3A_1352 = arith.index_cast %add3A_1349 : i32 to index
        %get3A_1353 = arith.constant 48 : index
        %get3A_1354 = tpu.vector_load %arg6[%get3A_1351, %get3A_1352, %get3A_1353] {strides = array<i32>} : memref<4x200x64xi32, #tpu.memory_space<vmem>>, vector<16xi32>,
        %shift_left3A_1355 = arith.constant 16 : i32
        %shift_left3A_1356 = vector.broadcast %shift_left3A_1355 : i32 to vector<16xi32>
        %shift_left3A_1357 = arith.shli %get3A_1354, %shift_left3A_1356 : vector<16xi32>
        %bitcast3A_1358 = vector.bitcast %shift_left3A_1357 : vector<16xi32> to vector<16xf32>
        %and3A_1359 = arith.constant -65536 : i32
        %and3A_1360 = vector.broadcast %and3A_1359 : i32 to vector<16xi32>
        %and3A_1361 = arith.andi %get3A_1354, %and3A_1360 : vector<16xi32>
        %bitcast3A_1362 = vector.bitcast %and3A_1361 : vector<16xi32> to vector<16xf32>
        %add3A_1363 = arith.addf %add3A_1295, %bitcast3A_1358 : vector<16xf32>
        %add3A_1364 = arith.addf %add3A_1296, %bitcast3A_1362 : vector<16xf32>
        %add3A_1365 = arith.constant 5 : i32
        %add3A_1366 = arith.addi %mul3A_1026, %add3A_1365 : i32
        %get3A_1367 = arith.constant 2 : i32
        %get3A_1368 = arith.index_cast %get3A_1367 : i32 to index
        %get3A_1369 = arith.index_cast %add3A_1366 : i32 to index
        %get3A_1370 = arith.constant 0 : index
        %get3A_1371 = tpu.vector_load %arg6[%get3A_1368, %get3A_1369, %get3A_1370] {strides = array<i32>} : memref<4x200x64xi32, #tpu.memory_space<vmem>>, vector<16xi32>,
        %shift_left3A_1372 = arith.constant 16 : i32
        %shift_left3A_1373 = vector.broadcast %shift_left3A_1372 : i32 to vector<16xi32>
        %shift_left3A_1374 = arith.shli %get3A_1371, %shift_left3A_1373 : vector<16xi32>
        %bitcast3A_1375 = vector.bitcast %shift_left3A_1374 : vector<16xi32> to vector<16xf32>
        %and3A_1376 = arith.constant -65536 : i32
        %and3A_1377 = vector.broadcast %and3A_1376 : i32 to vector<16xi32>
        %and3A_1378 = arith.andi %get3A_1371, %and3A_1377 : vector<16xi32>
        %bitcast3A_1379 = vector.bitcast %and3A_1378 : vector<16xi32> to vector<16xf32>
        %add3A_1380 = arith.addf %add3A_1312, %bitcast3A_1375 : vector<16xf32>
        %add3A_1381 = arith.addf %add3A_1313, %bitcast3A_1379 : vector<16xf32>
        %add3A_1382 = arith.constant 5 : i32
        %add3A_1383 = arith.addi %mul3A_1026, %add3A_1382 : i32
        %get3A_1384 = arith.constant 2 : i32
        %get3A_1385 = arith.index_cast %get3A_1384 : i32 to index
        %get3A_1386 = arith.index_cast %add3A_1383 : i32 to index
        %get3A_1387 = arith.constant 16 : index
        %get3A_1388 = tpu.vector_load %arg6[%get3A_1385, %get3A_1386, %get3A_1387] {strides = array<i32>} : memref<4x200x64xi32, #tpu.memory_space<vmem>>, vector<16xi32>,
        %shift_left3A_1389 = arith.constant 16 : i32
        %shift_left3A_1390 = vector.broadcast %shift_left3A_1389 : i32 to vector<16xi32>
        %shift_left3A_1391 = arith.shli %get3A_1388, %shift_left3A_1390 : vector<16xi32>
        %bitcast3A_1392 = vector.bitcast %shift_left3A_1391 : vector<16xi32> to vector<16xf32>
        %and3A_1393 = arith.constant -65536 : i32
        %and3A_1394 = vector.broadcast %and3A_1393 : i32 to vector<16xi32>
        %and3A_1395 = arith.andi %get3A_1388, %and3A_1394 : vector<16xi32>
        %bitcast3A_1396 = vector.bitcast %and3A_1395 : vector<16xi32> to vector<16xf32>
        %add3A_1397 = arith.addf %add3A_1329, %bitcast3A_1392 : vector<16xf32>
        %add3A_1398 = arith.addf %add3A_1330, %bitcast3A_1396 : vector<16xf32>
        %add3A_1399 = arith.constant 5 : i32
        %add3A_1400 = arith.addi %mul3A_1026, %add3A_1399 : i32
        %get3A_1401 = arith.constant 2 : i32
        %get3A_1402 = arith.index_cast %get3A_1401 : i32 to index
        %get3A_1403 = arith.index_cast %add3A_1400 : i32 to index
        %get3A_1404 = arith.constant 32 : index
        %get3A_1405 = tpu.vector_load %arg6[%get3A_1402, %get3A_1403, %get3A_1404] {strides = array<i32>} : memref<4x200x64xi32, #tpu.memory_space<vmem>>, vector<16xi32>,
        %shift_left3A_1406 = arith.constant 16 : i32
        %shift_left3A_1407 = vector.broadcast %shift_left3A_1406 : i32 to vector<16xi32>
        %shift_left3A_1408 = arith.shli %get3A_1405, %shift_left3A_1407 : vector<16xi32>
        %bitcast3A_1409 = vector.bitcast %shift_left3A_1408 : vector<16xi32> to vector<16xf32>
        %and3A_1410 = arith.constant -65536 : i32
        %and3A_1411 = vector.broadcast %and3A_1410 : i32 to vector<16xi32>
        %and3A_1412 = arith.andi %get3A_1405, %and3A_1411 : vector<16xi32>
        %bitcast3A_1413 = vector.bitcast %and3A_1412 : vector<16xi32> to vector<16xf32>
        %add3A_1414 = arith.addf %add3A_1346, %bitcast3A_1409 : vector<16xf32>
        %add3A_1415 = arith.addf %add3A_1347, %bitcast3A_1413 : vector<16xf32>
        %add3A_1416 = arith.constant 5 : i32
        %add3A_1417 = arith.addi %mul3A_1026, %add3A_1416 : i32
        %get3A_1418 = arith.constant 2 : i32
        %get3A_1419 = arith.index_cast %get3A_1418 : i32 to index
        %get3A_1420 = arith.index_cast %add3A_1417 : i32 to index
        %get3A_1421 = arith.constant 48 : index
        %get3A_1422 = tpu.vector_load %arg6[%get3A_1419, %get3A_1420, %get3A_1421] {strides = array<i32>} : memref<4x200x64xi32, #tpu.memory_space<vmem>>, vector<16xi32>,
        %shift_left3A_1423 = arith.constant 16 : i32
        %shift_left3A_1424 = vector.broadcast %shift_left3A_1423 : i32 to vector<16xi32>
        %shift_left3A_1425 = arith.shli %get3A_1422, %shift_left3A_1424 : vector<16xi32>
        %bitcast3A_1426 = vector.bitcast %shift_left3A_1425 : vector<16xi32> to vector<16xf32>
        %and3A_1427 = arith.constant -65536 : i32
        %and3A_1428 = vector.broadcast %and3A_1427 : i32 to vector<16xi32>
        %and3A_1429 = arith.andi %get3A_1422, %and3A_1428 : vector<16xi32>
        %bitcast3A_1430 = vector.bitcast %and3A_1429 : vector<16xi32> to vector<16xf32>
        %add3A_1431 = arith.addf %add3A_1363, %bitcast3A_1426 : vector<16xf32>
        %add3A_1432 = arith.addf %add3A_1364, %bitcast3A_1430 : vector<16xf32>
        %add3A_1433 = arith.constant 6 : i32
        %add3A_1434 = arith.addi %mul3A_1026, %add3A_1433 : i32
        %get3A_1435 = arith.constant 2 : i32
        %get3A_1436 = arith.index_cast %get3A_1435 : i32 to index
        %get3A_1437 = arith.index_cast %add3A_1434 : i32 to index
        %get3A_1438 = arith.constant 0 : index
        %get3A_1439 = tpu.vector_load %arg6[%get3A_1436, %get3A_1437, %get3A_1438] {strides = array<i32>} : memref<4x200x64xi32, #tpu.memory_space<vmem>>, vector<16xi32>,
        %shift_left3A_1440 = arith.constant 16 : i32
        %shift_left3A_1441 = vector.broadcast %shift_left3A_1440 : i32 to vector<16xi32>
        %shift_left3A_1442 = arith.shli %get3A_1439, %shift_left3A_1441 : vector<16xi32>
        %bitcast3A_1443 = vector.bitcast %shift_left3A_1442 : vector<16xi32> to vector<16xf32>
        %and3A_1444 = arith.constant -65536 : i32
        %and3A_1445 = vector.broadcast %and3A_1444 : i32 to vector<16xi32>
        %and3A_1446 = arith.andi %get3A_1439, %and3A_1445 : vector<16xi32>
        %bitcast3A_1447 = vector.bitcast %and3A_1446 : vector<16xi32> to vector<16xf32>
        %add3A_1448 = arith.addf %add3A_1380, %bitcast3A_1443 : vector<16xf32>
        %add3A_1449 = arith.addf %add3A_1381, %bitcast3A_1447 : vector<16xf32>
        %add3A_1450 = arith.constant 6 : i32
        %add3A_1451 = arith.addi %mul3A_1026, %add3A_1450 : i32
        %get3A_1452 = arith.constant 2 : i32
        %get3A_1453 = arith.index_cast %get3A_1452 : i32 to index
        %get3A_1454 = arith.index_cast %add3A_1451 : i32 to index
        %get3A_1455 = arith.constant 16 : index
        %get3A_1456 = tpu.vector_load %arg6[%get3A_1453, %get3A_1454, %get3A_1455] {strides = array<i32>} : memref<4x200x64xi32, #tpu.memory_space<vmem>>, vector<16xi32>,
        %shift_left3A_1457 = arith.constant 16 : i32
        %shift_left3A_1458 = vector.broadcast %shift_left3A_1457 : i32 to vector<16xi32>
        %shift_left3A_1459 = arith.shli %get3A_1456, %shift_left3A_1458 : vector<16xi32>
        %bitcast3A_1460 = vector.bitcast %shift_left3A_1459 : vector<16xi32> to vector<16xf32>
        %and3A_1461 = arith.constant -65536 : i32
        %and3A_1462 = vector.broadcast %and3A_1461 : i32 to vector<16xi32>
        %and3A_1463 = arith.andi %get3A_1456, %and3A_1462 : vector<16xi32>
        %bitcast3A_1464 = vector.bitcast %and3A_1463 : vector<16xi32> to vector<16xf32>
        %add3A_1465 = arith.addf %add3A_1397, %bitcast3A_1460 : vector<16xf32>
        %add3A_1466 = arith.addf %add3A_1398, %bitcast3A_1464 : vector<16xf32>
        %add3A_1467 = arith.constant 6 : i32
        %add3A_1468 = arith.addi %mul3A_1026, %add3A_1467 : i32
        %get3A_1469 = arith.constant 2 : i32
        %get3A_1470 = arith.index_cast %get3A_1469 : i32 to index
        %get3A_1471 = arith.index_cast %add3A_1468 : i32 to index
        %get3A_1472 = arith.constant 32 : index
        %get3A_1473 = tpu.vector_load %arg6[%get3A_1470, %get3A_1471, %get3A_1472] {strides = array<i32>} : memref<4x200x64xi32, #tpu.memory_space<vmem>>, vector<16xi32>,
        %shift_left3A_1474 = arith.constant 16 : i32
        %shift_left3A_1475 = vector.broadcast %shift_left3A_1474 : i32 to vector<16xi32>
        %shift_left3A_1476 = arith.shli %get3A_1473, %shift_left3A_1475 : vector<16xi32>
        %bitcast3A_1477 = vector.bitcast %shift_left3A_1476 : vector<16xi32> to vector<16xf32>
        %and3A_1478 = arith.constant -65536 : i32
        %and3A_1479 = vector.broadcast %and3A_1478 : i32 to vector<16xi32>
        %and3A_1480 = arith.andi %get3A_1473, %and3A_1479 : vector<16xi32>
        %bitcast3A_1481 = vector.bitcast %and3A_1480 : vector<16xi32> to vector<16xf32>
        %add3A_1482 = arith.addf %add3A_1414, %bitcast3A_1477 : vector<16xf32>
        %add3A_1483 = arith.addf %add3A_1415, %bitcast3A_1481 : vector<16xf32>
        %add3A_1484 = arith.constant 6 : i32
        %add3A_1485 = arith.addi %mul3A_1026, %add3A_1484 : i32
        %get3A_1486 = arith.constant 2 : i32
        %get3A_1487 = arith.index_cast %get3A_1486 : i32 to index
        %get3A_1488 = arith.index_cast %add3A_1485 : i32 to index
        %get3A_1489 = arith.constant 48 : index
        %get3A_1490 = tpu.vector_load %arg6[%get3A_1487, %get3A_1488, %get3A_1489] {strides = array<i32>} : memref<4x200x64xi32, #tpu.memory_space<vmem>>, vector<16xi32>,
        %shift_left3A_1491 = arith.constant 16 : i32
        %shift_left3A_1492 = vector.broadcast %shift_left3A_1491 : i32 to vector<16xi32>
        %shift_left3A_1493 = arith.shli %get3A_1490, %shift_left3A_1492 : vector<16xi32>
        %bitcast3A_1494 = vector.bitcast %shift_left3A_1493 : vector<16xi32> to vector<16xf32>
        %and3A_1495 = arith.constant -65536 : i32
        %and3A_1496 = vector.broadcast %and3A_1495 : i32 to vector<16xi32>
        %and3A_1497 = arith.andi %get3A_1490, %and3A_1496 : vector<16xi32>
        %bitcast3A_1498 = vector.bitcast %and3A_1497 : vector<16xi32> to vector<16xf32>
        %add3A_1499 = arith.addf %add3A_1431, %bitcast3A_1494 : vector<16xf32>
        %add3A_1500 = arith.addf %add3A_1432, %bitcast3A_1498 : vector<16xf32>
        %add3A_1501 = arith.constant 7 : i32
        %add3A_1502 = arith.addi %mul3A_1026, %add3A_1501 : i32
        %get3A_1503 = arith.constant 2 : i32
        %get3A_1504 = arith.index_cast %get3A_1503 : i32 to index
        %get3A_1505 = arith.index_cast %add3A_1502 : i32 to index
        %get3A_1506 = arith.constant 0 : index
        %get3A_1507 = tpu.vector_load %arg6[%get3A_1504, %get3A_1505, %get3A_1506] {strides = array<i32>} : memref<4x200x64xi32, #tpu.memory_space<vmem>>, vector<16xi32>,
        %shift_left3A_1508 = arith.constant 16 : i32
        %shift_left3A_1509 = vector.broadcast %shift_left3A_1508 : i32 to vector<16xi32>
        %shift_left3A_1510 = arith.shli %get3A_1507, %shift_left3A_1509 : vector<16xi32>
        %bitcast3A_1511 = vector.bitcast %shift_left3A_1510 : vector<16xi32> to vector<16xf32>
        %and3A_1512 = arith.constant -65536 : i32
        %and3A_1513 = vector.broadcast %and3A_1512 : i32 to vector<16xi32>
        %and3A_1514 = arith.andi %get3A_1507, %and3A_1513 : vector<16xi32>
        %bitcast3A_1515 = vector.bitcast %and3A_1514 : vector<16xi32> to vector<16xf32>
        %add3A_1516 = arith.addf %add3A_1448, %bitcast3A_1511 : vector<16xf32>
        %add3A_1517 = arith.addf %add3A_1449, %bitcast3A_1515 : vector<16xf32>
        %add3A_1518 = arith.constant 7 : i32
        %add3A_1519 = arith.addi %mul3A_1026, %add3A_1518 : i32
        %get3A_1520 = arith.constant 2 : i32
        %get3A_1521 = arith.index_cast %get3A_1520 : i32 to index
        %get3A_1522 = arith.index_cast %add3A_1519 : i32 to index
        %get3A_1523 = arith.constant 16 : index
        %get3A_1524 = tpu.vector_load %arg6[%get3A_1521, %get3A_1522, %get3A_1523] {strides = array<i32>} : memref<4x200x64xi32, #tpu.memory_space<vmem>>, vector<16xi32>,
        %shift_left3A_1525 = arith.constant 16 : i32
        %shift_left3A_1526 = vector.broadcast %shift_left3A_1525 : i32 to vector<16xi32>
        %shift_left3A_1527 = arith.shli %get3A_1524, %shift_left3A_1526 : vector<16xi32>
        %bitcast3A_1528 = vector.bitcast %shift_left3A_1527 : vector<16xi32> to vector<16xf32>
        %and3A_1529 = arith.constant -65536 : i32
        %and3A_1530 = vector.broadcast %and3A_1529 : i32 to vector<16xi32>
        %and3A_1531 = arith.andi %get3A_1524, %and3A_1530 : vector<16xi32>
        %bitcast3A_1532 = vector.bitcast %and3A_1531 : vector<16xi32> to vector<16xf32>
        %add3A_1533 = arith.addf %add3A_1465, %bitcast3A_1528 : vector<16xf32>
        %add3A_1534 = arith.addf %add3A_1466, %bitcast3A_1532 : vector<16xf32>
        %add3A_1535 = arith.constant 7 : i32
        %add3A_1536 = arith.addi %mul3A_1026, %add3A_1535 : i32
        %get3A_1537 = arith.constant 2 : i32
        %get3A_1538 = arith.index_cast %get3A_1537 : i32 to index
        %get3A_1539 = arith.index_cast %add3A_1536 : i32 to index
        %get3A_1540 = arith.constant 32 : index
        %get3A_1541 = tpu.vector_load %arg6[%get3A_1538, %get3A_1539, %get3A_1540] {strides = array<i32>} : memref<4x200x64xi32, #tpu.memory_space<vmem>>, vector<16xi32>,
        %shift_left3A_1542 = arith.constant 16 : i32
        %shift_left3A_1543 = vector.broadcast %shift_left3A_1542 : i32 to vector<16xi32>
        %shift_left3A_1544 = arith.shli %get3A_1541, %shift_left3A_1543 : vector<16xi32>
        %bitcast3A_1545 = vector.bitcast %shift_left3A_1544 : vector<16xi32> to vector<16xf32>
        %and3A_1546 = arith.constant -65536 : i32
        %and3A_1547 = vector.broadcast %and3A_1546 : i32 to vector<16xi32>
        %and3A_1548 = arith.andi %get3A_1541, %and3A_1547 : vector<16xi32>
        %bitcast3A_1549 = vector.bitcast %and3A_1548 : vector<16xi32> to vector<16xf32>
        %add3A_1550 = arith.addf %add3A_1482, %bitcast3A_1545 : vector<16xf32>
        %add3A_1551 = arith.addf %add3A_1483, %bitcast3A_1549 : vector<16xf32>
        %add3A_1552 = arith.constant 7 : i32
        %add3A_1553 = arith.addi %mul3A_1026, %add3A_1552 : i32
        %get3A_1554 = arith.constant 2 : i32
        %get3A_1555 = arith.index_cast %get3A_1554 : i32 to index
        %get3A_1556 = arith.index_cast %add3A_1553 : i32 to index
        %get3A_1557 = arith.constant 48 : index
        %get3A_1558 = tpu.vector_load %arg6[%get3A_1555, %get3A_1556, %get3A_1557] {strides = array<i32>} : memref<4x200x64xi32, #tpu.memory_space<vmem>>, vector<16xi32>,
        %shift_left3A_1559 = arith.constant 16 : i32
        %shift_left3A_1560 = vector.broadcast %shift_left3A_1559 : i32 to vector<16xi32>
        %shift_left3A_1561 = arith.shli %get3A_1558, %shift_left3A_1560 : vector<16xi32>
        %bitcast3A_1562 = vector.bitcast %shift_left3A_1561 : vector<16xi32> to vector<16xf32>
        %and3A_1563 = arith.constant -65536 : i32
        %and3A_1564 = vector.broadcast %and3A_1563 : i32 to vector<16xi32>
        %and3A_1565 = arith.andi %get3A_1558, %and3A_1564 : vector<16xi32>
        %bitcast3A_1566 = vector.bitcast %and3A_1565 : vector<16xi32> to vector<16xf32>
        %add3A_1567 = arith.addf %add3A_1499, %bitcast3A_1562 : vector<16xf32>
        %add3A_1568 = arith.addf %add3A_1500, %bitcast3A_1566 : vector<16xf32>
        scf.yield %add3A_1516, %add3A_1533, %add3A_1550, %add3A_1567, %add3A_1517, %add3A_1534, %add3A_1551, %add3A_1568 : vector<16xf32>, vector<16xf32>, vector<16xf32>, vector<16xf32>, vector<16xf32>, vector<16xf32>, vector<16xf32>, vector<16xf32>
      }
      %scan3A_743 = arith.constant 25 : i32
      %mul3A_744 = arith.mulf %scan3A_742#0, %div3A_721 : vector<16xf32>
      %swap3A_745 = arith.index_cast %add3A_539 : i32 to index
      %swap3A_746 = arith.constant 0 : index
      %swap3A_747 = tpu.vector_load %arg7[%swap3A_745, %swap3A_746] {strides = array<i32>} : memref<128x128xf32, #tpu.memory_space<vmem>>, vector<16xf32>,
      tpu.vector_store %arg7[%swap3A_745, %swap3A_746], %mul3A_744 {strides = array<i32>} : memref<128x128xf32, #tpu.memory_space<vmem>>, vector<16xf32>,
      %mul3A_748 = arith.mulf %scan3A_742#1, %div3A_721 : vector<16xf32>
      %swap3A_749 = arith.index_cast %add3A_539 : i32 to index
      %swap3A_750 = arith.constant 16 : index
      %swap3A_751 = tpu.vector_load %arg7[%swap3A_749, %swap3A_750] {strides = array<i32>} : memref<128x128xf32, #tpu.memory_space<vmem>>, vector<16xf32>,
      tpu.vector_store %arg7[%swap3A_749, %swap3A_750], %mul3A_748 {strides = array<i32>} : memref<128x128xf32, #tpu.memory_space<vmem>>, vector<16xf32>,
      %mul3A_752 = arith.mulf %scan3A_742#2, %div3A_721 : vector<16xf32>
      %swap3A_753 = arith.index_cast %add3A_539 : i32 to index
      %swap3A_754 = arith.constant 32 : index
      %swap3A_755 = tpu.vector_load %arg7[%swap3A_753, %swap3A_754] {strides = array<i32>} : memref<128x128xf32, #tpu.memory_space<vmem>>, vector<16xf32>,
      tpu.vector_store %arg7[%swap3A_753, %swap3A_754], %mul3A_752 {strides = array<i32>} : memref<128x128xf32, #tpu.memory_space<vmem>>, vector<16xf32>,
      %mul3A_756 = arith.mulf %scan3A_742#3, %div3A_721 : vector<16xf32>
      %swap3A_757 = arith.index_cast %add3A_539 : i32 to index
      %swap3A_758 = arith.constant 48 : index
      %swap3A_759 = tpu.vector_load %arg7[%swap3A_757, %swap3A_758] {strides = array<i32>} : memref<128x128xf32, #tpu.memory_space<vmem>>, vector<16xf32>,
      tpu.vector_store %arg7[%swap3A_757, %swap3A_758], %mul3A_756 {strides = array<i32>} : memref<128x128xf32, #tpu.memory_space<vmem>>, vector<16xf32>,
      %mul3A_760 = arith.mulf %scan3A_742#4, %div3A_721 : vector<16xf32>
      %swap3A_761 = arith.index_cast %add3A_539 : i32 to index
      %swap3A_762 = arith.constant 64 : index
      %swap3A_763 = tpu.vector_load %arg7[%swap3A_761, %swap3A_762] {strides = array<i32>} : memref<128x128xf32, #tpu.memory_space<vmem>>, vector<16xf32>,
      tpu.vector_store %arg7[%swap3A_761, %swap3A_762], %mul3A_760 {strides = array<i32>} : memref<128x128xf32, #tpu.memory_space<vmem>>, vector<16xf32>,
      %mul3A_764 = arith.mulf %scan3A_742#5, %div3A_721 : vector<16xf32>
      %swap3A_765 = arith.index_cast %add3A_539 : i32 to index
      %swap3A_766 = arith.constant 80 : index
      %swap3A_767 = tpu.vector_load %arg7[%swap3A_765, %swap3A_766] {strides = array<i32>} : memref<128x128xf32, #tpu.memory_space<vmem>>, vector<16xf32>,
      tpu.vector_store %arg7[%swap3A_765, %swap3A_766], %mul3A_764 {strides = array<i32>} : memref<128x128xf32, #tpu.memory_space<vmem>>, vector<16xf32>,
      %mul3A_768 = arith.mulf %scan3A_742#6, %div3A_721 : vector<16xf32>
      %swap3A_769 = arith.index_cast %add3A_539 : i32 to index
      %swap3A_770 = arith.constant 96 : index
      %swap3A_771 = tpu.vector_load %arg7[%swap3A_769, %swap3A_770] {strides = array<i32>} : memref<128x128xf32, #tpu.memory_space<vmem>>, vector<16xf32>,
      tpu.vector_store %arg7[%swap3A_769, %swap3A_770], %mul3A_768 {strides = array<i32>} : memref<128x128xf32, #tpu.memory_space<vmem>>, vector<16xf32>,
      %mul3A_772 = arith.mulf %scan3A_742#7, %div3A_721 : vector<16xf32>
      %swap3A_773 = arith.index_cast %add3A_539 : i32 to index
      %swap3A_774 = arith.constant 112 : index
      %swap3A_775 = tpu.vector_load %arg7[%swap3A_773, %swap3A_774] {strides = array<i32>} : memref<128x128xf32, #tpu.memory_space<vmem>>, vector<16xf32>,
      tpu.vector_store %arg7[%swap3A_773, %swap3A_774], %mul3A_772 {strides = array<i32>} : memref<128x128xf32, #tpu.memory_space<vmem>>, vector<16xf32>,
      %mul3A_776 = arith.constant 4 : i32
      %mul3A_777 = arith.muli %scan3A_69, %mul3A_776 : i32
      %add3A_778 = arith.constant 3 : i32
      %add3A_779 = arith.addi %mul3A_777, %add3A_778 : i32
      %dma_wait3A_780 = arith.constant 3 : i32
      %dma_wait3A_781 = arith.constant 0 : i32
      %dma_wait3A_782 = arith.constant 0 : i32
      %dma_wait3A_783 = tpu.memref_slice %arg6[%dma_wait3A_780, %dma_wait3A_781, %dma_wait3A_782] : memref<4x200x64xi32, #tpu.memory_space<vmem>> -> memref<1x128x64xi32, #tpu.memory_space<vmem>>
      %dma_wait3A_784 = tpu.memref_squeeze %dma_wait3A_783 : memref<1x128x64xi32, #tpu.memory_space<vmem>> -> memref<128x64xi32, #tpu.memory_space<vmem>>
      %dma_wait3A_785 = arith.constant 0 : i32
      %dma_wait3A_786 = tpu.memref_slice %arg5[%dma_wait3A_785] : memref<25600xi32, #tpu.memory_space<vmem>> -> memref<128xi32, #tpu.memory_space<vmem>>
      %dma_wait3A_787 = arith.constant 0 : i32
      %dma_wait3A_788 = arith.constant 0 : i32
      %dma_wait3A_789 = tpu.memref_slice %arg3[%dma_wait3A_787, %dma_wait3A_788] : memref<100000x64xi32, #tpu.memory_space<hbm>> -> memref<100000x64xi32, #tpu.memory_space<hbm>>
      tpu.wait_indirect_dma semaphore(%arg11 : memref<!tpu.dma_semaphore, #tpu.memory_space<semaphore_mem>>) src(%dma_wait3A_789 : memref<100000x64xi32, #tpu.memory_space<hbm>>) dst(%dma_wait3A_784 : memref<128x64xi32, #tpu.memory_space<vmem>>)
      %dma_wait3A_790 = arith.constant 3 : i32
      %dma_wait3A_791 = arith.constant 128 : i32
      %dma_wait3A_792 = arith.constant 0 : i32
      %dma_wait3A_793 = tpu.memref_slice %arg6[%dma_wait3A_790, %dma_wait3A_791, %dma_wait3A_792] : memref<4x200x64xi32, #tpu.memory_space<vmem>> -> memref<1x72x64xi32, #tpu.memory_space<vmem>>
      %dma_wait3A_794 = tpu.memref_squeeze %dma_wait3A_793 : memref<1x72x64xi32, #tpu.memory_space<vmem>> -> memref<72x64xi32, #tpu.memory_space<vmem>>
      %dma_wait3A_795 = arith.constant 128 : i32
      %dma_wait3A_796 = tpu.memref_slice %arg5[%dma_wait3A_795] : memref<25600xi32, #tpu.memory_space<vmem>> -> memref<72xi32, #tpu.memory_space<vmem>>
      %dma_wait3A_797 = arith.constant 0 : i32
      %dma_wait3A_798 = arith.constant 0 : i32
      %dma_wait3A_799 = tpu.memref_slice %arg3[%dma_wait3A_797, %dma_wait3A_798] : memref<100000x64xi32, #tpu.memory_space<hbm>> -> memref<100000x64xi32, #tpu.memory_space<hbm>>
      tpu.wait_indirect_dma semaphore(%arg11 : memref<!tpu.dma_semaphore, #tpu.memory_space<semaphore_mem>>) src(%dma_wait3A_799 : memref<100000x64xi32, #tpu.memory_space<hbm>>) dst(%dma_wait3A_794 : memref<72x64xi32, #tpu.memory_space<vmem>>)
      %lt3A_800 = arith.constant 125 : i32
      %lt3A_801 = arith.cmpi slt, %add3A_779, %lt3A_800 : i32
      %convert_element_type3A_802 = arith.extui %lt3A_801 : i1 to i32
      %cond3A_803 = arith.constant 0 : i32
      %cond3A_804 = arith.cmpi ne, %convert_element_type3A_802, %cond3A_803 : i32
      scf.if %cond3A_804 {
        %add3A_1016 = arith.constant 3 : i32
        %add3A_1017 = arith.addi %add3A_779, %add3A_1016 : i32
        %mul3A_1018 = arith.constant 200 : i32
        %mul3A_1019 = arith.muli %add3A_1017, %mul3A_1018 : i32
        %dma_start3A_1020 = arith.constant 2 : i32
        %dma_start3A_1021 = arith.constant 0 : i32
        %dma_start3A_1022 = arith.constant 0 : i32
        %dma_start3A_1023 = tpu.memref_slice %arg6[%dma_start3A_1020, %dma_start3A_1021, %dma_start3A_1022] : memref<4x200x64xi32, #tpu.memory_space<vmem>> -> memref<1x128x64xi32, #tpu.memory_space<vmem>>
        %dma_start3A_1024 = tpu.memref_squeeze %dma_start3A_1023 : memref<1x128x64xi32, #tpu.memory_space<vmem>> -> memref<128x64xi32, #tpu.memory_space<vmem>>
        %dma_start3A_1025 = tpu.memref_slice %arg5[%mul3A_1019] : memref<25600xi32, #tpu.memory_space<vmem>> -> memref<128xi32, #tpu.memory_space<vmem>>
        %dma_start3A_1026 = arith.constant 0 : i32
        %dma_start3A_1027 = arith.constant 0 : i32
        %dma_start3A_1028 = tpu.memref_slice %arg3[%dma_start3A_1026, %dma_start3A_1027] : memref<100000x64xi32, #tpu.memory_space<hbm>> -> memref<100000x64xi32, #tpu.memory_space<hbm>>
        tpu.enqueue_indirect_dma source(%dma_start3A_1028 : memref<100000x64xi32, #tpu.memory_space<hbm>>) target(%dma_start3A_1024 : memref<128x64xi32, #tpu.memory_space<vmem>>) offsets(%dma_start3A_1025 : memref<128xi32, #tpu.memory_space<vmem>>) semaphore(%arg10 : memref<!tpu.dma_semaphore, #tpu.memory_space<semaphore_mem>>)
        %mul3A_1029 = arith.constant 200 : i32
        %mul3A_1030 = arith.muli %add3A_1017, %mul3A_1029 : i32
        %add3A_1031 = arith.constant 128 : i32
        %add3A_1032 = arith.addi %mul3A_1030, %add3A_1031 : i32
        %dma_start3A_1033 = arith.constant 2 : i32
        %dma_start3A_1034 = arith.constant 128 : i32
        %dma_start3A_1035 = arith.constant 0 : i32
        %dma_start3A_1036 = tpu.memref_slice %arg6[%dma_start3A_1033, %dma_start3A_1034, %dma_start3A_1035] : memref<4x200x64xi32, #tpu.memory_space<vmem>> -> memref<1x72x64xi32, #tpu.memory_space<vmem>>
        %dma_start3A_1037 = tpu.memref_squeeze %dma_start3A_1036 : memref<1x72x64xi32, #tpu.memory_space<vmem>> -> memref<72x64xi32, #tpu.memory_space<vmem>>
        %dma_start3A_1038 = tpu.memref_slice %arg5[%add3A_1032] : memref<25600xi32, #tpu.memory_space<vmem>> -> memref<72xi32, #tpu.memory_space<vmem>>
        %dma_start3A_1039 = arith.constant 0 : i32
        %dma_start3A_1040 = arith.constant 0 : i32
        %dma_start3A_1041 = tpu.memref_slice %arg3[%dma_start3A_1039, %dma_start3A_1040] : memref<100000x64xi32, #tpu.memory_space<hbm>> -> memref<100000x64xi32, #tpu.memory_space<hbm>>
        tpu.enqueue_indirect_dma source(%dma_start3A_1041 : memref<100000x64xi32, #tpu.memory_space<hbm>>) target(%dma_start3A_1037 : memref<72x64xi32, #tpu.memory_space<vmem>>) offsets(%dma_start3A_1038 : memref<72xi32, #tpu.memory_space<vmem>>) semaphore(%arg10 : memref<!tpu.dma_semaphore, #tpu.memory_space<semaphore_mem>>)
      } else {
      }
      %broadcast_in_dim3A_805 = arith.constant 0 : i32
      %broadcast_in_dim3A_806 = vector.broadcast %broadcast_in_dim3A_805 : i32 to vector<16xi32>
      %mul3A_807 = arith.constant 200 : i32
      %mul3A_808 = arith.muli %add3A_779, %mul3A_807 : i32
      %add3A_809 = arith.constant 0 : i32
      %add3A_810 = arith.addi %mul3A_808, %add3A_809 : i32
      %get3A_811 = arith.index_cast %add3A_810 : i32 to index
      %get3A_812 = tpu.vector_load %arg5[%get3A_811] {strides = array<i32>} : memref<25600xi32, #tpu.memory_space<vmem>>, vector<16xi32>,
      %ne3A_813 = arith.constant 0 : i32
      %ne3A_814 = vector.broadcast %ne3A_813 : i32 to vector<16xi32>
      %ne3A_815 = arith.cmpi ne, %get3A_812, %ne3A_814 : vector<16xi32>
      %all_reduce_population_count3A_816 = tpu.all_reduce %ne3A_815 {dim = 0 : i64, kind = #tpu.reduction_kind<sum>} : vector<16xi1> -> vector<16xi32>
      %add3A_817 = arith.addi %broadcast_in_dim3A_806, %all_reduce_population_count3A_816 : vector<16xi32>
      %mul3A_818 = arith.constant 200 : i32
      %mul3A_819 = arith.muli %add3A_779, %mul3A_818 : i32
      %add3A_820 = arith.constant 16 : i32
      %add3A_821 = arith.addi %mul3A_819, %add3A_820 : i32
      %get3A_822 = arith.index_cast %add3A_821 : i32 to index
      %get3A_823 = tpu.vector_load %arg5[%get3A_822] {strides = array<i32>} : memref<25600xi32, #tpu.memory_space<vmem>>, vector<16xi32>,
      %ne3A_824 = arith.constant 0 : i32
      %ne3A_825 = vector.broadcast %ne3A_824 : i32 to vector<16xi32>
      %ne3A_826 = arith.cmpi ne, %get3A_823, %ne3A_825 : vector<16xi32>
      %all_reduce_population_count3A_827 = tpu.all_reduce %ne3A_826 {dim = 0 : i64, kind = #tpu.reduction_kind<sum>} : vector<16xi1> -> vector<16xi32>
      %add3A_828 = arith.addi %add3A_817, %all_reduce_population_count3A_827 : vector<16xi32>
      %mul3A_829 = arith.constant 200 : i32
      %mul3A_830 = arith.muli %add3A_779, %mul3A_829 : i32
      %add3A_831 = arith.constant 32 : i32
      %add3A_832 = arith.addi %mul3A_830, %add3A_831 : i32
      %get3A_833 = arith.index_cast %add3A_832 : i32 to index
      %get3A_834 = tpu.vector_load %arg5[%get3A_833] {strides = array<i32>} : memref<25600xi32, #tpu.memory_space<vmem>>, vector<16xi32>,
      %ne3A_835 = arith.constant 0 : i32
      %ne3A_836 = vector.broadcast %ne3A_835 : i32 to vector<16xi32>
      %ne3A_837 = arith.cmpi ne, %get3A_834, %ne3A_836 : vector<16xi32>
      %all_reduce_population_count3A_838 = tpu.all_reduce %ne3A_837 {dim = 0 : i64, kind = #tpu.reduction_kind<sum>} : vector<16xi1> -> vector<16xi32>
      %add3A_839 = arith.addi %add3A_828, %all_reduce_population_count3A_838 : vector<16xi32>
      %mul3A_840 = arith.constant 200 : i32
      %mul3A_841 = arith.muli %add3A_779, %mul3A_840 : i32
      %add3A_842 = arith.constant 48 : i32
      %add3A_843 = arith.addi %mul3A_841, %add3A_842 : i32
      %get3A_844 = arith.index_cast %add3A_843 : i32 to index
      %get3A_845 = tpu.vector_load %arg5[%get3A_844] {strides = array<i32>} : memref<25600xi32, #tpu.memory_space<vmem>>, vector<16xi32>,
      %ne3A_846 = arith.constant 0 : i32
      %ne3A_847 = vector.broadcast %ne3A_846 : i32 to vector<16xi32>
      %ne3A_848 = arith.cmpi ne, %get3A_845, %ne3A_847 : vector<16xi32>
      %all_reduce_population_count3A_849 = tpu.all_reduce %ne3A_848 {dim = 0 : i64, kind = #tpu.reduction_kind<sum>} : vector<16xi1> -> vector<16xi32>
      %add3A_850 = arith.addi %add3A_839, %all_reduce_population_count3A_849 : vector<16xi32>
      %mul3A_851 = arith.constant 200 : i32
      %mul3A_852 = arith.muli %add3A_779, %mul3A_851 : i32
      %add3A_853 = arith.constant 64 : i32
      %add3A_854 = arith.addi %mul3A_852, %add3A_853 : i32
      %get3A_855 = arith.index_cast %add3A_854 : i32 to index
      %get3A_856 = tpu.vector_load %arg5[%get3A_855] {strides = array<i32>} : memref<25600xi32, #tpu.memory_space<vmem>>, vector<16xi32>,
      %ne3A_857 = arith.constant 0 : i32
      %ne3A_858 = vector.broadcast %ne3A_857 : i32 to vector<16xi32>
      %ne3A_859 = arith.cmpi ne, %get3A_856, %ne3A_858 : vector<16xi32>
      %all_reduce_population_count3A_860 = tpu.all_reduce %ne3A_859 {dim = 0 : i64, kind = #tpu.reduction_kind<sum>} : vector<16xi1> -> vector<16xi32>
      %add3A_861 = arith.addi %add3A_850, %all_reduce_population_count3A_860 : vector<16xi32>
      %mul3A_862 = arith.constant 200 : i32
      %mul3A_863 = arith.muli %add3A_779, %mul3A_862 : i32
      %add3A_864 = arith.constant 80 : i32
      %add3A_865 = arith.addi %mul3A_863, %add3A_864 : i32
      %get3A_866 = arith.index_cast %add3A_865 : i32 to index
      %get3A_867 = tpu.vector_load %arg5[%get3A_866] {strides = array<i32>} : memref<25600xi32, #tpu.memory_space<vmem>>, vector<16xi32>,
      %ne3A_868 = arith.constant 0 : i32
      %ne3A_869 = vector.broadcast %ne3A_868 : i32 to vector<16xi32>
      %ne3A_870 = arith.cmpi ne, %get3A_867, %ne3A_869 : vector<16xi32>
      %all_reduce_population_count3A_871 = tpu.all_reduce %ne3A_870 {dim = 0 : i64, kind = #tpu.reduction_kind<sum>} : vector<16xi1> -> vector<16xi32>
      %add3A_872 = arith.addi %add3A_861, %all_reduce_population_count3A_871 : vector<16xi32>
      %mul3A_873 = arith.constant 200 : i32
      %mul3A_874 = arith.muli %add3A_779, %mul3A_873 : i32
      %add3A_875 = arith.constant 96 : i32
      %add3A_876 = arith.addi %mul3A_874, %add3A_875 : i32
      %get3A_877 = arith.index_cast %add3A_876 : i32 to index
      %get3A_878 = tpu.vector_load %arg5[%get3A_877] {strides = array<i32>} : memref<25600xi32, #tpu.memory_space<vmem>>, vector<16xi32>,
      %ne3A_879 = arith.constant 0 : i32
      %ne3A_880 = vector.broadcast %ne3A_879 : i32 to vector<16xi32>
      %ne3A_881 = arith.cmpi ne, %get3A_878, %ne3A_880 : vector<16xi32>
      %all_reduce_population_count3A_882 = tpu.all_reduce %ne3A_881 {dim = 0 : i64, kind = #tpu.reduction_kind<sum>} : vector<16xi1> -> vector<16xi32>
      %add3A_883 = arith.addi %add3A_872, %all_reduce_population_count3A_882 : vector<16xi32>
      %mul3A_884 = arith.constant 200 : i32
      %mul3A_885 = arith.muli %add3A_779, %mul3A_884 : i32
      %add3A_886 = arith.constant 112 : i32
      %add3A_887 = arith.addi %mul3A_885, %add3A_886 : i32
      %get3A_888 = arith.index_cast %add3A_887 : i32 to index
      %get3A_889 = tpu.vector_load %arg5[%get3A_888] {strides = array<i32>} : memref<25600xi32, #tpu.memory_space<vmem>>, vector<16xi32>,
      %ne3A_890 = arith.constant 0 : i32
      %ne3A_891 = vector.broadcast %ne3A_890 : i32 to vector<16xi32>
      %ne3A_892 = arith.cmpi ne, %get3A_889, %ne3A_891 : vector<16xi32>
      %all_reduce_population_count3A_893 = tpu.all_reduce %ne3A_892 {dim = 0 : i64, kind = #tpu.reduction_kind<sum>} : vector<16xi1> -> vector<16xi32>
      %add3A_894 = arith.addi %add3A_883, %all_reduce_population_count3A_893 : vector<16xi32>
      %mul3A_895 = arith.constant 200 : i32
      %mul3A_896 = arith.muli %add3A_779, %mul3A_895 : i32
      %add3A_897 = arith.constant 128 : i32
      %add3A_898 = arith.addi %mul3A_896, %add3A_897 : i32
      %get3A_899 = arith.index_cast %add3A_898 : i32 to index
      %get3A_900 = tpu.vector_load %arg5[%get3A_899] {strides = array<i32>} : memref<25600xi32, #tpu.memory_space<vmem>>, vector<16xi32>,
      %ne3A_901 = arith.constant 0 : i32
      %ne3A_902 = vector.broadcast %ne3A_901 : i32 to vector<16xi32>
      %ne3A_903 = arith.cmpi ne, %get3A_900, %ne3A_902 : vector<16xi32>
      %all_reduce_population_count3A_904 = tpu.all_reduce %ne3A_903 {dim = 0 : i64, kind = #tpu.reduction_kind<sum>} : vector<16xi1> -> vector<16xi32>
      %add3A_905 = arith.addi %add3A_894, %all_reduce_population_count3A_904 : vector<16xi32>
      %mul3A_906 = arith.constant 200 : i32
      %mul3A_907 = arith.muli %add3A_779, %mul3A_906 : i32
      %add3A_908 = arith.constant 144 : i32
      %add3A_909 = arith.addi %mul3A_907, %add3A_908 : i32
      %get3A_910 = arith.index_cast %add3A_909 : i32 to index
      %get3A_911 = tpu.vector_load %arg5[%get3A_910] {strides = array<i32>} : memref<25600xi32, #tpu.memory_space<vmem>>, vector<16xi32>,
      %ne3A_912 = arith.constant 0 : i32
      %ne3A_913 = vector.broadcast %ne3A_912 : i32 to vector<16xi32>
      %ne3A_914 = arith.cmpi ne, %get3A_911, %ne3A_913 : vector<16xi32>
      %all_reduce_population_count3A_915 = tpu.all_reduce %ne3A_914 {dim = 0 : i64, kind = #tpu.reduction_kind<sum>} : vector<16xi1> -> vector<16xi32>
      %add3A_916 = arith.addi %add3A_905, %all_reduce_population_count3A_915 : vector<16xi32>
      %mul3A_917 = arith.constant 200 : i32
      %mul3A_918 = arith.muli %add3A_779, %mul3A_917 : i32
      %add3A_919 = arith.constant 160 : i32
      %add3A_920 = arith.addi %mul3A_918, %add3A_919 : i32
      %get3A_921 = arith.index_cast %add3A_920 : i32 to index
      %get3A_922 = tpu.vector_load %arg5[%get3A_921] {strides = array<i32>} : memref<25600xi32, #tpu.memory_space<vmem>>, vector<16xi32>,
      %ne3A_923 = arith.constant 0 : i32
      %ne3A_924 = vector.broadcast %ne3A_923 : i32 to vector<16xi32>
      %ne3A_925 = arith.cmpi ne, %get3A_922, %ne3A_924 : vector<16xi32>
      %all_reduce_population_count3A_926 = tpu.all_reduce %ne3A_925 {dim = 0 : i64, kind = #tpu.reduction_kind<sum>} : vector<16xi1> -> vector<16xi32>
      %add3A_927 = arith.addi %add3A_916, %all_reduce_population_count3A_926 : vector<16xi32>
      %mul3A_928 = arith.constant 200 : i32
      %mul3A_929 = arith.muli %add3A_779, %mul3A_928 : i32
      %add3A_930 = arith.constant 176 : i32
      %add3A_931 = arith.addi %mul3A_929, %add3A_930 : i32
      %get3A_932 = arith.index_cast %add3A_931 : i32 to index
      %get3A_933 = tpu.vector_load %arg5[%get3A_932] {strides = array<i32>} : memref<25600xi32, #tpu.memory_space<vmem>>, vector<16xi32>,
      %ne3A_934 = arith.constant 0 : i32
      %ne3A_935 = vector.broadcast %ne3A_934 : i32 to vector<16xi32>
      %ne3A_936 = arith.cmpi ne, %get3A_933, %ne3A_935 : vector<16xi32>
      %all_reduce_population_count3A_937 = tpu.all_reduce %ne3A_936 {dim = 0 : i64, kind = #tpu.reduction_kind<sum>} : vector<16xi1> -> vector<16xi32>
      %add3A_938 = arith.addi %add3A_927, %all_reduce_population_count3A_937 : vector<16xi32>
      %iota3A_939 = tpu.iota {dimensions = array<i32: 0>} : vector<16xi32>
      %mul3A_940 = arith.constant 200 : i32
      %mul3A_941 = arith.muli %add3A_779, %mul3A_940 : i32
      %add3A_942 = arith.constant 184 : i32
      %add3A_943 = arith.addi %mul3A_941, %add3A_942 : i32
      %get3A_944 = arith.index_cast %add3A_943 : i32 to index
      %get3A_945 = tpu.vector_load %arg5[%get3A_944] {strides = array<i32>} : memref<25600xi32, #tpu.memory_space<vmem>>, vector<16xi32>,
      %ne3A_946 = arith.constant 0 : i32
      %ne3A_947 = vector.broadcast %ne3A_946 : i32 to vector<16xi32>
      %ne3A_948 = arith.cmpi ne, %get3A_945, %ne3A_947 : vector<16xi32>
      %ge3A_949 = arith.constant 8 : i32
      %ge3A_950 = vector.broadcast %ge3A_949 : i32 to vector<16xi32>
      %ge3A_951 = arith.cmpi sge, %iota3A_939, %ge3A_950 : vector<16xi32>
      %and3A_952 = arith.andi %ne3A_948, %ge3A_951 : vector<16xi1>
      %all_reduce_population_count3A_953 = tpu.all_reduce %and3A_952 {dim = 0 : i64, kind = #tpu.reduction_kind<sum>} : vector<16xi1> -> vector<16xi32>
      %add3A_954 = arith.addi %add3A_938, %all_reduce_population_count3A_953 : vector<16xi32>
      %convert_element_type3A_955 = arith.sitofp %add3A_954 : vector<16xi32> to vector<16xf32>
      %max3A_956 = arith.constant 1.000000e+00 : f32
      %max3A_957 = vector.broadcast %max3A_956 : f32 to vector<16xf32>
      %max3A_958 = arith.maximumf %convert_element_type3A_955, %max3A_957 : vector<16xf32>
      %div3A_959 = arith.constant 1.000000e+00 : f32
      %div3A_960 = vector.broadcast %div3A_959 : f32 to vector<16xf32>
      %div3A_961 = arith.divf %div3A_960, %max3A_958 : vector<16xf32>
      %broadcast_in_dim3A_962 = arith.constant 0.000000e+00 : f32
      %broadcast_in_dim3A_963 = vector.broadcast %broadcast_in_dim3A_962 : f32 to vector<16xf32>
      %broadcast_in_dim3A_964 = arith.constant 0.000000e+00 : f32
      %broadcast_in_dim3A_965 = vector.broadcast %broadcast_in_dim3A_964 : f32 to vector<16xf32>
      %broadcast_in_dim3A_966 = arith.constant 0.000000e+00 : f32
      %broadcast_in_dim3A_967 = vector.broadcast %broadcast_in_dim3A_966 : f32 to vector<16xf32>
      %broadcast_in_dim3A_968 = arith.constant 0.000000e+00 : f32
      %broadcast_in_dim3A_969 = vector.broadcast %broadcast_in_dim3A_968 : f32 to vector<16xf32>
      %broadcast_in_dim3A_970 = arith.constant 0.000000e+00 : f32
      %broadcast_in_dim3A_971 = vector.broadcast %broadcast_in_dim3A_970 : f32 to vector<16xf32>
      %broadcast_in_dim3A_972 = arith.constant 0.000000e+00 : f32
      %broadcast_in_dim3A_973 = vector.broadcast %broadcast_in_dim3A_972 : f32 to vector<16xf32>
      %broadcast_in_dim3A_974 = arith.constant 0.000000e+00 : f32
      %broadcast_in_dim3A_975 = vector.broadcast %broadcast_in_dim3A_974 : f32 to vector<16xf32>
      %broadcast_in_dim3A_976 = arith.constant 0.000000e+00 : f32
      %broadcast_in_dim3A_977 = vector.broadcast %broadcast_in_dim3A_976 : f32 to vector<16xf32>
      %scan3A_978 = arith.constant 0 : i32
      %scan3A_979 = arith.constant 25 : i32
      %scan3A_980 = arith.addi %scan3A_978, %scan3A_979 : i32
      %scan3A_981 = arith.constant 1 : i32
      %scan3A_982:8 = scf.for %scan3A_1016 = %scan3A_978 to %scan3A_980 step %scan3A_981 iter_args(%scan3A_1017 = %broadcast_in_dim3A_963, %scan3A_1018 = %broadcast_in_dim3A_965, %scan3A_1019 = %broadcast_in_dim3A_967, %scan3A_1020 = %broadcast_in_dim3A_969, %scan3A_1021 = %broadcast_in_dim3A_971, %scan3A_1022 = %broadcast_in_dim3A_973, %scan3A_1023 = %broadcast_in_dim3A_975, %scan3A_1024 = %broadcast_in_dim3A_977) -> (vector<16xf32>, vector<16xf32>, vector<16xf32>, vector<16xf32>, vector<16xf32>, vector<16xf32>, vector<16xf32>, vector<16xf32>)  : i32 {
        %mul3A_1025 = arith.constant 8 : i32
        %mul3A_1026 = arith.muli %scan3A_1016, %mul3A_1025 : i32
        %add3A_1027 = arith.constant 0 : i32
        %add3A_1028 = arith.addi %mul3A_1026, %add3A_1027 : i32
        %get3A_1029 = arith.constant 3 : i32
        %get3A_1030 = arith.index_cast %get3A_1029 : i32 to index
        %get3A_1031 = arith.index_cast %add3A_1028 : i32 to index
        %get3A_1032 = arith.constant 0 : index
        %get3A_1033 = tpu.vector_load %arg6[%get3A_1030, %get3A_1031, %get3A_1032] {strides = array<i32>} : memref<4x200x64xi32, #tpu.memory_space<vmem>>, vector<16xi32>,
        %shift_left3A = arith.constant 16 : i32
        %shift_left3A_1034 = vector.broadcast %shift_left3A : i32 to vector<16xi32>
        %shift_left3A_1035 = arith.shli %get3A_1033, %shift_left3A_1034 : vector<16xi32>
        %bitcast3A = vector.bitcast %shift_left3A_1035 : vector<16xi32> to vector<16xf32>
        %and3A_1036 = arith.constant -65536 : i32
        %and3A_1037 = vector.broadcast %and3A_1036 : i32 to vector<16xi32>
        %and3A_1038 = arith.andi %get3A_1033, %and3A_1037 : vector<16xi32>
        %bitcast3A_1039 = vector.bitcast %and3A_1038 : vector<16xi32> to vector<16xf32>
        %add3A_1040 = arith.addf %scan3A_1017, %bitcast3A : vector<16xf32>
        %add3A_1041 = arith.addf %scan3A_1021, %bitcast3A_1039 : vector<16xf32>
        %add3A_1042 = arith.constant 0 : i32
        %add3A_1043 = arith.addi %mul3A_1026, %add3A_1042 : i32
        %get3A_1044 = arith.constant 3 : i32
        %get3A_1045 = arith.index_cast %get3A_1044 : i32 to index
        %get3A_1046 = arith.index_cast %add3A_1043 : i32 to index
        %get3A_1047 = arith.constant 16 : index
        %get3A_1048 = tpu.vector_load %arg6[%get3A_1045, %get3A_1046, %get3A_1047] {strides = array<i32>} : memref<4x200x64xi32, #tpu.memory_space<vmem>>, vector<16xi32>,
        %shift_left3A_1049 = arith.constant 16 : i32
        %shift_left3A_1050 = vector.broadcast %shift_left3A_1049 : i32 to vector<16xi32>
        %shift_left3A_1051 = arith.shli %get3A_1048, %shift_left3A_1050 : vector<16xi32>
        %bitcast3A_1052 = vector.bitcast %shift_left3A_1051 : vector<16xi32> to vector<16xf32>
        %and3A_1053 = arith.constant -65536 : i32
        %and3A_1054 = vector.broadcast %and3A_1053 : i32 to vector<16xi32>
        %and3A_1055 = arith.andi %get3A_1048, %and3A_1054 : vector<16xi32>
        %bitcast3A_1056 = vector.bitcast %and3A_1055 : vector<16xi32> to vector<16xf32>
        %add3A_1057 = arith.addf %scan3A_1018, %bitcast3A_1052 : vector<16xf32>
        %add3A_1058 = arith.addf %scan3A_1022, %bitcast3A_1056 : vector<16xf32>
        %add3A_1059 = arith.constant 0 : i32
        %add3A_1060 = arith.addi %mul3A_1026, %add3A_1059 : i32
        %get3A_1061 = arith.constant 3 : i32
        %get3A_1062 = arith.index_cast %get3A_1061 : i32 to index
        %get3A_1063 = arith.index_cast %add3A_1060 : i32 to index
        %get3A_1064 = arith.constant 32 : index
        %get3A_1065 = tpu.vector_load %arg6[%get3A_1062, %get3A_1063, %get3A_1064] {strides = array<i32>} : memref<4x200x64xi32, #tpu.memory_space<vmem>>, vector<16xi32>,
        %shift_left3A_1066 = arith.constant 16 : i32
        %shift_left3A_1067 = vector.broadcast %shift_left3A_1066 : i32 to vector<16xi32>
        %shift_left3A_1068 = arith.shli %get3A_1065, %shift_left3A_1067 : vector<16xi32>
        %bitcast3A_1069 = vector.bitcast %shift_left3A_1068 : vector<16xi32> to vector<16xf32>
        %and3A_1070 = arith.constant -65536 : i32
        %and3A_1071 = vector.broadcast %and3A_1070 : i32 to vector<16xi32>
        %and3A_1072 = arith.andi %get3A_1065, %and3A_1071 : vector<16xi32>
        %bitcast3A_1073 = vector.bitcast %and3A_1072 : vector<16xi32> to vector<16xf32>
        %add3A_1074 = arith.addf %scan3A_1019, %bitcast3A_1069 : vector<16xf32>
        %add3A_1075 = arith.addf %scan3A_1023, %bitcast3A_1073 : vector<16xf32>
        %add3A_1076 = arith.constant 0 : i32
        %add3A_1077 = arith.addi %mul3A_1026, %add3A_1076 : i32
        %get3A_1078 = arith.constant 3 : i32
        %get3A_1079 = arith.index_cast %get3A_1078 : i32 to index
        %get3A_1080 = arith.index_cast %add3A_1077 : i32 to index
        %get3A_1081 = arith.constant 48 : index
        %get3A_1082 = tpu.vector_load %arg6[%get3A_1079, %get3A_1080, %get3A_1081] {strides = array<i32>} : memref<4x200x64xi32, #tpu.memory_space<vmem>>, vector<16xi32>,
        %shift_left3A_1083 = arith.constant 16 : i32
        %shift_left3A_1084 = vector.broadcast %shift_left3A_1083 : i32 to vector<16xi32>
        %shift_left3A_1085 = arith.shli %get3A_1082, %shift_left3A_1084 : vector<16xi32>
        %bitcast3A_1086 = vector.bitcast %shift_left3A_1085 : vector<16xi32> to vector<16xf32>
        %and3A_1087 = arith.constant -65536 : i32
        %and3A_1088 = vector.broadcast %and3A_1087 : i32 to vector<16xi32>
        %and3A_1089 = arith.andi %get3A_1082, %and3A_1088 : vector<16xi32>
        %bitcast3A_1090 = vector.bitcast %and3A_1089 : vector<16xi32> to vector<16xf32>
        %add3A_1091 = arith.addf %scan3A_1020, %bitcast3A_1086 : vector<16xf32>
        %add3A_1092 = arith.addf %scan3A_1024, %bitcast3A_1090 : vector<16xf32>
        %add3A_1093 = arith.constant 1 : i32
        %add3A_1094 = arith.addi %mul3A_1026, %add3A_1093 : i32
        %get3A_1095 = arith.constant 3 : i32
        %get3A_1096 = arith.index_cast %get3A_1095 : i32 to index
        %get3A_1097 = arith.index_cast %add3A_1094 : i32 to index
        %get3A_1098 = arith.constant 0 : index
        %get3A_1099 = tpu.vector_load %arg6[%get3A_1096, %get3A_1097, %get3A_1098] {strides = array<i32>} : memref<4x200x64xi32, #tpu.memory_space<vmem>>, vector<16xi32>,
        %shift_left3A_1100 = arith.constant 16 : i32
        %shift_left3A_1101 = vector.broadcast %shift_left3A_1100 : i32 to vector<16xi32>
        %shift_left3A_1102 = arith.shli %get3A_1099, %shift_left3A_1101 : vector<16xi32>
        %bitcast3A_1103 = vector.bitcast %shift_left3A_1102 : vector<16xi32> to vector<16xf32>
        %and3A_1104 = arith.constant -65536 : i32
        %and3A_1105 = vector.broadcast %and3A_1104 : i32 to vector<16xi32>
        %and3A_1106 = arith.andi %get3A_1099, %and3A_1105 : vector<16xi32>
        %bitcast3A_1107 = vector.bitcast %and3A_1106 : vector<16xi32> to vector<16xf32>
        %add3A_1108 = arith.addf %add3A_1040, %bitcast3A_1103 : vector<16xf32>
        %add3A_1109 = arith.addf %add3A_1041, %bitcast3A_1107 : vector<16xf32>
        %add3A_1110 = arith.constant 1 : i32
        %add3A_1111 = arith.addi %mul3A_1026, %add3A_1110 : i32
        %get3A_1112 = arith.constant 3 : i32
        %get3A_1113 = arith.index_cast %get3A_1112 : i32 to index
        %get3A_1114 = arith.index_cast %add3A_1111 : i32 to index
        %get3A_1115 = arith.constant 16 : index
        %get3A_1116 = tpu.vector_load %arg6[%get3A_1113, %get3A_1114, %get3A_1115] {strides = array<i32>} : memref<4x200x64xi32, #tpu.memory_space<vmem>>, vector<16xi32>,
        %shift_left3A_1117 = arith.constant 16 : i32
        %shift_left3A_1118 = vector.broadcast %shift_left3A_1117 : i32 to vector<16xi32>
        %shift_left3A_1119 = arith.shli %get3A_1116, %shift_left3A_1118 : vector<16xi32>
        %bitcast3A_1120 = vector.bitcast %shift_left3A_1119 : vector<16xi32> to vector<16xf32>
        %and3A_1121 = arith.constant -65536 : i32
        %and3A_1122 = vector.broadcast %and3A_1121 : i32 to vector<16xi32>
        %and3A_1123 = arith.andi %get3A_1116, %and3A_1122 : vector<16xi32>
        %bitcast3A_1124 = vector.bitcast %and3A_1123 : vector<16xi32> to vector<16xf32>
        %add3A_1125 = arith.addf %add3A_1057, %bitcast3A_1120 : vector<16xf32>
        %add3A_1126 = arith.addf %add3A_1058, %bitcast3A_1124 : vector<16xf32>
        %add3A_1127 = arith.constant 1 : i32
        %add3A_1128 = arith.addi %mul3A_1026, %add3A_1127 : i32
        %get3A_1129 = arith.constant 3 : i32
        %get3A_1130 = arith.index_cast %get3A_1129 : i32 to index
        %get3A_1131 = arith.index_cast %add3A_1128 : i32 to index
        %get3A_1132 = arith.constant 32 : index
        %get3A_1133 = tpu.vector_load %arg6[%get3A_1130, %get3A_1131, %get3A_1132] {strides = array<i32>} : memref<4x200x64xi32, #tpu.memory_space<vmem>>, vector<16xi32>,
        %shift_left3A_1134 = arith.constant 16 : i32
        %shift_left3A_1135 = vector.broadcast %shift_left3A_1134 : i32 to vector<16xi32>
        %shift_left3A_1136 = arith.shli %get3A_1133, %shift_left3A_1135 : vector<16xi32>
        %bitcast3A_1137 = vector.bitcast %shift_left3A_1136 : vector<16xi32> to vector<16xf32>
        %and3A_1138 = arith.constant -65536 : i32
        %and3A_1139 = vector.broadcast %and3A_1138 : i32 to vector<16xi32>
        %and3A_1140 = arith.andi %get3A_1133, %and3A_1139 : vector<16xi32>
        %bitcast3A_1141 = vector.bitcast %and3A_1140 : vector<16xi32> to vector<16xf32>
        %add3A_1142 = arith.addf %add3A_1074, %bitcast3A_1137 : vector<16xf32>
        %add3A_1143 = arith.addf %add3A_1075, %bitcast3A_1141 : vector<16xf32>
        %add3A_1144 = arith.constant 1 : i32
        %add3A_1145 = arith.addi %mul3A_1026, %add3A_1144 : i32
        %get3A_1146 = arith.constant 3 : i32
        %get3A_1147 = arith.index_cast %get3A_1146 : i32 to index
        %get3A_1148 = arith.index_cast %add3A_1145 : i32 to index
        %get3A_1149 = arith.constant 48 : index
        %get3A_1150 = tpu.vector_load %arg6[%get3A_1147, %get3A_1148, %get3A_1149] {strides = array<i32>} : memref<4x200x64xi32, #tpu.memory_space<vmem>>, vector<16xi32>,
        %shift_left3A_1151 = arith.constant 16 : i32
        %shift_left3A_1152 = vector.broadcast %shift_left3A_1151 : i32 to vector<16xi32>
        %shift_left3A_1153 = arith.shli %get3A_1150, %shift_left3A_1152 : vector<16xi32>
        %bitcast3A_1154 = vector.bitcast %shift_left3A_1153 : vector<16xi32> to vector<16xf32>
        %and3A_1155 = arith.constant -65536 : i32
        %and3A_1156 = vector.broadcast %and3A_1155 : i32 to vector<16xi32>
        %and3A_1157 = arith.andi %get3A_1150, %and3A_1156 : vector<16xi32>
        %bitcast3A_1158 = vector.bitcast %and3A_1157 : vector<16xi32> to vector<16xf32>
        %add3A_1159 = arith.addf %add3A_1091, %bitcast3A_1154 : vector<16xf32>
        %add3A_1160 = arith.addf %add3A_1092, %bitcast3A_1158 : vector<16xf32>
        %add3A_1161 = arith.constant 2 : i32
        %add3A_1162 = arith.addi %mul3A_1026, %add3A_1161 : i32
        %get3A_1163 = arith.constant 3 : i32
        %get3A_1164 = arith.index_cast %get3A_1163 : i32 to index
        %get3A_1165 = arith.index_cast %add3A_1162 : i32 to index
        %get3A_1166 = arith.constant 0 : index
        %get3A_1167 = tpu.vector_load %arg6[%get3A_1164, %get3A_1165, %get3A_1166] {strides = array<i32>} : memref<4x200x64xi32, #tpu.memory_space<vmem>>, vector<16xi32>,
        %shift_left3A_1168 = arith.constant 16 : i32
        %shift_left3A_1169 = vector.broadcast %shift_left3A_1168 : i32 to vector<16xi32>
        %shift_left3A_1170 = arith.shli %get3A_1167, %shift_left3A_1169 : vector<16xi32>
        %bitcast3A_1171 = vector.bitcast %shift_left3A_1170 : vector<16xi32> to vector<16xf32>
        %and3A_1172 = arith.constant -65536 : i32
        %and3A_1173 = vector.broadcast %and3A_1172 : i32 to vector<16xi32>
        %and3A_1174 = arith.andi %get3A_1167, %and3A_1173 : vector<16xi32>
        %bitcast3A_1175 = vector.bitcast %and3A_1174 : vector<16xi32> to vector<16xf32>
        %add3A_1176 = arith.addf %add3A_1108, %bitcast3A_1171 : vector<16xf32>
        %add3A_1177 = arith.addf %add3A_1109, %bitcast3A_1175 : vector<16xf32>
        %add3A_1178 = arith.constant 2 : i32
        %add3A_1179 = arith.addi %mul3A_1026, %add3A_1178 : i32
        %get3A_1180 = arith.constant 3 : i32
        %get3A_1181 = arith.index_cast %get3A_1180 : i32 to index
        %get3A_1182 = arith.index_cast %add3A_1179 : i32 to index
        %get3A_1183 = arith.constant 16 : index
        %get3A_1184 = tpu.vector_load %arg6[%get3A_1181, %get3A_1182, %get3A_1183] {strides = array<i32>} : memref<4x200x64xi32, #tpu.memory_space<vmem>>, vector<16xi32>,
        %shift_left3A_1185 = arith.constant 16 : i32
        %shift_left3A_1186 = vector.broadcast %shift_left3A_1185 : i32 to vector<16xi32>
        %shift_left3A_1187 = arith.shli %get3A_1184, %shift_left3A_1186 : vector<16xi32>
        %bitcast3A_1188 = vector.bitcast %shift_left3A_1187 : vector<16xi32> to vector<16xf32>
        %and3A_1189 = arith.constant -65536 : i32
        %and3A_1190 = vector.broadcast %and3A_1189 : i32 to vector<16xi32>
        %and3A_1191 = arith.andi %get3A_1184, %and3A_1190 : vector<16xi32>
        %bitcast3A_1192 = vector.bitcast %and3A_1191 : vector<16xi32> to vector<16xf32>
        %add3A_1193 = arith.addf %add3A_1125, %bitcast3A_1188 : vector<16xf32>
        %add3A_1194 = arith.addf %add3A_1126, %bitcast3A_1192 : vector<16xf32>
        %add3A_1195 = arith.constant 2 : i32
        %add3A_1196 = arith.addi %mul3A_1026, %add3A_1195 : i32
        %get3A_1197 = arith.constant 3 : i32
        %get3A_1198 = arith.index_cast %get3A_1197 : i32 to index
        %get3A_1199 = arith.index_cast %add3A_1196 : i32 to index
        %get3A_1200 = arith.constant 32 : index
        %get3A_1201 = tpu.vector_load %arg6[%get3A_1198, %get3A_1199, %get3A_1200] {strides = array<i32>} : memref<4x200x64xi32, #tpu.memory_space<vmem>>, vector<16xi32>,
        %shift_left3A_1202 = arith.constant 16 : i32
        %shift_left3A_1203 = vector.broadcast %shift_left3A_1202 : i32 to vector<16xi32>
        %shift_left3A_1204 = arith.shli %get3A_1201, %shift_left3A_1203 : vector<16xi32>
        %bitcast3A_1205 = vector.bitcast %shift_left3A_1204 : vector<16xi32> to vector<16xf32>
        %and3A_1206 = arith.constant -65536 : i32
        %and3A_1207 = vector.broadcast %and3A_1206 : i32 to vector<16xi32>
        %and3A_1208 = arith.andi %get3A_1201, %and3A_1207 : vector<16xi32>
        %bitcast3A_1209 = vector.bitcast %and3A_1208 : vector<16xi32> to vector<16xf32>
        %add3A_1210 = arith.addf %add3A_1142, %bitcast3A_1205 : vector<16xf32>
        %add3A_1211 = arith.addf %add3A_1143, %bitcast3A_1209 : vector<16xf32>
        %add3A_1212 = arith.constant 2 : i32
        %add3A_1213 = arith.addi %mul3A_1026, %add3A_1212 : i32
        %get3A_1214 = arith.constant 3 : i32
        %get3A_1215 = arith.index_cast %get3A_1214 : i32 to index
        %get3A_1216 = arith.index_cast %add3A_1213 : i32 to index
        %get3A_1217 = arith.constant 48 : index
        %get3A_1218 = tpu.vector_load %arg6[%get3A_1215, %get3A_1216, %get3A_1217] {strides = array<i32>} : memref<4x200x64xi32, #tpu.memory_space<vmem>>, vector<16xi32>,
        %shift_left3A_1219 = arith.constant 16 : i32
        %shift_left3A_1220 = vector.broadcast %shift_left3A_1219 : i32 to vector<16xi32>
        %shift_left3A_1221 = arith.shli %get3A_1218, %shift_left3A_1220 : vector<16xi32>
        %bitcast3A_1222 = vector.bitcast %shift_left3A_1221 : vector<16xi32> to vector<16xf32>
        %and3A_1223 = arith.constant -65536 : i32
        %and3A_1224 = vector.broadcast %and3A_1223 : i32 to vector<16xi32>
        %and3A_1225 = arith.andi %get3A_1218, %and3A_1224 : vector<16xi32>
        %bitcast3A_1226 = vector.bitcast %and3A_1225 : vector<16xi32> to vector<16xf32>
        %add3A_1227 = arith.addf %add3A_1159, %bitcast3A_1222 : vector<16xf32>
        %add3A_1228 = arith.addf %add3A_1160, %bitcast3A_1226 : vector<16xf32>
        %add3A_1229 = arith.constant 3 : i32
        %add3A_1230 = arith.addi %mul3A_1026, %add3A_1229 : i32
        %get3A_1231 = arith.constant 3 : i32
        %get3A_1232 = arith.index_cast %get3A_1231 : i32 to index
        %get3A_1233 = arith.index_cast %add3A_1230 : i32 to index
        %get3A_1234 = arith.constant 0 : index
        %get3A_1235 = tpu.vector_load %arg6[%get3A_1232, %get3A_1233, %get3A_1234] {strides = array<i32>} : memref<4x200x64xi32, #tpu.memory_space<vmem>>, vector<16xi32>,
        %shift_left3A_1236 = arith.constant 16 : i32
        %shift_left3A_1237 = vector.broadcast %shift_left3A_1236 : i32 to vector<16xi32>
        %shift_left3A_1238 = arith.shli %get3A_1235, %shift_left3A_1237 : vector<16xi32>
        %bitcast3A_1239 = vector.bitcast %shift_left3A_1238 : vector<16xi32> to vector<16xf32>
        %and3A_1240 = arith.constant -65536 : i32
        %and3A_1241 = vector.broadcast %and3A_1240 : i32 to vector<16xi32>
        %and3A_1242 = arith.andi %get3A_1235, %and3A_1241 : vector<16xi32>
        %bitcast3A_1243 = vector.bitcast %and3A_1242 : vector<16xi32> to vector<16xf32>
        %add3A_1244 = arith.addf %add3A_1176, %bitcast3A_1239 : vector<16xf32>
        %add3A_1245 = arith.addf %add3A_1177, %bitcast3A_1243 : vector<16xf32>
        %add3A_1246 = arith.constant 3 : i32
        %add3A_1247 = arith.addi %mul3A_1026, %add3A_1246 : i32
        %get3A_1248 = arith.constant 3 : i32
        %get3A_1249 = arith.index_cast %get3A_1248 : i32 to index
        %get3A_1250 = arith.index_cast %add3A_1247 : i32 to index
        %get3A_1251 = arith.constant 16 : index
        %get3A_1252 = tpu.vector_load %arg6[%get3A_1249, %get3A_1250, %get3A_1251] {strides = array<i32>} : memref<4x200x64xi32, #tpu.memory_space<vmem>>, vector<16xi32>,
        %shift_left3A_1253 = arith.constant 16 : i32
        %shift_left3A_1254 = vector.broadcast %shift_left3A_1253 : i32 to vector<16xi32>
        %shift_left3A_1255 = arith.shli %get3A_1252, %shift_left3A_1254 : vector<16xi32>
        %bitcast3A_1256 = vector.bitcast %shift_left3A_1255 : vector<16xi32> to vector<16xf32>
        %and3A_1257 = arith.constant -65536 : i32
        %and3A_1258 = vector.broadcast %and3A_1257 : i32 to vector<16xi32>
        %and3A_1259 = arith.andi %get3A_1252, %and3A_1258 : vector<16xi32>
        %bitcast3A_1260 = vector.bitcast %and3A_1259 : vector<16xi32> to vector<16xf32>
        %add3A_1261 = arith.addf %add3A_1193, %bitcast3A_1256 : vector<16xf32>
        %add3A_1262 = arith.addf %add3A_1194, %bitcast3A_1260 : vector<16xf32>
        %add3A_1263 = arith.constant 3 : i32
        %add3A_1264 = arith.addi %mul3A_1026, %add3A_1263 : i32
        %get3A_1265 = arith.constant 3 : i32
        %get3A_1266 = arith.index_cast %get3A_1265 : i32 to index
        %get3A_1267 = arith.index_cast %add3A_1264 : i32 to index
        %get3A_1268 = arith.constant 32 : index
        %get3A_1269 = tpu.vector_load %arg6[%get3A_1266, %get3A_1267, %get3A_1268] {strides = array<i32>} : memref<4x200x64xi32, #tpu.memory_space<vmem>>, vector<16xi32>,
        %shift_left3A_1270 = arith.constant 16 : i32
        %shift_left3A_1271 = vector.broadcast %shift_left3A_1270 : i32 to vector<16xi32>
        %shift_left3A_1272 = arith.shli %get3A_1269, %shift_left3A_1271 : vector<16xi32>
        %bitcast3A_1273 = vector.bitcast %shift_left3A_1272 : vector<16xi32> to vector<16xf32>
        %and3A_1274 = arith.constant -65536 : i32
        %and3A_1275 = vector.broadcast %and3A_1274 : i32 to vector<16xi32>
        %and3A_1276 = arith.andi %get3A_1269, %and3A_1275 : vector<16xi32>
        %bitcast3A_1277 = vector.bitcast %and3A_1276 : vector<16xi32> to vector<16xf32>
        %add3A_1278 = arith.addf %add3A_1210, %bitcast3A_1273 : vector<16xf32>
        %add3A_1279 = arith.addf %add3A_1211, %bitcast3A_1277 : vector<16xf32>
        %add3A_1280 = arith.constant 3 : i32
        %add3A_1281 = arith.addi %mul3A_1026, %add3A_1280 : i32
        %get3A_1282 = arith.constant 3 : i32
        %get3A_1283 = arith.index_cast %get3A_1282 : i32 to index
        %get3A_1284 = arith.index_cast %add3A_1281 : i32 to index
        %get3A_1285 = arith.constant 48 : index
        %get3A_1286 = tpu.vector_load %arg6[%get3A_1283, %get3A_1284, %get3A_1285] {strides = array<i32>} : memref<4x200x64xi32, #tpu.memory_space<vmem>>, vector<16xi32>,
        %shift_left3A_1287 = arith.constant 16 : i32
        %shift_left3A_1288 = vector.broadcast %shift_left3A_1287 : i32 to vector<16xi32>
        %shift_left3A_1289 = arith.shli %get3A_1286, %shift_left3A_1288 : vector<16xi32>
        %bitcast3A_1290 = vector.bitcast %shift_left3A_1289 : vector<16xi32> to vector<16xf32>
        %and3A_1291 = arith.constant -65536 : i32
        %and3A_1292 = vector.broadcast %and3A_1291 : i32 to vector<16xi32>
        %and3A_1293 = arith.andi %get3A_1286, %and3A_1292 : vector<16xi32>
        %bitcast3A_1294 = vector.bitcast %and3A_1293 : vector<16xi32> to vector<16xf32>
        %add3A_1295 = arith.addf %add3A_1227, %bitcast3A_1290 : vector<16xf32>
        %add3A_1296 = arith.addf %add3A_1228, %bitcast3A_1294 : vector<16xf32>
        %add3A_1297 = arith.constant 4 : i32
        %add3A_1298 = arith.addi %mul3A_1026, %add3A_1297 : i32
        %get3A_1299 = arith.constant 3 : i32
        %get3A_1300 = arith.index_cast %get3A_1299 : i32 to index
        %get3A_1301 = arith.index_cast %add3A_1298 : i32 to index
        %get3A_1302 = arith.constant 0 : index
        %get3A_1303 = tpu.vector_load %arg6[%get3A_1300, %get3A_1301, %get3A_1302] {strides = array<i32>} : memref<4x200x64xi32, #tpu.memory_space<vmem>>, vector<16xi32>,
        %shift_left3A_1304 = arith.constant 16 : i32
        %shift_left3A_1305 = vector.broadcast %shift_left3A_1304 : i32 to vector<16xi32>
        %shift_left3A_1306 = arith.shli %get3A_1303, %shift_left3A_1305 : vector<16xi32>
        %bitcast3A_1307 = vector.bitcast %shift_left3A_1306 : vector<16xi32> to vector<16xf32>
        %and3A_1308 = arith.constant -65536 : i32
        %and3A_1309 = vector.broadcast %and3A_1308 : i32 to vector<16xi32>
        %and3A_1310 = arith.andi %get3A_1303, %and3A_1309 : vector<16xi32>
        %bitcast3A_1311 = vector.bitcast %and3A_1310 : vector<16xi32> to vector<16xf32>
        %add3A_1312 = arith.addf %add3A_1244, %bitcast3A_1307 : vector<16xf32>
        %add3A_1313 = arith.addf %add3A_1245, %bitcast3A_1311 : vector<16xf32>
        %add3A_1314 = arith.constant 4 : i32
        %add3A_1315 = arith.addi %mul3A_1026, %add3A_1314 : i32
        %get3A_1316 = arith.constant 3 : i32
        %get3A_1317 = arith.index_cast %get3A_1316 : i32 to index
        %get3A_1318 = arith.index_cast %add3A_1315 : i32 to index
        %get3A_1319 = arith.constant 16 : index
        %get3A_1320 = tpu.vector_load %arg6[%get3A_1317, %get3A_1318, %get3A_1319] {strides = array<i32>} : memref<4x200x64xi32, #tpu.memory_space<vmem>>, vector<16xi32>,
        %shift_left3A_1321 = arith.constant 16 : i32
        %shift_left3A_1322 = vector.broadcast %shift_left3A_1321 : i32 to vector<16xi32>
        %shift_left3A_1323 = arith.shli %get3A_1320, %shift_left3A_1322 : vector<16xi32>
        %bitcast3A_1324 = vector.bitcast %shift_left3A_1323 : vector<16xi32> to vector<16xf32>
        %and3A_1325 = arith.constant -65536 : i32
        %and3A_1326 = vector.broadcast %and3A_1325 : i32 to vector<16xi32>
        %and3A_1327 = arith.andi %get3A_1320, %and3A_1326 : vector<16xi32>
        %bitcast3A_1328 = vector.bitcast %and3A_1327 : vector<16xi32> to vector<16xf32>
        %add3A_1329 = arith.addf %add3A_1261, %bitcast3A_1324 : vector<16xf32>
        %add3A_1330 = arith.addf %add3A_1262, %bitcast3A_1328 : vector<16xf32>
        %add3A_1331 = arith.constant 4 : i32
        %add3A_1332 = arith.addi %mul3A_1026, %add3A_1331 : i32
        %get3A_1333 = arith.constant 3 : i32
        %get3A_1334 = arith.index_cast %get3A_1333 : i32 to index
        %get3A_1335 = arith.index_cast %add3A_1332 : i32 to index
        %get3A_1336 = arith.constant 32 : index
        %get3A_1337 = tpu.vector_load %arg6[%get3A_1334, %get3A_1335, %get3A_1336] {strides = array<i32>} : memref<4x200x64xi32, #tpu.memory_space<vmem>>, vector<16xi32>,
        %shift_left3A_1338 = arith.constant 16 : i32
        %shift_left3A_1339 = vector.broadcast %shift_left3A_1338 : i32 to vector<16xi32>
        %shift_left3A_1340 = arith.shli %get3A_1337, %shift_left3A_1339 : vector<16xi32>
        %bitcast3A_1341 = vector.bitcast %shift_left3A_1340 : vector<16xi32> to vector<16xf32>
        %and3A_1342 = arith.constant -65536 : i32
        %and3A_1343 = vector.broadcast %and3A_1342 : i32 to vector<16xi32>
        %and3A_1344 = arith.andi %get3A_1337, %and3A_1343 : vector<16xi32>
        %bitcast3A_1345 = vector.bitcast %and3A_1344 : vector<16xi32> to vector<16xf32>
        %add3A_1346 = arith.addf %add3A_1278, %bitcast3A_1341 : vector<16xf32>
        %add3A_1347 = arith.addf %add3A_1279, %bitcast3A_1345 : vector<16xf32>
        %add3A_1348 = arith.constant 4 : i32
        %add3A_1349 = arith.addi %mul3A_1026, %add3A_1348 : i32
        %get3A_1350 = arith.constant 3 : i32
        %get3A_1351 = arith.index_cast %get3A_1350 : i32 to index
        %get3A_1352 = arith.index_cast %add3A_1349 : i32 to index
        %get3A_1353 = arith.constant 48 : index
        %get3A_1354 = tpu.vector_load %arg6[%get3A_1351, %get3A_1352, %get3A_1353] {strides = array<i32>} : memref<4x200x64xi32, #tpu.memory_space<vmem>>, vector<16xi32>,
        %shift_left3A_1355 = arith.constant 16 : i32
        %shift_left3A_1356 = vector.broadcast %shift_left3A_1355 : i32 to vector<16xi32>
        %shift_left3A_1357 = arith.shli %get3A_1354, %shift_left3A_1356 : vector<16xi32>
        %bitcast3A_1358 = vector.bitcast %shift_left3A_1357 : vector<16xi32> to vector<16xf32>
        %and3A_1359 = arith.constant -65536 : i32
        %and3A_1360 = vector.broadcast %and3A_1359 : i32 to vector<16xi32>
        %and3A_1361 = arith.andi %get3A_1354, %and3A_1360 : vector<16xi32>
        %bitcast3A_1362 = vector.bitcast %and3A_1361 : vector<16xi32> to vector<16xf32>
        %add3A_1363 = arith.addf %add3A_1295, %bitcast3A_1358 : vector<16xf32>
        %add3A_1364 = arith.addf %add3A_1296, %bitcast3A_1362 : vector<16xf32>
        %add3A_1365 = arith.constant 5 : i32
        %add3A_1366 = arith.addi %mul3A_1026, %add3A_1365 : i32
        %get3A_1367 = arith.constant 3 : i32
        %get3A_1368 = arith.index_cast %get3A_1367 : i32 to index
        %get3A_1369 = arith.index_cast %add3A_1366 : i32 to index
        %get3A_1370 = arith.constant 0 : index
        %get3A_1371 = tpu.vector_load %arg6[%get3A_1368, %get3A_1369, %get3A_1370] {strides = array<i32>} : memref<4x200x64xi32, #tpu.memory_space<vmem>>, vector<16xi32>,
        %shift_left3A_1372 = arith.constant 16 : i32
        %shift_left3A_1373 = vector.broadcast %shift_left3A_1372 : i32 to vector<16xi32>
        %shift_left3A_1374 = arith.shli %get3A_1371, %shift_left3A_1373 : vector<16xi32>
        %bitcast3A_1375 = vector.bitcast %shift_left3A_1374 : vector<16xi32> to vector<16xf32>
        %and3A_1376 = arith.constant -65536 : i32
        %and3A_1377 = vector.broadcast %and3A_1376 : i32 to vector<16xi32>
        %and3A_1378 = arith.andi %get3A_1371, %and3A_1377 : vector<16xi32>
        %bitcast3A_1379 = vector.bitcast %and3A_1378 : vector<16xi32> to vector<16xf32>
        %add3A_1380 = arith.addf %add3A_1312, %bitcast3A_1375 : vector<16xf32>
        %add3A_1381 = arith.addf %add3A_1313, %bitcast3A_1379 : vector<16xf32>
        %add3A_1382 = arith.constant 5 : i32
        %add3A_1383 = arith.addi %mul3A_1026, %add3A_1382 : i32
        %get3A_1384 = arith.constant 3 : i32
        %get3A_1385 = arith.index_cast %get3A_1384 : i32 to index
        %get3A_1386 = arith.index_cast %add3A_1383 : i32 to index
        %get3A_1387 = arith.constant 16 : index
        %get3A_1388 = tpu.vector_load %arg6[%get3A_1385, %get3A_1386, %get3A_1387] {strides = array<i32>} : memref<4x200x64xi32, #tpu.memory_space<vmem>>, vector<16xi32>,
        %shift_left3A_1389 = arith.constant 16 : i32
        %shift_left3A_1390 = vector.broadcast %shift_left3A_1389 : i32 to vector<16xi32>
        %shift_left3A_1391 = arith.shli %get3A_1388, %shift_left3A_1390 : vector<16xi32>
        %bitcast3A_1392 = vector.bitcast %shift_left3A_1391 : vector<16xi32> to vector<16xf32>
        %and3A_1393 = arith.constant -65536 : i32
        %and3A_1394 = vector.broadcast %and3A_1393 : i32 to vector<16xi32>
        %and3A_1395 = arith.andi %get3A_1388, %and3A_1394 : vector<16xi32>
        %bitcast3A_1396 = vector.bitcast %and3A_1395 : vector<16xi32> to vector<16xf32>
        %add3A_1397 = arith.addf %add3A_1329, %bitcast3A_1392 : vector<16xf32>
        %add3A_1398 = arith.addf %add3A_1330, %bitcast3A_1396 : vector<16xf32>
        %add3A_1399 = arith.constant 5 : i32
        %add3A_1400 = arith.addi %mul3A_1026, %add3A_1399 : i32
        %get3A_1401 = arith.constant 3 : i32
        %get3A_1402 = arith.index_cast %get3A_1401 : i32 to index
        %get3A_1403 = arith.index_cast %add3A_1400 : i32 to index
        %get3A_1404 = arith.constant 32 : index
        %get3A_1405 = tpu.vector_load %arg6[%get3A_1402, %get3A_1403, %get3A_1404] {strides = array<i32>} : memref<4x200x64xi32, #tpu.memory_space<vmem>>, vector<16xi32>,
        %shift_left3A_1406 = arith.constant 16 : i32
        %shift_left3A_1407 = vector.broadcast %shift_left3A_1406 : i32 to vector<16xi32>
        %shift_left3A_1408 = arith.shli %get3A_1405, %shift_left3A_1407 : vector<16xi32>
        %bitcast3A_1409 = vector.bitcast %shift_left3A_1408 : vector<16xi32> to vector<16xf32>
        %and3A_1410 = arith.constant -65536 : i32
        %and3A_1411 = vector.broadcast %and3A_1410 : i32 to vector<16xi32>
        %and3A_1412 = arith.andi %get3A_1405, %and3A_1411 : vector<16xi32>
        %bitcast3A_1413 = vector.bitcast %and3A_1412 : vector<16xi32> to vector<16xf32>
        %add3A_1414 = arith.addf %add3A_1346, %bitcast3A_1409 : vector<16xf32>
        %add3A_1415 = arith.addf %add3A_1347, %bitcast3A_1413 : vector<16xf32>
        %add3A_1416 = arith.constant 5 : i32
        %add3A_1417 = arith.addi %mul3A_1026, %add3A_1416 : i32
        %get3A_1418 = arith.constant 3 : i32
        %get3A_1419 = arith.index_cast %get3A_1418 : i32 to index
        %get3A_1420 = arith.index_cast %add3A_1417 : i32 to index
        %get3A_1421 = arith.constant 48 : index
        %get3A_1422 = tpu.vector_load %arg6[%get3A_1419, %get3A_1420, %get3A_1421] {strides = array<i32>} : memref<4x200x64xi32, #tpu.memory_space<vmem>>, vector<16xi32>,
        %shift_left3A_1423 = arith.constant 16 : i32
        %shift_left3A_1424 = vector.broadcast %shift_left3A_1423 : i32 to vector<16xi32>
        %shift_left3A_1425 = arith.shli %get3A_1422, %shift_left3A_1424 : vector<16xi32>
        %bitcast3A_1426 = vector.bitcast %shift_left3A_1425 : vector<16xi32> to vector<16xf32>
        %and3A_1427 = arith.constant -65536 : i32
        %and3A_1428 = vector.broadcast %and3A_1427 : i32 to vector<16xi32>
        %and3A_1429 = arith.andi %get3A_1422, %and3A_1428 : vector<16xi32>
        %bitcast3A_1430 = vector.bitcast %and3A_1429 : vector<16xi32> to vector<16xf32>
        %add3A_1431 = arith.addf %add3A_1363, %bitcast3A_1426 : vector<16xf32>
        %add3A_1432 = arith.addf %add3A_1364, %bitcast3A_1430 : vector<16xf32>
        %add3A_1433 = arith.constant 6 : i32
        %add3A_1434 = arith.addi %mul3A_1026, %add3A_1433 : i32
        %get3A_1435 = arith.constant 3 : i32
        %get3A_1436 = arith.index_cast %get3A_1435 : i32 to index
        %get3A_1437 = arith.index_cast %add3A_1434 : i32 to index
        %get3A_1438 = arith.constant 0 : index
        %get3A_1439 = tpu.vector_load %arg6[%get3A_1436, %get3A_1437, %get3A_1438] {strides = array<i32>} : memref<4x200x64xi32, #tpu.memory_space<vmem>>, vector<16xi32>,
        %shift_left3A_1440 = arith.constant 16 : i32
        %shift_left3A_1441 = vector.broadcast %shift_left3A_1440 : i32 to vector<16xi32>
        %shift_left3A_1442 = arith.shli %get3A_1439, %shift_left3A_1441 : vector<16xi32>
        %bitcast3A_1443 = vector.bitcast %shift_left3A_1442 : vector<16xi32> to vector<16xf32>
        %and3A_1444 = arith.constant -65536 : i32
        %and3A_1445 = vector.broadcast %and3A_1444 : i32 to vector<16xi32>
        %and3A_1446 = arith.andi %get3A_1439, %and3A_1445 : vector<16xi32>
        %bitcast3A_1447 = vector.bitcast %and3A_1446 : vector<16xi32> to vector<16xf32>
        %add3A_1448 = arith.addf %add3A_1380, %bitcast3A_1443 : vector<16xf32>
        %add3A_1449 = arith.addf %add3A_1381, %bitcast3A_1447 : vector<16xf32>
        %add3A_1450 = arith.constant 6 : i32
        %add3A_1451 = arith.addi %mul3A_1026, %add3A_1450 : i32
        %get3A_1452 = arith.constant 3 : i32
        %get3A_1453 = arith.index_cast %get3A_1452 : i32 to index
        %get3A_1454 = arith.index_cast %add3A_1451 : i32 to index
        %get3A_1455 = arith.constant 16 : index
        %get3A_1456 = tpu.vector_load %arg6[%get3A_1453, %get3A_1454, %get3A_1455] {strides = array<i32>} : memref<4x200x64xi32, #tpu.memory_space<vmem>>, vector<16xi32>,
        %shift_left3A_1457 = arith.constant 16 : i32
        %shift_left3A_1458 = vector.broadcast %shift_left3A_1457 : i32 to vector<16xi32>
        %shift_left3A_1459 = arith.shli %get3A_1456, %shift_left3A_1458 : vector<16xi32>
        %bitcast3A_1460 = vector.bitcast %shift_left3A_1459 : vector<16xi32> to vector<16xf32>
        %and3A_1461 = arith.constant -65536 : i32
        %and3A_1462 = vector.broadcast %and3A_1461 : i32 to vector<16xi32>
        %and3A_1463 = arith.andi %get3A_1456, %and3A_1462 : vector<16xi32>
        %bitcast3A_1464 = vector.bitcast %and3A_1463 : vector<16xi32> to vector<16xf32>
        %add3A_1465 = arith.addf %add3A_1397, %bitcast3A_1460 : vector<16xf32>
        %add3A_1466 = arith.addf %add3A_1398, %bitcast3A_1464 : vector<16xf32>
        %add3A_1467 = arith.constant 6 : i32
        %add3A_1468 = arith.addi %mul3A_1026, %add3A_1467 : i32
        %get3A_1469 = arith.constant 3 : i32
        %get3A_1470 = arith.index_cast %get3A_1469 : i32 to index
        %get3A_1471 = arith.index_cast %add3A_1468 : i32 to index
        %get3A_1472 = arith.constant 32 : index
        %get3A_1473 = tpu.vector_load %arg6[%get3A_1470, %get3A_1471, %get3A_1472] {strides = array<i32>} : memref<4x200x64xi32, #tpu.memory_space<vmem>>, vector<16xi32>,
        %shift_left3A_1474 = arith.constant 16 : i32
        %shift_left3A_1475 = vector.broadcast %shift_left3A_1474 : i32 to vector<16xi32>
        %shift_left3A_1476 = arith.shli %get3A_1473, %shift_left3A_1475 : vector<16xi32>
        %bitcast3A_1477 = vector.bitcast %shift_left3A_1476 : vector<16xi32> to vector<16xf32>
        %and3A_1478 = arith.constant -65536 : i32
        %and3A_1479 = vector.broadcast %and3A_1478 : i32 to vector<16xi32>
        %and3A_1480 = arith.andi %get3A_1473, %and3A_1479 : vector<16xi32>
        %bitcast3A_1481 = vector.bitcast %and3A_1480 : vector<16xi32> to vector<16xf32>
        %add3A_1482 = arith.addf %add3A_1414, %bitcast3A_1477 : vector<16xf32>
        %add3A_1483 = arith.addf %add3A_1415, %bitcast3A_1481 : vector<16xf32>
        %add3A_1484 = arith.constant 6 : i32
        %add3A_1485 = arith.addi %mul3A_1026, %add3A_1484 : i32
        %get3A_1486 = arith.constant 3 : i32
        %get3A_1487 = arith.index_cast %get3A_1486 : i32 to index
        %get3A_1488 = arith.index_cast %add3A_1485 : i32 to index
        %get3A_1489 = arith.constant 48 : index
        %get3A_1490 = tpu.vector_load %arg6[%get3A_1487, %get3A_1488, %get3A_1489] {strides = array<i32>} : memref<4x200x64xi32, #tpu.memory_space<vmem>>, vector<16xi32>,
        %shift_left3A_1491 = arith.constant 16 : i32
        %shift_left3A_1492 = vector.broadcast %shift_left3A_1491 : i32 to vector<16xi32>
        %shift_left3A_1493 = arith.shli %get3A_1490, %shift_left3A_1492 : vector<16xi32>
        %bitcast3A_1494 = vector.bitcast %shift_left3A_1493 : vector<16xi32> to vector<16xf32>
        %and3A_1495 = arith.constant -65536 : i32
        %and3A_1496 = vector.broadcast %and3A_1495 : i32 to vector<16xi32>
        %and3A_1497 = arith.andi %get3A_1490, %and3A_1496 : vector<16xi32>
        %bitcast3A_1498 = vector.bitcast %and3A_1497 : vector<16xi32> to vector<16xf32>
        %add3A_1499 = arith.addf %add3A_1431, %bitcast3A_1494 : vector<16xf32>
        %add3A_1500 = arith.addf %add3A_1432, %bitcast3A_1498 : vector<16xf32>
        %add3A_1501 = arith.constant 7 : i32
        %add3A_1502 = arith.addi %mul3A_1026, %add3A_1501 : i32
        %get3A_1503 = arith.constant 3 : i32
        %get3A_1504 = arith.index_cast %get3A_1503 : i32 to index
        %get3A_1505 = arith.index_cast %add3A_1502 : i32 to index
        %get3A_1506 = arith.constant 0 : index
        %get3A_1507 = tpu.vector_load %arg6[%get3A_1504, %get3A_1505, %get3A_1506] {strides = array<i32>} : memref<4x200x64xi32, #tpu.memory_space<vmem>>, vector<16xi32>,
        %shift_left3A_1508 = arith.constant 16 : i32
        %shift_left3A_1509 = vector.broadcast %shift_left3A_1508 : i32 to vector<16xi32>
        %shift_left3A_1510 = arith.shli %get3A_1507, %shift_left3A_1509 : vector<16xi32>
        %bitcast3A_1511 = vector.bitcast %shift_left3A_1510 : vector<16xi32> to vector<16xf32>
        %and3A_1512 = arith.constant -65536 : i32
        %and3A_1513 = vector.broadcast %and3A_1512 : i32 to vector<16xi32>
        %and3A_1514 = arith.andi %get3A_1507, %and3A_1513 : vector<16xi32>
        %bitcast3A_1515 = vector.bitcast %and3A_1514 : vector<16xi32> to vector<16xf32>
        %add3A_1516 = arith.addf %add3A_1448, %bitcast3A_1511 : vector<16xf32>
        %add3A_1517 = arith.addf %add3A_1449, %bitcast3A_1515 : vector<16xf32>
        %add3A_1518 = arith.constant 7 : i32
        %add3A_1519 = arith.addi %mul3A_1026, %add3A_1518 : i32
        %get3A_1520 = arith.constant 3 : i32
        %get3A_1521 = arith.index_cast %get3A_1520 : i32 to index
        %get3A_1522 = arith.index_cast %add3A_1519 : i32 to index
        %get3A_1523 = arith.constant 16 : index
        %get3A_1524 = tpu.vector_load %arg6[%get3A_1521, %get3A_1522, %get3A_1523] {strides = array<i32>} : memref<4x200x64xi32, #tpu.memory_space<vmem>>, vector<16xi32>,
        %shift_left3A_1525 = arith.constant 16 : i32
        %shift_left3A_1526 = vector.broadcast %shift_left3A_1525 : i32 to vector<16xi32>
        %shift_left3A_1527 = arith.shli %get3A_1524, %shift_left3A_1526 : vector<16xi32>
        %bitcast3A_1528 = vector.bitcast %shift_left3A_1527 : vector<16xi32> to vector<16xf32>
        %and3A_1529 = arith.constant -65536 : i32
        %and3A_1530 = vector.broadcast %and3A_1529 : i32 to vector<16xi32>
        %and3A_1531 = arith.andi %get3A_1524, %and3A_1530 : vector<16xi32>
        %bitcast3A_1532 = vector.bitcast %and3A_1531 : vector<16xi32> to vector<16xf32>
        %add3A_1533 = arith.addf %add3A_1465, %bitcast3A_1528 : vector<16xf32>
        %add3A_1534 = arith.addf %add3A_1466, %bitcast3A_1532 : vector<16xf32>
        %add3A_1535 = arith.constant 7 : i32
        %add3A_1536 = arith.addi %mul3A_1026, %add3A_1535 : i32
        %get3A_1537 = arith.constant 3 : i32
        %get3A_1538 = arith.index_cast %get3A_1537 : i32 to index
        %get3A_1539 = arith.index_cast %add3A_1536 : i32 to index
        %get3A_1540 = arith.constant 32 : index
        %get3A_1541 = tpu.vector_load %arg6[%get3A_1538, %get3A_1539, %get3A_1540] {strides = array<i32>} : memref<4x200x64xi32, #tpu.memory_space<vmem>>, vector<16xi32>,
        %shift_left3A_1542 = arith.constant 16 : i32
        %shift_left3A_1543 = vector.broadcast %shift_left3A_1542 : i32 to vector<16xi32>
        %shift_left3A_1544 = arith.shli %get3A_1541, %shift_left3A_1543 : vector<16xi32>
        %bitcast3A_1545 = vector.bitcast %shift_left3A_1544 : vector<16xi32> to vector<16xf32>
        %and3A_1546 = arith.constant -65536 : i32
        %and3A_1547 = vector.broadcast %and3A_1546 : i32 to vector<16xi32>
        %and3A_1548 = arith.andi %get3A_1541, %and3A_1547 : vector<16xi32>
        %bitcast3A_1549 = vector.bitcast %and3A_1548 : vector<16xi32> to vector<16xf32>
        %add3A_1550 = arith.addf %add3A_1482, %bitcast3A_1545 : vector<16xf32>
        %add3A_1551 = arith.addf %add3A_1483, %bitcast3A_1549 : vector<16xf32>
        %add3A_1552 = arith.constant 7 : i32
        %add3A_1553 = arith.addi %mul3A_1026, %add3A_1552 : i32
        %get3A_1554 = arith.constant 3 : i32
        %get3A_1555 = arith.index_cast %get3A_1554 : i32 to index
        %get3A_1556 = arith.index_cast %add3A_1553 : i32 to index
        %get3A_1557 = arith.constant 48 : index
        %get3A_1558 = tpu.vector_load %arg6[%get3A_1555, %get3A_1556, %get3A_1557] {strides = array<i32>} : memref<4x200x64xi32, #tpu.memory_space<vmem>>, vector<16xi32>,
        %shift_left3A_1559 = arith.constant 16 : i32
        %shift_left3A_1560 = vector.broadcast %shift_left3A_1559 : i32 to vector<16xi32>
        %shift_left3A_1561 = arith.shli %get3A_1558, %shift_left3A_1560 : vector<16xi32>
        %bitcast3A_1562 = vector.bitcast %shift_left3A_1561 : vector<16xi32> to vector<16xf32>
        %and3A_1563 = arith.constant -65536 : i32
        %and3A_1564 = vector.broadcast %and3A_1563 : i32 to vector<16xi32>
        %and3A_1565 = arith.andi %get3A_1558, %and3A_1564 : vector<16xi32>
        %bitcast3A_1566 = vector.bitcast %and3A_1565 : vector<16xi32> to vector<16xf32>
        %add3A_1567 = arith.addf %add3A_1499, %bitcast3A_1562 : vector<16xf32>
        %add3A_1568 = arith.addf %add3A_1500, %bitcast3A_1566 : vector<16xf32>
        scf.yield %add3A_1516, %add3A_1533, %add3A_1550, %add3A_1567, %add3A_1517, %add3A_1534, %add3A_1551, %add3A_1568 : vector<16xf32>, vector<16xf32>, vector<16xf32>, vector<16xf32>, vector<16xf32>, vector<16xf32>, vector<16xf32>, vector<16xf32>
      }
      %scan3A_983 = arith.constant 25 : i32
      %mul3A_984 = arith.mulf %scan3A_982#0, %div3A_961 : vector<16xf32>
      %swap3A_985 = arith.index_cast %add3A_779 : i32 to index
      %swap3A_986 = arith.constant 0 : index
      %swap3A_987 = tpu.vector_load %arg7[%swap3A_985, %swap3A_986] {strides = array<i32>} : memref<128x128xf32, #tpu.memory_space<vmem>>, vector<16xf32>,
      tpu.vector_store %arg7[%swap3A_985, %swap3A_986], %mul3A_984 {strides = array<i32>} : memref<128x128xf32, #tpu.memory_space<vmem>>, vector<16xf32>,
      %mul3A_988 = arith.mulf %scan3A_982#1, %div3A_961 : vector<16xf32>
      %swap3A_989 = arith.index_cast %add3A_779 : i32 to index
      %swap3A_990 = arith.constant 16 : index
      %swap3A_991 = tpu.vector_load %arg7[%swap3A_989, %swap3A_990] {strides = array<i32>} : memref<128x128xf32, #tpu.memory_space<vmem>>, vector<16xf32>,
      tpu.vector_store %arg7[%swap3A_989, %swap3A_990], %mul3A_988 {strides = array<i32>} : memref<128x128xf32, #tpu.memory_space<vmem>>, vector<16xf32>,
      %mul3A_992 = arith.mulf %scan3A_982#2, %div3A_961 : vector<16xf32>
      %swap3A_993 = arith.index_cast %add3A_779 : i32 to index
      %swap3A_994 = arith.constant 32 : index
      %swap3A_995 = tpu.vector_load %arg7[%swap3A_993, %swap3A_994] {strides = array<i32>} : memref<128x128xf32, #tpu.memory_space<vmem>>, vector<16xf32>,
      tpu.vector_store %arg7[%swap3A_993, %swap3A_994], %mul3A_992 {strides = array<i32>} : memref<128x128xf32, #tpu.memory_space<vmem>>, vector<16xf32>,
      %mul3A_996 = arith.mulf %scan3A_982#3, %div3A_961 : vector<16xf32>
      %swap3A_997 = arith.index_cast %add3A_779 : i32 to index
      %swap3A_998 = arith.constant 48 : index
      %swap3A_999 = tpu.vector_load %arg7[%swap3A_997, %swap3A_998] {strides = array<i32>} : memref<128x128xf32, #tpu.memory_space<vmem>>, vector<16xf32>,
      tpu.vector_store %arg7[%swap3A_997, %swap3A_998], %mul3A_996 {strides = array<i32>} : memref<128x128xf32, #tpu.memory_space<vmem>>, vector<16xf32>,
      %mul3A_1000 = arith.mulf %scan3A_982#4, %div3A_961 : vector<16xf32>
      %swap3A_1001 = arith.index_cast %add3A_779 : i32 to index
      %swap3A_1002 = arith.constant 64 : index
      %swap3A_1003 = tpu.vector_load %arg7[%swap3A_1001, %swap3A_1002] {strides = array<i32>} : memref<128x128xf32, #tpu.memory_space<vmem>>, vector<16xf32>,
      tpu.vector_store %arg7[%swap3A_1001, %swap3A_1002], %mul3A_1000 {strides = array<i32>} : memref<128x128xf32, #tpu.memory_space<vmem>>, vector<16xf32>,
      %mul3A_1004 = arith.mulf %scan3A_982#5, %div3A_961 : vector<16xf32>
      %swap3A_1005 = arith.index_cast %add3A_779 : i32 to index
      %swap3A_1006 = arith.constant 80 : index
      %swap3A_1007 = tpu.vector_load %arg7[%swap3A_1005, %swap3A_1006] {strides = array<i32>} : memref<128x128xf32, #tpu.memory_space<vmem>>, vector<16xf32>,
      tpu.vector_store %arg7[%swap3A_1005, %swap3A_1006], %mul3A_1004 {strides = array<i32>} : memref<128x128xf32, #tpu.memory_space<vmem>>, vector<16xf32>,
      %mul3A_1008 = arith.mulf %scan3A_982#6, %div3A_961 : vector<16xf32>
      %swap3A_1009 = arith.index_cast %add3A_779 : i32 to index
      %swap3A_1010 = arith.constant 96 : index
      %swap3A_1011 = tpu.vector_load %arg7[%swap3A_1009, %swap3A_1010] {strides = array<i32>} : memref<128x128xf32, #tpu.memory_space<vmem>>, vector<16xf32>,
      tpu.vector_store %arg7[%swap3A_1009, %swap3A_1010], %mul3A_1008 {strides = array<i32>} : memref<128x128xf32, #tpu.memory_space<vmem>>, vector<16xf32>,
      %mul3A_1012 = arith.mulf %scan3A_982#7, %div3A_961 : vector<16xf32>
      %swap3A_1013 = arith.index_cast %add3A_779 : i32 to index
      %swap3A_1014 = arith.constant 112 : index
      %swap3A_1015 = tpu.vector_load %arg7[%swap3A_1013, %swap3A_1014] {strides = array<i32>} : memref<128x128xf32, #tpu.memory_space<vmem>>, vector<16xf32>,
      tpu.vector_store %arg7[%swap3A_1013, %swap3A_1014], %mul3A_1012 {strides = array<i32>} : memref<128x128xf32, #tpu.memory_space<vmem>>, vector<16xf32>,
    }
    %scan3A_68 = arith.constant 32 : i32
    "tpu.region"() ({
      %run_scoped3A = tpu.sem_alloc : memref<!tpu.dma_semaphore, #tpu.memory_space<semaphore_mem>>
      %dma_start3A_69 = arith.constant 0 : i32
      %dma_start3A_70 = tpu.memref_slice %arg4[%mul3A_2, %dma_start3A_69] : memref<4096x128xf32, #tpu.memory_space<hbm>> -> memref<128x128xf32, #tpu.memory_space<hbm>>
      %dma_start3A_71 = arith.constant 0 : i32
      %dma_start3A_72 = tpu.memref_slice %arg4[%mul3A_2, %dma_start3A_71] : memref<4096x128xf32, #tpu.memory_space<hbm>> -> memref<128x128xf32, #tpu.memory_space<hbm>>
      tpu.enqueue_dma source(%arg7 : memref<128x128xf32, #tpu.memory_space<vmem>>) target(%dma_start3A_72 : memref<128x128xf32, #tpu.memory_space<hbm>>) target_semaphore(%run_scoped3A : memref<!tpu.dma_semaphore, #tpu.memory_space<semaphore_mem>>)
      %dma_wait3A = arith.constant 0 : i32
      %dma_wait3A_73 = tpu.memref_slice %arg4[%mul3A_2, %dma_wait3A] : memref<4096x128xf32, #tpu.memory_space<hbm>> -> memref<128x128xf32, #tpu.memory_space<hbm>>
      %dma_wait3A_74 = arith.constant 0 : i32
      %dma_wait3A_75 = tpu.memref_slice %arg4[%mul3A_2, %dma_wait3A_74] : memref<4096x128xf32, #tpu.memory_space<hbm>> -> memref<128x128xf32, #tpu.memory_space<hbm>>
      tpu.wait_dma2 semaphore(%run_scoped3A : memref<!tpu.dma_semaphore, #tpu.memory_space<semaphore_mem>>) src(%arg7 : memref<128x128xf32, #tpu.memory_space<vmem>>) dst(%dma_wait3A_75 : memref<128x128xf32, #tpu.memory_space<hbm>>)
      tpu.yield
    }) : () -> ()
    return
  }
}

module attributes {stable_mosaic.version = 14 : i64} {
  func.func @body(%arg0: i32, %arg1: memref<10000x128xf32, #tpu.memory_space<vmem>>, %arg2: memref<100000x64xi32, #tpu.memory_space<any>>, %arg3: memref<2x10000x64xi32, #tpu.memory_space<vmem>>, %arg4: memref<!tpu.dma_semaphore, #tpu.memory_space<semaphore_mem>>) attributes {dimension_semantics = [#tpu.dimension_semantics<arbitrary>], iteration_bounds = array<i64: 10>, scalar_prefetch = 0 : i64, scratch_operands = 2 : i64, tpu.core_type = #tpu.core_type<tc>, window_params = [{transform_indices = @transform_0, window_bounds = array<i64: 10000, 128>}, {}]} {
    %jit3A = arith.constant 2 : i32
    %eq3A = arith.constant 0 : i32
    %eq3A_0 = arith.cmpi eq, %jit3A, %eq3A : i32
    %jit3A_1 = arith.constant 1 : i32
    %select_n3A = arith.select %eq3A_0, %jit3A_1, %jit3A : i32
    %rem3A = arith.remsi %arg0, %select_n3A : i32
    %ne3A = arith.constant 0 : i32
    %ne3A_2 = arith.cmpi ne, %rem3A, %ne3A : i32
    %lt3A = arith.constant 0 : i32
    %lt3A_3 = arith.cmpi slt, %rem3A, %lt3A : i32
    %lt3A_4 = arith.constant 0 : i32
    %lt3A_5 = arith.cmpi slt, %select_n3A, %lt3A_4 : i32
    %ne3A_6 = arith.xori %lt3A_3, %lt3A_5 : i1
    %and3A = arith.andi %ne3A_6, %ne3A_2 : i1
    %add3A = arith.addi %rem3A, %select_n3A : i32
    %select_n3A_7 = arith.select %and3A, %add3A, %rem3A : i32
    %eq3A_8 = arith.constant 0 : i32
    %eq3A_9 = arith.cmpi eq, %select_n3A_7, %eq3A_8 : i32
    %convert_element_type3A = arith.extui %eq3A_9 : i1 to i32
    %cond3A = arith.constant 0 : i32
    %cond3A_10 = arith.cmpi ne, %convert_element_type3A, %cond3A : i32
    scf.if %cond3A_10 {
      %ge3A = arith.constant 2 : i32
      %ge3A_37 = arith.cmpi sge, %arg0, %ge3A : i32
      %convert_element_type3A_38 = arith.extui %ge3A_37 : i1 to i32
      %cond3A_39 = arith.constant 0 : i32
      %cond3A_40 = arith.cmpi ne, %convert_element_type3A_38, %cond3A_39 : i32
      scf.if %cond3A_40 {
        %sub3A = arith.constant 2 : i32
        %sub3A_74 = arith.subi %arg0, %sub3A : i32
        %mul3A_75 = arith.constant 10000 : i32
        %mul3A_76 = arith.muli %sub3A_74, %mul3A_75 : i32
        %dma_wait3A = arith.constant 0 : i32
        %dma_wait3A_77 = arith.constant 0 : i32
        %dma_wait3A_78 = tpu.memref_slice %arg2[%mul3A_76, %dma_wait3A_77] : memref<100000x64xi32, #tpu.memory_space<any>> -> memref<10000x64xi32, #tpu.memory_space<any>>
        %dma_wait3A_79 = arith.constant 0 : i32
        %dma_wait3A_80 = arith.constant 0 : i32
        %dma_wait3A_81 = tpu.memref_slice %arg3[%dma_wait3A, %dma_wait3A_79, %dma_wait3A_80] : memref<2x10000x64xi32, #tpu.memory_space<vmem>> -> memref<1x10000x64xi32, #tpu.memory_space<vmem>>
        %dma_wait3A_82 = tpu.memref_squeeze %dma_wait3A_81 : memref<1x10000x64xi32, #tpu.memory_space<vmem>> -> memref<10000x64xi32, #tpu.memory_space<vmem>>
        tpu.wait_dma2 semaphore(%arg4 : memref<!tpu.dma_semaphore, #tpu.memory_space<semaphore_mem>>) src(%dma_wait3A_82 : memref<10000x64xi32, #tpu.memory_space<vmem>>) dst(%dma_wait3A_78 : memref<10000x64xi32, #tpu.memory_space<any>>)
      } else {
      }
      %get3A = arith.constant 0 : index
      %get3A_41 = arith.constant 0 : index
      %get3A_42 = vector.load %arg1[%get3A, %get3A_41] : memref<10000x128xf32, #tpu.memory_space<vmem>>, vector<10000x128xf32>
      %bitcast_convert_type3A = tpu.bitcast %get3A_42 : vector<10000x128xf32> -> vector<10000x128xi32>
      %shift_right_arithmetic3A = arith.constant 16 : i32
      %shift_right_arithmetic3A_43 = vector.broadcast %shift_right_arithmetic3A : i32 to vector<10000x128xi32>
      %shift_right_arithmetic3A_44 = arith.shrsi %bitcast_convert_type3A, %shift_right_arithmetic3A_43 : vector<10000x128xi32>
      %and3A_45 = arith.constant 1 : i32
      %and3A_46 = vector.broadcast %and3A_45 : i32 to vector<10000x128xi32>
      %and3A_47 = arith.andi %shift_right_arithmetic3A_44, %and3A_46 : vector<10000x128xi32>
      %add3A_48 = arith.addi %bitcast_convert_type3A, %and3A_47 : vector<10000x128xi32>
      %add3A_49 = arith.constant 32767 : i32
      %add3A_50 = vector.broadcast %add3A_49 : i32 to vector<10000x128xi32>
      %add3A_51 = arith.addi %add3A_48, %add3A_50 : vector<10000x128xi32>
      %slice3A = vector.extract_strided_slice %add3A_51 {offsets = [0, 0], sizes = [10000, 64], strides = [1, 1]} : vector<10000x128xi32> to vector<10000x64xi32>
      %slice3A_52 = vector.extract_strided_slice %add3A_51 {offsets = [0, 64], sizes = [10000, 64], strides = [1, 1]} : vector<10000x128xi32> to vector<10000x64xi32>
      %shift_right_arithmetic3A_53 = arith.constant 16 : i32
      %shift_right_arithmetic3A_54 = vector.broadcast %shift_right_arithmetic3A_53 : i32 to vector<10000x64xi32>
      %shift_right_arithmetic3A_55 = arith.shrsi %slice3A, %shift_right_arithmetic3A_54 : vector<10000x64xi32>
      %and3A_56 = arith.constant 65535 : i32
      %and3A_57 = vector.broadcast %and3A_56 : i32 to vector<10000x64xi32>
      %and3A_58 = arith.andi %shift_right_arithmetic3A_55, %and3A_57 : vector<10000x64xi32>
      %and3A_59 = arith.constant -65536 : i32
      %and3A_60 = vector.broadcast %and3A_59 : i32 to vector<10000x64xi32>
      %and3A_61 = arith.andi %slice3A_52, %and3A_60 : vector<10000x64xi32>
      %or3A = arith.ori %and3A_58, %and3A_61 : vector<10000x64xi32>
      %swap3A = arith.constant 0 : index
      %swap3A_62 = arith.constant 0 : index
      %swap3A_63 = arith.constant 0 : index
      %swap3A_64 = vector.load %arg3[%swap3A, %swap3A_62, %swap3A_63] : memref<2x10000x64xi32, #tpu.memory_space<vmem>>, vector<1x10000x64xi32>
      %swap3A_65 = vector.shape_cast %swap3A_64 : vector<1x10000x64xi32> to vector<10000x64xi32>
      %swap3A_66 = vector.shape_cast %or3A : vector<10000x64xi32> to vector<1x10000x64xi32>
      tpu.vector_store %arg3[%swap3A, %swap3A_62, %swap3A_63], %swap3A_66 {strides = array<i32>} : memref<2x10000x64xi32, #tpu.memory_space<vmem>>, vector<1x10000x64xi32>,
      %mul3A = arith.constant 10000 : i32
      %mul3A_67 = arith.muli %arg0, %mul3A : i32
      %dma_start3A = arith.constant 0 : i32
      %dma_start3A_68 = arith.constant 0 : i32
      %dma_start3A_69 = tpu.memref_slice %arg2[%mul3A_67, %dma_start3A_68] : memref<100000x64xi32, #tpu.memory_space<any>> -> memref<10000x64xi32, #tpu.memory_space<any>>
      %dma_start3A_70 = arith.constant 0 : i32
      %dma_start3A_71 = arith.constant 0 : i32
      %dma_start3A_72 = tpu.memref_slice %arg3[%dma_start3A, %dma_start3A_70, %dma_start3A_71] : memref<2x10000x64xi32, #tpu.memory_space<vmem>> -> memref<1x10000x64xi32, #tpu.memory_space<vmem>>
      %dma_start3A_73 = tpu.memref_squeeze %dma_start3A_72 : memref<1x10000x64xi32, #tpu.memory_space<vmem>> -> memref<10000x64xi32, #tpu.memory_space<vmem>>
      tpu.enqueue_dma source(%dma_start3A_73 : memref<10000x64xi32, #tpu.memory_space<vmem>>) target(%dma_start3A_69 : memref<10000x64xi32, #tpu.memory_space<any>>) target_semaphore(%arg4 : memref<!tpu.dma_semaphore, #tpu.memory_space<semaphore_mem>>)
    } else {
    }
    %jit3A_11 = arith.constant 2 : i32
    %eq3A_12 = arith.constant 0 : i32
    %eq3A_13 = arith.cmpi eq, %jit3A_11, %eq3A_12 : i32
    %jit3A_14 = arith.constant 1 : i32
    %select_n3A_15 = arith.select %eq3A_13, %jit3A_14, %jit3A_11 : i32
    %rem3A_16 = arith.remsi %arg0, %select_n3A_15 : i32
    %ne3A_17 = arith.constant 0 : i32
    %ne3A_18 = arith.cmpi ne, %rem3A_16, %ne3A_17 : i32
    %lt3A_19 = arith.constant 0 : i32
    %lt3A_20 = arith.cmpi slt, %rem3A_16, %lt3A_19 : i32
    %lt3A_21 = arith.constant 0 : i32
    %lt3A_22 = arith.cmpi slt, %select_n3A_15, %lt3A_21 : i32
    %ne3A_23 = arith.xori %lt3A_20, %lt3A_22 : i1
    %and3A_24 = arith.andi %ne3A_23, %ne3A_18 : i1
    %add3A_25 = arith.addi %rem3A_16, %select_n3A_15 : i32
    %select_n3A_26 = arith.select %and3A_24, %add3A_25, %rem3A_16 : i32
    %eq3A_27 = arith.constant 1 : i32
    %eq3A_28 = arith.cmpi eq, %select_n3A_26, %eq3A_27 : i32
    %convert_element_type3A_29 = arith.extui %eq3A_28 : i1 to i32
    %cond3A_30 = arith.constant 0 : i32
    %cond3A_31 = arith.cmpi ne, %convert_element_type3A_29, %cond3A_30 : i32
    scf.if %cond3A_31 {
      %ge3A = arith.constant 2 : i32
      %ge3A_37 = arith.cmpi sge, %arg0, %ge3A : i32
      %convert_element_type3A_38 = arith.extui %ge3A_37 : i1 to i32
      %cond3A_39 = arith.constant 0 : i32
      %cond3A_40 = arith.cmpi ne, %convert_element_type3A_38, %cond3A_39 : i32
      scf.if %cond3A_40 {
        %sub3A = arith.constant 2 : i32
        %sub3A_74 = arith.subi %arg0, %sub3A : i32
        %mul3A_75 = arith.constant 10000 : i32
        %mul3A_76 = arith.muli %sub3A_74, %mul3A_75 : i32
        %dma_wait3A = arith.constant 1 : i32
        %dma_wait3A_77 = arith.constant 0 : i32
        %dma_wait3A_78 = tpu.memref_slice %arg2[%mul3A_76, %dma_wait3A_77] : memref<100000x64xi32, #tpu.memory_space<any>> -> memref<10000x64xi32, #tpu.memory_space<any>>
        %dma_wait3A_79 = arith.constant 0 : i32
        %dma_wait3A_80 = arith.constant 0 : i32
        %dma_wait3A_81 = tpu.memref_slice %arg3[%dma_wait3A, %dma_wait3A_79, %dma_wait3A_80] : memref<2x10000x64xi32, #tpu.memory_space<vmem>> -> memref<1x10000x64xi32, #tpu.memory_space<vmem>>
        %dma_wait3A_82 = tpu.memref_squeeze %dma_wait3A_81 : memref<1x10000x64xi32, #tpu.memory_space<vmem>> -> memref<10000x64xi32, #tpu.memory_space<vmem>>
        tpu.wait_dma2 semaphore(%arg4 : memref<!tpu.dma_semaphore, #tpu.memory_space<semaphore_mem>>) src(%dma_wait3A_82 : memref<10000x64xi32, #tpu.memory_space<vmem>>) dst(%dma_wait3A_78 : memref<10000x64xi32, #tpu.memory_space<any>>)
      } else {
      }
      %get3A = arith.constant 0 : index
      %get3A_41 = arith.constant 0 : index
      %get3A_42 = vector.load %arg1[%get3A, %get3A_41] : memref<10000x128xf32, #tpu.memory_space<vmem>>, vector<10000x128xf32>
      %bitcast_convert_type3A = tpu.bitcast %get3A_42 : vector<10000x128xf32> -> vector<10000x128xi32>
      %shift_right_arithmetic3A = arith.constant 16 : i32
      %shift_right_arithmetic3A_43 = vector.broadcast %shift_right_arithmetic3A : i32 to vector<10000x128xi32>
      %shift_right_arithmetic3A_44 = arith.shrsi %bitcast_convert_type3A, %shift_right_arithmetic3A_43 : vector<10000x128xi32>
      %and3A_45 = arith.constant 1 : i32
      %and3A_46 = vector.broadcast %and3A_45 : i32 to vector<10000x128xi32>
      %and3A_47 = arith.andi %shift_right_arithmetic3A_44, %and3A_46 : vector<10000x128xi32>
      %add3A_48 = arith.addi %bitcast_convert_type3A, %and3A_47 : vector<10000x128xi32>
      %add3A_49 = arith.constant 32767 : i32
      %add3A_50 = vector.broadcast %add3A_49 : i32 to vector<10000x128xi32>
      %add3A_51 = arith.addi %add3A_48, %add3A_50 : vector<10000x128xi32>
      %slice3A = vector.extract_strided_slice %add3A_51 {offsets = [0, 0], sizes = [10000, 64], strides = [1, 1]} : vector<10000x128xi32> to vector<10000x64xi32>
      %slice3A_52 = vector.extract_strided_slice %add3A_51 {offsets = [0, 64], sizes = [10000, 64], strides = [1, 1]} : vector<10000x128xi32> to vector<10000x64xi32>
      %shift_right_arithmetic3A_53 = arith.constant 16 : i32
      %shift_right_arithmetic3A_54 = vector.broadcast %shift_right_arithmetic3A_53 : i32 to vector<10000x64xi32>
      %shift_right_arithmetic3A_55 = arith.shrsi %slice3A, %shift_right_arithmetic3A_54 : vector<10000x64xi32>
      %and3A_56 = arith.constant 65535 : i32
      %and3A_57 = vector.broadcast %and3A_56 : i32 to vector<10000x64xi32>
      %and3A_58 = arith.andi %shift_right_arithmetic3A_55, %and3A_57 : vector<10000x64xi32>
      %and3A_59 = arith.constant -65536 : i32
      %and3A_60 = vector.broadcast %and3A_59 : i32 to vector<10000x64xi32>
      %and3A_61 = arith.andi %slice3A_52, %and3A_60 : vector<10000x64xi32>
      %or3A = arith.ori %and3A_58, %and3A_61 : vector<10000x64xi32>
      %swap3A = arith.constant 1 : index
      %swap3A_62 = arith.constant 0 : index
      %swap3A_63 = arith.constant 0 : index
      %swap3A_64 = vector.load %arg3[%swap3A, %swap3A_62, %swap3A_63] : memref<2x10000x64xi32, #tpu.memory_space<vmem>>, vector<1x10000x64xi32>
      %swap3A_65 = vector.shape_cast %swap3A_64 : vector<1x10000x64xi32> to vector<10000x64xi32>
      %swap3A_66 = vector.shape_cast %or3A : vector<10000x64xi32> to vector<1x10000x64xi32>
      tpu.vector_store %arg3[%swap3A, %swap3A_62, %swap3A_63], %swap3A_66 {strides = array<i32>} : memref<2x10000x64xi32, #tpu.memory_space<vmem>>, vector<1x10000x64xi32>,
      %mul3A = arith.constant 10000 : i32
      %mul3A_67 = arith.muli %arg0, %mul3A : i32
      %dma_start3A = arith.constant 1 : i32
      %dma_start3A_68 = arith.constant 0 : i32
      %dma_start3A_69 = tpu.memref_slice %arg2[%mul3A_67, %dma_start3A_68] : memref<100000x64xi32, #tpu.memory_space<any>> -> memref<10000x64xi32, #tpu.memory_space<any>>
      %dma_start3A_70 = arith.constant 0 : i32
      %dma_start3A_71 = arith.constant 0 : i32
      %dma_start3A_72 = tpu.memref_slice %arg3[%dma_start3A, %dma_start3A_70, %dma_start3A_71] : memref<2x10000x64xi32, #tpu.memory_space<vmem>> -> memref<1x10000x64xi32, #tpu.memory_space<vmem>>
      %dma_start3A_73 = tpu.memref_squeeze %dma_start3A_72 : memref<1x10000x64xi32, #tpu.memory_space<vmem>> -> memref<10000x64xi32, #tpu.memory_space<vmem>>
      tpu.enqueue_dma source(%dma_start3A_73 : memref<10000x64xi32, #tpu.memory_space<vmem>>) target(%dma_start3A_69 : memref<10000x64xi32, #tpu.memory_space<any>>) target_semaphore(%arg4 : memref<!tpu.dma_semaphore, #tpu.memory_space<semaphore_mem>>)
    } else {
    }
    %eq3A_32 = arith.constant 9 : i32
    %eq3A_33 = arith.cmpi eq, %arg0, %eq3A_32 : i32
    %convert_element_type3A_34 = arith.extui %eq3A_33 : i1 to i32
    %cond3A_35 = arith.constant 0 : i32
    %cond3A_36 = arith.cmpi ne, %convert_element_type3A_34, %cond3A_35 : i32
    scf.if %cond3A_36 {
      %sub3A = arith.constant 1 : i32
      %sub3A_37 = arith.subi %arg0, %sub3A : i32
      %add3A_38 = arith.constant 0 : i32
      %add3A_39 = arith.addi %sub3A_37, %add3A_38 : i32
      %mul3A = arith.constant 10000 : i32
      %mul3A_40 = arith.muli %add3A_39, %mul3A : i32
      %dma_wait3A = arith.constant 0 : i32
      %dma_wait3A_41 = arith.constant 0 : i32
      %dma_wait3A_42 = tpu.memref_slice %arg2[%mul3A_40, %dma_wait3A_41] : memref<100000x64xi32, #tpu.memory_space<any>> -> memref<10000x64xi32, #tpu.memory_space<any>>
      %dma_wait3A_43 = arith.constant 0 : i32
      %dma_wait3A_44 = arith.constant 0 : i32
      %dma_wait3A_45 = tpu.memref_slice %arg3[%dma_wait3A, %dma_wait3A_43, %dma_wait3A_44] : memref<2x10000x64xi32, #tpu.memory_space<vmem>> -> memref<1x10000x64xi32, #tpu.memory_space<vmem>>
      %dma_wait3A_46 = tpu.memref_squeeze %dma_wait3A_45 : memref<1x10000x64xi32, #tpu.memory_space<vmem>> -> memref<10000x64xi32, #tpu.memory_space<vmem>>
      tpu.wait_dma2 semaphore(%arg4 : memref<!tpu.dma_semaphore, #tpu.memory_space<semaphore_mem>>) src(%dma_wait3A_46 : memref<10000x64xi32, #tpu.memory_space<vmem>>) dst(%dma_wait3A_42 : memref<10000x64xi32, #tpu.memory_space<any>>)
      %sub3A_47 = arith.constant 1 : i32
      %sub3A_48 = arith.subi %arg0, %sub3A_47 : i32
      %add3A_49 = arith.constant 1 : i32
      %add3A_50 = arith.addi %sub3A_48, %add3A_49 : i32
      %mul3A_51 = arith.constant 10000 : i32
      %mul3A_52 = arith.muli %add3A_50, %mul3A_51 : i32
      %dma_wait3A_53 = arith.constant 1 : i32
      %dma_wait3A_54 = arith.constant 0 : i32
      %dma_wait3A_55 = tpu.memref_slice %arg2[%mul3A_52, %dma_wait3A_54] : memref<100000x64xi32, #tpu.memory_space<any>> -> memref<10000x64xi32, #tpu.memory_space<any>>
      %dma_wait3A_56 = arith.constant 0 : i32
      %dma_wait3A_57 = arith.constant 0 : i32
      %dma_wait3A_58 = tpu.memref_slice %arg3[%dma_wait3A_53, %dma_wait3A_56, %dma_wait3A_57] : memref<2x10000x64xi32, #tpu.memory_space<vmem>> -> memref<1x10000x64xi32, #tpu.memory_space<vmem>>
      %dma_wait3A_59 = tpu.memref_squeeze %dma_wait3A_58 : memref<1x10000x64xi32, #tpu.memory_space<vmem>> -> memref<10000x64xi32, #tpu.memory_space<vmem>>
      tpu.wait_dma2 semaphore(%arg4 : memref<!tpu.dma_semaphore, #tpu.memory_space<semaphore_mem>>) src(%dma_wait3A_59 : memref<10000x64xi32, #tpu.memory_space<vmem>>) dst(%dma_wait3A_55 : memref<10000x64xi32, #tpu.memory_space<any>>)
    } else {
    }
    return
  }
  func.func @transform_0(%arg0: i32) -> (i32, i32) {
    %c0_i32 = arith.constant 0 : i32
    %c0_i32_0 = arith.constant 0 : i32
    return %arg0, %c0_i32 : i32, i32
  }
}

module attributes {stable_mosaic.version = 14 : i64} {
  func.func @body(%arg0: i32, %arg1: memref<1024x128xf32, #tpu.memory_space<vmem>>, %arg2: memref<128x128xf32, #tpu.memory_space<vmem>>, %arg3: memref<1x128xf32, #tpu.memory_space<vmem>>, %arg4: memref<100x128xf32, #tpu.memory_space<vmem>>, %arg5: memref<1x100xf32, #tpu.memory_space<vmem>>, %arg6: memref<1024x100xf32, #tpu.memory_space<vmem>>) attributes {dimension_semantics = [#tpu.dimension_semantics<arbitrary>], iteration_bounds = array<i64: 4>, scalar_prefetch = 0 : i64, scratch_operands = 0 : i64, tpu.core_type = #tpu.core_type<tc>, window_params = [{transform_indices = @transform_0, window_bounds = array<i64: 1024, 128>}, {pipeline_mode = #tpu.pipeline_mode<synchronous>, transform_indices = @transform_1, window_bounds = array<i64: 128, 128>}, {pipeline_mode = #tpu.pipeline_mode<synchronous>, transform_indices = @transform_2, window_bounds = array<i64: 1, 128>}, {pipeline_mode = #tpu.pipeline_mode<synchronous>, transform_indices = @transform_3, window_bounds = array<i64: 100, 128>}, {pipeline_mode = #tpu.pipeline_mode<synchronous>, transform_indices = @transform_4, window_bounds = array<i64: 1, 100>}, {transform_indices = @transform_5, window_bounds = array<i64: 1024, 100>}]} {
    %get3A = arith.constant 0 : index
    %get3A_0 = arith.constant 0 : index
    %get3A_1 = vector.load %arg1[%get3A, %get3A_0] : memref<1024x128xf32, #tpu.memory_space<vmem>>, vector<1024x128xf32>
    %get3A_2 = arith.constant 0 : index
    %get3A_3 = arith.constant 0 : index
    %get3A_4 = vector.load %arg2[%get3A_2, %get3A_3] : memref<128x128xf32, #tpu.memory_space<vmem>>, vector<128x128xf32>
    %dot_general3A = arith.constant dense<0.000000e+00> : vector<1024x128xf32>
    %dot_general3A_5 = tpu.matmul %get3A_1, %get3A_4, %dot_general3A {dimension_numbers = #tpu.dot_dimension_numbers<[1], [1], [0], [0], [0, 0, 1, 0], [], []>, transpose_lhs_hint = false} : vector<1024x128xf32>, vector<128x128xf32>, vector<1024x128xf32> -> vector<1024x128xf32>
    %get3A_6 = arith.constant 0 : index
    %get3A_7 = arith.constant 0 : index
    %get3A_8 = vector.load %arg3[%get3A_6, %get3A_7] : memref<1x128xf32, #tpu.memory_space<vmem>>, vector<1x128xf32>
    %add3A = vector.broadcast %get3A_8 : vector<1x128xf32> to vector<1024x128xf32>
    %add3A_9 = arith.addf %dot_general3A_5, %add3A : vector<1024x128xf32>
    %max3A = arith.constant 0.000000e+00 : f32
    %max3A_10 = vector.broadcast %max3A : f32 to vector<1024x128xf32>
    %max3A_11 = arith.maximumf %add3A_9, %max3A_10 : vector<1024x128xf32>
    %get3A_12 = arith.constant 0 : index
    %get3A_13 = arith.constant 0 : index
    %get3A_14 = vector.load %arg4[%get3A_12, %get3A_13] : memref<100x128xf32, #tpu.memory_space<vmem>>, vector<100x128xf32>
    %dot_general3A_15 = arith.constant dense<0.000000e+00> : vector<1024x100xf32>
    %dot_general3A_16 = tpu.matmul %max3A_11, %get3A_14, %dot_general3A_15 {dimension_numbers = #tpu.dot_dimension_numbers<[1], [1], [0], [0], [0, 0, 1, 0], [], []>, transpose_lhs_hint = false} : vector<1024x128xf32>, vector<100x128xf32>, vector<1024x100xf32> -> vector<1024x100xf32>
    %get3A_17 = arith.constant 0 : index
    %get3A_18 = arith.constant 0 : index
    %get3A_19 = vector.load %arg5[%get3A_17, %get3A_18] : memref<1x100xf32, #tpu.memory_space<vmem>>, vector<1x100xf32>
    %add3A_20 = vector.broadcast %get3A_19 : vector<1x100xf32> to vector<1024x100xf32>
    %add3A_21 = arith.addf %dot_general3A_16, %add3A_20 : vector<1024x100xf32>
    %swap3A = arith.constant 0 : index
    %swap3A_22 = arith.constant 0 : index
    %swap3A_23 = vector.load %arg6[%swap3A, %swap3A_22] : memref<1024x100xf32, #tpu.memory_space<vmem>>, vector<1024x100xf32>
    tpu.vector_store %arg6[%swap3A, %swap3A_22], %add3A_21 {strides = array<i32>} : memref<1024x100xf32, #tpu.memory_space<vmem>>, vector<1024x100xf32>,
    return
  }
  func.func @transform_0(%arg0: i32) -> (i32, i32) {
    %c0_i32 = arith.constant 0 : i32
    %c0_i32_0 = arith.constant 0 : i32
    return %arg0, %c0_i32 : i32, i32
  }
  func.func @transform_1(%arg0: i32) -> (i32, i32) {
    %c0_i32 = arith.constant 0 : i32
    %c0_i32_0 = arith.constant 0 : i32
    %c0_i32_1 = arith.constant 0 : i32
    return %c0_i32, %c0_i32_0 : i32, i32
  }
  func.func @transform_2(%arg0: i32) -> (i32, i32) {
    %c0_i32 = arith.constant 0 : i32
    %c0_i32_0 = arith.constant 0 : i32
    %c0_i32_1 = arith.constant 0 : i32
    return %c0_i32, %c0_i32_0 : i32, i32
  }
  func.func @transform_3(%arg0: i32) -> (i32, i32) {
    %c0_i32 = arith.constant 0 : i32
    %c0_i32_0 = arith.constant 0 : i32
    %c0_i32_1 = arith.constant 0 : i32
    return %c0_i32, %c0_i32_0 : i32, i32
  }
  func.func @transform_4(%arg0: i32) -> (i32, i32) {
    %c0_i32 = arith.constant 0 : i32
    %c0_i32_0 = arith.constant 0 : i32
    %c0_i32_1 = arith.constant 0 : i32
    return %c0_i32, %c0_i32_0 : i32, i32
  }
  func.func @transform_5(%arg0: i32) -> (i32, i32) {
    %c0_i32 = arith.constant 0 : i32
    %c0_i32_0 = arith.constant 0 : i32
    return %arg0, %c0_i32 : i32, i32
  }
}

</mosaic_0001>

<sc_bundles>
// kernel: kernel.5.cloned.1.call-start
scs
__scs_entry_jumppad:
0x0: {  	(pc) =	sbr.rel $0x88, $3  }
0x1: {  	(tag) =	ssettag $0x0;
	lr =	simm.s32 $0x1  }
0x2: {  	[smem:$0x3F9B] =	sst lr;
	_ =	strace $0xD0000000  }
0x3: {  	_ = 	snop  }
0x4: {  	_ = 	snop  }
0x5: {  	_ = 	snop  }
0x6: {  	_ = 	snop  }
0x7: {  	_ = 	snop  }
__scs_overlays_trampoline_lowered:
0x8: {  	[smem:$0x3FAA] =	sst s0  }
0x9: {  	[smem:$0x3FAB] =	sst s1  }
0xa: {  	[smem:$0x3FAC] =	sst s2  }
0xb: {  	[smem:$0x3FAD] =	sst s3  }
0xc: {  	[smem:$0x3FAE] =	sst s4  }
0xd: {  	[smem:$0x3FAF] =	sst s5  }
0xe: {  	[smem:$0x3FB0] =	sst s6  }
0xf: {  	[smem:$0x3FB1] =	sst s7  }
0x10: {  	[smem:$0x3FB2] =	sst s8  }
0x11: {  	[smem:$0x3FB3] =	sst s9;
	s0 =	simm.s32 @!p0 $0x0  }
0x12: {  	s1 =	sld [smem:$0x3F99];
	s0 =	simm.s32 @p0 $0x1  }
0x13: {  	[smem:$0x3FB4] =	sst s0;
	s0 =	simm.s32 @!p1 $0x0  }
0x14: {  	s2 =	sld [smem:$0x3F98];
	s0 =	simm.s32 @p1 $0x1  }
0x15: {  	[smem:$0x3FB5] =	sst s0;
	s0 =	simm.s32 @!p2 $0x0  }
0x16: {  	s3 =	sld [smem:$0x3FDB];
	s0 =	simm.s32 @p2 $0x1  }
0x17: {  	s4 =	simm.s32 $0x1BF5;
	[smem:$0x3FB7] =	sst s0  }
0x18: {  	s0 =	sld [smem:$0x3F9A];
	_ =	swait.ge [sflag:s4], $0x0  }
0x19: {  	s7 =	sld [smem:$0x3F9B]  }
0x1a: {  	s8 =	sadd.s32 $0xFFFFE003, lr  }
0x1b: {  	s9 =	sadd.s32 $0xFFFFFEF7, lr;
	s5 =	simm.s32 $0xFFFFFFFF;
	p2 =	slt.u32 s8, $0xFFFFF086  }
0x1c: {  	p1 =	slt.u32 s9, $0xF7A;
	s5 =	simm.s32 @!p2 $0x0  }
0x1d: {  	s5 =	simm.s32 @p1 $0x1;
	p0 =	seq.s32 s7, s2  }
0x1e: {  	s7 =	smul.u32 @!p0 $0xF7A, s2;
	p2 =	seq.s32 @!p0 s5, $0x0  }
0x1f: {  	s9 =	smul.u32 $0xF7A, s1;
	s8 =	simm.s32 @!p0 $0x1BF5;
	p2 =	por !p2, p0  }
0x20: {  	[sflag:s8] =	ssyncset.s32 @!p0 $0xFFFFF086;
	s6 =	sadd.s32 @!p0 s3, s7;
	s7 =	simm.s32 @!p0 $0x108  }
0x21: {  	s3 =	sadd.s32 s3, s9;
	s6 =	sadd.s32 @!p0 $0x88, s6;
	s7 =	simm.s32 @p2 $0x1082  }
0x22: {  	[simem:s7], [sflag:s8] =	dma.local @!p0 [hbm:s6], $0xF7A  }
0x23: {  	s9 =	sor.u32 $0xD0000000, s2;
	s6 =	simm.s32 $0x108;
	_ =	swait.ge @!p0 [sflag:s8], $0x0  }
0x24: {  	s3 =	sadd.s32 $0x88, s3;
	s6 =	simm.s32 @!p1 $0x1082;
	[sflag:s4] =	ssyncset.s32 $0xFFFFF086  }
0x25: {  	[simem:s6], [sflag:s4] =	dma.local [hbm:s3], $0xF7A  }
0x26: {  	[smem:$0x3F9B] =	sst s1;
	(tag) =	ssettag s2;
	_ =	strace s9  }
0x27: {  	s1 =	sld [smem:$0x3FAB]  }
0x28: {  	s2 =	sld [smem:$0x3FAC]  }
0x29: {  	s4 =	sld [smem:$0x3FAE]  }
0x2a: {  	p0 =	seq.s32 s5, $0x0;
	s5 =	sld [smem:$0x3FAF]  }
0x2b: {  	s6 =	sld [smem:$0x3FB0]  }
0x2c: {  	s7 =	sld [smem:$0x3FB1]  }
0x2d: {  	s3 =	simm.s32 $0x108;
	s8 =	sld [smem:$0x3FB2]  }
0x2e: {  	s3 =	simm.s32 @!p0 $0x1082;
	s9 =	sld [smem:$0x3FB3]  }
0x2f: {  	lr =	sadd.s32 s0, s3;
	s0 =	sld [smem:$0x3FAA]  }
0x30: {  	s3 =	sld [smem:$0x3FAD]  }
0x31: {  	[smem:$0x3FB6] =	sst s10  }
0x32: {  	s10 =	sld [smem:$0x3FB4];
	_ =	sdelay $0x3  }
0x33: {  	p0 =	seq.s32 s10, $0x1;
	s10 =	sld [smem:$0x3FB6];
	_ =	sdelay $0x3  }
0x34: {  	[smem:$0x3FB6] =	sst s10  }
0x35: {  	s10 =	sld [smem:$0x3FB5];
	_ =	sdelay $0x3  }
0x36: {  	p1 =	seq.s32 s10, $0x1;
	s10 =	sld [smem:$0x3FB6];
	_ =	sdelay $0x3  }
0x37: {  	[smem:$0x3FB6] =	sst s10  }
0x38: {  	s10 =	sld [smem:$0x3FB7]  }
0x39: {  	_ = 	snop;
	(pc) =	sbr.ind lr, $3  }
0x3a: {  	_ = 	snop  }
0x3b: {  	_ = 	snop  }
0x3c: {  	p2 =	seq.s32 s10, $0x1;
	s10 =	sld [smem:$0x3FB6]  }
0x3d: {  	_ =	shalt  }
0x3e: {  	_ =	shalt  }
0x3f: {  	_ =	shalt  }
0x40: {  	_ =	shalt  }
0x41: {  	_ =	shalt  }
0x42: {  	_ =	shalt  }
0x43: {  	_ =	shalt  }
0x44: {  	_ =	shalt  }
0x45: {  	_ =	shalt  }
0x46: {  	_ =	shalt  }
0x47: {  	_ =	shalt  }
0x48: {  	_ =	shalt  }
0x49: {  	_ =	shalt  }
0x4a: {  	_ =	shalt  }
0x4b: {  	_ =	shalt  }
0x4c: {  	_ =	shalt  }
0x4d: {  	_ =	shalt  }
0x4e: {  	_ =	shalt  }
0x4f: {  	_ =	shalt  }
0x50: {  	_ =	shalt  }
0x51: {  	_ =	shalt  }
0x52: {  	_ =	shalt  }
0x53: {  	_ =	shalt  }
0x54: {  	_ =	shalt  }
0x55: {  	_ =	shalt  }
0x56: {  	_ =	shalt  }
0x57: {  	_ =	shalt  }
0x58: {  	_ =	shalt  }
0x59: {  	_ =	shalt  }
0x5a: {  	_ =	shalt  }
0x5b: {  	_ =	shalt  }
0x5c: {  	_ =	shalt  }
0x5d: {  	_ =	shalt  }
0x5e: {  	_ =	shalt  }
0x5f: {  	_ =	shalt  }
0x60: {  	_ =	shalt  }
0x61: {  	_ =	shalt  }
0x62: {  	_ =	shalt  }
0x63: {  	_ =	shalt  }
0x64: {  	_ =	shalt  }
0x65: {  	_ =	shalt  }
0x66: {  	_ =	shalt  }
0x67: {  	_ =	shalt  }
0x68: {  	_ =	shalt  }
0x69: {  	_ =	shalt  }
0x6a: {  	_ =	shalt  }
0x6b: {  	_ =	shalt  }
0x6c: {  	_ =	shalt  }
0x6d: {  	_ =	shalt  }
0x6e: {  	_ =	shalt  }
0x6f: {  	_ =	shalt  }
0x70: {  	_ =	shalt  }
0x71: {  	_ =	shalt  }
0x72: {  	_ =	shalt  }
0x73: {  	_ =	shalt  }
0x74: {  	_ =	shalt  }
0x75: {  	_ =	shalt  }
0x76: {  	_ =	shalt  }
0x77: {  	_ =	shalt  }
0x78: {  	_ =	shalt  }
0x79: {  	_ =	shalt  }
0x7a: {  	_ =	shalt  }
0x7b: {  	_ =	shalt  }
0x7c: {  	_ =	shalt  }
0x7d: {  	_ =	shalt  }
0x7e: {  	_ =	shalt  }
0x7f: {  	_ =	shalt  }
0x80: {  	_ =	shalt  }
0x81: {  	_ =	shalt  }
0x82: {  	_ =	shalt  }
0x83: {  	_ =	shalt  }
0x84: {  	_ =	shalt  }
0x85: {  	_ =	shalt  }
0x86: {  	_ =	shalt  }
0x87: {  	_ =	shalt  }
.Lfunc_end0:
.L_simem_size_0:
called_computation_lowered:
.L_overlay_start_0:
0x88: {  	s2 =	sld [smem:$0x3FD9]  }
0x89: {  	s3 =	sld [smem:$0x3FFE];
	_ =	sdelay $0x1  }
0x8a: {  	s1 =	srdreg.scid  }
0x8b: {  	s0 =	sand.u32 $0x1, s1  }
0x8c: {  	s16 =	sshll.u32 s0, $0xA;
	s2 =	sadd.s32 s3, s2  }
0x8d: {  	s2 =	sadd.s32 s2, s16  }
0x8e: {  	[smem:$0x3FC2] =	sst s2  }
0x8f: {  	_ = 	snop  }
0x90: {  	(tm) =	ssettm $0x1  }
0x91: {  	s17 =	sld [smem:$0x3FFB];
	_ =	sdelay $0x3  }
0x92: {  	_ =	strace s17  }
0x93: {  	s2 =	sld [smem:$0x3FFC];
	_ =	sdelay $0x3  }
0x94: {  	_ =	strace s2  }
0x95: {  	s2 =	sld [smem:$0x3FFD];
	_ =	sdelay $0x3  }
0x96: {  	_ =	strace s2  }
0x97: {  	_ =	strace $0x8FFFFFFF  }
0x98: {  	s18 =	sld [smem:$0x3FDB];
	_ =	sdelay $0x1  }
0x99: {  	s19 =	simm.s32 $_scs_section_size  }
0x9a: {  	s4 =	simm.s32 $_size__tile_overlayer_lowered;
	s5 =	simm.s32 $_tile_overlayer_lowered  }
0x9b: {  	s22 =	simm.s32 $0x1BFF;
	s21 =	sshll.u32 s5, $0x1;
	s2 =	sadd.s32 s19, s18  }
0x9c: {  	s6 =	simm.s32 $0x0;
	s20 =	sshll.u32 s4, $0x1;
	s4 =	sadd.s32 s21, s2  }
0x9d: {  	[timem:s6], [sflag:s22] =	dma.local [hbm:s4], s20  }
0x9e: {  	_ =	swait.ge [sflag:s22], s20  }
0x9f: {  	s3 =	ssub.s32 $0x0, s20;
	[sflag:s22] =	ssyncset.done $0x0  }
0xa0: {  	[sflag:s22] =	ssyncadd.s32 s3;
	_ =	sdelay $0x1  }
0xa1: {  	s23 =	simm.s32 $0x1B8B  }
0xa2: {  	_ =	swait.ge [sflag:s23], $0x1  }
0xa3: {  	[sflag:s23] =	ssyncset.done $0x0  }
0xa4: {  	s25 =	simm.s32 $0x1B8E;
	s24 =	sld [smem:$0x3FFE];
	[sflag:s23] =	ssyncadd.s32 $0xFFFFFFFF  }
0xa5: {  	s26 =	simm.s32 $execute0_lowered;
	[smem:$0x3FD2] =	sst s25  }
0xa6: {  	s4 =	sshll.u32 s26, $0x1;
	_ =	strace $0x80000046;
	[dreg:$0x1] =	wrdreg $0xFFFFFFFF  }
0xa7: {  	s28 =	simm.s32 $_size_execute0_lowered;
	s2 =	sadd.s32 s2, s4;
	[dreg:$0x0] =	wrdreg $0x0  }
0xa8: {  	s4 =	sshll.u32 s28, $0x1;
	[dreg:$0x2] =	wrdreg s2  }
0xa9: {  	[dreg:$0x3] =	wrdreg s4  }
0xaa: {  	[dreg:$0x4] =	wrdreg $0xC0  }
0xab: {  	_ =	task [dreg:s6], $0x5FFFF  }
0xac: {  	[dreg:$0x1] =	wrdreg $0xFFFFFFFF  }
0xad: {  	[dreg:$0x0] =	wrdreg $0x60  }
0xae: {  	[dreg:$0x2] =	wrdreg s24  }
0xaf: {  	[dreg:$0x3] =	wrdreg $0x9  }
0xb0: {  	_ =	task.clear_ibuf [dreg:s6], $0x4FFFF;
	_ =	strace $0x90000046  }
0xb1: {  	s29 =	simm.s32 $0x9;
	_ =	strace $0x80000048  }
0xb2: {  	_ =	swait.ge [sflag:s29], $0x1  }
0xb3: {  	[sflag:s29] =	ssyncadd.s32 $0xFFFFFFFF  }
0xb4: {  	_ =	strace $0x90000048  }
0xb5: {  	_ =	sfence  }
0xb6: {  	s30 =	sld [smem:$0x0];
	_ =	sdelay $0x2  }
0xb7: {  	s31 =	sshll.u32 s1, $0xD;
	s1 =	sshrl.u32 s1, $0x2  }
0xb8: {  	s3 =	sand.u32 $0x4000, s31;
	s1 =	sadd.s32 s1, s30  }
0xb9: {  	s0 =	sor.u32 s3, s0;
	s1 =	sshll.u32 s1, $0x11  }
0xba: {  	s0 =	sor.u32 s1, s0  }
0xbb: {  	s0 =	sadd.s32 $0x8F2B, s0  }
0xbc: {  	[sflag:s0] =	ssyncadd.remote.s32 $0x1  }
0xbd: {  	_ =	sfence.sel $0xFFFF  }
0xbe: {  	[dreg:$0x0] =	wrdreg $0xFFFFFFFF;
	(pc) =	sbr.abs _section_cstart, $3  }
0xbf: {  	[dreg:$0x1] =	wrdreg $0xFFFFFFFF  }
0xc0: {  	_ =	task.clear_ibuf [dreg:s6], $0x2FFFF;
	_ =	strace $0x9FFFFFFF  }
0xc1: {  	(tm) =	ssettm $0x7FFFFFFF  }
tec
execute0_lowered:
.L_overlay_start_1:
0x0: {  	(tag) =	ssettag $0x1  }
0x1: {  	s0 =	srdreg.scid;
	s2 =	stileid.u32  }
0x2: {  	s1 =	rddreg [dreg:$0x0];
	s7 =	simm.s32 $0x5;
	s8 =	simm.s32 $0x80  }
0x3: {  	s10 =	simm.s32 $0x48;
	s13 =	simm.s32 $0x9600;
	s14 =	simm.s32 $0x148  }
0x4: {  	s15 =	simm.s32 $0xB600;
	s16 =	simm.s32 $0x190;
	s17 =	simm.s32 $0xC800  }
0x5: {  	s18 =	simm.s32 $0x210;
	s19 =	simm.s32 $0xE800;
	s20 =	simm.s32 $0x1  }
0x6: {  	s21 =	simm.s32 $0xFA00;
	s22 =	simm.s32 $0x11A00;
	s23 =	simm.s32 $0x2  }
0x7: {  	s24 =	simm.s32 $0x3;
	s25 =	simm.s32 $0x4;
	s26 =	simm.s32 $0x12C00  }
0x8: {  	s0 =	sand.u32 $0x1, s0;
	s3 =	sshll.u32 s2, $0x1;
	s2 =	simm.s32 $0x0  }
0x9: {  	s28 =	simm.s32 $0x0;
	s3 =	sor.u32 s0, s3;
	[smem:$0x7FF] =	sst s2  }
0xa: {  	s0 =	ssub.s32 $0x2, s0;
	s4 =	smul.u32 $0xC80, s3;
	_ =	strace $0x80000047  }
0xb: {  	s5 =	sshll.u32 s3, $0xB;
	s6 =	sshrl.u32 s0, $0x1;
	s3 =	sadd.s32 $0x187A00, s1  }
0xc: {  	s0 =	ssub.s32 s0, s6;
	s4 =	sadd.s32 s4, s1;
	s1 =	sadd.s32 s5, s1  }
0xd: {  	vm0 =	vcmask $0x3F20;
	s6 =	smax.u32 s0, $0x1;
	s4 =	sadd.s32 $0x1000, s4;
	s5 =	sadd.s32 $0x1A000, s1  }
.LBB2_1:
0xe: {  	[tilespmem:s2], [sflag:$0x5] =	stream.linear.gather [hbm4b:s4+s2], $0x6400, $0x38;
	[tilespmem:$0x16C00] =	vst v63  }
0xf: {  	_ =	swait.ge [sflag:s7], $0x6400  }
0x10: {  	[sflag:s7] =	ssyncset.done $0x0  }
0x11: {  	s0 =	simm.s32 $0x6400;
	[sflag:s7] =	ssyncadd.s32 $0xFFFF9C00  }
0x12: {  	[tilespmem:s0], [sflag:$0x1] =	stream.indirect.gather [hbm4b:s3+s8], $0x40, s2, s8, $0xb8;
	[tilespmem:$0x16C00] =	vst v63  }
0x13: {  	s30 =	simm.s32 $0x8400  }
0x14: {  	[tilespmem:s30], [sflag:$0x1] =	stream.indirect.gather [hbm4b:s3+s10], $0x40, s8, s10, $0xb8;
	[tilespmem:$0x16C00] =	vst v63  }
0x15: {  	s31 =	simm.s32 $0xC8  }
0x16: {  	[tilespmem:s13], [sflag:$0x2] =	stream.indirect.gather [hbm4b:s3+s8], $0x40, s31, s8, $0xb8;
	[tilespmem:$0x16C00] =	vst v63  }
0x17: {  	_ = 	snop  }
0x18: {  	[tilespmem:s15], [sflag:$0x2] =	stream.indirect.gather [hbm4b:s3+s10], $0x40, s14, s10, $0xb8;
	[tilespmem:$0x16C00] =	vst v63  }
0x19: {  	_ = 	snop  }
0x1a: {  	[tilespmem:s17], [sflag:$0x3] =	stream.indirect.gather [hbm4b:s3+s8], $0x40, s16, s8, $0xb8;
	[tilespmem:$0x16C00] =	vst v63  }
0x1b: {  	s29 =	simm.s32 $0x0  }
0x1c: {  	[tilespmem:s19], [sflag:$0x3] =	stream.indirect.gather [hbm4b:s3+s10], $0x40, s18, s10, $0xb8;
	[tilespmem:$0x16C00] =	vst v63  }
.LBB2_2:
0x1d: {  	_ =	swait.ge [sflag:s20], $0x2000  }
0x1e: {  	[sflag:s20] =	ssyncset.done $0x0  }
0x1f: {  	s0 =	smul.u32 $0xC80, s29;
	[sflag:s20] =	ssyncadd.s32 $0xFFFFE000  }
0x20: {  	_ =	swait.ge [sflag:s20], $0x1200  }
0x21: {  	s30 =	sshra.s32 s0, $0x2;
	[sflag:s20] =	ssyncset.done $0x0  }
0x22: {  	s0 =	sadd.s32 $0x258, s30;
	[sflag:s20] =	ssyncadd.s32 $0xFFFFEE00  }
0x23: {  	[tilespmem:s21], [sflag:$0x4] =	stream.indirect.gather [hbm4b:s3+s8], $0x40, s0, s8, $0xb8;
	[tilespmem:$0x16C00] =	vst v63  }
0x24: {  	s31 =	sadd.s32 $0x2D8, s30  }
0x25: {  	[tilespmem:s22], [sflag:$0x4] =	stream.indirect.gather [hbm4b:s3+s10], $0x40, s31, s10, $0xb8;
	[tilespmem:$0x16C00] =	vst v63  }
0x26: {  	v0 =	vld [tilespmem:s30+$0x0]  }
0x27: {  	v1 =	vld [tilespmem:s30+$0x10]  }
0x28: {  	v3 =	vld [tilespmem:s30+$0x20]  }
0x29: {  	v5 =	vld [tilespmem:s30+$0x30]  }
0x2a: {  	v6 =	vld [tilespmem:s30+$0x40]  }
0x2b: {  	v8 =	vld [tilespmem:s30+$0x50]  }
0x2c: {  	v9 =	vld [tilespmem:s30+$0x60]  }
0x2d: {  	s1 =	simm.s32 $0x0;
	v10 =	vld [tilespmem:s30+$0x70]  }
0x2e: {  	v20 =	vld [tilespmem:s1+$0x65C0]  }
0x2f: {  	v27 =	vld [tilespmem:s1+$0x6590]  }
0x30: {  	v31 =	vld [tilespmem:s1+$0x6540]  }
0x31: {  	v32 =	vld [tilespmem:s1+$0x6550]  }
0x32: {  	v36 =	vld [tilespmem:s1+$0x6500]  }
0x33: {  	v37 =	vld [tilespmem:s1+$0x6510]  }
0x34: {  	v38 =	vld [tilespmem:s1+$0x6520]  }
0x35: {  	v21 =	vimm.f32 $0.0e+00;
	v39 =	vld [tilespmem:s1+$0x64C0]  }
0x36: {  	v40 =	vld [tilespmem:s1+$0x6480];
	vm1 =	vne.s32 v0, $0x0;
	vm2 =	vne.s32 v3, $0x0;
	v25 =	vshll.u32 v20, $0x10  }
0x37: {  	v41 =	vld [tilespmem:s1+$0x6440];
	v24 =	vand.u32 $0xFFFF0000, v20;
	v26 =	vshll.u32 v27, $0x10;
	v27 =	vand.u32 $0xFFFF0000, v27  }
0x38: {  	v42 =	vld [tilespmem:s1+$0x6410];
	v43 =	vshll.u32 v31, $0x10;
	v31 =	vand.u32 $0xFFFF0000, v31;
	v33 =	vshll.u32 v32, $0x10  }
0x39: {  	v11 =	vld [tilespmem:s30+$0x80];
	v34 =	vand.u32 $0xFFFF0000, v32;
	v32 =	vshll.u32 v36, $0x10;
	v36 =	vand.u32 $0xFFFF0000, v36  }
0x3a: {  	v62 =	vld [tilespmem:s1+$0x6450];
	v44 =	vshll.u32 v37, $0x10;
	v45 =	vand.u32 $0xFFFF0000, v37;
	v20 =	vand.u32 $0xFFFF0000, v38  }
0x3b: {  	v47 =	vld [tilespmem:s1+$0x6490];
	v63 =	vshll.u32 v40, $0x10;
	v54 =	vshll.u32 v39, $0x10;
	v39 =	vand.u32 $0xFFFF0000, v39  }
0x3c: {  	v16 =	vld [tilespmem:s30+$0x90];
	v46 =	vshll.u32 v41, $0x10;
	v41 =	vand.u32 $0xFFFF0000, v41;
	v40 =	vand.u32 $0xFFFF0000, v40  }
0x3d: {  	v30 =	vld [tilespmem:s1+$0x65A0];
	v49 =	vshll.u32 v42, $0x10;
	v2 =	vmpcnt.ones.xlane vm1;
	vm1 =	vne.s32 v1, $0x0  }
0x3e: {  	v42 =	vand.u32 $0xFFFF0000, v42;
	v3 =	vmpcnt.ones.xlane vm1;
	vm1 =	vne.s32 v5, $0x0;
	v5 =	vld [tilespmem:s1+$0x6580]  }
0x3f: {  	v50 =	vld [tilespmem:s1+$0x64D0];
	v51 =	vshll.u32 v62, $0x10;
	v7 =	vmpcnt.ones.xlane vm1;
	vm1 =	vne.s32 v6, $0x0  }
0x40: {  	v22 =	vld [tilespmem:s1+$0x65E0];
	v57 =	vshll.u32 v47, $0x10;
	v14 =	vmpcnt.ones.xlane vm1;
	vm1 =	vne.s32 v9, $0x0  }
0x41: {  	v19 =	vld [tilespmem:s30+$0xB8];
	v58 =	vand.u32 $0xFFFF0000, v47;
	v13 =	vmpcnt.ones.xlane vm1;
	vm1 =	vne.s32 v10, $0x0  }
0x42: {  	v35 =	vld [tilespmem:s1+$0x6560];
	v15 =	vmpcnt.ones.xlane vm1;
	vm1 =	vne.s32 v16, $0x0;
	v16 =	vshll.u32 v30, $0x10  }
0x43: {  	v29 =	vshll.u32 v5, $0x10;
	v28 =	vand.u32 $0xFFFF0000, v5;
	v5 =	vand.u32 $0xFFFF0000, v30;
	v30 =	vld [tilespmem:s1+$0x6400]  }
0x44: {  	v0 =	vld [tilespmem:s1+$0x65D0];
	v60 =	vshll.u32 v50, $0x10;
	v61 =	vand.u32 $0xFFFF0000, v50;
	v4 =	vmpcnt.ones.xlane vm2  }
0x45: {  	v17 =	vld [tilespmem:s30+$0xA0];
	vm2 =	vne.s32 v8, $0x0;
	v1 =	vshll.u32 v22, $0x10;
	v49 =	vadd.f32 v49, v21  }
0x46: {  	v18 =	vld [tilespmem:s30+$0xB0];
	v42 =	vadd.f32 v42, v21;
	v12 =	vmpcnt.ones.xlane vm2;
	vm2 =	vne.s32 v11, $0x0  }
0x47: {  	v56 =	vadd.f32 v51, v49;
	v9 =	vmpcnt.ones.xlane vm2;
	vm2 =	vne.s32 v19, $0x0  }
0x48: {  	v19 =	vshll.u32 v35, $0x10;
	vm2 =	vmand vm2, vm0;
	v48 =	vshll.u32 v30, $0x10  }
0x49: {  	v23 =	vshll.u32 v0, $0x10;
	v30 =	vand.u32 $0xFFFF0000, v30;
	v48 =	vadd.f32 v48, v21  }
0x4a: {  	v8 =	vmpcnt.ones.xlane vm1;
	vm1 =	vne.s32 v17, $0x0;
	v30 =	vadd.f32 v30, v21  }
0x4b: {  	v10 =	vmpcnt.ones.xlane vm1;
	vm1 =	vne.s32 v18, $0x0;
	v46 =	vadd.f32 v46, v48  }
0x4c: {  	v55 =	vld [tilespmem:s1+$0x64E0];
	v18 =	vand.u32 $0xFFFF0000, v35;
	v35 =	vand.u32 $0xFFFF0000, v62;
	v30 =	vadd.f32 v41, v30  }
0x4d: {  	v59 =	vld [tilespmem:s1+$0x64A0];
	v6 =	vmpcnt.ones.xlane vm2;
	v35 =	vadd.f32 v35, v42;
	v37 =	vadd.f32 v63, v46  }
0x4e: {  	v17 =	vand.u32 $0xFFFF0000, v0;
	v42 =	vadd.f32 v57, v56;
	v30 =	vadd.f32 v40, v30  }
0x4f: {  	v0 =	vand.u32 $0xFFFF0000, v22;
	v35 =	vadd.f32 v58, v35;
	v37 =	vadd.f32 v54, v37  }
0x50: {  	v22 =	vshll.u32 v38, $0x10;
	v62 =	vadd.f32 v60, v42;
	v30 =	vadd.f32 v39, v30  }
0x51: {  	v38 =	vshll.u32 v55, $0x10;
	v63 =	vadd.f32 v61, v35;
	v32 =	vadd.f32 v32, v37;
	v37 =	vld [tilespmem:s1+$0x6460]  }
0x52: {  	v11 =	vmpcnt.ones.xlane vm1;
	v42 =	vshll.u32 v59, $0x10;
	v30 =	vadd.f32 v36, v30  }
0x53: {  	v41 =	vand.u32 $0xFFFF0000, v59;
	v40 =	vadd.f32 v44, v62;
	v44 =	vadd.f32 v45, v63;
	v36 =	vld [tilespmem:s1+$0x6420]  }
0x54: {  	v35 =	vand.u32 $0xFFFF0000, v55;
	v45 =	vadd.f32 v43, v32;
	v39 =	vadd.f32 v31, v30  }
0x55: {  	s0 =	simm.s32 $0x800;
	v43 =	vld [tilespmem:s1+$0x6430];
	v32 =	vimm.f32 $0.0e+00;
	v31 =	vimm.f32 $0.0e+00;
	v30 =	vimm.f32 $0.0e+00  }
.LBB2_3:
0x56: {  	p0 =	sne.s32 s0, $0xC000;
	v46 =	vshll.u32 v37, $0x10;
	v33 =	vadd.f32 v33, v40;
	v34 =	vadd.f32 v34, v44  }
0x57: {  	v44 =	vand.u32 $0xFFFF0000, v37;
	v47 =	vld [tilespmem:s1+$0x6470];
	v29 =	vadd.f32 v29, v45;
	v28 =	vadd.f32 v28, v39  }
0x58: {  	v45 =	vshll.u32 v36, $0x10;
	v26 =	vadd.f32 v26, v33;
	v27 =	vadd.f32 v27, v34  }
0x59: {  	v33 =	vand.u32 $0xFFFF0000, v36;
	v34 =	vld [tilespmem:s1+$0x64B0];
	v39 =	vadd.f32 v25, v29;
	v40 =	vadd.f32 v24, v28  }
0x5a: {  	v24 =	vshll.u32 v43, $0x10;
	v36 =	vadd.f32 v23, v26;
	v37 =	vadd.f32 v17, v27  }
0x5b: {  	s9 =	sshra.s32 s0, $0x2;
	v17 =	vadd.f32 v45, v21;
	v21 =	vadd.f32 v33, v32;
	v23 =	vand.u32 $0xFFFF0000, v43;
	v25 =	vld [tilespmem:s1+$0x64F0]  }
0x5c: {  	v24 =	vadd.f32 v24, v31;
	v23 =	vadd.f32 v23, v30;
	v26 =	vld [tilespmem:s9+$0x65C0];
	v27 =	vshll.u32 v47, $0x10  }
0x5d: {  	v17 =	vadd.f32 v46, v17;
	v21 =	vadd.f32 v44, v21;
	v28 =	vand.u32 $0xFFFF0000, v47;
	v29 =	vld [tilespmem:s1+$0x6530]  }
0x5e: {  	v24 =	vadd.f32 v27, v24;
	v23 =	vadd.f32 v28, v23;
	v33 =	vld [tilespmem:s9+$0x65D0];
	v27 =	vshll.u32 v34, $0x10  }
0x5f: {  	v17 =	vadd.f32 v42, v17;
	v21 =	vadd.f32 v41, v21;
	v28 =	vand.u32 $0xFFFF0000, v34;
	v30 =	vld [tilespmem:s1+$0x6570]  }
0x60: {  	v24 =	vadd.f32 v27, v24;
	v23 =	vadd.f32 v28, v23;
	v34 =	vld [tilespmem:s9+$0x65E0];
	v27 =	vshll.u32 v25, $0x10  }
0x61: {  	v17 =	vadd.f32 v38, v17;
	v21 =	vadd.f32 v35, v21;
	v25 =	vand.u32 $0xFFFF0000, v25;
	v28 =	vld [tilespmem:s1+$0x65B0]  }
0x62: {  	v24 =	vadd.f32 v27, v24;
	v23 =	vadd.f32 v25, v23;
	v25 =	vshll.u32 v29, $0x10;
	v27 =	vld [tilespmem:s1+$0x65F0];
	s1 =	smov.u32 s9  }
0x63: {  	v17 =	vadd.f32 v22, v17;
	v20 =	vadd.f32 v20, v21;
	v21 =	vand.u32 $0xFFFF0000, v29;
	v35 =	vld [tilespmem:s1+$0x6580]  }
0x64: {  	v24 =	vadd.f32 v25, v24;
	v21 =	vadd.f32 v21, v23;
	v22 =	vld [tilespmem:s1+$0x6590];
	v23 =	vshll.u32 v30, $0x10  }
0x65: {  	v17 =	vadd.f32 v19, v17;
	v18 =	vadd.f32 v18, v20;
	v19 =	vand.u32 $0xFFFF0000, v30;
	v38 =	vld [tilespmem:s1+$0x65A0]  }
0x66: {  	v23 =	vadd.f32 v23, v24;
	v19 =	vadd.f32 v19, v21;
	v20 =	vld [tilespmem:s1+$0x6540];
	v21 =	vshll.u32 v28, $0x10  }
0x67: {  	v16 =	vadd.f32 v16, v17;
	v5 =	vadd.f32 v5, v18;
	v17 =	vand.u32 $0xFFFF0000, v28;
	v41 =	vld [tilespmem:s1+$0x6550]  }
0x68: {  	v23 =	vadd.f32 v21, v23;
	v17 =	vadd.f32 v17, v19;
	v19 =	vshll.u32 v27, $0x10;
	v18 =	vld [tilespmem:s1+$0x6560]  }
0x69: {  	v21 =	vadd.f32 v1, v16;
	v32 =	vadd.f32 v0, v5;
	v0 =	vand.u32 $0xFFFF0000, v27;
	v42 =	vld [tilespmem:s1+$0x6500]  }
0x6a: {  	v31 =	vadd.f32 v19, v23;
	v30 =	vadd.f32 v0, v17;
	v43 =	vld [tilespmem:s1+$0x6510]  }
0x6b: {  	v25 =	vshll.u32 v26, $0x10;
	v24 =	vand.u32 $0xFFFF0000, v26;
	v23 =	vshll.u32 v33, $0x10;
	v44 =	vld [tilespmem:s1+$0x6520]  }
0x6c: {  	v1 =	vshll.u32 v34, $0x10;
	v17 =	vand.u32 $0xFFFF0000, v33;
	v0 =	vand.u32 $0xFFFF0000, v34;
	v45 =	vld [tilespmem:s1+$0x64C0]  }
0x6d: {  	v29 =	vshll.u32 v35, $0x10;
	v28 =	vand.u32 $0xFFFF0000, v35;
	v26 =	vshll.u32 v22, $0x10;
	v46 =	vld [tilespmem:s1+$0x6480]  }
0x6e: {  	v27 =	vand.u32 $0xFFFF0000, v22;
	v16 =	vshll.u32 v38, $0x10;
	v5 =	vand.u32 $0xFFFF0000, v38;
	v35 =	vld [tilespmem:s1+$0x6440]  }
0x6f: {  	v47 =	vshll.u32 v20, $0x10;
	v48 =	vand.u32 $0xFFFF0000, v20;
	v33 =	vshll.u32 v41, $0x10;
	v38 =	vld [tilespmem:s1+$0x6400]  }
0x70: {  	v34 =	vand.u32 $0xFFFF0000, v41;
	v19 =	vshll.u32 v18, $0x10;
	v18 =	vand.u32 $0xFFFF0000, v18;
	v49 =	vld [tilespmem:s1+$0x6410]  }
0x71: {  	v41 =	vshll.u32 v42, $0x10;
	v42 =	vand.u32 $0xFFFF0000, v42;
	v50 =	vshll.u32 v43, $0x10  }
0x72: {  	v43 =	vand.u32 $0xFFFF0000, v43;
	v22 =	vshll.u32 v44, $0x10;
	v20 =	vand.u32 $0xFFFF0000, v44;
	v51 =	vld [tilespmem:s1+$0x6450]  }
0x73: {  	v52 =	vshll.u32 v45, $0x10;
	v45 =	vand.u32 $0xFFFF0000, v45;
	v44 =	vshll.u32 v46, $0x10  }
0x74: {  	v46 =	vand.u32 $0xFFFF0000, v46;
	v53 =	vshll.u32 v35, $0x10;
	v35 =	vand.u32 $0xFFFF0000, v35;
	v54 =	vld [tilespmem:s1+$0x6490]  }
0x75: {  	v55 =	vshll.u32 v38, $0x10;
	v38 =	vand.u32 $0xFFFF0000, v38;
	v56 =	vshll.u32 v49, $0x10  }
0x76: {  	v39 =	vadd.f32 v55, v39;
	v38 =	vadd.f32 v38, v40;
	v40 =	vand.u32 $0xFFFF0000, v49;
	v49 =	vld [tilespmem:s1+$0x64D0]  }
0x77: {  	v36 =	vadd.f32 v56, v36;
	v37 =	vadd.f32 v40, v37;
	v40 =	vshll.u32 v51, $0x10  }
0x78: {  	v39 =	vadd.f32 v53, v39;
	v35 =	vadd.f32 v35, v38;
	v38 =	vand.u32 $0xFFFF0000, v51;
	v51 =	vld [tilespmem:s1+$0x64E0]  }
0x79: {  	v36 =	vadd.f32 v40, v36;
	v37 =	vadd.f32 v38, v37;
	v38 =	vshll.u32 v54, $0x10  }
0x7a: {  	v39 =	vadd.f32 v44, v39;
	v35 =	vadd.f32 v46, v35;
	v40 =	vand.u32 $0xFFFF0000, v54;
	v46 =	vld [tilespmem:s1+$0x64A0]  }
0x7b: {  	v36 =	vadd.f32 v38, v36;
	v38 =	vadd.f32 v40, v37;
	v40 =	vshll.u32 v49, $0x10  }
.Ltmp0:
0x7c: {  	v39 =	vadd.f32 v52, v39;
	v44 =	vadd.f32 v45, v35;
	v35 =	vand.u32 $0xFFFF0000, v49;
	v37 =	vld [tilespmem:s1+$0x6460];
	(pc) =	sbr.rel @p0 .LBB2_3-.Ltmp0, $4  }
0x7d: {  	v40 =	vadd.f32 v40, v36;
	v45 =	vadd.f32 v35, v38;
	v38 =	vshll.u32 v51, $0x10  }
0x7e: {  	v35 =	vand.u32 $0xFFFF0000, v51;
	v39 =	vadd.f32 v41, v39;
	v49 =	vadd.f32 v42, v44;
	v36 =	vld [tilespmem:s1+$0x6420]  }
0x7f: {  	v40 =	vadd.f32 v50, v40;
	v44 =	vadd.f32 v43, v45;
	v42 =	vshll.u32 v46, $0x10  }
0x80: {  	s0 =	sadd.s32 $0x800, s0;
	v41 =	vand.u32 $0xFFFF0000, v46;
	v45 =	vadd.f32 v47, v39;
	v39 =	vadd.f32 v48, v49;
	v43 =	vld [tilespmem:s1+$0x6430]  }
0x81: {  	v2 =	vadd.s32 v2, v3  }
0x82: {  	v2 =	vadd.s32 v4, v2  }
0x83: {  	v2 =	vadd.s32 v7, v2  }
0x84: {  	v2 =	vadd.s32 v14, v2  }
0x85: {  	v2 =	vadd.s32 v12, v2  }
0x86: {  	v2 =	vadd.s32 v13, v2  }
0x87: {  	v3 =	vshll.u32 v37, $0x10;
	v4 =	vadd.f32 v33, v40;
	v2 =	vadd.s32 v15, v2  }
0x88: {  	v7 =	vadd.f32 v34, v44;
	v14 =	vadd.f32 v28, v39;
	v2 =	vadd.s32 v9, v2  }
0x89: {  	v4 =	vadd.f32 v26, v4;
	v12 =	vand.u32 $0xFFFF0000, v37;
	v9 =	vld [tilespmem:s1+$0x6470];
	v2 =	vadd.s32 v8, v2  }
0x8a: {  	v14 =	vadd.f32 v24, v14;
	v24 =	vshll.u32 v43, $0x10;
	v2 =	vadd.s32 v10, v2  }
0x8b: {  	v4 =	vadd.f32 v23, v4;
	v15 =	vshll.u32 v36, $0x10;
	v10 =	vld [tilespmem:s1+$0x64B0];
	v2 =	vadd.s32 v11, v2  }
0x8c: {  	v8 =	vand.u32 $0xFFFF0000, v36;
	v11 =	vadd.f32 v15, v21;
	v2 =	vadd.s32 v6, v2  }
0x8d: {  	v15 =	vadd.f32 v24, v31;
	v6 =	vadd.f32 v8, v32;
	v8 =	vld [tilespmem:s1+$0x64F0];
	v2 =	vcvt.s32.f32 v2  }
0x8e: {  	v21 =	vand.u32 $0xFFFF0000, v43;
	v23 =	vshll.u32 v9, $0x10;
	v3 =	vadd.f32 v3, v11  }
0x8f: {  	v11 =	vadd.f32 v21, v30;
	v21 =	vld [tilespmem:s1+$0x6530];
	v15 =	vadd.f32 v23, v15;
	v2 =	vmax.f32 v2, $1.000000000e+00  }
0x90: {  	v23 =	vshll.u32 v10, $0x10;
	v3 =	vadd.f32 v42, v3;
	(erf) = vrcp.f32 v2  }
0x91: {  	v2 =	vadd.f32 v12, v6;
	v6 =	vand.u32 $0xFFFF0000, v9;
	v9 =	vld [tilespmem:s1+$0x6570];
	v12 =	vadd.f32 v23, v15  }
0x92: {  	v13 =	vadd.f32 v29, v45;
	v15 =	vld [tilespmem:s1+$0x65B0];
	v6 =	vadd.f32 v6, v11;
	v11 =	vshll.u32 v8, $0x10  }
0x93: {  	v10 =	vand.u32 $0xFFFF0000, v10;
	v3 =	vadd.f32 v38, v3;
	v11 =	vadd.f32 v11, v12  }
0x94: {  	v2 =	vadd.f32 v41, v2;
	v6 =	vadd.f32 v10, v6;
	v10 =	vshll.u32 v21, $0x10  }
0x95: {  	v8 =	vand.u32 $0xFFFF0000, v8;
	v12 =	vld [tilespmem:s1+$0x65F0];
	v3 =	vadd.f32 v22, v3;
	v10 =	vadd.f32 v10, v11  }
0x96: {  	v2 =	vadd.f32 v35, v2;
	v6 =	vadd.f32 v8, v6;
	v8 =	vshll.u32 v9, $0x10  }
0x97: {  	v3 =	vadd.f32 v19, v3;
	v8 =	vadd.f32 v8, v10;
	v10 =	vshll.u32 v15, $0x10  }
0x98: {  	v7 =	vadd.f32 v27, v7;
	v13 =	vadd.f32 v25, v13;
	v11 =	vand.u32 $0xFFFF0000, v21  }
0x99: {  	v9 =	vand.u32 $0xFFFF0000, v9;
	v2 =	vadd.f32 v20, v2;
	v3 =	vadd.f32 v16, v3  }
0x9a: {  	v6 =	vadd.f32 v11, v6;
	v11 =	vshll.u32 v12, $0x10;
	v8 =	vadd.f32 v10, v8;
	v10 =	vpop (erf)  }
0x9b: {  	s0 =	sshll.u32 s29, $0x9;
	v2 =	vadd.f32 v18, v2;
	v1 =	vadd.f32 v1, v3;
	v3 =	vmul.f32 v13, v10  }
0x9c: {  	s0 =	sand.u32 $0x3FFFFE00, s0;
	v6 =	vadd.f32 v9, v6;
	v8 =	vadd.f32 v11, v8;
	v4 =	vmul.f32 v4, v10  }
0x9d: {  	v2 =	vadd.f32 v5, v2;
	v5 =	vand.u32 $0xFFFF0000, v15;
	v1 =	vmul.f32 v1, v10;
	[tilespmem:s0+$0x12C00] =	vst v3  }
0x9e: {  	v5 =	vadd.f32 v5, v6;
	v3 =	vadd.f32 v17, v7;
	[tilespmem:s0+$0x12C10] =	vst v4;
	v4 =	vmul.f32 v8, v10  }
0x9f: {  	v0 =	vadd.f32 v0, v2;
	v2 =	vand.u32 $0xFFFF0000, v12;
	[tilespmem:s0+$0x12C20] =	vst v1;
	v1 =	vmul.f32 v14, v10  }
0xa0: {  	v2 =	vadd.f32 v2, v5;
	[tilespmem:s0+$0x12C30] =	vst v4;
	v3 =	vmul.f32 v3, v10  }
0xa1: {  	v0 =	vmul.f32 v0, v10;
	[tilespmem:s0+$0x12C40] =	vst v1  }
0xa2: {  	v1 =	vmul.f32 v2, v10;
	[tilespmem:s0+$0x12C50] =	vst v3  }
0xa3: {  	[tilespmem:s0+$0x12C60] =	vst v0  }
0xa4: {  	[tilespmem:s0+$0x12C70] =	vst v1  }
0xa5: {  	_ =	swait.ge [sflag:s23], $0x2000  }
0xa6: {  	s31 =	sshll.u32 s29, $0x2;
	[sflag:s23] =	ssyncset.done $0x0  }
0xa7: {  	s1 =	sor.u32 $0x1, s31;
	[sflag:s23] =	ssyncadd.s32 $0xFFFFE000  }
0xa8: {  	p0 =	sgt.u32 s1, $0x7C;
	s12 =	smul.u32 $0x320, s1;
	_ =	swait.ge [sflag:s23], $0x1200  }
0xa9: {  	s9 =	simm.s32 @!p0 $0x80;
	s11 =	simm.s32 @!p0 $0x6400;
	[sflag:s23] =	ssyncset.done $0x0  }
0xaa: {  	s12 =	sshra.s32 s12, $0x2;
	s0 =	sadd.s32 @!p0 $0x320, s30;
	[sflag:s23] =	ssyncadd.s32 $0xFFFFEE00  }
0xab: {  	[tilespmem:s11], [sflag:$0x1] =	stream.indirect.gather @!p0 [hbm4b:s3+s9], $0x40, s0, s9, $0xb8;
	[tilespmem:$0x16C00] =	vst v63  }
0xac: {  	s0 =	sadd.s32 @!p0 $0x3A0, s30;
	s9 =	simm.s32 @!p0 $0x48;
	s11 =	simm.s32 @!p0 $0x8400  }
0xad: {  	[tilespmem:s11], [sflag:$0x1] =	stream.indirect.gather @!p0 [hbm4b:s3+s9], $0x40, s0, s9, $0xb8;
	[tilespmem:$0x16C00] =	vst v63  }
0xae: {  	v0 =	vld [tilespmem:s12+$0x0]  }
0xaf: {  	v1 =	vld [tilespmem:s12+$0x10]  }
0xb0: {  	v3 =	vld [tilespmem:s12+$0x20]  }
0xb1: {  	v5 =	vld [tilespmem:s12+$0x30]  }
0xb2: {  	v6 =	vld [tilespmem:s12+$0x40]  }
0xb3: {  	v8 =	vld [tilespmem:s12+$0x50]  }
0xb4: {  	s0 =	simm.s32 $0x0;
	v9 =	vld [tilespmem:s12+$0x60]  }
0xb5: {  	v20 =	vld [tilespmem:s0+$0x97C0]  }
0xb6: {  	v27 =	vld [tilespmem:s0+$0x9790]  }
0xb7: {  	v31 =	vld [tilespmem:s0+$0x9740]  }
0xb8: {  	v53 =	vld [tilespmem:s0+$0x9750]  }
0xb9: {  	v55 =	vld [tilespmem:s0+$0x9700]  }
0xba: {  	v56 =	vld [tilespmem:s0+$0x9710]  }
0xbb: {  	v57 =	vld [tilespmem:s0+$0x9720]  }
0xbc: {  	v58 =	vld [tilespmem:s0+$0x96C0]  }
0xbd: {  	v21 =	vimm.f32 $0.0e+00;
	v59 =	vld [tilespmem:s0+$0x9680]  }
0xbe: {  	v60 =	vld [tilespmem:s0+$0x9640];
	vm1 =	vne.s32 v0, $0x0;
	vm2 =	vne.s32 v3, $0x0;
	v25 =	vshll.u32 v20, $0x10  }
0xbf: {  	v61 =	vld [tilespmem:s0+$0x9610];
	v24 =	vand.u32 $0xFFFF0000, v20;
	v26 =	vshll.u32 v27, $0x10;
	v27 =	vand.u32 $0xFFFF0000, v27  }
0xc0: {  	v10 =	vld [tilespmem:s12+$0x70];
	v43 =	vshll.u32 v31, $0x10;
	v31 =	vand.u32 $0xFFFF0000, v31;
	v33 =	vshll.u32 v53, $0x10  }
0xc1: {  	v62 =	vld [tilespmem:s0+$0x9650];
	v34 =	vand.u32 $0xFFFF0000, v53;
	v32 =	vshll.u32 v55, $0x10;
	v36 =	vand.u32 $0xFFFF0000, v55  }
0xc2: {  	v11 =	vld [tilespmem:s12+$0x80];
	v44 =	vshll.u32 v56, $0x10;
	v45 =	vand.u32 $0xFFFF0000, v56;
	v20 =	vand.u32 $0xFFFF0000, v57  }
0xc3: {  	v50 =	vld [tilespmem:s0+$0x96D0];
	v63 =	vshll.u32 v59, $0x10;
	v39 =	vand.u32 $0xFFFF0000, v58;
	v46 =	vshll.u32 v60, $0x10  }
0xc4: {  	v16 =	vld [tilespmem:s12+$0x90];
	v41 =	vand.u32 $0xFFFF0000, v60;
	v40 =	vand.u32 $0xFFFF0000, v59;
	v49 =	vshll.u32 v61, $0x10  }
0xc5: {  	v30 =	vld [tilespmem:s0+$0x97A0];
	v42 =	vand.u32 $0xFFFF0000, v61;
	v2 =	vmpcnt.ones.xlane vm1;
	vm1 =	vne.s32 v1, $0x0  }
0xc6: {  	v51 =	vshll.u32 v62, $0x10;
	v3 =	vmpcnt.ones.xlane vm1;
	vm1 =	vne.s32 v5, $0x0;
	v5 =	vld [tilespmem:s0+$0x9780]  }
0xc7: {  	v19 =	vld [tilespmem:s12+$0xB8];
	v35 =	vand.u32 $0xFFFF0000, v62;
	v7 =	vmpcnt.ones.xlane vm1;
	vm1 =	vne.s32 v6, $0x0  }
0xc8: {  	v22 =	vld [tilespmem:s0+$0x97E0];
	v60 =	vshll.u32 v50, $0x10;
	v14 =	vmpcnt.ones.xlane vm1;
	vm1 =	vne.s32 v9, $0x0  }
0xc9: {  	v54 =	vld [tilespmem:s0+$0x9760];
	v4 =	vmpcnt.ones.xlane vm2;
	v13 =	vmpcnt.ones.xlane vm1;
	vm1 =	vne.s32 v10, $0x0  }
0xca: {  	v0 =	vld [tilespmem:s0+$0x97D0];
	v15 =	vmpcnt.ones.xlane vm1;
	vm1 =	vne.s32 v16, $0x0;
	v16 =	vshll.u32 v30, $0x10  }
0xcb: {  	v29 =	vshll.u32 v5, $0x10;
	v28 =	vand.u32 $0xFFFF0000, v5;
	v5 =	vand.u32 $0xFFFF0000, v30;
	v30 =	vld [tilespmem:s0+$0x9600]  }
0xcc: {  	v17 =	vld [tilespmem:s12+$0xA0];
	vm2 =	vne.s32 v8, $0x0;
	v49 =	vadd.f32 v49, v21;
	v42 =	vadd.f32 v42, v21  }
0xcd: {  	v61 =	vand.u32 $0xFFFF0000, v50;
	v1 =	vshll.u32 v22, $0x10;
	v12 =	vmpcnt.ones.xlane vm2  }
0xce: {  	v47 =	vld [tilespmem:s0+$0x9690];
	vm2 =	vne.s32 v11, $0x0;
	v56 =	vadd.f32 v51, v49;
	v35 =	vadd.f32 v35, v42  }
0xcf: {  	v18 =	vld [tilespmem:s12+$0xB0];
	v9 =	vmpcnt.ones.xlane vm2;
	vm2 =	vne.s32 v19, $0x0;
	v19 =	vshll.u32 v54, $0x10  }
0xd0: {  	v23 =	vshll.u32 v0, $0x10;
	v8 =	vmpcnt.ones.xlane vm1;
	v48 =	vshll.u32 v30, $0x10  }
0xd1: {  	vm1 =	vne.s32 v17, $0x0;
	v30 =	vand.u32 $0xFFFF0000, v30;
	v48 =	vadd.f32 v48, v21  }
0xd2: {  	v17 =	vand.u32 $0xFFFF0000, v0;
	v0 =	vand.u32 $0xFFFF0000, v22;
	v30 =	vadd.f32 v30, v21  }
0xd3: {  	v55 =	vld [tilespmem:s0+$0x96E0];
	v22 =	vshll.u32 v57, $0x10;
	v57 =	vshll.u32 v47, $0x10;
	v46 =	vadd.f32 v46, v48  }
0xd4: {  	v10 =	vmpcnt.ones.xlane vm1;
	vm1 =	vne.s32 v18, $0x0;
	v30 =	vadd.f32 v41, v30  }
0xd5: {  	v59 =	vld [tilespmem:s0+$0x96A0];
	v18 =	vand.u32 $0xFFFF0000, v54;
	v54 =	vshll.u32 v58, $0x10;
	v37 =	vadd.f32 v63, v46  }
0xd6: {  	v58 =	vand.u32 $0xFFFF0000, v47;
	v42 =	vadd.f32 v57, v56;
	v30 =	vadd.f32 v40, v30  }
0xd7: {  	vm2 =	vmand vm2, vm0;
	v35 =	vadd.f32 v58, v35;
	v37 =	vadd.f32 v54, v37  }
0xd8: {  	v38 =	vshll.u32 v55, $0x10;
	v62 =	vadd.f32 v60, v42;
	v30 =	vadd.f32 v39, v30  }
0xd9: {  	v6 =	vmpcnt.ones.xlane vm2;
	v63 =	vadd.f32 v61, v35;
	v32 =	vadd.f32 v32, v37;
	v37 =	vld [tilespmem:s0+$0x9660]  }
0xda: {  	v11 =	vmpcnt.ones.xlane vm1;
	v42 =	vshll.u32 v59, $0x10;
	v30 =	vadd.f32 v36, v30  }
0xdb: {  	v41 =	vand.u32 $0xFFFF0000, v59;
	v40 =	vadd.f32 v44, v62;
	v44 =	vadd.f32 v45, v63;
	v36 =	vld [tilespmem:s0+$0x9620]  }
0xdc: {  	v35 =	vand.u32 $0xFFFF0000, v55;
	v45 =	vadd.f32 v43, v32;
	v39 =	vadd.f32 v31, v30  }
0xdd: {  	s9 =	simm.s32 $0x800;
	v43 =	vld [tilespmem:s0+$0x9630];
	v32 =	vimm.f32 $0.0e+00;
	v31 =	vimm.f32 $0.0e+00;
	v30 =	vimm.f32 $0.0e+00  }
.LBB2_5:
0xde: {  	p0 =	sne.s32 s9, $0xC000;
	v46 =	vshll.u32 v37, $0x10;
	v33 =	vadd.f32 v33, v40;
	v34 =	vadd.f32 v34, v44  }
0xdf: {  	v44 =	vand.u32 $0xFFFF0000, v37;
	v47 =	vld [tilespmem:s0+$0x9670];
	v29 =	vadd.f32 v29, v45;
	v28 =	vadd.f32 v28, v39  }
0xe0: {  	v45 =	vshll.u32 v36, $0x10;
	v26 =	vadd.f32 v26, v33;
	v27 =	vadd.f32 v27, v34  }
0xe1: {  	v33 =	vand.u32 $0xFFFF0000, v36;
	v34 =	vld [tilespmem:s0+$0x96B0];
	v39 =	vadd.f32 v25, v29;
	v40 =	vadd.f32 v24, v28  }
0xe2: {  	v24 =	vshll.u32 v43, $0x10;
	v36 =	vadd.f32 v23, v26;
	v37 =	vadd.f32 v17, v27  }
0xe3: {  	s11 =	sshra.s32 s9, $0x2;
	v17 =	vadd.f32 v45, v21;
	v21 =	vadd.f32 v33, v32;
	v23 =	vand.u32 $0xFFFF0000, v43;
	v25 =	vld [tilespmem:s0+$0x96F0]  }
0xe4: {  	v24 =	vadd.f32 v24, v31;
	v23 =	vadd.f32 v23, v30;
	v26 =	vld [tilespmem:s11+$0x97C0];
	v27 =	vshll.u32 v47, $0x10  }
0xe5: {  	v17 =	vadd.f32 v46, v17;
	v21 =	vadd.f32 v44, v21;
	v28 =	vand.u32 $0xFFFF0000, v47;
	v29 =	vld [tilespmem:s0+$0x9730]  }
0xe6: {  	v24 =	vadd.f32 v27, v24;
	v23 =	vadd.f32 v28, v23;
	v33 =	vld [tilespmem:s11+$0x97D0];
	v27 =	vshll.u32 v34, $0x10  }
0xe7: {  	v17 =	vadd.f32 v42, v17;
	v21 =	vadd.f32 v41, v21;
	v28 =	vand.u32 $0xFFFF0000, v34;
	v30 =	vld [tilespmem:s0+$0x9770]  }
0xe8: {  	v24 =	vadd.f32 v27, v24;
	v23 =	vadd.f32 v28, v23;
	v34 =	vld [tilespmem:s11+$0x97E0];
	v27 =	vshll.u32 v25, $0x10  }
0xe9: {  	v17 =	vadd.f32 v38, v17;
	v21 =	vadd.f32 v35, v21;
	v25 =	vand.u32 $0xFFFF0000, v25;
	v28 =	vld [tilespmem:s0+$0x97B0]  }
0xea: {  	v24 =	vadd.f32 v27, v24;
	v23 =	vadd.f32 v25, v23;
	v25 =	vshll.u32 v29, $0x10;
	v27 =	vld [tilespmem:s0+$0x97F0];
	s0 =	smov.u32 s11  }
0xeb: {  	v17 =	vadd.f32 v22, v17;
	v20 =	vadd.f32 v20, v21;
	v21 =	vand.u32 $0xFFFF0000, v29;
	v35 =	vld [tilespmem:s0+$0x9780]  }
0xec: {  	v24 =	vadd.f32 v25, v24;
	v21 =	vadd.f32 v21, v23;
	v22 =	vld [tilespmem:s0+$0x9790];
	v23 =	vshll.u32 v30, $0x10  }
0xed: {  	v17 =	vadd.f32 v19, v17;
	v18 =	vadd.f32 v18, v20;
	v19 =	vand.u32 $0xFFFF0000, v30;
	v38 =	vld [tilespmem:s0+$0x97A0]  }
0xee: {  	v23 =	vadd.f32 v23, v24;
	v19 =	vadd.f32 v19, v21;
	v20 =	vld [tilespmem:s0+$0x9740];
	v21 =	vshll.u32 v28, $0x10  }
0xef: {  	v16 =	vadd.f32 v16, v17;
	v5 =	vadd.f32 v5, v18;
	v17 =	vand.u32 $0xFFFF0000, v28;
	v41 =	vld [tilespmem:s0+$0x9750]  }
0xf0: {  	v23 =	vadd.f32 v21, v23;
	v17 =	vadd.f32 v17, v19;
	v19 =	vshll.u32 v27, $0x10;
	v18 =	vld [tilespmem:s0+$0x9760]  }
0xf1: {  	v21 =	vadd.f32 v1, v16;
	v32 =	vadd.f32 v0, v5;
	v0 =	vand.u32 $0xFFFF0000, v27;
	v42 =	vld [tilespmem:s0+$0x9700]  }
0xf2: {  	v31 =	vadd.f32 v19, v23;
	v30 =	vadd.f32 v0, v17;
	v43 =	vld [tilespmem:s0+$0x9710]  }
0xf3: {  	v25 =	vshll.u32 v26, $0x10;
	v24 =	vand.u32 $0xFFFF0000, v26;
	v23 =	vshll.u32 v33, $0x10;
	v44 =	vld [tilespmem:s0+$0x9720]  }
0xf4: {  	v1 =	vshll.u32 v34, $0x10;
	v17 =	vand.u32 $0xFFFF0000, v33;
	v0 =	vand.u32 $0xFFFF0000, v34;
	v45 =	vld [tilespmem:s0+$0x96C0]  }
0xf5: {  	v29 =	vshll.u32 v35, $0x10;
	v28 =	vand.u32 $0xFFFF0000, v35;
	v26 =	vshll.u32 v22, $0x10;
	v46 =	vld [tilespmem:s0+$0x9680]  }
0xf6: {  	v27 =	vand.u32 $0xFFFF0000, v22;
	v16 =	vshll.u32 v38, $0x10;
	v5 =	vand.u32 $0xFFFF0000, v38;
	v35 =	vld [tilespmem:s0+$0x9640]  }
0xf7: {  	v47 =	vshll.u32 v20, $0x10;
	v48 =	vand.u32 $0xFFFF0000, v20;
	v33 =	vshll.u32 v41, $0x10;
	v38 =	vld [tilespmem:s0+$0x9600]  }
0xf8: {  	v34 =	vand.u32 $0xFFFF0000, v41;
	v19 =	vshll.u32 v18, $0x10;
	v18 =	vand.u32 $0xFFFF0000, v18;
	v49 =	vld [tilespmem:s0+$0x9610]  }
0xf9: {  	v41 =	vshll.u32 v42, $0x10;
	v42 =	vand.u32 $0xFFFF0000, v42;
	v50 =	vshll.u32 v43, $0x10  }
0xfa: {  	v43 =	vand.u32 $0xFFFF0000, v43;
	v22 =	vshll.u32 v44, $0x10;
	v20 =	vand.u32 $0xFFFF0000, v44;
	v51 =	vld [tilespmem:s0+$0x9650]  }
0xfb: {  	v52 =	vshll.u32 v45, $0x10;
	v45 =	vand.u32 $0xFFFF0000, v45;
	v44 =	vshll.u32 v46, $0x10  }
0xfc: {  	v46 =	vand.u32 $0xFFFF0000, v46;
	v53 =	vshll.u32 v35, $0x10;
	v35 =	vand.u32 $0xFFFF0000, v35;
	v54 =	vld [tilespmem:s0+$0x9690]  }
0xfd: {  	v55 =	vshll.u32 v38, $0x10;
	v38 =	vand.u32 $0xFFFF0000, v38;
	v56 =	vshll.u32 v49, $0x10  }
0xfe: {  	v39 =	vadd.f32 v55, v39;
	v38 =	vadd.f32 v38, v40;
	v40 =	vand.u32 $0xFFFF0000, v49;
	v49 =	vld [tilespmem:s0+$0x96D0]  }
0xff: {  	v36 =	vadd.f32 v56, v36;
	v37 =	vadd.f32 v40, v37;
	v40 =	vshll.u32 v51, $0x10  }
0x100: {  	v39 =	vadd.f32 v53, v39;
	v35 =	vadd.f32 v35, v38;
	v38 =	vand.u32 $0xFFFF0000, v51;
	v51 =	vld [tilespmem:s0+$0x96E0]  }
0x101: {  	v36 =	vadd.f32 v40, v36;
	v37 =	vadd.f32 v38, v37;
	v38 =	vshll.u32 v54, $0x10  }
0x102: {  	v39 =	vadd.f32 v44, v39;
	v35 =	vadd.f32 v46, v35;
	v40 =	vand.u32 $0xFFFF0000, v54;
	v46 =	vld [tilespmem:s0+$0x96A0]  }
0x103: {  	v36 =	vadd.f32 v38, v36;
	v38 =	vadd.f32 v40, v37;
	v40 =	vshll.u32 v49, $0x10  }
.Ltmp1:
0x104: {  	v39 =	vadd.f32 v52, v39;
	v44 =	vadd.f32 v45, v35;
	v35 =	vand.u32 $0xFFFF0000, v49;
	v37 =	vld [tilespmem:s0+$0x9660];
	(pc) =	sbr.rel @p0 .LBB2_5-.Ltmp1, $4  }
0x105: {  	v40 =	vadd.f32 v40, v36;
	v45 =	vadd.f32 v35, v38;
	v38 =	vshll.u32 v51, $0x10  }
0x106: {  	v35 =	vand.u32 $0xFFFF0000, v51;
	v39 =	vadd.f32 v41, v39;
	v49 =	vadd.f32 v42, v44;
	v36 =	vld [tilespmem:s0+$0x9620]  }
0x107: {  	v40 =	vadd.f32 v50, v40;
	v44 =	vadd.f32 v43, v45;
	v42 =	vshll.u32 v46, $0x10  }
0x108: {  	s9 =	sadd.s32 $0x800, s9;
	v41 =	vand.u32 $0xFFFF0000, v46;
	v45 =	vadd.f32 v47, v39;
	v39 =	vadd.f32 v48, v49;
	v43 =	vld [tilespmem:s0+$0x9630]  }
0x109: {  	v2 =	vadd.s32 v2, v3  }
0x10a: {  	v2 =	vadd.s32 v4, v2  }
0x10b: {  	v2 =	vadd.s32 v7, v2  }
0x10c: {  	v2 =	vadd.s32 v14, v2  }
0x10d: {  	v2 =	vadd.s32 v12, v2  }
0x10e: {  	v2 =	vadd.s32 v13, v2  }
0x10f: {  	v3 =	vshll.u32 v37, $0x10;
	v4 =	vadd.f32 v33, v40;
	v2 =	vadd.s32 v15, v2  }
0x110: {  	v7 =	vadd.f32 v34, v44;
	v14 =	vadd.f32 v28, v39;
	v2 =	vadd.s32 v9, v2  }
0x111: {  	v4 =	vadd.f32 v26, v4;
	v12 =	vand.u32 $0xFFFF0000, v37;
	v9 =	vld [tilespmem:s0+$0x9670];
	v2 =	vadd.s32 v8, v2  }
0x112: {  	v14 =	vadd.f32 v24, v14;
	v24 =	vshll.u32 v43, $0x10;
	v2 =	vadd.s32 v10, v2  }
0x113: {  	v4 =	vadd.f32 v23, v4;
	v15 =	vshll.u32 v36, $0x10;
	v10 =	vld [tilespmem:s0+$0x96B0];
	v2 =	vadd.s32 v11, v2  }
0x114: {  	v8 =	vand.u32 $0xFFFF0000, v36;
	v11 =	vadd.f32 v15, v21;
	v2 =	vadd.s32 v6, v2  }
0x115: {  	v15 =	vadd.f32 v24, v31;
	v6 =	vadd.f32 v8, v32;
	v8 =	vld [tilespmem:s0+$0x96F0];
	v2 =	vcvt.s32.f32 v2  }
0x116: {  	v21 =	vand.u32 $0xFFFF0000, v43;
	v23 =	vshll.u32 v9, $0x10;
	v3 =	vadd.f32 v3, v11  }
0x117: {  	v11 =	vadd.f32 v21, v30;
	v21 =	vld [tilespmem:s0+$0x9730];
	v15 =	vadd.f32 v23, v15;
	v2 =	vmax.f32 v2, $1.000000000e+00  }
0x118: {  	v23 =	vshll.u32 v10, $0x10;
	v3 =	vadd.f32 v42, v3;
	(erf) = vrcp.f32 v2  }
0x119: {  	v2 =	vadd.f32 v12, v6;
	v6 =	vand.u32 $0xFFFF0000, v9;
	v9 =	vld [tilespmem:s0+$0x9770];
	v12 =	vadd.f32 v23, v15  }
0x11a: {  	v13 =	vadd.f32 v29, v45;
	v15 =	vld [tilespmem:s0+$0x97B0];
	v6 =	vadd.f32 v6, v11;
	v11 =	vshll.u32 v8, $0x10  }
0x11b: {  	v10 =	vand.u32 $0xFFFF0000, v10;
	v3 =	vadd.f32 v38, v3;
	v11 =	vadd.f32 v11, v12  }
0x11c: {  	v2 =	vadd.f32 v41, v2;
	v6 =	vadd.f32 v10, v6;
	v10 =	vshll.u32 v21, $0x10  }
0x11d: {  	v8 =	vand.u32 $0xFFFF0000, v8;
	v12 =	vld [tilespmem:s0+$0x97F0];
	v3 =	vadd.f32 v22, v3;
	v10 =	vadd.f32 v10, v11  }
0x11e: {  	v2 =	vadd.f32 v35, v2;
	v6 =	vadd.f32 v8, v6;
	v8 =	vshll.u32 v9, $0x10  }
0x11f: {  	v3 =	vadd.f32 v19, v3;
	v8 =	vadd.f32 v8, v10;
	v10 =	vshll.u32 v15, $0x10  }
0x120: {  	v7 =	vadd.f32 v27, v7;
	v13 =	vadd.f32 v25, v13;
	v11 =	vand.u32 $0xFFFF0000, v21  }
0x121: {  	v9 =	vand.u32 $0xFFFF0000, v9;
	v2 =	vadd.f32 v20, v2;
	v3 =	vadd.f32 v16, v3  }
0x122: {  	v6 =	vadd.f32 v11, v6;
	v11 =	vshll.u32 v12, $0x10;
	v8 =	vadd.f32 v10, v8;
	v10 =	vpop (erf)  }
0x123: {  	s11 =	sshll.u32 s1, $0x7;
	v2 =	vadd.f32 v18, v2;
	v1 =	vadd.f32 v1, v3;
	v3 =	vmul.f32 v13, v10  }
0x124: {  	s0 =	sand.u32 $0x3FFFFF80, s11;
	v6 =	vadd.f32 v9, v6;
	v8 =	vadd.f32 v11, v8;
	v4 =	vmul.f32 v4, v10  }
0x125: {  	v2 =	vadd.f32 v5, v2;
	v5 =	vand.u32 $0xFFFF0000, v15;
	v1 =	vmul.f32 v1, v10;
	[tilespmem:s0+$0x12C00] =	vst v3  }
0x126: {  	v5 =	vadd.f32 v5, v6;
	v3 =	vadd.f32 v17, v7;
	[tilespmem:s0+$0x12C10] =	vst v4;
	v4 =	vmul.f32 v8, v10  }
0x127: {  	v0 =	vadd.f32 v0, v2;
	v2 =	vand.u32 $0xFFFF0000, v12;
	[tilespmem:s0+$0x12C20] =	vst v1;
	v1 =	vmul.f32 v14, v10  }
0x128: {  	v2 =	vadd.f32 v2, v5;
	[tilespmem:s0+$0x12C30] =	vst v4;
	v3 =	vmul.f32 v3, v10  }
0x129: {  	v0 =	vmul.f32 v0, v10;
	[tilespmem:s0+$0x12C40] =	vst v1  }
0x12a: {  	v1 =	vmul.f32 v2, v10;
	[tilespmem:s0+$0x12C50] =	vst v3  }
0x12b: {  	[tilespmem:s0+$0x12C60] =	vst v0  }
0x12c: {  	[tilespmem:s0+$0x12C70] =	vst v1  }
0x12d: {  	_ =	swait.ge [sflag:s24], $0x2000  }
0x12e: {  	s1 =	sor.u32 $0x2, s31;
	[sflag:s24] =	ssyncset.done $0x0  }
0x12f: {  	s12 =	smul.u32 $0x320, s1;
	[sflag:s24] =	ssyncadd.s32 $0xFFFFE000  }
0x130: {  	p0 =	sgt.u32 s1, $0x7C;
	_ =	swait.ge [sflag:s24], $0x1200  }
0x131: {  	s9 =	simm.s32 @!p0 $0x80;
	s12 =	sshra.s32 s12, $0x2;
	[sflag:s24] =	ssyncset.done $0x0  }
0x132: {  	s11 =	simm.s32 @!p0 $0x9600;
	s0 =	sadd.s32 @!p0 $0x3E8, s30;
	[sflag:s24] =	ssyncadd.s32 $0xFFFFEE00  }
0x133: {  	[tilespmem:s11], [sflag:$0x2] =	stream.indirect.gather @!p0 [hbm4b:s3+s9], $0x40, s0, s9, $0xb8;
	[tilespmem:$0x16C00] =	vst v63  }
0x134: {  	s0 =	sadd.s32 @!p0 $0x468, s30;
	s9 =	simm.s32 @!p0 $0x48;
	s11 =	simm.s32 @!p0 $0xB600  }
0x135: {  	[tilespmem:s11], [sflag:$0x2] =	stream.indirect.gather @!p0 [hbm4b:s3+s9], $0x40, s0, s9, $0xb8;
	[tilespmem:$0x16C00] =	vst v63  }
0x136: {  	v0 =	vld [tilespmem:s12+$0x0]  }
0x137: {  	v1 =	vld [tilespmem:s12+$0x10]  }
0x138: {  	v3 =	vld [tilespmem:s12+$0x20]  }
0x139: {  	v5 =	vld [tilespmem:s12+$0x30]  }
0x13a: {  	v6 =	vld [tilespmem:s12+$0x40]  }
0x13b: {  	v8 =	vld [tilespmem:s12+$0x50]  }
0x13c: {  	s0 =	simm.s32 $0x0;
	v9 =	vld [tilespmem:s12+$0x60]  }
0x13d: {  	v20 =	vld [tilespmem:s0+$0xC9C0]  }
0x13e: {  	v27 =	vld [tilespmem:s0+$0xC990]  }
0x13f: {  	v31 =	vld [tilespmem:s0+$0xC940]  }
0x140: {  	v53 =	vld [tilespmem:s0+$0xC950]  }
0x141: {  	v55 =	vld [tilespmem:s0+$0xC900]  }
0x142: {  	v56 =	vld [tilespmem:s0+$0xC910]  }
0x143: {  	v57 =	vld [tilespmem:s0+$0xC920]  }
0x144: {  	v58 =	vld [tilespmem:s0+$0xC8C0]  }
0x145: {  	v21 =	vimm.f32 $0.0e+00;
	v59 =	vld [tilespmem:s0+$0xC880]  }
0x146: {  	v60 =	vld [tilespmem:s0+$0xC840];
	vm1 =	vne.s32 v0, $0x0;
	vm2 =	vne.s32 v3, $0x0;
	v25 =	vshll.u32 v20, $0x10  }
0x147: {  	v61 =	vld [tilespmem:s0+$0xC810];
	v24 =	vand.u32 $0xFFFF0000, v20;
	v26 =	vshll.u32 v27, $0x10;
	v27 =	vand.u32 $0xFFFF0000, v27  }
0x148: {  	v10 =	vld [tilespmem:s12+$0x70];
	v43 =	vshll.u32 v31, $0x10;
	v31 =	vand.u32 $0xFFFF0000, v31;
	v33 =	vshll.u32 v53, $0x10  }
0x149: {  	v62 =	vld [tilespmem:s0+$0xC850];
	v34 =	vand.u32 $0xFFFF0000, v53;
	v32 =	vshll.u32 v55, $0x10;
	v36 =	vand.u32 $0xFFFF0000, v55  }
0x14a: {  	v11 =	vld [tilespmem:s12+$0x80];
	v44 =	vshll.u32 v56, $0x10;
	v45 =	vand.u32 $0xFFFF0000, v56;
	v20 =	vand.u32 $0xFFFF0000, v57  }
0x14b: {  	v50 =	vld [tilespmem:s0+$0xC8D0];
	v63 =	vshll.u32 v59, $0x10;
	v39 =	vand.u32 $0xFFFF0000, v58;
	v46 =	vshll.u32 v60, $0x10  }
0x14c: {  	v16 =	vld [tilespmem:s12+$0x90];
	v41 =	vand.u32 $0xFFFF0000, v60;
	v40 =	vand.u32 $0xFFFF0000, v59;
	v49 =	vshll.u32 v61, $0x10  }
0x14d: {  	v30 =	vld [tilespmem:s0+$0xC9A0];
	v42 =	vand.u32 $0xFFFF0000, v61;
	v2 =	vmpcnt.ones.xlane vm1;
	vm1 =	vne.s32 v1, $0x0  }
0x14e: {  	v51 =	vshll.u32 v62, $0x10;
	v3 =	vmpcnt.ones.xlane vm1;
	vm1 =	vne.s32 v5, $0x0;
	v5 =	vld [tilespmem:s0+$0xC980]  }
0x14f: {  	v19 =	vld [tilespmem:s12+$0xB8];
	v35 =	vand.u32 $0xFFFF0000, v62;
	v7 =	vmpcnt.ones.xlane vm1;
	vm1 =	vne.s32 v6, $0x0  }
0x150: {  	v22 =	vld [tilespmem:s0+$0xC9E0];
	v60 =	vshll.u32 v50, $0x10;
	v14 =	vmpcnt.ones.xlane vm1;
	vm1 =	vne.s32 v9, $0x0  }
0x151: {  	v54 =	vld [tilespmem:s0+$0xC960];
	v4 =	vmpcnt.ones.xlane vm2;
	v13 =	vmpcnt.ones.xlane vm1;
	vm1 =	vne.s32 v10, $0x0  }
0x152: {  	v0 =	vld [tilespmem:s0+$0xC9D0];
	v15 =	vmpcnt.ones.xlane vm1;
	vm1 =	vne.s32 v16, $0x0;
	v16 =	vshll.u32 v30, $0x10  }
0x153: {  	v29 =	vshll.u32 v5, $0x10;
	v28 =	vand.u32 $0xFFFF0000, v5;
	v5 =	vand.u32 $0xFFFF0000, v30;
	v30 =	vld [tilespmem:s0+$0xC800]  }
0x154: {  	v17 =	vld [tilespmem:s12+$0xA0];
	vm2 =	vne.s32 v8, $0x0;
	v49 =	vadd.f32 v49, v21;
	v42 =	vadd.f32 v42, v21  }
0x155: {  	v61 =	vand.u32 $0xFFFF0000, v50;
	v1 =	vshll.u32 v22, $0x10;
	v12 =	vmpcnt.ones.xlane vm2  }
0x156: {  	v47 =	vld [tilespmem:s0+$0xC890];
	vm2 =	vne.s32 v11, $0x0;
	v56 =	vadd.f32 v51, v49;
	v35 =	vadd.f32 v35, v42  }
0x157: {  	v18 =	vld [tilespmem:s12+$0xB0];
	v9 =	vmpcnt.ones.xlane vm2;
	vm2 =	vne.s32 v19, $0x0;
	v19 =	vshll.u32 v54, $0x10  }
0x158: {  	v23 =	vshll.u32 v0, $0x10;
	v8 =	vmpcnt.ones.xlane vm1;
	v48 =	vshll.u32 v30, $0x10  }
0x159: {  	vm1 =	vne.s32 v17, $0x0;
	v30 =	vand.u32 $0xFFFF0000, v30;
	v48 =	vadd.f32 v48, v21  }
0x15a: {  	v17 =	vand.u32 $0xFFFF0000, v0;
	v0 =	vand.u32 $0xFFFF0000, v22;
	v30 =	vadd.f32 v30, v21  }
0x15b: {  	v55 =	vld [tilespmem:s0+$0xC8E0];
	v22 =	vshll.u32 v57, $0x10;
	v57 =	vshll.u32 v47, $0x10;
	v46 =	vadd.f32 v46, v48  }
0x15c: {  	v10 =	vmpcnt.ones.xlane vm1;
	vm1 =	vne.s32 v18, $0x0;
	v30 =	vadd.f32 v41, v30  }
0x15d: {  	v59 =	vld [tilespmem:s0+$0xC8A0];
	v18 =	vand.u32 $0xFFFF0000, v54;
	v54 =	vshll.u32 v58, $0x10;
	v37 =	vadd.f32 v63, v46  }
0x15e: {  	v58 =	vand.u32 $0xFFFF0000, v47;
	v42 =	vadd.f32 v57, v56;
	v30 =	vadd.f32 v40, v30  }
0x15f: {  	vm2 =	vmand vm2, vm0;
	v35 =	vadd.f32 v58, v35;
	v37 =	vadd.f32 v54, v37  }
0x160: {  	v38 =	vshll.u32 v55, $0x10;
	v62 =	vadd.f32 v60, v42;
	v30 =	vadd.f32 v39, v30  }
0x161: {  	v6 =	vmpcnt.ones.xlane vm2;
	v63 =	vadd.f32 v61, v35;
	v32 =	vadd.f32 v32, v37;
	v37 =	vld [tilespmem:s0+$0xC860]  }
0x162: {  	v11 =	vmpcnt.ones.xlane vm1;
	v42 =	vshll.u32 v59, $0x10;
	v30 =	vadd.f32 v36, v30  }
0x163: {  	v41 =	vand.u32 $0xFFFF0000, v59;
	v40 =	vadd.f32 v44, v62;
	v44 =	vadd.f32 v45, v63;
	v36 =	vld [tilespmem:s0+$0xC820]  }
0x164: {  	v35 =	vand.u32 $0xFFFF0000, v55;
	v45 =	vadd.f32 v43, v32;
	v39 =	vadd.f32 v31, v30  }
0x165: {  	s9 =	simm.s32 $0x800;
	v43 =	vld [tilespmem:s0+$0xC830];
	v32 =	vimm.f32 $0.0e+00;
	v31 =	vimm.f32 $0.0e+00;
	v30 =	vimm.f32 $0.0e+00  }
.LBB2_7:
0x166: {  	p0 =	sne.s32 s9, $0xC000;
	v46 =	vshll.u32 v37, $0x10;
	v33 =	vadd.f32 v33, v40;
	v34 =	vadd.f32 v34, v44  }
0x167: {  	v44 =	vand.u32 $0xFFFF0000, v37;
	v47 =	vld [tilespmem:s0+$0xC870];
	v29 =	vadd.f32 v29, v45;
	v28 =	vadd.f32 v28, v39  }
0x168: {  	v45 =	vshll.u32 v36, $0x10;
	v26 =	vadd.f32 v26, v33;
	v27 =	vadd.f32 v27, v34  }
0x169: {  	v33 =	vand.u32 $0xFFFF0000, v36;
	v34 =	vld [tilespmem:s0+$0xC8B0];
	v39 =	vadd.f32 v25, v29;
	v40 =	vadd.f32 v24, v28  }
0x16a: {  	v24 =	vshll.u32 v43, $0x10;
	v36 =	vadd.f32 v23, v26;
	v37 =	vadd.f32 v17, v27  }
0x16b: {  	s11 =	sshra.s32 s9, $0x2;
	v17 =	vadd.f32 v45, v21;
	v21 =	vadd.f32 v33, v32;
	v23 =	vand.u32 $0xFFFF0000, v43;
	v25 =	vld [tilespmem:s0+$0xC8F0]  }
0x16c: {  	v24 =	vadd.f32 v24, v31;
	v23 =	vadd.f32 v23, v30;
	v26 =	vld [tilespmem:s11+$0xC9C0];
	v27 =	vshll.u32 v47, $0x10  }
0x16d: {  	v17 =	vadd.f32 v46, v17;
	v21 =	vadd.f32 v44, v21;
	v28 =	vand.u32 $0xFFFF0000, v47;
	v29 =	vld [tilespmem:s0+$0xC930]  }
0x16e: {  	v24 =	vadd.f32 v27, v24;
	v23 =	vadd.f32 v28, v23;
	v33 =	vld [tilespmem:s11+$0xC9D0];
	v27 =	vshll.u32 v34, $0x10  }
0x16f: {  	v17 =	vadd.f32 v42, v17;
	v21 =	vadd.f32 v41, v21;
	v28 =	vand.u32 $0xFFFF0000, v34;
	v30 =	vld [tilespmem:s0+$0xC970]  }
0x170: {  	v24 =	vadd.f32 v27, v24;
	v23 =	vadd.f32 v28, v23;
	v34 =	vld [tilespmem:s11+$0xC9E0];
	v27 =	vshll.u32 v25, $0x10  }
0x171: {  	v17 =	vadd.f32 v38, v17;
	v21 =	vadd.f32 v35, v21;
	v25 =	vand.u32 $0xFFFF0000, v25;
	v28 =	vld [tilespmem:s0+$0xC9B0]  }
0x172: {  	v24 =	vadd.f32 v27, v24;
	v23 =	vadd.f32 v25, v23;
	v25 =	vshll.u32 v29, $0x10;
	v27 =	vld [tilespmem:s0+$0xC9F0];
	s0 =	smov.u32 s11  }
0x173: {  	v17 =	vadd.f32 v22, v17;
	v20 =	vadd.f32 v20, v21;
	v21 =	vand.u32 $0xFFFF0000, v29;
	v35 =	vld [tilespmem:s0+$0xC980]  }
0x174: {  	v24 =	vadd.f32 v25, v24;
	v21 =	vadd.f32 v21, v23;
	v22 =	vld [tilespmem:s0+$0xC990];
	v23 =	vshll.u32 v30, $0x10  }
0x175: {  	v17 =	vadd.f32 v19, v17;
	v18 =	vadd.f32 v18, v20;
	v19 =	vand.u32 $0xFFFF0000, v30;
	v38 =	vld [tilespmem:s0+$0xC9A0]  }
0x176: {  	v23 =	vadd.f32 v23, v24;
	v19 =	vadd.f32 v19, v21;
	v20 =	vld [tilespmem:s0+$0xC940];
	v21 =	vshll.u32 v28, $0x10  }
0x177: {  	v16 =	vadd.f32 v16, v17;
	v5 =	vadd.f32 v5, v18;
	v17 =	vand.u32 $0xFFFF0000, v28;
	v41 =	vld [tilespmem:s0+$0xC950]  }
0x178: {  	v23 =	vadd.f32 v21, v23;
	v17 =	vadd.f32 v17, v19;
	v19 =	vshll.u32 v27, $0x10;
	v18 =	vld [tilespmem:s0+$0xC960]  }
0x179: {  	v21 =	vadd.f32 v1, v16;
	v32 =	vadd.f32 v0, v5;
	v0 =	vand.u32 $0xFFFF0000, v27;
	v42 =	vld [tilespmem:s0+$0xC900]  }
0x17a: {  	v31 =	vadd.f32 v19, v23;
	v30 =	vadd.f32 v0, v17;
	v43 =	vld [tilespmem:s0+$0xC910]  }
0x17b: {  	v25 =	vshll.u32 v26, $0x10;
	v24 =	vand.u32 $0xFFFF0000, v26;
	v23 =	vshll.u32 v33, $0x10;
	v44 =	vld [tilespmem:s0+$0xC920]  }
0x17c: {  	v1 =	vshll.u32 v34, $0x10;
	v17 =	vand.u32 $0xFFFF0000, v33;
	v0 =	vand.u32 $0xFFFF0000, v34;
	v45 =	vld [tilespmem:s0+$0xC8C0]  }
0x17d: {  	v29 =	vshll.u32 v35, $0x10;
	v28 =	vand.u32 $0xFFFF0000, v35;
	v26 =	vshll.u32 v22, $0x10;
	v46 =	vld [tilespmem:s0+$0xC880]  }
0x17e: {  	v27 =	vand.u32 $0xFFFF0000, v22;
	v16 =	vshll.u32 v38, $0x10;
	v5 =	vand.u32 $0xFFFF0000, v38;
	v35 =	vld [tilespmem:s0+$0xC840]  }
0x17f: {  	v47 =	vshll.u32 v20, $0x10;
	v48 =	vand.u32 $0xFFFF0000, v20;
	v33 =	vshll.u32 v41, $0x10;
	v38 =	vld [tilespmem:s0+$0xC800]  }
0x180: {  	v34 =	vand.u32 $0xFFFF0000, v41;
	v19 =	vshll.u32 v18, $0x10;
	v18 =	vand.u32 $0xFFFF0000, v18;
	v49 =	vld [tilespmem:s0+$0xC810]  }
0x181: {  	v41 =	vshll.u32 v42, $0x10;
	v42 =	vand.u32 $0xFFFF0000, v42;
	v50 =	vshll.u32 v43, $0x10  }
0x182: {  	v43 =	vand.u32 $0xFFFF0000, v43;
	v22 =	vshll.u32 v44, $0x10;
	v20 =	vand.u32 $0xFFFF0000, v44;
	v51 =	vld [tilespmem:s0+$0xC850]  }
0x183: {  	v52 =	vshll.u32 v45, $0x10;
	v45 =	vand.u32 $0xFFFF0000, v45;
	v44 =	vshll.u32 v46, $0x10  }
0x184: {  	v46 =	vand.u32 $0xFFFF0000, v46;
	v53 =	vshll.u32 v35, $0x10;
	v35 =	vand.u32 $0xFFFF0000, v35;
	v54 =	vld [tilespmem:s0+$0xC890]  }
0x185: {  	v55 =	vshll.u32 v38, $0x10;
	v38 =	vand.u32 $0xFFFF0000, v38;
	v56 =	vshll.u32 v49, $0x10  }
0x186: {  	v39 =	vadd.f32 v55, v39;
	v38 =	vadd.f32 v38, v40;
	v40 =	vand.u32 $0xFFFF0000, v49;
	v49 =	vld [tilespmem:s0+$0xC8D0]  }
0x187: {  	v36 =	vadd.f32 v56, v36;
	v37 =	vadd.f32 v40, v37;
	v40 =	vshll.u32 v51, $0x10  }
0x188: {  	v39 =	vadd.f32 v53, v39;
	v35 =	vadd.f32 v35, v38;
	v38 =	vand.u32 $0xFFFF0000, v51;
	v51 =	vld [tilespmem:s0+$0xC8E0]  }
0x189: {  	v36 =	vadd.f32 v40, v36;
	v37 =	vadd.f32 v38, v37;
	v38 =	vshll.u32 v54, $0x10  }
0x18a: {  	v39 =	vadd.f32 v44, v39;
	v35 =	vadd.f32 v46, v35;
	v40 =	vand.u32 $0xFFFF0000, v54;
	v46 =	vld [tilespmem:s0+$0xC8A0]  }
0x18b: {  	v36 =	vadd.f32 v38, v36;
	v38 =	vadd.f32 v40, v37;
	v40 =	vshll.u32 v49, $0x10  }
.Ltmp2:
0x18c: {  	v39 =	vadd.f32 v52, v39;
	v44 =	vadd.f32 v45, v35;
	v35 =	vand.u32 $0xFFFF0000, v49;
	v37 =	vld [tilespmem:s0+$0xC860];
	(pc) =	sbr.rel @p0 .LBB2_7-.Ltmp2, $4  }
0x18d: {  	v40 =	vadd.f32 v40, v36;
	v45 =	vadd.f32 v35, v38;
	v38 =	vshll.u32 v51, $0x10  }
0x18e: {  	v35 =	vand.u32 $0xFFFF0000, v51;
	v39 =	vadd.f32 v41, v39;
	v49 =	vadd.f32 v42, v44;
	v36 =	vld [tilespmem:s0+$0xC820]  }
0x18f: {  	v40 =	vadd.f32 v50, v40;
	v44 =	vadd.f32 v43, v45;
	v42 =	vshll.u32 v46, $0x10  }
0x190: {  	s9 =	sadd.s32 $0x800, s9;
	v41 =	vand.u32 $0xFFFF0000, v46;
	v45 =	vadd.f32 v47, v39;
	v39 =	vadd.f32 v48, v49;
	v43 =	vld [tilespmem:s0+$0xC830]  }
0x191: {  	v2 =	vadd.s32 v2, v3  }
0x192: {  	v2 =	vadd.s32 v4, v2  }
0x193: {  	v2 =	vadd.s32 v7, v2  }
0x194: {  	v2 =	vadd.s32 v14, v2  }
0x195: {  	v2 =	vadd.s32 v12, v2  }
0x196: {  	v2 =	vadd.s32 v13, v2  }
0x197: {  	v3 =	vshll.u32 v37, $0x10;
	v4 =	vadd.f32 v33, v40;
	v2 =	vadd.s32 v15, v2  }
0x198: {  	v7 =	vadd.f32 v34, v44;
	v14 =	vadd.f32 v28, v39;
	v2 =	vadd.s32 v9, v2  }
0x199: {  	v4 =	vadd.f32 v26, v4;
	v12 =	vand.u32 $0xFFFF0000, v37;
	v9 =	vld [tilespmem:s0+$0xC870];
	v2 =	vadd.s32 v8, v2  }
0x19a: {  	v14 =	vadd.f32 v24, v14;
	v24 =	vshll.u32 v43, $0x10;
	v2 =	vadd.s32 v10, v2  }
0x19b: {  	v4 =	vadd.f32 v23, v4;
	v15 =	vshll.u32 v36, $0x10;
	v10 =	vld [tilespmem:s0+$0xC8B0];
	v2 =	vadd.s32 v11, v2  }
0x19c: {  	v8 =	vand.u32 $0xFFFF0000, v36;
	v11 =	vadd.f32 v15, v21;
	v2 =	vadd.s32 v6, v2  }
0x19d: {  	v15 =	vadd.f32 v24, v31;
	v6 =	vadd.f32 v8, v32;
	v8 =	vld [tilespmem:s0+$0xC8F0];
	v2 =	vcvt.s32.f32 v2  }
0x19e: {  	v21 =	vand.u32 $0xFFFF0000, v43;
	v23 =	vshll.u32 v9, $0x10;
	v3 =	vadd.f32 v3, v11  }
0x19f: {  	v11 =	vadd.f32 v21, v30;
	v21 =	vld [tilespmem:s0+$0xC930];
	v15 =	vadd.f32 v23, v15;
	v2 =	vmax.f32 v2, $1.000000000e+00  }
0x1a0: {  	v23 =	vshll.u32 v10, $0x10;
	v3 =	vadd.f32 v42, v3;
	(erf) = vrcp.f32 v2  }
0x1a1: {  	v2 =	vadd.f32 v12, v6;
	v6 =	vand.u32 $0xFFFF0000, v9;
	v9 =	vld [tilespmem:s0+$0xC970];
	v12 =	vadd.f32 v23, v15  }
0x1a2: {  	v13 =	vadd.f32 v29, v45;
	v15 =	vld [tilespmem:s0+$0xC9B0];
	v6 =	vadd.f32 v6, v11;
	v11 =	vshll.u32 v8, $0x10  }
0x1a3: {  	v10 =	vand.u32 $0xFFFF0000, v10;
	v3 =	vadd.f32 v38, v3;
	v11 =	vadd.f32 v11, v12  }
0x1a4: {  	v2 =	vadd.f32 v41, v2;
	v6 =	vadd.f32 v10, v6;
	v10 =	vshll.u32 v21, $0x10  }
0x1a5: {  	v8 =	vand.u32 $0xFFFF0000, v8;
	v12 =	vld [tilespmem:s0+$0xC9F0];
	v3 =	vadd.f32 v22, v3;
	v10 =	vadd.f32 v10, v11  }
0x1a6: {  	v2 =	vadd.f32 v35, v2;
	v6 =	vadd.f32 v8, v6;
	v8 =	vshll.u32 v9, $0x10  }
0x1a7: {  	v3 =	vadd.f32 v19, v3;
	v8 =	vadd.f32 v8, v10;
	v10 =	vshll.u32 v15, $0x10  }
0x1a8: {  	v7 =	vadd.f32 v27, v7;
	v13 =	vadd.f32 v25, v13;
	v11 =	vand.u32 $0xFFFF0000, v21  }
0x1a9: {  	v9 =	vand.u32 $0xFFFF0000, v9;
	v2 =	vadd.f32 v20, v2;
	v3 =	vadd.f32 v16, v3  }
0x1aa: {  	v6 =	vadd.f32 v11, v6;
	v11 =	vshll.u32 v12, $0x10;
	v8 =	vadd.f32 v10, v8;
	v10 =	vpop (erf)  }
0x1ab: {  	s12 =	sshll.u32 s1, $0x7;
	v2 =	vadd.f32 v18, v2;
	v1 =	vadd.f32 v1, v3;
	v3 =	vmul.f32 v13, v10  }
0x1ac: {  	s0 =	sand.u32 $0x3FFFFF80, s12;
	v6 =	vadd.f32 v9, v6;
	v8 =	vadd.f32 v11, v8;
	v4 =	vmul.f32 v4, v10  }
0x1ad: {  	v2 =	vadd.f32 v5, v2;
	v5 =	vand.u32 $0xFFFF0000, v15;
	v1 =	vmul.f32 v1, v10;
	[tilespmem:s0+$0x12C00] =	vst v3  }
0x1ae: {  	v5 =	vadd.f32 v5, v6;
	v3 =	vadd.f32 v17, v7;
	[tilespmem:s0+$0x12C10] =	vst v4;
	v4 =	vmul.f32 v8, v10  }
0x1af: {  	v0 =	vadd.f32 v0, v2;
	v2 =	vand.u32 $0xFFFF0000, v12;
	[tilespmem:s0+$0x12C20] =	vst v1;
	v1 =	vmul.f32 v14, v10  }
0x1b0: {  	v2 =	vadd.f32 v2, v5;
	[tilespmem:s0+$0x12C30] =	vst v4;
	v3 =	vmul.f32 v3, v10  }
0x1b1: {  	v0 =	vmul.f32 v0, v10;
	[tilespmem:s0+$0x12C40] =	vst v1  }
0x1b2: {  	v1 =	vmul.f32 v2, v10;
	[tilespmem:s0+$0x12C50] =	vst v3  }
0x1b3: {  	[tilespmem:s0+$0x12C60] =	vst v0  }
0x1b4: {  	[tilespmem:s0+$0x12C70] =	vst v1  }
0x1b5: {  	_ =	swait.ge [sflag:s25], $0x2000  }
0x1b6: {  	[sflag:s25] =	ssyncset.done $0x0  }
0x1b7: {  	s1 =	sor.u32 $0x3, s31;
	[sflag:s25] =	ssyncadd.s32 $0xFFFFE000  }
0x1b8: {  	p0 =	sgt.u32 s1, $0x7C;
	s12 =	smul.u32 $0x320, s1;
	_ =	swait.ge [sflag:s25], $0x1200  }
0x1b9: {  	s9 =	simm.s32 @!p0 $0x80;
	s11 =	simm.s32 @!p0 $0xC800;
	[sflag:s25] =	ssyncset.done $0x0  }
0x1ba: {  	s31 =	sshra.s32 s12, $0x2;
	s0 =	sadd.s32 @!p0 $0x4B0, s30;
	[sflag:s25] =	ssyncadd.s32 $0xFFFFEE00  }
0x1bb: {  	[tilespmem:s11], [sflag:$0x3] =	stream.indirect.gather @!p0 [hbm4b:s3+s9], $0x40, s0, s9, $0xb8;
	[tilespmem:$0x16C00] =	vst v63  }
0x1bc: {  	s0 =	sadd.s32 @!p0 $0x530, s30;
	s9 =	simm.s32 @!p0 $0x48;
	s11 =	simm.s32 @!p0 $0xE800  }
0x1bd: {  	[tilespmem:s11], [sflag:$0x3] =	stream.indirect.gather @!p0 [hbm4b:s3+s9], $0x40, s0, s9, $0xb8;
	[tilespmem:$0x16C00] =	vst v63  }
0x1be: {  	v0 =	vld [tilespmem:s31+$0x0]  }
0x1bf: {  	v1 =	vld [tilespmem:s31+$0x10]  }
0x1c0: {  	v3 =	vld [tilespmem:s31+$0x20]  }
0x1c1: {  	v5 =	vld [tilespmem:s31+$0x30]  }
0x1c2: {  	v6 =	vld [tilespmem:s31+$0x40]  }
0x1c3: {  	v8 =	vld [tilespmem:s31+$0x50]  }
0x1c4: {  	s0 =	simm.s32 $0x0;
	v9 =	vld [tilespmem:s31+$0x60]  }
0x1c5: {  	v20 =	vld [tilespmem:s0+$0xFBC0]  }
0x1c6: {  	v27 =	vld [tilespmem:s0+$0xFB90]  }
0x1c7: {  	v31 =	vld [tilespmem:s0+$0xFB40]  }
0x1c8: {  	v53 =	vld [tilespmem:s0+$0xFB50]  }
0x1c9: {  	v55 =	vld [tilespmem:s0+$0xFB00]  }
0x1ca: {  	v56 =	vld [tilespmem:s0+$0xFB10]  }
0x1cb: {  	v57 =	vld [tilespmem:s0+$0xFB20]  }
0x1cc: {  	v58 =	vld [tilespmem:s0+$0xFAC0]  }
0x1cd: {  	v21 =	vimm.f32 $0.0e+00;
	v59 =	vld [tilespmem:s0+$0xFA80]  }
0x1ce: {  	v60 =	vld [tilespmem:s0+$0xFA40];
	vm1 =	vne.s32 v0, $0x0;
	vm2 =	vne.s32 v3, $0x0;
	v25 =	vshll.u32 v20, $0x10  }
0x1cf: {  	v61 =	vld [tilespmem:s0+$0xFA10];
	v24 =	vand.u32 $0xFFFF0000, v20;
	v26 =	vshll.u32 v27, $0x10;
	v27 =	vand.u32 $0xFFFF0000, v27  }
0x1d0: {  	v10 =	vld [tilespmem:s31+$0x70];
	v43 =	vshll.u32 v31, $0x10;
	v31 =	vand.u32 $0xFFFF0000, v31;
	v33 =	vshll.u32 v53, $0x10  }
0x1d1: {  	v62 =	vld [tilespmem:s0+$0xFA50];
	v34 =	vand.u32 $0xFFFF0000, v53;
	v32 =	vshll.u32 v55, $0x10;
	v36 =	vand.u32 $0xFFFF0000, v55  }
0x1d2: {  	v11 =	vld [tilespmem:s31+$0x80];
	v44 =	vshll.u32 v56, $0x10;
	v45 =	vand.u32 $0xFFFF0000, v56;
	v20 =	vand.u32 $0xFFFF0000, v57  }
0x1d3: {  	v50 =	vld [tilespmem:s0+$0xFAD0];
	v63 =	vshll.u32 v59, $0x10;
	v39 =	vand.u32 $0xFFFF0000, v58;
	v46 =	vshll.u32 v60, $0x10  }
0x1d4: {  	v16 =	vld [tilespmem:s31+$0x90];
	v41 =	vand.u32 $0xFFFF0000, v60;
	v40 =	vand.u32 $0xFFFF0000, v59;
	v49 =	vshll.u32 v61, $0x10  }
0x1d5: {  	v30 =	vld [tilespmem:s0+$0xFBA0];
	v42 =	vand.u32 $0xFFFF0000, v61;
	v2 =	vmpcnt.ones.xlane vm1;
	vm1 =	vne.s32 v1, $0x0  }
0x1d6: {  	v51 =	vshll.u32 v62, $0x10;
	v3 =	vmpcnt.ones.xlane vm1;
	vm1 =	vne.s32 v5, $0x0;
	v5 =	vld [tilespmem:s0+$0xFB80]  }
0x1d7: {  	v19 =	vld [tilespmem:s31+$0xB8];
	v35 =	vand.u32 $0xFFFF0000, v62;
	v7 =	vmpcnt.ones.xlane vm1;
	vm1 =	vne.s32 v6, $0x0  }
0x1d8: {  	v22 =	vld [tilespmem:s0+$0xFBE0];
	v60 =	vshll.u32 v50, $0x10;
	v14 =	vmpcnt.ones.xlane vm1;
	vm1 =	vne.s32 v9, $0x0  }
0x1d9: {  	v54 =	vld [tilespmem:s0+$0xFB60];
	v4 =	vmpcnt.ones.xlane vm2;
	v13 =	vmpcnt.ones.xlane vm1;
	vm1 =	vne.s32 v10, $0x0  }
0x1da: {  	v0 =	vld [tilespmem:s0+$0xFBD0];
	v15 =	vmpcnt.ones.xlane vm1;
	vm1 =	vne.s32 v16, $0x0;
	v16 =	vshll.u32 v30, $0x10  }
0x1db: {  	v29 =	vshll.u32 v5, $0x10;
	v28 =	vand.u32 $0xFFFF0000, v5;
	v5 =	vand.u32 $0xFFFF0000, v30;
	v30 =	vld [tilespmem:s0+$0xFA00]  }
0x1dc: {  	v17 =	vld [tilespmem:s31+$0xA0];
	vm2 =	vne.s32 v8, $0x0;
	v49 =	vadd.f32 v49, v21;
	v42 =	vadd.f32 v42, v21  }
0x1dd: {  	v61 =	vand.u32 $0xFFFF0000, v50;
	v1 =	vshll.u32 v22, $0x10;
	v12 =	vmpcnt.ones.xlane vm2  }
0x1de: {  	v47 =	vld [tilespmem:s0+$0xFA90];
	vm2 =	vne.s32 v11, $0x0;
	v56 =	vadd.f32 v51, v49;
	v35 =	vadd.f32 v35, v42  }
0x1df: {  	v18 =	vld [tilespmem:s31+$0xB0];
	v9 =	vmpcnt.ones.xlane vm2;
	vm2 =	vne.s32 v19, $0x0;
	v19 =	vshll.u32 v54, $0x10  }
0x1e0: {  	v23 =	vshll.u32 v0, $0x10;
	v8 =	vmpcnt.ones.xlane vm1;
	v48 =	vshll.u32 v30, $0x10  }
0x1e1: {  	vm1 =	vne.s32 v17, $0x0;
	v30 =	vand.u32 $0xFFFF0000, v30;
	v48 =	vadd.f32 v48, v21  }
0x1e2: {  	v17 =	vand.u32 $0xFFFF0000, v0;
	v0 =	vand.u32 $0xFFFF0000, v22;
	v30 =	vadd.f32 v30, v21  }
0x1e3: {  	v55 =	vld [tilespmem:s0+$0xFAE0];
	v22 =	vshll.u32 v57, $0x10;
	v57 =	vshll.u32 v47, $0x10;
	v46 =	vadd.f32 v46, v48  }
0x1e4: {  	v10 =	vmpcnt.ones.xlane vm1;
	vm1 =	vne.s32 v18, $0x0;
	v30 =	vadd.f32 v41, v30  }
0x1e5: {  	v59 =	vld [tilespmem:s0+$0xFAA0];
	v18 =	vand.u32 $0xFFFF0000, v54;
	v54 =	vshll.u32 v58, $0x10;
	v37 =	vadd.f32 v63, v46  }
0x1e6: {  	v58 =	vand.u32 $0xFFFF0000, v47;
	v42 =	vadd.f32 v57, v56;
	v30 =	vadd.f32 v40, v30  }
0x1e7: {  	vm2 =	vmand vm2, vm0;
	v35 =	vadd.f32 v58, v35;
	v37 =	vadd.f32 v54, v37  }
0x1e8: {  	v38 =	vshll.u32 v55, $0x10;
	v62 =	vadd.f32 v60, v42;
	v30 =	vadd.f32 v39, v30  }
0x1e9: {  	v6 =	vmpcnt.ones.xlane vm2;
	v63 =	vadd.f32 v61, v35;
	v32 =	vadd.f32 v32, v37;
	v37 =	vld [tilespmem:s0+$0xFA60]  }
0x1ea: {  	v11 =	vmpcnt.ones.xlane vm1;
	v42 =	vshll.u32 v59, $0x10;
	v30 =	vadd.f32 v36, v30  }
0x1eb: {  	v41 =	vand.u32 $0xFFFF0000, v59;
	v40 =	vadd.f32 v44, v62;
	v44 =	vadd.f32 v45, v63;
	v36 =	vld [tilespmem:s0+$0xFA20]  }
0x1ec: {  	v35 =	vand.u32 $0xFFFF0000, v55;
	v45 =	vadd.f32 v43, v32;
	v39 =	vadd.f32 v31, v30  }
0x1ed: {  	s9 =	simm.s32 $0x800;
	v43 =	vld [tilespmem:s0+$0xFA30];
	v32 =	vimm.f32 $0.0e+00;
	v31 =	vimm.f32 $0.0e+00;
	v30 =	vimm.f32 $0.0e+00  }
.LBB2_9:
0x1ee: {  	p0 =	sne.s32 s9, $0xC000;
	v46 =	vshll.u32 v37, $0x10;
	v33 =	vadd.f32 v33, v40;
	v34 =	vadd.f32 v34, v44  }
0x1ef: {  	v44 =	vand.u32 $0xFFFF0000, v37;
	v47 =	vld [tilespmem:s0+$0xFA70];
	v29 =	vadd.f32 v29, v45;
	v28 =	vadd.f32 v28, v39  }
0x1f0: {  	v45 =	vshll.u32 v36, $0x10;
	v26 =	vadd.f32 v26, v33;
	v27 =	vadd.f32 v27, v34  }
0x1f1: {  	v33 =	vand.u32 $0xFFFF0000, v36;
	v34 =	vld [tilespmem:s0+$0xFAB0];
	v39 =	vadd.f32 v25, v29;
	v40 =	vadd.f32 v24, v28  }
0x1f2: {  	v24 =	vshll.u32 v43, $0x10;
	v36 =	vadd.f32 v23, v26;
	v37 =	vadd.f32 v17, v27  }
0x1f3: {  	s11 =	sshra.s32 s9, $0x2;
	v17 =	vadd.f32 v45, v21;
	v21 =	vadd.f32 v33, v32;
	v23 =	vand.u32 $0xFFFF0000, v43;
	v25 =	vld [tilespmem:s0+$0xFAF0]  }
0x1f4: {  	v24 =	vadd.f32 v24, v31;
	v23 =	vadd.f32 v23, v30;
	v26 =	vld [tilespmem:s11+$0xFBC0];
	v27 =	vshll.u32 v47, $0x10  }
0x1f5: {  	v17 =	vadd.f32 v46, v17;
	v21 =	vadd.f32 v44, v21;
	v28 =	vand.u32 $0xFFFF0000, v47;
	v29 =	vld [tilespmem:s0+$0xFB30]  }
0x1f6: {  	v24 =	vadd.f32 v27, v24;
	v23 =	vadd.f32 v28, v23;
	v33 =	vld [tilespmem:s11+$0xFBD0];
	v27 =	vshll.u32 v34, $0x10  }
0x1f7: {  	v17 =	vadd.f32 v42, v17;
	v21 =	vadd.f32 v41, v21;
	v28 =	vand.u32 $0xFFFF0000, v34;
	v30 =	vld [tilespmem:s0+$0xFB70]  }
0x1f8: {  	v24 =	vadd.f32 v27, v24;
	v23 =	vadd.f32 v28, v23;
	v34 =	vld [tilespmem:s11+$0xFBE0];
	v27 =	vshll.u32 v25, $0x10  }
0x1f9: {  	v17 =	vadd.f32 v38, v17;
	v21 =	vadd.f32 v35, v21;
	v25 =	vand.u32 $0xFFFF0000, v25;
	v28 =	vld [tilespmem:s0+$0xFBB0]  }
0x1fa: {  	v24 =	vadd.f32 v27, v24;
	v23 =	vadd.f32 v25, v23;
	v25 =	vshll.u32 v29, $0x10;
	v27 =	vld [tilespmem:s0+$0xFBF0];
	s0 =	smov.u32 s11  }
0x1fb: {  	v17 =	vadd.f32 v22, v17;
	v20 =	vadd.f32 v20, v21;
	v21 =	vand.u32 $0xFFFF0000, v29;
	v35 =	vld [tilespmem:s0+$0xFB80]  }
0x1fc: {  	v24 =	vadd.f32 v25, v24;
	v21 =	vadd.f32 v21, v23;
	v22 =	vld [tilespmem:s0+$0xFB90];
	v23 =	vshll.u32 v30, $0x10  }
0x1fd: {  	v17 =	vadd.f32 v19, v17;
	v18 =	vadd.f32 v18, v20;
	v19 =	vand.u32 $0xFFFF0000, v30;
	v38 =	vld [tilespmem:s0+$0xFBA0]  }
0x1fe: {  	v23 =	vadd.f32 v23, v24;
	v19 =	vadd.f32 v19, v21;
	v20 =	vld [tilespmem:s0+$0xFB40];
	v21 =	vshll.u32 v28, $0x10  }
0x1ff: {  	v16 =	vadd.f32 v16, v17;
	v5 =	vadd.f32 v5, v18;
	v17 =	vand.u32 $0xFFFF0000, v28;
	v41 =	vld [tilespmem:s0+$0xFB50]  }
0x200: {  	v23 =	vadd.f32 v21, v23;
	v17 =	vadd.f32 v17, v19;
	v19 =	vshll.u32 v27, $0x10;
	v18 =	vld [tilespmem:s0+$0xFB60]  }
0x201: {  	v21 =	vadd.f32 v1, v16;
	v32 =	vadd.f32 v0, v5;
	v0 =	vand.u32 $0xFFFF0000, v27;
	v42 =	vld [tilespmem:s0+$0xFB00]  }
0x202: {  	v31 =	vadd.f32 v19, v23;
	v30 =	vadd.f32 v0, v17;
	v43 =	vld [tilespmem:s0+$0xFB10]  }
0x203: {  	v25 =	vshll.u32 v26, $0x10;
	v24 =	vand.u32 $0xFFFF0000, v26;
	v23 =	vshll.u32 v33, $0x10;
	v44 =	vld [tilespmem:s0+$0xFB20]  }
0x204: {  	v1 =	vshll.u32 v34, $0x10;
	v17 =	vand.u32 $0xFFFF0000, v33;
	v0 =	vand.u32 $0xFFFF0000, v34;
	v45 =	vld [tilespmem:s0+$0xFAC0]  }
0x205: {  	v29 =	vshll.u32 v35, $0x10;
	v28 =	vand.u32 $0xFFFF0000, v35;
	v26 =	vshll.u32 v22, $0x10;
	v46 =	vld [tilespmem:s0+$0xFA80]  }
0x206: {  	v27 =	vand.u32 $0xFFFF0000, v22;
	v16 =	vshll.u32 v38, $0x10;
	v5 =	vand.u32 $0xFFFF0000, v38;
	v35 =	vld [tilespmem:s0+$0xFA40]  }
0x207: {  	v47 =	vshll.u32 v20, $0x10;
	v48 =	vand.u32 $0xFFFF0000, v20;
	v33 =	vshll.u32 v41, $0x10;
	v38 =	vld [tilespmem:s0+$0xFA00]  }
0x208: {  	v34 =	vand.u32 $0xFFFF0000, v41;
	v19 =	vshll.u32 v18, $0x10;
	v18 =	vand.u32 $0xFFFF0000, v18;
	v49 =	vld [tilespmem:s0+$0xFA10]  }
0x209: {  	v41 =	vshll.u32 v42, $0x10;
	v42 =	vand.u32 $0xFFFF0000, v42;
	v50 =	vshll.u32 v43, $0x10  }
0x20a: {  	v43 =	vand.u32 $0xFFFF0000, v43;
	v22 =	vshll.u32 v44, $0x10;
	v20 =	vand.u32 $0xFFFF0000, v44;
	v51 =	vld [tilespmem:s0+$0xFA50]  }
0x20b: {  	v52 =	vshll.u32 v45, $0x10;
	v45 =	vand.u32 $0xFFFF0000, v45;
	v44 =	vshll.u32 v46, $0x10  }
0x20c: {  	v46 =	vand.u32 $0xFFFF0000, v46;
	v53 =	vshll.u32 v35, $0x10;
	v35 =	vand.u32 $0xFFFF0000, v35;
	v54 =	vld [tilespmem:s0+$0xFA90]  }
0x20d: {  	v55 =	vshll.u32 v38, $0x10;
	v38 =	vand.u32 $0xFFFF0000, v38;
	v56 =	vshll.u32 v49, $0x10  }
0x20e: {  	v39 =	vadd.f32 v55, v39;
	v38 =	vadd.f32 v38, v40;
	v40 =	vand.u32 $0xFFFF0000, v49;
	v49 =	vld [tilespmem:s0+$0xFAD0]  }
0x20f: {  	v36 =	vadd.f32 v56, v36;
	v37 =	vadd.f32 v40, v37;
	v40 =	vshll.u32 v51, $0x10  }
0x210: {  	v39 =	vadd.f32 v53, v39;
	v35 =	vadd.f32 v35, v38;
	v38 =	vand.u32 $0xFFFF0000, v51;
	v51 =	vld [tilespmem:s0+$0xFAE0]  }
0x211: {  	v36 =	vadd.f32 v40, v36;
	v37 =	vadd.f32 v38, v37;
	v38 =	vshll.u32 v54, $0x10  }
0x212: {  	v39 =	vadd.f32 v44, v39;
	v35 =	vadd.f32 v46, v35;
	v40 =	vand.u32 $0xFFFF0000, v54;
	v46 =	vld [tilespmem:s0+$0xFAA0]  }
0x213: {  	v36 =	vadd.f32 v38, v36;
	v38 =	vadd.f32 v40, v37;
	v40 =	vshll.u32 v49, $0x10  }
.Ltmp3:
0x214: {  	v39 =	vadd.f32 v52, v39;
	v44 =	vadd.f32 v45, v35;
	v35 =	vand.u32 $0xFFFF0000, v49;
	v37 =	vld [tilespmem:s0+$0xFA60];
	(pc) =	sbr.rel @p0 .LBB2_9-.Ltmp3, $4  }
0x215: {  	v40 =	vadd.f32 v40, v36;
	v45 =	vadd.f32 v35, v38;
	v38 =	vshll.u32 v51, $0x10  }
0x216: {  	v35 =	vand.u32 $0xFFFF0000, v51;
	v39 =	vadd.f32 v41, v39;
	v49 =	vadd.f32 v42, v44;
	v36 =	vld [tilespmem:s0+$0xFA20]  }
0x217: {  	v40 =	vadd.f32 v50, v40;
	v44 =	vadd.f32 v43, v45;
	v42 =	vshll.u32 v46, $0x10  }
0x218: {  	s9 =	sadd.s32 $0x800, s9;
	v41 =	vand.u32 $0xFFFF0000, v46;
	v45 =	vadd.f32 v47, v39;
	v39 =	vadd.f32 v48, v49;
	v43 =	vld [tilespmem:s0+$0xFA30]  }
0x219: {  	v2 =	vadd.s32 v2, v3  }
0x21a: {  	v2 =	vadd.s32 v4, v2  }
0x21b: {  	v2 =	vadd.s32 v7, v2  }
0x21c: {  	v2 =	vadd.s32 v14, v2  }
0x21d: {  	v54 =	vshll.u32 v37, $0x10;
	v2 =	vadd.s32 v12, v2  }
0x21e: {  	v55 =	vadd.f32 v33, v40;
	v56 =	vadd.f32 v34, v44;
	v2 =	vadd.s32 v13, v2  }
0x21f: {  	v57 =	vand.u32 $0xFFFF0000, v37;
	v58 =	vadd.f32 v29, v45;
	v2 =	vadd.s32 v15, v2  }
0x220: {  	v59 =	vadd.f32 v28, v39;
	v60 =	vshll.u32 v36, $0x10;
	v2 =	vadd.s32 v9, v2  }
0x221: {  	v61 =	vld [tilespmem:s0+$0xFA70];
	v4 =	vadd.f32 v26, v55;
	v7 =	vadd.f32 v27, v56;
	v2 =	vadd.s32 v8, v2  }
0x222: {  	v62 =	vand.u32 $0xFFFF0000, v36;
	v14 =	vadd.f32 v24, v59;
	v2 =	vadd.s32 v10, v2  }
0x223: {  	v63 =	vld [tilespmem:s0+$0xFAB0];
	v29 =	vadd.f32 v60, v21;
	v32 =	vadd.f32 v62, v32;
	v2 =	vadd.s32 v11, v2  }
0x224: {  	v33 =	vld [tilespmem:s0+$0xFAF0];
	v28 =	vshll.u32 v43, $0x10;
	v4 =	vadd.f32 v23, v4;
	v2 =	vadd.s32 v6, v2  }
0x225: {  	v40 =	vld [tilespmem:s0+$0xFB30];
	v36 =	vand.u32 $0xFFFF0000, v43;
	v34 =	vadd.f32 v28, v31;
	v2 =	vcvt.s32.f32 v2  }
0x226: {  	v46 =	vld [tilespmem:s0+$0xFB70];
	v13 =	vadd.f32 v25, v58;
	v37 =	vshll.u32 v61, $0x10;
	v3 =	vadd.f32 v54, v29  }
0x227: {  	v39 =	vadd.f32 v36, v30;
	v15 =	vadd.f32 v37, v34;
	v2 =	vmax.f32 v2, $1.000000000e+00  }
0x228: {  	v43 =	vshll.u32 v63, $0x10;
	v3 =	vadd.f32 v42, v3;
	(erf) = vrcp.f32 v2  }
0x229: {  	v44 =	vadd.f32 v57, v32;
	v45 =	vand.u32 $0xFFFF0000, v61;
	v47 =	vadd.f32 v43, v15  }
0x22a: {  	v49 =	vld [tilespmem:s0+$0xFBB0];
	v48 =	vshll.u32 v33, $0x10;
	v50 =	vshll.u32 v40, $0x10;
	v3 =	vadd.f32 v38, v3  }
0x22b: {  	v51 =	vld [tilespmem:s0+$0xFBF0];
	v52 =	vshll.u32 v46, $0x10;
	v6 =	vadd.f32 v45, v39;
	v11 =	vadd.f32 v48, v47  }
0x22c: {  	v10 =	vand.u32 $0xFFFF0000, v63;
	v3 =	vadd.f32 v22, v3;
	v2 =	vadd.f32 v41, v44  }
0x22d: {  	v53 =	vand.u32 $0xFFFF0000, v40;
	v6 =	vadd.f32 v10, v6;
	v10 =	vadd.f32 v50, v11  }
0x22e: {  	v8 =	vand.u32 $0xFFFF0000, v33;
	v3 =	vadd.f32 v19, v3;
	v2 =	vadd.f32 v35, v2  }
0x22f: {  	v54 =	vshll.u32 v49, $0x10;
	v6 =	vadd.f32 v8, v6;
	v8 =	vadd.f32 v52, v10  }
0x230: {  	v56 =	vshll.u32 v51, $0x10;
	v3 =	vadd.f32 v16, v3;
	v2 =	vadd.f32 v20, v2  }
0x231: {  	v9 =	vand.u32 $0xFFFF0000, v46;
	v6 =	vadd.f32 v53, v6;
	v8 =	vadd.f32 v54, v8;
	v55 =	vpop (erf)  }
0x232: {  	s31 =	sshll.u32 s1, $0x7;
	v1 =	vadd.f32 v1, v3;
	v2 =	vadd.f32 v18, v2;
	v57 =	vmul.f32 v13, v55  }
0x233: {  	s0 =	sand.u32 $0x3FFFFF80, s31;
	v6 =	vadd.f32 v9, v6;
	v8 =	vadd.f32 v56, v8;
	v4 =	vmul.f32 v4, v55  }
0x234: {  	v58 =	vand.u32 $0xFFFF0000, v49;
	v2 =	vadd.f32 v5, v2;
	v1 =	vmul.f32 v1, v55;
	[tilespmem:s0+$0x12C00] =	vst v57  }
0x235: {  	s29 =	sadd.s32 $0x1, s29;
	v59 =	vadd.f32 v17, v7;
	v5 =	vadd.f32 v58, v6;
	v60 =	vmul.f32 v8, v55;
	[tilespmem:s0+$0x12C10] =	vst v4  }
0x236: {  	p0 =	sne.s32 s29, $0x20;
	v61 =	vand.u32 $0xFFFF0000, v51;
	v0 =	vadd.f32 v0, v2;
	v62 =	vmul.f32 v14, v55;
	[tilespmem:s0+$0x12C20] =	vst v1  }
.Ltmp4:
0x237: {  	v2 =	vadd.f32 v61, v5;
	v3 =	vmul.f32 v59, v55;
	[tilespmem:s0+$0x12C30] =	vst v60;
	(pc) =	sbr.rel @p0 .LBB2_2-.Ltmp4, $4  }
0x238: {  	[tilespmem:s0+$0x12C40] =	vst v62;
	v0 =	vmul.f32 v0, v55  }
0x239: {  	[tilespmem:s0+$0x12C50] =	vst v3;
	v63 =	vmul.f32 v2, v55  }
0x23a: {  	[tilespmem:s0+$0x12C60] =	vst v0  }
0x23b: {  	[tilespmem:s0+$0x12C70] =	vst v63  }
0x23c: {  	s28 =	sadd.s32 $0x1, s28  }
0x23d: {  	p0 =	sne.s32 s28, s6  }
.Ltmp5:
0x23e: {  	_ = 	snop;
	(pc) =	sbr.rel @p0 .LBB2_1-.Ltmp5, $4  }
0x23f: {  	[hbm4b:s5+s2] =	stream.linear.scatter [tilespmem:s26], [sflag:$0x5], $0x4000, $0x38;
	[tilespmem:$0x16C00] =	vst v63  }
0x240: {  	_ =	swait.ge [sflag:s7], $0x4000  }
0x241: {  	[sflag:s7] =	ssyncset.done $0x0  }
0x242: {  	[sflag:s7] =	ssyncadd.s32 $0xFFFFC000  }
0x243: {  	_ =	sfence.sel $0x180000  }
0x244: {  	[bflag:$0x0] =	sbarrier.arrive $0xFFFF  }
0x245: {  	_ =	strace $0x90000047  }
0x246: {  	s0 =	stileid.u32;
	[bflag:$0x2] =	sbarrier.arrive $0xFFFF  }
0x247: {  	p0 =	sne.s32 s0, $0x0;
	s0 =	rddreg [dreg:$0x1]  }
0x248: {  	s0 =	sadd.s32 @!p0 $0x100000, s0  }
0x249: {  	[sflag:s0] =	ssyncadd.tile.s32 @!p0 $0x1;
	_ =	shalt  }
.Lfunc_end2:
_tile_overlayer_lowered:
.L_overlay_start_2:
0x24a: {  	(tag) =	ssettag $0x2  }
0x24b: {  	s0 =	rddreg [dreg:$0x0];
	s2 =	stileid.u32  }
0x24c: {  	s1 =	rddreg [dreg:$0x1];
	p0 =	sne.s32 s2, $0x0  }
0x24d: {  	s3 =	rddreg [dreg:$0x2];
	[bflag:$0x3] =	sbarrier.arrive $0xFFFF;
	s2 =	simm.s32 @!p0 $0x1C05  }
0x24e: {  	[timem:s3], [sflag:s2] =	dma.local @!p0 [hbm:s0], s1  }
0x24f: {  	s0 =	simm.s32 @!p0 $0x5  }
0x250: {  	_ =	swait.ge @!p0 [sflag:s0], s1  }
0x251: {  	s1 =	ssub.s32 @!p0 $0x0, s1;
	[sflag:s0] =	ssyncset.done @!p0 $0x0  }
0x252: {  	[sflag:s0] =	ssyncadd.s32 @!p0 s1  }
0x253: {  	[bflag:$0x3] =	sbarrier.arrive $0xFFFF  }
0x254: {  	_ =	shalt  }

</sc_bundles>
